<compile_context>
chip_gen: v7x
topology: tpu7x:2x2x1
jax: 0.10.2.dev20260603
libtpu: 0.0.44.dev20260713+nightly
codegen_flags: <defaults>
</compile_context>

<pallas_src>
import functools

import jax
import jax.numpy as jnp
from jax import lax
from jax.experimental import pallas as pl
from jax.experimental.pallas import tpu as pltpu
from jax.experimental.pallas import tpu_sc as plsc

B = 16
NQ = 20000
G = 4
E = 17
K = 4
F = G * K

NC, NS, L = 2, 16, 16
NW = NC * NS

NCHUNK = 1
BC = B // NCHUNK

Q = 384
TPB = 19968 // Q
CP = BC * TPB
PLO, PXTRA = divmod(CP, NW)
QT = TPB * Q
QTW = NQ - QT

_sc_mesh = plsc.VectorSubcoreMesh(
    core_axis_name="c", subcore_axis_name="s", num_cores=NC, num_subcores=NS
)


_mx, _mn = jnp.maximum, jnp.minimum


def _sort4(e0, e1, e2, e3):
  a = _mx(e0, e1); b = _mn(e0, e1)
  c = _mx(e2, e3); d = _mn(e2, e3)
  m1 = _mx(a, c); t = _mn(a, c)
  u = _mx(b, d); m4 = _mn(b, d)
  return m1, _mx(t, u), _mn(t, u), m4


def _merge_top4(a, b):
  a1, a2, a3, a4 = a
  b1, b2, b3, b4 = b
  p1 = _mx(a1, b4); p2 = _mx(a2, b3); p3 = _mx(a3, b2); p4 = _mx(a4, b1)
  q1 = _mx(p1, p3); q3 = _mn(p1, p3)
  q2 = _mx(p2, p4); q4 = _mn(p2, p4)
  return _mx(q1, q2), _mn(q1, q2), _mx(q3, q4), _mn(q3, q4)


def _insert1(m, v):
  m1, m2, m3, m4 = m
  o1 = _mx(m1, v); c = _mn(m1, v)
  o2 = _mx(m2, c); c = _mn(m2, c)
  o3 = _mx(m3, c); c = _mn(m3, c)
  return o1, o2, o3, _mx(m4, c)


def _top4_of_17(col):
  ms = []
  for j in range(E):
    v = col(j)
    out = []
    cur = v
    full = len(ms) == K
    for i, t in enumerate(ms):
      out.append(_mx(t, cur))
      if not (full and i == len(ms) - 1):
        cur = _mn(t, cur)
    if not full:
      out.append(cur)
    ms = out[:K]
  return ms


def _make_sc_topk(b0):

  @functools.partial(
      pl.kernel,
      out_type=jax.ShapeDtypeStruct((BC, F, NQ), jnp.float32),
      mesh=_sc_mesh,
      scratch_types=[
          pltpu.VMEM((E, G, Q), jnp.float32),
          pltpu.VMEM((E, G, Q), jnp.float32),
          pltpu.VMEM((F, Q), jnp.float32),
          pltpu.VMEM((F, Q), jnp.float32),
          pltpu.VMEM((E, G, QTW), jnp.float32),
          pltpu.VMEM((F, QTW), jnp.float32),
          pltpu.SemaphoreType.DMA,
          pltpu.SemaphoreType.DMA,
          pltpu.SemaphoreType.DMA,
          pltpu.SemaphoreType.DMA,
      ],
      compiler_params=pltpu.CompilerParams(needs_layout_passes=False),
  )
  def _sc_topk(dist_hbm, stat_hbm, buf0, buf1, obuf0, obuf1, tbuf, toutbuf,
               sem0, sem1, osem0, osem1):
    w = lax.axis_index("s") * NC + lax.axis_index("c")
    p0g = w * PLO + jnp.minimum(w, PXTRA)
    nps = PLO + jnp.where(w < PXTRA, 1, 0)

    def src(p):
      b = p // TPB
      t = p - b * TPB
      return dist_hbm.at[b0 + b, :, :, pl.ds(t * Q, Q)]

    def topk_sweep(buf, obuf, ngroups):
      @pl.loop(0, ngroups)
      def _g(qi):
        a0 = qi * L
        for g in range(G):
          ms = _top4_of_17(lambda e: buf[e, g, pl.ds(a0, L)])
          for k in range(K):
            obuf[g * K + k, pl.ds(a0, L)] = ms[k]

    def dst(p):
      b = p // TPB
      t = p - b * TPB
      return stat_hbm.at[b, :, pl.ds(t * Q, Q)]

    def step(p, buf, obuf, sem, osem):
      pg = p0g + p
      pltpu.make_async_copy(src(pg), buf, sem).wait()

      @pl.when(p >= 2)
      def _():
        pltpu.make_async_copy(obuf, dst(pg), osem).wait()

      topk_sweep(buf, obuf, Q // L)

      @pl.when(p + 2 < nps)
      def _():
        pltpu.async_copy(src(pg + 2), buf, sem)

      pltpu.async_copy(obuf, dst(pg), osem)

    pltpu.async_copy(src(p0g), buf0, sem0)
    pltpu.async_copy(src(p0g + 1), buf1, sem1)

    @pl.when(w < BC)
    def _tail():
      pltpu.sync_copy(dist_hbm.at[b0 + w, :, :, pl.ds(QT, QTW)], tbuf)
      topk_sweep(tbuf, toutbuf, QTW // L)
      pltpu.sync_copy(toutbuf, stat_hbm.at[w, :, pl.ds(QT, QTW)])

    @pl.loop(0, nps)
    def _body(p):
      @pl.when(p % 2 == 0)
      def _even():
        step(p, buf0, obuf0, sem0, osem0)

      @pl.when(p % 2 == 1)
      def _odd():
        step(p, buf1, obuf1, sem1, osem1)

    pltpu.make_async_copy(obuf0, dst(p0g), osem0).wait()
    pltpu.make_async_copy(obuf1, dst(p0g), osem1).wait()

  return _sc_topk


_sc_chunks = [_make_sc_topk(c * BC) for c in range(NCHUNK)]


def _tc_body(stat_ref, w1_ref, b1_ref, w2_ref, b2_ref, out_ref):
  x = stat_ref[0]
  h = lax.dot_general(
      w1_ref[...], x, (((1,), (0,)), ((), ())),
      preferred_element_type=jnp.float32,
  )
  h = jnp.maximum(h + b1_ref[...], 0.0)
  y = lax.dot_general(
      w2_ref[...], h, (((0,), (0,)), ((), ())),
      preferred_element_type=jnp.float32,
  ) + b2_ref[...]
  out_ref[...] = jax.nn.sigmoid(y)[None]


_tc_mlp = pl.pallas_call(
    _tc_body,
    grid=(BC,),
    in_specs=[
        pl.BlockSpec((1, F, NQ), lambda i: (i, 0, 0)),
        pl.BlockSpec((64, F), lambda i: (0, 0)),
        pl.BlockSpec((64, 1), lambda i: (0, 0)),
        pl.BlockSpec((64, 1), lambda i: (0, 0)),
        pl.BlockSpec((1, 1), lambda i: (0, 0)),
    ],
    out_specs=pl.BlockSpec((1, 1, NQ), lambda i: (i, 0, 0)),
    out_shape=jax.ShapeDtypeStruct((BC, 1, NQ), jnp.float32),
)


def kernel(dist_softmax, W1, b1, W2, b2):
  dist_t = jnp.transpose(dist_softmax, (0, 3, 2, 1))
  w1r = W1.reshape(64, G, K + 1)
  w1e = (w1r[:, :, :K] + 0.25 * w1r[:, :, K:]).reshape(64, F)
  b1c = b1.reshape(64, 1)
  w2c = W2.reshape(64, 1)
  b2c = b2.reshape(1, 1)
  outs = []
  for c in range(NCHUNK):
    stat3 = _sc_chunks[c](dist_t)
    outs.append(_tc_mlp(stat3, w1e, b1c, w2c, b2c))
  return jnp.concatenate(outs, axis=0).reshape(B, NQ)

# --- scband reference (transcript-rebuilt; emitter-appended) ---
"""Pipeline reference for scband-dgqp-8297876816136 (READ-ONLY COPY).

The authoritative reference and input builder live on the scoring server;
editing this copy changes nothing except your own understanding.
"""

import jax, jax.numpy as jnp
import numpy as np

K = 4
P = 64

def setup_inputs(seed: int = 0) -> dict:
    key = jax.random.key(seed)
    ks = jax.random.split(key, 5)
    dist = jax.random.uniform(ks[0], (16, 20000, 4, 17), dtype=jnp.float32)
    dist = dist / dist.sum(axis=-1, keepdims=True)
    W1 = jax.random.normal(ks[1], (P, 4 * (K + 1)), dtype=jnp.float32) * 0.1
    b1 = jnp.zeros((P,), dtype=jnp.float32)
    W2 = jax.random.normal(ks[2], (1, P), dtype=jnp.float32) * 0.1
    b2 = jnp.zeros((1,), dtype=jnp.float32)
    return {"dist_softmax": dist, "W1": W1, "b1": b1, "W2": W2, "b2": b2}

def reference(dist_softmax, W1, b1, W2, b2):
    topk_vals, _ = jax.lax.top_k(dist_softmax, K)
    mean_vals = jnp.mean(topk_vals, axis=-1, keepdims=True)
    stat = jnp.concatenate([topk_vals, mean_vals], axis=-1)
    stat = stat.reshape(stat.shape[0], stat.shape[1], -1)
    x = jax.nn.relu(stat @ W1.T + b1)
    I = jax.nn.sigmoid(x @ W2.T + b2)
    return jnp.squeeze(I, axis=-1)

if __name__ == "__main__":
    import jax
    _d = setup_inputs()
    print(jax.jit(kernel)(*tuple(_d.values())))

</pallas_src>

<mosaic_0001>
#map = affine_map<(d0, d1) -> (0, 0, 0, 0)>
#map1 = affine_map<(d0, d1) -> (0, 0, 0)>
module attributes {stable_mosaic.version = 14 : i64} {
  func.func @_sc_topk(%arg0: i32, %arg1: i32, %arg2: memref<16x17x4x20000xf32, #tpu.memory_space<hbm>>, %arg3: memref<16x16x20000xf32, #tpu.memory_space<hbm>>, %arg4: memref<17x4x384xf32, #tpu.memory_space<vmem>>, %arg5: memref<17x4x384xf32, #tpu.memory_space<vmem>>, %arg6: memref<16x384xf32, #tpu.memory_space<vmem>>, %arg7: memref<16x384xf32, #tpu.memory_space<vmem>>, %arg8: memref<17x4x32xf32, #tpu.memory_space<vmem>>, %arg9: memref<16x32xf32, #tpu.memory_space<vmem>>, %arg10: memref<!tpu.dma_semaphore, #tpu.memory_space<semaphore_mem>>, %arg11: memref<!tpu.dma_semaphore, #tpu.memory_space<semaphore_mem>>, %arg12: memref<!tpu.dma_semaphore, #tpu.memory_space<semaphore_mem>>, %arg13: memref<!tpu.dma_semaphore, #tpu.memory_space<semaphore_mem>>) attributes {dimension_semantics = [#tpu.dimension_semantics<core_parallel>, #tpu.dimension_semantics<subcore_parallel>], iteration_bounds = array<i64: 2, 16>, scalar_prefetch = 0 : i64, scratch_operands = 10 : i64, tpu.core_type = #tpu.core_type<sc_vector_subcore>, window_params = [{transform_indices = #map}, {transform_indices = #map1}]} {
    %mul3A = arith.constant 2 : i32
    %mul3A_0 = arith.muli %arg1, %mul3A : i32
    %add3A = arith.addi %mul3A_0, %arg0 : i32
    %mul3A_1 = arith.constant 26 : i32
    %mul3A_2 = arith.muli %add3A, %mul3A_1 : i32
    %min3A = arith.constant 0 : i32
    %min3A_3 = arith.minsi %add3A, %min3A : i32
    %add3A_4 = arith.addi %mul3A_2, %min3A_3 : i32
    %lt3A = arith.constant 0 : i32
    %lt3A_5 = arith.cmpi slt, %add3A, %lt3A : i32
    %jit3A = arith.constant 1 : i32
    %jit3A_6 = arith.constant 0 : i32
    %select_n3A = arith.select %lt3A_5, %jit3A, %jit3A_6 : i32
    %add3A_7 = arith.constant 26 : i32
    %add3A_8 = arith.addi %add3A_7, %select_n3A : i32
    %jit3A_9 = arith.constant 52 : i32
    %div3A = arith.divsi %add3A_4, %jit3A_9 : i32
    %sign3A = arith.constant 0 : i32
    %sign3A_10 = arith.cmpi sgt, %add3A_4, %sign3A : i32
    %sign3A_11 = arith.extui %sign3A_10 : i1 to i32
    %sign3A_12 = arith.constant 0 : i32
    %sign3A_13 = arith.cmpi slt, %add3A_4, %sign3A_12 : i32
    %sign3A_14 = arith.extui %sign3A_13 : i1 to i32
    %sign3A_15 = arith.subi %sign3A_11, %sign3A_14 : i32
    %sign3A_16 = arith.constant 0 : i32
    %sign3A_17 = arith.cmpi sgt, %jit3A_9, %sign3A_16 : i32
    %sign3A_18 = arith.extui %sign3A_17 : i1 to i32
    %sign3A_19 = arith.constant 0 : i32
    %sign3A_20 = arith.cmpi slt, %jit3A_9, %sign3A_19 : i32
    %sign3A_21 = arith.extui %sign3A_20 : i1 to i32
    %sign3A_22 = arith.subi %sign3A_18, %sign3A_21 : i32
    %ne3A = arith.cmpi ne, %sign3A_15, %sign3A_22 : i32
    %rem3A = arith.remsi %add3A_4, %jit3A_9 : i32
    %ne3A_23 = arith.constant 0 : i32
    %ne3A_24 = arith.cmpi ne, %rem3A, %ne3A_23 : i32
    %and3A = arith.andi %ne3A, %ne3A_24 : i1
    %sub3A = arith.constant 1 : i32
    %sub3A_25 = arith.subi %div3A, %sub3A : i32
    %select_n3A_26 = arith.select %and3A, %sub3A_25, %div3A : i32
    %mul3A_27 = arith.constant 52 : i32
    %mul3A_28 = arith.muli %select_n3A_26, %mul3A_27 : i32
    %sub3A_29 = arith.subi %add3A_4, %mul3A_28 : i32
    %add3A_30 = arith.constant 0 : i32
    %add3A_31 = arith.addi %add3A_30, %select_n3A_26 : i32
    %mul3A_32 = arith.constant 384 : i32
    %mul3A_33 = arith.muli %sub3A_29, %mul3A_32 : i32
    %dma_start3A = arith.constant 0 : i32
    %dma_start3A_34 = arith.constant 0 : i32
    %dma_start3A_35 = tpu.memref_slice %arg2[%add3A_31, %dma_start3A, %dma_start3A_34, %mul3A_33] : memref<16x17x4x20000xf32, #tpu.memory_space<hbm>> -> memref<1x17x4x384xf32, #tpu.memory_space<hbm>>
    %dma_start3A_36 = tpu.memref_squeeze %dma_start3A_35 : memref<1x17x4x384xf32, #tpu.memory_space<hbm>> -> memref<17x4x384xf32, #tpu.memory_space<hbm>>
    %dma_start3A_37 = arith.constant 0 : i32
    %dma_start3A_38 = arith.constant 0 : i32
    %dma_start3A_39 = tpu.memref_slice %arg2[%add3A_31, %dma_start3A_37, %dma_start3A_38, %mul3A_33] : memref<16x17x4x20000xf32, #tpu.memory_space<hbm>> -> memref<1x17x4x384xf32, #tpu.memory_space<hbm>>
    %dma_start3A_40 = tpu.memref_squeeze %dma_start3A_39 : memref<1x17x4x384xf32, #tpu.memory_space<hbm>> -> memref<17x4x384xf32, #tpu.memory_space<hbm>>
    tpu.enqueue_dma source(%dma_start3A_40 : memref<17x4x384xf32, #tpu.memory_space<hbm>>) target(%arg4 : memref<17x4x384xf32, #tpu.memory_space<vmem>>) target_semaphore(%arg10 : memref<!tpu.dma_semaphore, #tpu.memory_space<semaphore_mem>>)
    %add3A_41 = arith.constant 1 : i32
    %add3A_42 = arith.addi %add3A_4, %add3A_41 : i32
    %jit3A_43 = arith.constant 52 : i32
    %div3A_44 = arith.divsi %add3A_42, %jit3A_43 : i32
    %sign3A_45 = arith.constant 0 : i32
    %sign3A_46 = arith.cmpi sgt, %add3A_42, %sign3A_45 : i32
    %sign3A_47 = arith.extui %sign3A_46 : i1 to i32
    %sign3A_48 = arith.constant 0 : i32
    %sign3A_49 = arith.cmpi slt, %add3A_42, %sign3A_48 : i32
    %sign3A_50 = arith.extui %sign3A_49 : i1 to i32
    %sign3A_51 = arith.subi %sign3A_47, %sign3A_50 : i32
    %sign3A_52 = arith.constant 0 : i32
    %sign3A_53 = arith.cmpi sgt, %jit3A_43, %sign3A_52 : i32
    %sign3A_54 = arith.extui %sign3A_53 : i1 to i32
    %sign3A_55 = arith.constant 0 : i32
    %sign3A_56 = arith.cmpi slt, %jit3A_43, %sign3A_55 : i32
    %sign3A_57 = arith.extui %sign3A_56 : i1 to i32
    %sign3A_58 = arith.subi %sign3A_54, %sign3A_57 : i32
    %ne3A_59 = arith.cmpi ne, %sign3A_51, %sign3A_58 : i32
    %rem3A_60 = arith.remsi %add3A_42, %jit3A_43 : i32
    %ne3A_61 = arith.constant 0 : i32
    %ne3A_62 = arith.cmpi ne, %rem3A_60, %ne3A_61 : i32
    %and3A_63 = arith.andi %ne3A_59, %ne3A_62 : i1
    %sub3A_64 = arith.constant 1 : i32
    %sub3A_65 = arith.subi %div3A_44, %sub3A_64 : i32
    %select_n3A_66 = arith.select %and3A_63, %sub3A_65, %div3A_44 : i32
    %mul3A_67 = arith.constant 52 : i32
    %mul3A_68 = arith.muli %select_n3A_66, %mul3A_67 : i32
    %sub3A_69 = arith.subi %add3A_42, %mul3A_68 : i32
    %add3A_70 = arith.constant 0 : i32
    %add3A_71 = arith.addi %add3A_70, %select_n3A_66 : i32
    %mul3A_72 = arith.constant 384 : i32
    %mul3A_73 = arith.muli %sub3A_69, %mul3A_72 : i32
    %dma_start3A_74 = arith.constant 0 : i32
    %dma_start3A_75 = arith.constant 0 : i32
    %dma_start3A_76 = tpu.memref_slice %arg2[%add3A_71, %dma_start3A_74, %dma_start3A_75, %mul3A_73] : memref<16x17x4x20000xf32, #tpu.memory_space<hbm>> -> memref<1x17x4x384xf32, #tpu.memory_space<hbm>>
    %dma_start3A_77 = tpu.memref_squeeze %dma_start3A_76 : memref<1x17x4x384xf32, #tpu.memory_space<hbm>> -> memref<17x4x384xf32, #tpu.memory_space<hbm>>
    %dma_start3A_78 = arith.constant 0 : i32
    %dma_start3A_79 = arith.constant 0 : i32
    %dma_start3A_80 = tpu.memref_slice %arg2[%add3A_71, %dma_start3A_78, %dma_start3A_79, %mul3A_73] : memref<16x17x4x20000xf32, #tpu.memory_space<hbm>> -> memref<1x17x4x384xf32, #tpu.memory_space<hbm>>
    %dma_start3A_81 = tpu.memref_squeeze %dma_start3A_80 : memref<1x17x4x384xf32, #tpu.memory_space<hbm>> -> memref<17x4x384xf32, #tpu.memory_space<hbm>>
    tpu.enqueue_dma source(%dma_start3A_81 : memref<17x4x384xf32, #tpu.memory_space<hbm>>) target(%arg5 : memref<17x4x384xf32, #tpu.memory_space<vmem>>) target_semaphore(%arg11 : memref<!tpu.dma_semaphore, #tpu.memory_space<semaphore_mem>>)
    %lt3A_82 = arith.constant 16 : i32
    %lt3A_83 = arith.cmpi slt, %add3A, %lt3A_82 : i32
    %convert_element_type3A = arith.extui %lt3A_83 : i1 to i32
    %cond3A = arith.constant 0 : i32
    %cond3A_84 = arith.cmpi ne, %convert_element_type3A, %cond3A : i32
    scf.if %cond3A_84 {
      %add3A_172 = arith.constant 0 : i32
      %add3A_173 = arith.addi %add3A_172, %add3A : i32
      "tpu.region"() ({
        %run_scoped3A = tpu.sem_alloc : memref<!tpu.dma_semaphore, #tpu.memory_space<semaphore_mem>>
        %dma_start3A_178 = arith.constant 0 : i32
        %dma_start3A_179 = arith.constant 0 : i32
        %dma_start3A_180 = arith.constant 19968 : i32
        %dma_start3A_181 = tpu.memref_slice %arg2[%add3A_173, %dma_start3A_178, %dma_start3A_179, %dma_start3A_180] : memref<16x17x4x20000xf32, #tpu.memory_space<hbm>> -> memref<1x17x4x32xf32, #tpu.memory_space<hbm>>
        %dma_start3A_182 = tpu.memref_squeeze %dma_start3A_181 : memref<1x17x4x32xf32, #tpu.memory_space<hbm>> -> memref<17x4x32xf32, #tpu.memory_space<hbm>>
        %dma_start3A_183 = arith.constant 0 : i32
        %dma_start3A_184 = arith.constant 0 : i32
        %dma_start3A_185 = arith.constant 19968 : i32
        %dma_start3A_186 = tpu.memref_slice %arg2[%add3A_173, %dma_start3A_183, %dma_start3A_184, %dma_start3A_185] : memref<16x17x4x20000xf32, #tpu.memory_space<hbm>> -> memref<1x17x4x32xf32, #tpu.memory_space<hbm>>
        %dma_start3A_187 = tpu.memref_squeeze %dma_start3A_186 : memref<1x17x4x32xf32, #tpu.memory_space<hbm>> -> memref<17x4x32xf32, #tpu.memory_space<hbm>>
        tpu.enqueue_dma source(%dma_start3A_187 : memref<17x4x32xf32, #tpu.memory_space<hbm>>) target(%arg8 : memref<17x4x32xf32, #tpu.memory_space<vmem>>) target_semaphore(%run_scoped3A : memref<!tpu.dma_semaphore, #tpu.memory_space<semaphore_mem>>)
        %dma_wait3A_188 = arith.constant 0 : i32
        %dma_wait3A_189 = arith.constant 0 : i32
        %dma_wait3A_190 = arith.constant 19968 : i32
        %dma_wait3A_191 = tpu.memref_slice %arg2[%add3A_173, %dma_wait3A_188, %dma_wait3A_189, %dma_wait3A_190] : memref<16x17x4x20000xf32, #tpu.memory_space<hbm>> -> memref<1x17x4x32xf32, #tpu.memory_space<hbm>>
        %dma_wait3A_192 = tpu.memref_squeeze %dma_wait3A_191 : memref<1x17x4x32xf32, #tpu.memory_space<hbm>> -> memref<17x4x32xf32, #tpu.memory_space<hbm>>
        %dma_wait3A_193 = arith.constant 0 : i32
        %dma_wait3A_194 = arith.constant 0 : i32
        %dma_wait3A_195 = arith.constant 19968 : i32
        %dma_wait3A_196 = tpu.memref_slice %arg2[%add3A_173, %dma_wait3A_193, %dma_wait3A_194, %dma_wait3A_195] : memref<16x17x4x20000xf32, #tpu.memory_space<hbm>> -> memref<1x17x4x32xf32, #tpu.memory_space<hbm>>
        %dma_wait3A_197 = tpu.memref_squeeze %dma_wait3A_196 : memref<1x17x4x32xf32, #tpu.memory_space<hbm>> -> memref<17x4x32xf32, #tpu.memory_space<hbm>>
        tpu.wait_dma2 semaphore(%run_scoped3A : memref<!tpu.dma_semaphore, #tpu.memory_space<semaphore_mem>>) src(%dma_wait3A_197 : memref<17x4x32xf32, #tpu.memory_space<hbm>>) dst(%arg8 : memref<17x4x32xf32, #tpu.memory_space<vmem>>)
        tpu.yield
      }) : () -> ()
      %scan3A = arith.constant 0 : i32
      %scan3A_174 = arith.constant 2 : i32
      %scan3A_175 = arith.addi %scan3A, %scan3A_174 : i32
      %scan3A_176 = arith.constant 1 : i32
      scf.for %scan3A_178 = %scan3A to %scan3A_175 step %scan3A_176  : i32 {
        %mul3A_179 = arith.constant 1 : i32
        %mul3A_180 = arith.muli %scan3A_178, %mul3A_179 : i32
        %add3A_181 = arith.constant 0 : i32
        %add3A_182 = arith.addi %add3A_181, %mul3A_180 : i32
        %mul3A_183 = arith.constant 16 : i32
        %mul3A_184 = arith.muli %add3A_182, %mul3A_183 : i32
        %get3A = arith.constant 0 : i32
        %get3A_185 = arith.constant 0 : i32
        %get3A_186 = arith.index_cast %get3A : i32 to index
        %get3A_187 = arith.index_cast %get3A_185 : i32 to index
        %get3A_188 = arith.index_cast %mul3A_184 : i32 to index
        %get3A_189 = tpu.vector_load %arg8[%get3A_186, %get3A_187, %get3A_188] {strides = array<i32>} : memref<17x4x32xf32, #tpu.memory_space<vmem>>, vector<16xf32>,
        %get3A_190 = arith.constant 1 : i32
        %get3A_191 = arith.constant 0 : i32
        %get3A_192 = arith.index_cast %get3A_190 : i32 to index
        %get3A_193 = arith.index_cast %get3A_191 : i32 to index
        %get3A_194 = arith.index_cast %mul3A_184 : i32 to index
        %get3A_195 = tpu.vector_load %arg8[%get3A_192, %get3A_193, %get3A_194] {strides = array<i32>} : memref<17x4x32xf32, #tpu.memory_space<vmem>>, vector<16xf32>,
        %max3A = arith.maximumf %get3A_189, %get3A_195 : vector<16xf32>
        %min3A_196 = arith.minimumf %get3A_189, %get3A_195 : vector<16xf32>
        %get3A_197 = arith.constant 2 : i32
        %get3A_198 = arith.constant 0 : i32
        %get3A_199 = arith.index_cast %get3A_197 : i32 to index
        %get3A_200 = arith.index_cast %get3A_198 : i32 to index
        %get3A_201 = arith.index_cast %mul3A_184 : i32 to index
        %get3A_202 = tpu.vector_load %arg8[%get3A_199, %get3A_200, %get3A_201] {strides = array<i32>} : memref<17x4x32xf32, #tpu.memory_space<vmem>>, vector<16xf32>,
        %max3A_203 = arith.maximumf %max3A, %get3A_202 : vector<16xf32>
        %min3A_204 = arith.minimumf %max3A, %get3A_202 : vector<16xf32>
        %max3A_205 = arith.maximumf %min3A_196, %min3A_204 : vector<16xf32>
        %min3A_206 = arith.minimumf %min3A_196, %min3A_204 : vector<16xf32>
        %get3A_207 = arith.constant 3 : i32
        %get3A_208 = arith.constant 0 : i32
        %get3A_209 = arith.index_cast %get3A_207 : i32 to index
        %get3A_210 = arith.index_cast %get3A_208 : i32 to index
        %get3A_211 = arith.index_cast %mul3A_184 : i32 to index
        %get3A_212 = tpu.vector_load %arg8[%get3A_209, %get3A_210, %get3A_211] {strides = array<i32>} : memref<17x4x32xf32, #tpu.memory_space<vmem>>, vector<16xf32>,
        %max3A_213 = arith.maximumf %max3A_203, %get3A_212 : vector<16xf32>
        %min3A_214 = arith.minimumf %max3A_203, %get3A_212 : vector<16xf32>
        %max3A_215 = arith.maximumf %max3A_205, %min3A_214 : vector<16xf32>
        %min3A_216 = arith.minimumf %max3A_205, %min3A_214 : vector<16xf32>
        %max3A_217 = arith.maximumf %min3A_206, %min3A_216 : vector<16xf32>
        %min3A_218 = arith.minimumf %min3A_206, %min3A_216 : vector<16xf32>
        %get3A_219 = arith.constant 4 : i32
        %get3A_220 = arith.constant 0 : i32
        %get3A_221 = arith.index_cast %get3A_219 : i32 to index
        %get3A_222 = arith.index_cast %get3A_220 : i32 to index
        %get3A_223 = arith.index_cast %mul3A_184 : i32 to index
        %get3A_224 = tpu.vector_load %arg8[%get3A_221, %get3A_222, %get3A_223] {strides = array<i32>} : memref<17x4x32xf32, #tpu.memory_space<vmem>>, vector<16xf32>,
        %max3A_225 = arith.maximumf %max3A_213, %get3A_224 : vector<16xf32>
        %min3A_226 = arith.minimumf %max3A_213, %get3A_224 : vector<16xf32>
        %max3A_227 = arith.maximumf %max3A_215, %min3A_226 : vector<16xf32>
        %min3A_228 = arith.minimumf %max3A_215, %min3A_226 : vector<16xf32>
        %max3A_229 = arith.maximumf %max3A_217, %min3A_228 : vector<16xf32>
        %min3A_230 = arith.minimumf %max3A_217, %min3A_228 : vector<16xf32>
        %max3A_231 = arith.maximumf %min3A_218, %min3A_230 : vector<16xf32>
        %get3A_232 = arith.constant 5 : i32
        %get3A_233 = arith.constant 0 : i32
        %get3A_234 = arith.index_cast %get3A_232 : i32 to index
        %get3A_235 = arith.index_cast %get3A_233 : i32 to index
        %get3A_236 = arith.index_cast %mul3A_184 : i32 to index
        %get3A_237 = tpu.vector_load %arg8[%get3A_234, %get3A_235, %get3A_236] {strides = array<i32>} : memref<17x4x32xf32, #tpu.memory_space<vmem>>, vector<16xf32>,
        %max3A_238 = arith.maximumf %max3A_225, %get3A_237 : vector<16xf32>
        %min3A_239 = arith.minimumf %max3A_225, %get3A_237 : vector<16xf32>
        %max3A_240 = arith.maximumf %max3A_227, %min3A_239 : vector<16xf32>
        %min3A_241 = arith.minimumf %max3A_227, %min3A_239 : vector<16xf32>
        %max3A_242 = arith.maximumf %max3A_229, %min3A_241 : vector<16xf32>
        %min3A_243 = arith.minimumf %max3A_229, %min3A_241 : vector<16xf32>
        %max3A_244 = arith.maximumf %max3A_231, %min3A_243 : vector<16xf32>
        %get3A_245 = arith.constant 6 : i32
        %get3A_246 = arith.constant 0 : i32
        %get3A_247 = arith.index_cast %get3A_245 : i32 to index
        %get3A_248 = arith.index_cast %get3A_246 : i32 to index
        %get3A_249 = arith.index_cast %mul3A_184 : i32 to index
        %get3A_250 = tpu.vector_load %arg8[%get3A_247, %get3A_248, %get3A_249] {strides = array<i32>} : memref<17x4x32xf32, #tpu.memory_space<vmem>>, vector<16xf32>,
        %max3A_251 = arith.maximumf %max3A_238, %get3A_250 : vector<16xf32>
        %min3A_252 = arith.minimumf %max3A_238, %get3A_250 : vector<16xf32>
        %max3A_253 = arith.maximumf %max3A_240, %min3A_252 : vector<16xf32>
        %min3A_254 = arith.minimumf %max3A_240, %min3A_252 : vector<16xf32>
        %max3A_255 = arith.maximumf %max3A_242, %min3A_254 : vector<16xf32>
        %min3A_256 = arith.minimumf %max3A_242, %min3A_254 : vector<16xf32>
        %max3A_257 = arith.maximumf %max3A_244, %min3A_256 : vector<16xf32>
        %get3A_258 = arith.constant 7 : i32
        %get3A_259 = arith.constant 0 : i32
        %get3A_260 = arith.index_cast %get3A_258 : i32 to index
        %get3A_261 = arith.index_cast %get3A_259 : i32 to index
        %get3A_262 = arith.index_cast %mul3A_184 : i32 to index
        %get3A_263 = tpu.vector_load %arg8[%get3A_260, %get3A_261, %get3A_262] {strides = array<i32>} : memref<17x4x32xf32, #tpu.memory_space<vmem>>, vector<16xf32>,
        %max3A_264 = arith.maximumf %max3A_251, %get3A_263 : vector<16xf32>
        %min3A_265 = arith.minimumf %max3A_251, %get3A_263 : vector<16xf32>
        %max3A_266 = arith.maximumf %max3A_253, %min3A_265 : vector<16xf32>
        %min3A_267 = arith.minimumf %max3A_253, %min3A_265 : vector<16xf32>
        %max3A_268 = arith.maximumf %max3A_255, %min3A_267 : vector<16xf32>
        %min3A_269 = arith.minimumf %max3A_255, %min3A_267 : vector<16xf32>
        %max3A_270 = arith.maximumf %max3A_257, %min3A_269 : vector<16xf32>
        %get3A_271 = arith.constant 8 : i32
        %get3A_272 = arith.constant 0 : i32
        %get3A_273 = arith.index_cast %get3A_271 : i32 to index
        %get3A_274 = arith.index_cast %get3A_272 : i32 to index
        %get3A_275 = arith.index_cast %mul3A_184 : i32 to index
        %get3A_276 = tpu.vector_load %arg8[%get3A_273, %get3A_274, %get3A_275] {strides = array<i32>} : memref<17x4x32xf32, #tpu.memory_space<vmem>>, vector<16xf32>,
        %max3A_277 = arith.maximumf %max3A_264, %get3A_276 : vector<16xf32>
        %min3A_278 = arith.minimumf %max3A_264, %get3A_276 : vector<16xf32>
        %max3A_279 = arith.maximumf %max3A_266, %min3A_278 : vector<16xf32>
        %min3A_280 = arith.minimumf %max3A_266, %min3A_278 : vector<16xf32>
        %max3A_281 = arith.maximumf %max3A_268, %min3A_280 : vector<16xf32>
        %min3A_282 = arith.minimumf %max3A_268, %min3A_280 : vector<16xf32>
        %max3A_283 = arith.maximumf %max3A_270, %min3A_282 : vector<16xf32>
        %get3A_284 = arith.constant 9 : i32
        %get3A_285 = arith.constant 0 : i32
        %get3A_286 = arith.index_cast %get3A_284 : i32 to index
        %get3A_287 = arith.index_cast %get3A_285 : i32 to index
        %get3A_288 = arith.index_cast %mul3A_184 : i32 to index
        %get3A_289 = tpu.vector_load %arg8[%get3A_286, %get3A_287, %get3A_288] {strides = array<i32>} : memref<17x4x32xf32, #tpu.memory_space<vmem>>, vector<16xf32>,
        %max3A_290 = arith.maximumf %max3A_277, %get3A_289 : vector<16xf32>
        %min3A_291 = arith.minimumf %max3A_277, %get3A_289 : vector<16xf32>
        %max3A_292 = arith.maximumf %max3A_279, %min3A_291 : vector<16xf32>
        %min3A_293 = arith.minimumf %max3A_279, %min3A_291 : vector<16xf32>
        %max3A_294 = arith.maximumf %max3A_281, %min3A_293 : vector<16xf32>
        %min3A_295 = arith.minimumf %max3A_281, %min3A_293 : vector<16xf32>
        %max3A_296 = arith.maximumf %max3A_283, %min3A_295 : vector<16xf32>
        %get3A_297 = arith.constant 10 : i32
        %get3A_298 = arith.constant 0 : i32
        %get3A_299 = arith.index_cast %get3A_297 : i32 to index
        %get3A_300 = arith.index_cast %get3A_298 : i32 to index
        %get3A_301 = arith.index_cast %mul3A_184 : i32 to index
        %get3A_302 = tpu.vector_load %arg8[%get3A_299, %get3A_300, %get3A_301] {strides = array<i32>} : memref<17x4x32xf32, #tpu.memory_space<vmem>>, vector<16xf32>,
        %max3A_303 = arith.maximumf %max3A_290, %get3A_302 : vector<16xf32>
        %min3A_304 = arith.minimumf %max3A_290, %get3A_302 : vector<16xf32>
        %max3A_305 = arith.maximumf %max3A_292, %min3A_304 : vector<16xf32>
        %min3A_306 = arith.minimumf %max3A_292, %min3A_304 : vector<16xf32>
        %max3A_307 = arith.maximumf %max3A_294, %min3A_306 : vector<16xf32>
        %min3A_308 = arith.minimumf %max3A_294, %min3A_306 : vector<16xf32>
        %max3A_309 = arith.maximumf %max3A_296, %min3A_308 : vector<16xf32>
        %get3A_310 = arith.constant 11 : i32
        %get3A_311 = arith.constant 0 : i32
        %get3A_312 = arith.index_cast %get3A_310 : i32 to index
        %get3A_313 = arith.index_cast %get3A_311 : i32 to index
        %get3A_314 = arith.index_cast %mul3A_184 : i32 to index
        %get3A_315 = tpu.vector_load %arg8[%get3A_312, %get3A_313, %get3A_314] {strides = array<i32>} : memref<17x4x32xf32, #tpu.memory_space<vmem>>, vector<16xf32>,
        %max3A_316 = arith.maximumf %max3A_303, %get3A_315 : vector<16xf32>
        %min3A_317 = arith.minimumf %max3A_303, %get3A_315 : vector<16xf32>
        %max3A_318 = arith.maximumf %max3A_305, %min3A_317 : vector<16xf32>
        %min3A_319 = arith.minimumf %max3A_305, %min3A_317 : vector<16xf32>
        %max3A_320 = arith.maximumf %max3A_307, %min3A_319 : vector<16xf32>
        %min3A_321 = arith.minimumf %max3A_307, %min3A_319 : vector<16xf32>
        %max3A_322 = arith.maximumf %max3A_309, %min3A_321 : vector<16xf32>
        %get3A_323 = arith.constant 12 : i32
        %get3A_324 = arith.constant 0 : i32
        %get3A_325 = arith.index_cast %get3A_323 : i32 to index
        %get3A_326 = arith.index_cast %get3A_324 : i32 to index
        %get3A_327 = arith.index_cast %mul3A_184 : i32 to index
        %get3A_328 = tpu.vector_load %arg8[%get3A_325, %get3A_326, %get3A_327] {strides = array<i32>} : memref<17x4x32xf32, #tpu.memory_space<vmem>>, vector<16xf32>,
        %max3A_329 = arith.maximumf %max3A_316, %get3A_328 : vector<16xf32>
        %min3A_330 = arith.minimumf %max3A_316, %get3A_328 : vector<16xf32>
        %max3A_331 = arith.maximumf %max3A_318, %min3A_330 : vector<16xf32>
        %min3A_332 = arith.minimumf %max3A_318, %min3A_330 : vector<16xf32>
        %max3A_333 = arith.maximumf %max3A_320, %min3A_332 : vector<16xf32>
        %min3A_334 = arith.minimumf %max3A_320, %min3A_332 : vector<16xf32>
        %max3A_335 = arith.maximumf %max3A_322, %min3A_334 : vector<16xf32>
        %get3A_336 = arith.constant 13 : i32
        %get3A_337 = arith.constant 0 : i32
        %get3A_338 = arith.index_cast %get3A_336 : i32 to index
        %get3A_339 = arith.index_cast %get3A_337 : i32 to index
        %get3A_340 = arith.index_cast %mul3A_184 : i32 to index
        %get3A_341 = tpu.vector_load %arg8[%get3A_338, %get3A_339, %get3A_340] {strides = array<i32>} : memref<17x4x32xf32, #tpu.memory_space<vmem>>, vector<16xf32>,
        %max3A_342 = arith.maximumf %max3A_329, %get3A_341 : vector<16xf32>
        %min3A_343 = arith.minimumf %max3A_329, %get3A_341 : vector<16xf32>
        %max3A_344 = arith.maximumf %max3A_331, %min3A_343 : vector<16xf32>
        %min3A_345 = arith.minimumf %max3A_331, %min3A_343 : vector<16xf32>
        %max3A_346 = arith.maximumf %max3A_333, %min3A_345 : vector<16xf32>
        %min3A_347 = arith.minimumf %max3A_333, %min3A_345 : vector<16xf32>
        %max3A_348 = arith.maximumf %max3A_335, %min3A_347 : vector<16xf32>
        %get3A_349 = arith.constant 14 : i32
        %get3A_350 = arith.constant 0 : i32
        %get3A_351 = arith.index_cast %get3A_349 : i32 to index
        %get3A_352 = arith.index_cast %get3A_350 : i32 to index
        %get3A_353 = arith.index_cast %mul3A_184 : i32 to index
        %get3A_354 = tpu.vector_load %arg8[%get3A_351, %get3A_352, %get3A_353] {strides = array<i32>} : memref<17x4x32xf32, #tpu.memory_space<vmem>>, vector<16xf32>,
        %max3A_355 = arith.maximumf %max3A_342, %get3A_354 : vector<16xf32>
        %min3A_356 = arith.minimumf %max3A_342, %get3A_354 : vector<16xf32>
        %max3A_357 = arith.maximumf %max3A_344, %min3A_356 : vector<16xf32>
        %min3A_358 = arith.minimumf %max3A_344, %min3A_356 : vector<16xf32>
        %max3A_359 = arith.maximumf %max3A_346, %min3A_358 : vector<16xf32>
        %min3A_360 = arith.minimumf %max3A_346, %min3A_358 : vector<16xf32>
        %max3A_361 = arith.maximumf %max3A_348, %min3A_360 : vector<16xf32>
        %get3A_362 = arith.constant 15 : i32
        %get3A_363 = arith.constant 0 : i32
        %get3A_364 = arith.index_cast %get3A_362 : i32 to index
        %get3A_365 = arith.index_cast %get3A_363 : i32 to index
        %get3A_366 = arith.index_cast %mul3A_184 : i32 to index
        %get3A_367 = tpu.vector_load %arg8[%get3A_364, %get3A_365, %get3A_366] {strides = array<i32>} : memref<17x4x32xf32, #tpu.memory_space<vmem>>, vector<16xf32>,
        %max3A_368 = arith.maximumf %max3A_355, %get3A_367 : vector<16xf32>
        %min3A_369 = arith.minimumf %max3A_355, %get3A_367 : vector<16xf32>
        %max3A_370 = arith.maximumf %max3A_357, %min3A_369 : vector<16xf32>
        %min3A_371 = arith.minimumf %max3A_357, %min3A_369 : vector<16xf32>
        %max3A_372 = arith.maximumf %max3A_359, %min3A_371 : vector<16xf32>
        %min3A_373 = arith.minimumf %max3A_359, %min3A_371 : vector<16xf32>
        %max3A_374 = arith.maximumf %max3A_361, %min3A_373 : vector<16xf32>
        %get3A_375 = arith.constant 16 : i32
        %get3A_376 = arith.constant 0 : i32
        %get3A_377 = arith.index_cast %get3A_375 : i32 to index
        %get3A_378 = arith.index_cast %get3A_376 : i32 to index
        %get3A_379 = arith.index_cast %mul3A_184 : i32 to index
        %get3A_380 = tpu.vector_load %arg8[%get3A_377, %get3A_378, %get3A_379] {strides = array<i32>} : memref<17x4x32xf32, #tpu.memory_space<vmem>>, vector<16xf32>,
        %max3A_381 = arith.maximumf %max3A_368, %get3A_380 : vector<16xf32>
        %min3A_382 = arith.minimumf %max3A_368, %get3A_380 : vector<16xf32>
        %max3A_383 = arith.maximumf %max3A_370, %min3A_382 : vector<16xf32>
        %min3A_384 = arith.minimumf %max3A_370, %min3A_382 : vector<16xf32>
        %max3A_385 = arith.maximumf %max3A_372, %min3A_384 : vector<16xf32>
        %min3A_386 = arith.minimumf %max3A_372, %min3A_384 : vector<16xf32>
        %max3A_387 = arith.maximumf %max3A_374, %min3A_386 : vector<16xf32>
        %swap3A = arith.constant 0 : i32
        %swap3A_388 = arith.index_cast %swap3A : i32 to index
        %swap3A_389 = arith.index_cast %mul3A_184 : i32 to index
        %swap3A_390 = tpu.vector_load %arg9[%swap3A_388, %swap3A_389] {strides = array<i32>} : memref<16x32xf32, #tpu.memory_space<vmem>>, vector<16xf32>,
        tpu.vector_store %arg9[%swap3A_388, %swap3A_389], %max3A_381 {strides = array<i32>} : memref<16x32xf32, #tpu.memory_space<vmem>>, vector<16xf32>,
        %swap3A_391 = arith.constant 1 : i32
        %swap3A_392 = arith.index_cast %swap3A_391 : i32 to index
        %swap3A_393 = arith.index_cast %mul3A_184 : i32 to index
        %swap3A_394 = tpu.vector_load %arg9[%swap3A_392, %swap3A_393] {strides = array<i32>} : memref<16x32xf32, #tpu.memory_space<vmem>>, vector<16xf32>,
        tpu.vector_store %arg9[%swap3A_392, %swap3A_393], %max3A_383 {strides = array<i32>} : memref<16x32xf32, #tpu.memory_space<vmem>>, vector<16xf32>,
        %swap3A_395 = arith.constant 2 : i32
        %swap3A_396 = arith.index_cast %swap3A_395 : i32 to index
        %swap3A_397 = arith.index_cast %mul3A_184 : i32 to index
        %swap3A_398 = tpu.vector_load %arg9[%swap3A_396, %swap3A_397] {strides = array<i32>} : memref<16x32xf32, #tpu.memory_space<vmem>>, vector<16xf32>,
        tpu.vector_store %arg9[%swap3A_396, %swap3A_397], %max3A_385 {strides = array<i32>} : memref<16x32xf32, #tpu.memory_space<vmem>>, vector<16xf32>,
        %swap3A_399 = arith.constant 3 : i32
        %swap3A_400 = arith.index_cast %swap3A_399 : i32 to index
        %swap3A_401 = arith.index_cast %mul3A_184 : i32 to index
        %swap3A_402 = tpu.vector_load %arg9[%swap3A_400, %swap3A_401] {strides = array<i32>} : memref<16x32xf32, #tpu.memory_space<vmem>>, vector<16xf32>,
        tpu.vector_store %arg9[%swap3A_400, %swap3A_401], %max3A_387 {strides = array<i32>} : memref<16x32xf32, #tpu.memory_space<vmem>>, vector<16xf32>,
        %get3A_403 = arith.constant 0 : i32
        %get3A_404 = arith.constant 1 : i32
        %get3A_405 = arith.index_cast %get3A_403 : i32 to index
        %get3A_406 = arith.index_cast %get3A_404 : i32 to index
        %get3A_407 = arith.index_cast %mul3A_184 : i32 to index
        %get3A_408 = tpu.vector_load %arg8[%get3A_405, %get3A_406, %get3A_407] {strides = array<i32>} : memref<17x4x32xf32, #tpu.memory_space<vmem>>, vector<16xf32>,
        %get3A_409 = arith.constant 1 : i32
        %get3A_410 = arith.constant 1 : i32
        %get3A_411 = arith.index_cast %get3A_409 : i32 to index
        %get3A_412 = arith.index_cast %get3A_410 : i32 to index
        %get3A_413 = arith.index_cast %mul3A_184 : i32 to index
        %get3A_414 = tpu.vector_load %arg8[%get3A_411, %get3A_412, %get3A_413] {strides = array<i32>} : memref<17x4x32xf32, #tpu.memory_space<vmem>>, vector<16xf32>,
        %max3A_415 = arith.maximumf %get3A_408, %get3A_414 : vector<16xf32>
        %min3A_416 = arith.minimumf %get3A_408, %get3A_414 : vector<16xf32>
        %get3A_417 = arith.constant 2 : i32
        %get3A_418 = arith.constant 1 : i32
        %get3A_419 = arith.index_cast %get3A_417 : i32 to index
        %get3A_420 = arith.index_cast %get3A_418 : i32 to index
        %get3A_421 = arith.index_cast %mul3A_184 : i32 to index
        %get3A_422 = tpu.vector_load %arg8[%get3A_419, %get3A_420, %get3A_421] {strides = array<i32>} : memref<17x4x32xf32, #tpu.memory_space<vmem>>, vector<16xf32>,
        %max3A_423 = arith.maximumf %max3A_415, %get3A_422 : vector<16xf32>
        %min3A_424 = arith.minimumf %max3A_415, %get3A_422 : vector<16xf32>
        %max3A_425 = arith.maximumf %min3A_416, %min3A_424 : vector<16xf32>
        %min3A_426 = arith.minimumf %min3A_416, %min3A_424 : vector<16xf32>
        %get3A_427 = arith.constant 3 : i32
        %get3A_428 = arith.constant 1 : i32
        %get3A_429 = arith.index_cast %get3A_427 : i32 to index
        %get3A_430 = arith.index_cast %get3A_428 : i32 to index
        %get3A_431 = arith.index_cast %mul3A_184 : i32 to index
        %get3A_432 = tpu.vector_load %arg8[%get3A_429, %get3A_430, %get3A_431] {strides = array<i32>} : memref<17x4x32xf32, #tpu.memory_space<vmem>>, vector<16xf32>,
        %max3A_433 = arith.maximumf %max3A_423, %get3A_432 : vector<16xf32>
        %min3A_434 = arith.minimumf %max3A_423, %get3A_432 : vector<16xf32>
        %max3A_435 = arith.maximumf %max3A_425, %min3A_434 : vector<16xf32>
        %min3A_436 = arith.minimumf %max3A_425, %min3A_434 : vector<16xf32>
        %max3A_437 = arith.maximumf %min3A_426, %min3A_436 : vector<16xf32>
        %min3A_438 = arith.minimumf %min3A_426, %min3A_436 : vector<16xf32>
        %get3A_439 = arith.constant 4 : i32
        %get3A_440 = arith.constant 1 : i32
        %get3A_441 = arith.index_cast %get3A_439 : i32 to index
        %get3A_442 = arith.index_cast %get3A_440 : i32 to index
        %get3A_443 = arith.index_cast %mul3A_184 : i32 to index
        %get3A_444 = tpu.vector_load %arg8[%get3A_441, %get3A_442, %get3A_443] {strides = array<i32>} : memref<17x4x32xf32, #tpu.memory_space<vmem>>, vector<16xf32>,
        %max3A_445 = arith.maximumf %max3A_433, %get3A_444 : vector<16xf32>
        %min3A_446 = arith.minimumf %max3A_433, %get3A_444 : vector<16xf32>
        %max3A_447 = arith.maximumf %max3A_435, %min3A_446 : vector<16xf32>
        %min3A_448 = arith.minimumf %max3A_435, %min3A_446 : vector<16xf32>
        %max3A_449 = arith.maximumf %max3A_437, %min3A_448 : vector<16xf32>
        %min3A_450 = arith.minimumf %max3A_437, %min3A_448 : vector<16xf32>
        %max3A_451 = arith.maximumf %min3A_438, %min3A_450 : vector<16xf32>
        %get3A_452 = arith.constant 5 : i32
        %get3A_453 = arith.constant 1 : i32
        %get3A_454 = arith.index_cast %get3A_452 : i32 to index
        %get3A_455 = arith.index_cast %get3A_453 : i32 to index
        %get3A_456 = arith.index_cast %mul3A_184 : i32 to index
        %get3A_457 = tpu.vector_load %arg8[%get3A_454, %get3A_455, %get3A_456] {strides = array<i32>} : memref<17x4x32xf32, #tpu.memory_space<vmem>>, vector<16xf32>,
        %max3A_458 = arith.maximumf %max3A_445, %get3A_457 : vector<16xf32>
        %min3A_459 = arith.minimumf %max3A_445, %get3A_457 : vector<16xf32>
        %max3A_460 = arith.maximumf %max3A_447, %min3A_459 : vector<16xf32>
        %min3A_461 = arith.minimumf %max3A_447, %min3A_459 : vector<16xf32>
        %max3A_462 = arith.maximumf %max3A_449, %min3A_461 : vector<16xf32>
        %min3A_463 = arith.minimumf %max3A_449, %min3A_461 : vector<16xf32>
        %max3A_464 = arith.maximumf %max3A_451, %min3A_463 : vector<16xf32>
        %get3A_465 = arith.constant 6 : i32
        %get3A_466 = arith.constant 1 : i32
        %get3A_467 = arith.index_cast %get3A_465 : i32 to index
        %get3A_468 = arith.index_cast %get3A_466 : i32 to index
        %get3A_469 = arith.index_cast %mul3A_184 : i32 to index
        %get3A_470 = tpu.vector_load %arg8[%get3A_467, %get3A_468, %get3A_469] {strides = array<i32>} : memref<17x4x32xf32, #tpu.memory_space<vmem>>, vector<16xf32>,
        %max3A_471 = arith.maximumf %max3A_458, %get3A_470 : vector<16xf32>
        %min3A_472 = arith.minimumf %max3A_458, %get3A_470 : vector<16xf32>
        %max3A_473 = arith.maximumf %max3A_460, %min3A_472 : vector<16xf32>
        %min3A_474 = arith.minimumf %max3A_460, %min3A_472 : vector<16xf32>
        %max3A_475 = arith.maximumf %max3A_462, %min3A_474 : vector<16xf32>
        %min3A_476 = arith.minimumf %max3A_462, %min3A_474 : vector<16xf32>
        %max3A_477 = arith.maximumf %max3A_464, %min3A_476 : vector<16xf32>
        %get3A_478 = arith.constant 7 : i32
        %get3A_479 = arith.constant 1 : i32
        %get3A_480 = arith.index_cast %get3A_478 : i32 to index
        %get3A_481 = arith.index_cast %get3A_479 : i32 to index
        %get3A_482 = arith.index_cast %mul3A_184 : i32 to index
        %get3A_483 = tpu.vector_load %arg8[%get3A_480, %get3A_481, %get3A_482] {strides = array<i32>} : memref<17x4x32xf32, #tpu.memory_space<vmem>>, vector<16xf32>,
        %max3A_484 = arith.maximumf %max3A_471, %get3A_483 : vector<16xf32>
        %min3A_485 = arith.minimumf %max3A_471, %get3A_483 : vector<16xf32>
        %max3A_486 = arith.maximumf %max3A_473, %min3A_485 : vector<16xf32>
        %min3A_487 = arith.minimumf %max3A_473, %min3A_485 : vector<16xf32>
        %max3A_488 = arith.maximumf %max3A_475, %min3A_487 : vector<16xf32>
        %min3A_489 = arith.minimumf %max3A_475, %min3A_487 : vector<16xf32>
        %max3A_490 = arith.maximumf %max3A_477, %min3A_489 : vector<16xf32>
        %get3A_491 = arith.constant 8 : i32
        %get3A_492 = arith.constant 1 : i32
        %get3A_493 = arith.index_cast %get3A_491 : i32 to index
        %get3A_494 = arith.index_cast %get3A_492 : i32 to index
        %get3A_495 = arith.index_cast %mul3A_184 : i32 to index
        %get3A_496 = tpu.vector_load %arg8[%get3A_493, %get3A_494, %get3A_495] {strides = array<i32>} : memref<17x4x32xf32, #tpu.memory_space<vmem>>, vector<16xf32>,
        %max3A_497 = arith.maximumf %max3A_484, %get3A_496 : vector<16xf32>
        %min3A_498 = arith.minimumf %max3A_484, %get3A_496 : vector<16xf32>
        %max3A_499 = arith.maximumf %max3A_486, %min3A_498 : vector<16xf32>
        %min3A_500 = arith.minimumf %max3A_486, %min3A_498 : vector<16xf32>
        %max3A_501 = arith.maximumf %max3A_488, %min3A_500 : vector<16xf32>
        %min3A_502 = arith.minimumf %max3A_488, %min3A_500 : vector<16xf32>
        %max3A_503 = arith.maximumf %max3A_490, %min3A_502 : vector<16xf32>
        %get3A_504 = arith.constant 9 : i32
        %get3A_505 = arith.constant 1 : i32
        %get3A_506 = arith.index_cast %get3A_504 : i32 to index
        %get3A_507 = arith.index_cast %get3A_505 : i32 to index
        %get3A_508 = arith.index_cast %mul3A_184 : i32 to index
        %get3A_509 = tpu.vector_load %arg8[%get3A_506, %get3A_507, %get3A_508] {strides = array<i32>} : memref<17x4x32xf32, #tpu.memory_space<vmem>>, vector<16xf32>,
        %max3A_510 = arith.maximumf %max3A_497, %get3A_509 : vector<16xf32>
        %min3A_511 = arith.minimumf %max3A_497, %get3A_509 : vector<16xf32>
        %max3A_512 = arith.maximumf %max3A_499, %min3A_511 : vector<16xf32>
        %min3A_513 = arith.minimumf %max3A_499, %min3A_511 : vector<16xf32>
        %max3A_514 = arith.maximumf %max3A_501, %min3A_513 : vector<16xf32>
        %min3A_515 = arith.minimumf %max3A_501, %min3A_513 : vector<16xf32>
        %max3A_516 = arith.maximumf %max3A_503, %min3A_515 : vector<16xf32>
        %get3A_517 = arith.constant 10 : i32
        %get3A_518 = arith.constant 1 : i32
        %get3A_519 = arith.index_cast %get3A_517 : i32 to index
        %get3A_520 = arith.index_cast %get3A_518 : i32 to index
        %get3A_521 = arith.index_cast %mul3A_184 : i32 to index
        %get3A_522 = tpu.vector_load %arg8[%get3A_519, %get3A_520, %get3A_521] {strides = array<i32>} : memref<17x4x32xf32, #tpu.memory_space<vmem>>, vector<16xf32>,
        %max3A_523 = arith.maximumf %max3A_510, %get3A_522 : vector<16xf32>
        %min3A_524 = arith.minimumf %max3A_510, %get3A_522 : vector<16xf32>
        %max3A_525 = arith.maximumf %max3A_512, %min3A_524 : vector<16xf32>
        %min3A_526 = arith.minimumf %max3A_512, %min3A_524 : vector<16xf32>
        %max3A_527 = arith.maximumf %max3A_514, %min3A_526 : vector<16xf32>
        %min3A_528 = arith.minimumf %max3A_514, %min3A_526 : vector<16xf32>
        %max3A_529 = arith.maximumf %max3A_516, %min3A_528 : vector<16xf32>
        %get3A_530 = arith.constant 11 : i32
        %get3A_531 = arith.constant 1 : i32
        %get3A_532 = arith.index_cast %get3A_530 : i32 to index
        %get3A_533 = arith.index_cast %get3A_531 : i32 to index
        %get3A_534 = arith.index_cast %mul3A_184 : i32 to index
        %get3A_535 = tpu.vector_load %arg8[%get3A_532, %get3A_533, %get3A_534] {strides = array<i32>} : memref<17x4x32xf32, #tpu.memory_space<vmem>>, vector<16xf32>,
        %max3A_536 = arith.maximumf %max3A_523, %get3A_535 : vector<16xf32>
        %min3A_537 = arith.minimumf %max3A_523, %get3A_535 : vector<16xf32>
        %max3A_538 = arith.maximumf %max3A_525, %min3A_537 : vector<16xf32>
        %min3A_539 = arith.minimumf %max3A_525, %min3A_537 : vector<16xf32>
        %max3A_540 = arith.maximumf %max3A_527, %min3A_539 : vector<16xf32>
        %min3A_541 = arith.minimumf %max3A_527, %min3A_539 : vector<16xf32>
        %max3A_542 = arith.maximumf %max3A_529, %min3A_541 : vector<16xf32>
        %get3A_543 = arith.constant 12 : i32
        %get3A_544 = arith.constant 1 : i32
        %get3A_545 = arith.index_cast %get3A_543 : i32 to index
        %get3A_546 = arith.index_cast %get3A_544 : i32 to index
        %get3A_547 = arith.index_cast %mul3A_184 : i32 to index
        %get3A_548 = tpu.vector_load %arg8[%get3A_545, %get3A_546, %get3A_547] {strides = array<i32>} : memref<17x4x32xf32, #tpu.memory_space<vmem>>, vector<16xf32>,
        %max3A_549 = arith.maximumf %max3A_536, %get3A_548 : vector<16xf32>
        %min3A_550 = arith.minimumf %max3A_536, %get3A_548 : vector<16xf32>
        %max3A_551 = arith.maximumf %max3A_538, %min3A_550 : vector<16xf32>
        %min3A_552 = arith.minimumf %max3A_538, %min3A_550 : vector<16xf32>
        %max3A_553 = arith.maximumf %max3A_540, %min3A_552 : vector<16xf32>
        %min3A_554 = arith.minimumf %max3A_540, %min3A_552 : vector<16xf32>
        %max3A_555 = arith.maximumf %max3A_542, %min3A_554 : vector<16xf32>
        %get3A_556 = arith.constant 13 : i32
        %get3A_557 = arith.constant 1 : i32
        %get3A_558 = arith.index_cast %get3A_556 : i32 to index
        %get3A_559 = arith.index_cast %get3A_557 : i32 to index
        %get3A_560 = arith.index_cast %mul3A_184 : i32 to index
        %get3A_561 = tpu.vector_load %arg8[%get3A_558, %get3A_559, %get3A_560] {strides = array<i32>} : memref<17x4x32xf32, #tpu.memory_space<vmem>>, vector<16xf32>,
        %max3A_562 = arith.maximumf %max3A_549, %get3A_561 : vector<16xf32>
        %min3A_563 = arith.minimumf %max3A_549, %get3A_561 : vector<16xf32>
        %max3A_564 = arith.maximumf %max3A_551, %min3A_563 : vector<16xf32>
        %min3A_565 = arith.minimumf %max3A_551, %min3A_563 : vector<16xf32>
        %max3A_566 = arith.maximumf %max3A_553, %min3A_565 : vector<16xf32>
        %min3A_567 = arith.minimumf %max3A_553, %min3A_565 : vector<16xf32>
        %max3A_568 = arith.maximumf %max3A_555, %min3A_567 : vector<16xf32>
        %get3A_569 = arith.constant 14 : i32
        %get3A_570 = arith.constant 1 : i32
        %get3A_571 = arith.index_cast %get3A_569 : i32 to index
        %get3A_572 = arith.index_cast %get3A_570 : i32 to index
        %get3A_573 = arith.index_cast %mul3A_184 : i32 to index
        %get3A_574 = tpu.vector_load %arg8[%get3A_571, %get3A_572, %get3A_573] {strides = array<i32>} : memref<17x4x32xf32, #tpu.memory_space<vmem>>, vector<16xf32>,
        %max3A_575 = arith.maximumf %max3A_562, %get3A_574 : vector<16xf32>
        %min3A_576 = arith.minimumf %max3A_562, %get3A_574 : vector<16xf32>
        %max3A_577 = arith.maximumf %max3A_564, %min3A_576 : vector<16xf32>
        %min3A_578 = arith.minimumf %max3A_564, %min3A_576 : vector<16xf32>
        %max3A_579 = arith.maximumf %max3A_566, %min3A_578 : vector<16xf32>
        %min3A_580 = arith.minimumf %max3A_566, %min3A_578 : vector<16xf32>
        %max3A_581 = arith.maximumf %max3A_568, %min3A_580 : vector<16xf32>
        %get3A_582 = arith.constant 15 : i32
        %get3A_583 = arith.constant 1 : i32
        %get3A_584 = arith.index_cast %get3A_582 : i32 to index
        %get3A_585 = arith.index_cast %get3A_583 : i32 to index
        %get3A_586 = arith.index_cast %mul3A_184 : i32 to index
        %get3A_587 = tpu.vector_load %arg8[%get3A_584, %get3A_585, %get3A_586] {strides = array<i32>} : memref<17x4x32xf32, #tpu.memory_space<vmem>>, vector<16xf32>,
        %max3A_588 = arith.maximumf %max3A_575, %get3A_587 : vector<16xf32>
        %min3A_589 = arith.minimumf %max3A_575, %get3A_587 : vector<16xf32>
        %max3A_590 = arith.maximumf %max3A_577, %min3A_589 : vector<16xf32>
        %min3A_591 = arith.minimumf %max3A_577, %min3A_589 : vector<16xf32>
        %max3A_592 = arith.maximumf %max3A_579, %min3A_591 : vector<16xf32>
        %min3A_593 = arith.minimumf %max3A_579, %min3A_591 : vector<16xf32>
        %max3A_594 = arith.maximumf %max3A_581, %min3A_593 : vector<16xf32>
        %get3A_595 = arith.constant 16 : i32
        %get3A_596 = arith.constant 1 : i32
        %get3A_597 = arith.index_cast %get3A_595 : i32 to index
        %get3A_598 = arith.index_cast %get3A_596 : i32 to index
        %get3A_599 = arith.index_cast %mul3A_184 : i32 to index
        %get3A_600 = tpu.vector_load %arg8[%get3A_597, %get3A_598, %get3A_599] {strides = array<i32>} : memref<17x4x32xf32, #tpu.memory_space<vmem>>, vector<16xf32>,
        %max3A_601 = arith.maximumf %max3A_588, %get3A_600 : vector<16xf32>
        %min3A_602 = arith.minimumf %max3A_588, %get3A_600 : vector<16xf32>
        %max3A_603 = arith.maximumf %max3A_590, %min3A_602 : vector<16xf32>
        %min3A_604 = arith.minimumf %max3A_590, %min3A_602 : vector<16xf32>
        %max3A_605 = arith.maximumf %max3A_592, %min3A_604 : vector<16xf32>
        %min3A_606 = arith.minimumf %max3A_592, %min3A_604 : vector<16xf32>
        %max3A_607 = arith.maximumf %max3A_594, %min3A_606 : vector<16xf32>
        %swap3A_608 = arith.constant 4 : i32
        %swap3A_609 = arith.index_cast %swap3A_608 : i32 to index
        %swap3A_610 = arith.index_cast %mul3A_184 : i32 to index
        %swap3A_611 = tpu.vector_load %arg9[%swap3A_609, %swap3A_610] {strides = array<i32>} : memref<16x32xf32, #tpu.memory_space<vmem>>, vector<16xf32>,
        tpu.vector_store %arg9[%swap3A_609, %swap3A_610], %max3A_601 {strides = array<i32>} : memref<16x32xf32, #tpu.memory_space<vmem>>, vector<16xf32>,
        %swap3A_612 = arith.constant 5 : i32
        %swap3A_613 = arith.index_cast %swap3A_612 : i32 to index
        %swap3A_614 = arith.index_cast %mul3A_184 : i32 to index
        %swap3A_615 = tpu.vector_load %arg9[%swap3A_613, %swap3A_614] {strides = array<i32>} : memref<16x32xf32, #tpu.memory_space<vmem>>, vector<16xf32>,
        tpu.vector_store %arg9[%swap3A_613, %swap3A_614], %max3A_603 {strides = array<i32>} : memref<16x32xf32, #tpu.memory_space<vmem>>, vector<16xf32>,
        %swap3A_616 = arith.constant 6 : i32
        %swap3A_617 = arith.index_cast %swap3A_616 : i32 to index
        %swap3A_618 = arith.index_cast %mul3A_184 : i32 to index
        %swap3A_619 = tpu.vector_load %arg9[%swap3A_617, %swap3A_618] {strides = array<i32>} : memref<16x32xf32, #tpu.memory_space<vmem>>, vector<16xf32>,
        tpu.vector_store %arg9[%swap3A_617, %swap3A_618], %max3A_605 {strides = array<i32>} : memref<16x32xf32, #tpu.memory_space<vmem>>, vector<16xf32>,
        %swap3A_620 = arith.constant 7 : i32
        %swap3A_621 = arith.index_cast %swap3A_620 : i32 to index
        %swap3A_622 = arith.index_cast %mul3A_184 : i32 to index
        %swap3A_623 = tpu.vector_load %arg9[%swap3A_621, %swap3A_622] {strides = array<i32>} : memref<16x32xf32, #tpu.memory_space<vmem>>, vector<16xf32>,
        tpu.vector_store %arg9[%swap3A_621, %swap3A_622], %max3A_607 {strides = array<i32>} : memref<16x32xf32, #tpu.memory_space<vmem>>, vector<16xf32>,
        %get3A_624 = arith.constant 0 : i32
        %get3A_625 = arith.constant 2 : i32
        %get3A_626 = arith.index_cast %get3A_624 : i32 to index
        %get3A_627 = arith.index_cast %get3A_625 : i32 to index
        %get3A_628 = arith.index_cast %mul3A_184 : i32 to index
        %get3A_629 = tpu.vector_load %arg8[%get3A_626, %get3A_627, %get3A_628] {strides = array<i32>} : memref<17x4x32xf32, #tpu.memory_space<vmem>>, vector<16xf32>,
        %get3A_630 = arith.constant 1 : i32
        %get3A_631 = arith.constant 2 : i32
        %get3A_632 = arith.index_cast %get3A_630 : i32 to index
        %get3A_633 = arith.index_cast %get3A_631 : i32 to index
        %get3A_634 = arith.index_cast %mul3A_184 : i32 to index
        %get3A_635 = tpu.vector_load %arg8[%get3A_632, %get3A_633, %get3A_634] {strides = array<i32>} : memref<17x4x32xf32, #tpu.memory_space<vmem>>, vector<16xf32>,
        %max3A_636 = arith.maximumf %get3A_629, %get3A_635 : vector<16xf32>
        %min3A_637 = arith.minimumf %get3A_629, %get3A_635 : vector<16xf32>
        %get3A_638 = arith.constant 2 : i32
        %get3A_639 = arith.constant 2 : i32
        %get3A_640 = arith.index_cast %get3A_638 : i32 to index
        %get3A_641 = arith.index_cast %get3A_639 : i32 to index
        %get3A_642 = arith.index_cast %mul3A_184 : i32 to index
        %get3A_643 = tpu.vector_load %arg8[%get3A_640, %get3A_641, %get3A_642] {strides = array<i32>} : memref<17x4x32xf32, #tpu.memory_space<vmem>>, vector<16xf32>,
        %max3A_644 = arith.maximumf %max3A_636, %get3A_643 : vector<16xf32>
        %min3A_645 = arith.minimumf %max3A_636, %get3A_643 : vector<16xf32>
        %max3A_646 = arith.maximumf %min3A_637, %min3A_645 : vector<16xf32>
        %min3A_647 = arith.minimumf %min3A_637, %min3A_645 : vector<16xf32>
        %get3A_648 = arith.constant 3 : i32
        %get3A_649 = arith.constant 2 : i32
        %get3A_650 = arith.index_cast %get3A_648 : i32 to index
        %get3A_651 = arith.index_cast %get3A_649 : i32 to index
        %get3A_652 = arith.index_cast %mul3A_184 : i32 to index
        %get3A_653 = tpu.vector_load %arg8[%get3A_650, %get3A_651, %get3A_652] {strides = array<i32>} : memref<17x4x32xf32, #tpu.memory_space<vmem>>, vector<16xf32>,
        %max3A_654 = arith.maximumf %max3A_644, %get3A_653 : vector<16xf32>
        %min3A_655 = arith.minimumf %max3A_644, %get3A_653 : vector<16xf32>
        %max3A_656 = arith.maximumf %max3A_646, %min3A_655 : vector<16xf32>
        %min3A_657 = arith.minimumf %max3A_646, %min3A_655 : vector<16xf32>
        %max3A_658 = arith.maximumf %min3A_647, %min3A_657 : vector<16xf32>
        %min3A_659 = arith.minimumf %min3A_647, %min3A_657 : vector<16xf32>
        %get3A_660 = arith.constant 4 : i32
        %get3A_661 = arith.constant 2 : i32
        %get3A_662 = arith.index_cast %get3A_660 : i32 to index
        %get3A_663 = arith.index_cast %get3A_661 : i32 to index
        %get3A_664 = arith.index_cast %mul3A_184 : i32 to index
        %get3A_665 = tpu.vector_load %arg8[%get3A_662, %get3A_663, %get3A_664] {strides = array<i32>} : memref<17x4x32xf32, #tpu.memory_space<vmem>>, vector<16xf32>,
        %max3A_666 = arith.maximumf %max3A_654, %get3A_665 : vector<16xf32>
        %min3A_667 = arith.minimumf %max3A_654, %get3A_665 : vector<16xf32>
        %max3A_668 = arith.maximumf %max3A_656, %min3A_667 : vector<16xf32>
        %min3A_669 = arith.minimumf %max3A_656, %min3A_667 : vector<16xf32>
        %max3A_670 = arith.maximumf %max3A_658, %min3A_669 : vector<16xf32>
        %min3A_671 = arith.minimumf %max3A_658, %min3A_669 : vector<16xf32>
        %max3A_672 = arith.maximumf %min3A_659, %min3A_671 : vector<16xf32>
        %get3A_673 = arith.constant 5 : i32
        %get3A_674 = arith.constant 2 : i32
        %get3A_675 = arith.index_cast %get3A_673 : i32 to index
        %get3A_676 = arith.index_cast %get3A_674 : i32 to index
        %get3A_677 = arith.index_cast %mul3A_184 : i32 to index
        %get3A_678 = tpu.vector_load %arg8[%get3A_675, %get3A_676, %get3A_677] {strides = array<i32>} : memref<17x4x32xf32, #tpu.memory_space<vmem>>, vector<16xf32>,
        %max3A_679 = arith.maximumf %max3A_666, %get3A_678 : vector<16xf32>
        %min3A_680 = arith.minimumf %max3A_666, %get3A_678 : vector<16xf32>
        %max3A_681 = arith.maximumf %max3A_668, %min3A_680 : vector<16xf32>
        %min3A_682 = arith.minimumf %max3A_668, %min3A_680 : vector<16xf32>
        %max3A_683 = arith.maximumf %max3A_670, %min3A_682 : vector<16xf32>
        %min3A_684 = arith.minimumf %max3A_670, %min3A_682 : vector<16xf32>
        %max3A_685 = arith.maximumf %max3A_672, %min3A_684 : vector<16xf32>
        %get3A_686 = arith.constant 6 : i32
        %get3A_687 = arith.constant 2 : i32
        %get3A_688 = arith.index_cast %get3A_686 : i32 to index
        %get3A_689 = arith.index_cast %get3A_687 : i32 to index
        %get3A_690 = arith.index_cast %mul3A_184 : i32 to index
        %get3A_691 = tpu.vector_load %arg8[%get3A_688, %get3A_689, %get3A_690] {strides = array<i32>} : memref<17x4x32xf32, #tpu.memory_space<vmem>>, vector<16xf32>,
        %max3A_692 = arith.maximumf %max3A_679, %get3A_691 : vector<16xf32>
        %min3A_693 = arith.minimumf %max3A_679, %get3A_691 : vector<16xf32>
        %max3A_694 = arith.maximumf %max3A_681, %min3A_693 : vector<16xf32>
        %min3A_695 = arith.minimumf %max3A_681, %min3A_693 : vector<16xf32>
        %max3A_696 = arith.maximumf %max3A_683, %min3A_695 : vector<16xf32>
        %min3A_697 = arith.minimumf %max3A_683, %min3A_695 : vector<16xf32>
        %max3A_698 = arith.maximumf %max3A_685, %min3A_697 : vector<16xf32>
        %get3A_699 = arith.constant 7 : i32
        %get3A_700 = arith.constant 2 : i32
        %get3A_701 = arith.index_cast %get3A_699 : i32 to index
        %get3A_702 = arith.index_cast %get3A_700 : i32 to index
        %get3A_703 = arith.index_cast %mul3A_184 : i32 to index
        %get3A_704 = tpu.vector_load %arg8[%get3A_701, %get3A_702, %get3A_703] {strides = array<i32>} : memref<17x4x32xf32, #tpu.memory_space<vmem>>, vector<16xf32>,
        %max3A_705 = arith.maximumf %max3A_692, %get3A_704 : vector<16xf32>
        %min3A_706 = arith.minimumf %max3A_692, %get3A_704 : vector<16xf32>
        %max3A_707 = arith.maximumf %max3A_694, %min3A_706 : vector<16xf32>
        %min3A_708 = arith.minimumf %max3A_694, %min3A_706 : vector<16xf32>
        %max3A_709 = arith.maximumf %max3A_696, %min3A_708 : vector<16xf32>
        %min3A_710 = arith.minimumf %max3A_696, %min3A_708 : vector<16xf32>
        %max3A_711 = arith.maximumf %max3A_698, %min3A_710 : vector<16xf32>
        %get3A_712 = arith.constant 8 : i32
        %get3A_713 = arith.constant 2 : i32
        %get3A_714 = arith.index_cast %get3A_712 : i32 to index
        %get3A_715 = arith.index_cast %get3A_713 : i32 to index
        %get3A_716 = arith.index_cast %mul3A_184 : i32 to index
        %get3A_717 = tpu.vector_load %arg8[%get3A_714, %get3A_715, %get3A_716] {strides = array<i32>} : memref<17x4x32xf32, #tpu.memory_space<vmem>>, vector<16xf32>,
        %max3A_718 = arith.maximumf %max3A_705, %get3A_717 : vector<16xf32>
        %min3A_719 = arith.minimumf %max3A_705, %get3A_717 : vector<16xf32>
        %max3A_720 = arith.maximumf %max3A_707, %min3A_719 : vector<16xf32>
        %min3A_721 = arith.minimumf %max3A_707, %min3A_719 : vector<16xf32>
        %max3A_722 = arith.maximumf %max3A_709, %min3A_721 : vector<16xf32>
        %min3A_723 = arith.minimumf %max3A_709, %min3A_721 : vector<16xf32>
        %max3A_724 = arith.maximumf %max3A_711, %min3A_723 : vector<16xf32>
        %get3A_725 = arith.constant 9 : i32
        %get3A_726 = arith.constant 2 : i32
        %get3A_727 = arith.index_cast %get3A_725 : i32 to index
        %get3A_728 = arith.index_cast %get3A_726 : i32 to index
        %get3A_729 = arith.index_cast %mul3A_184 : i32 to index
        %get3A_730 = tpu.vector_load %arg8[%get3A_727, %get3A_728, %get3A_729] {strides = array<i32>} : memref<17x4x32xf32, #tpu.memory_space<vmem>>, vector<16xf32>,
        %max3A_731 = arith.maximumf %max3A_718, %get3A_730 : vector<16xf32>
        %min3A_732 = arith.minimumf %max3A_718, %get3A_730 : vector<16xf32>
        %max3A_733 = arith.maximumf %max3A_720, %min3A_732 : vector<16xf32>
        %min3A_734 = arith.minimumf %max3A_720, %min3A_732 : vector<16xf32>
        %max3A_735 = arith.maximumf %max3A_722, %min3A_734 : vector<16xf32>
        %min3A_736 = arith.minimumf %max3A_722, %min3A_734 : vector<16xf32>
        %max3A_737 = arith.maximumf %max3A_724, %min3A_736 : vector<16xf32>
        %get3A_738 = arith.constant 10 : i32
        %get3A_739 = arith.constant 2 : i32
        %get3A_740 = arith.index_cast %get3A_738 : i32 to index
        %get3A_741 = arith.index_cast %get3A_739 : i32 to index
        %get3A_742 = arith.index_cast %mul3A_184 : i32 to index
        %get3A_743 = tpu.vector_load %arg8[%get3A_740, %get3A_741, %get3A_742] {strides = array<i32>} : memref<17x4x32xf32, #tpu.memory_space<vmem>>, vector<16xf32>,
        %max3A_744 = arith.maximumf %max3A_731, %get3A_743 : vector<16xf32>
        %min3A_745 = arith.minimumf %max3A_731, %get3A_743 : vector<16xf32>
        %max3A_746 = arith.maximumf %max3A_733, %min3A_745 : vector<16xf32>
        %min3A_747 = arith.minimumf %max3A_733, %min3A_745 : vector<16xf32>
        %max3A_748 = arith.maximumf %max3A_735, %min3A_747 : vector<16xf32>
        %min3A_749 = arith.minimumf %max3A_735, %min3A_747 : vector<16xf32>
        %max3A_750 = arith.maximumf %max3A_737, %min3A_749 : vector<16xf32>
        %get3A_751 = arith.constant 11 : i32
        %get3A_752 = arith.constant 2 : i32
        %get3A_753 = arith.index_cast %get3A_751 : i32 to index
        %get3A_754 = arith.index_cast %get3A_752 : i32 to index
        %get3A_755 = arith.index_cast %mul3A_184 : i32 to index
        %get3A_756 = tpu.vector_load %arg8[%get3A_753, %get3A_754, %get3A_755] {strides = array<i32>} : memref<17x4x32xf32, #tpu.memory_space<vmem>>, vector<16xf32>,
        %max3A_757 = arith.maximumf %max3A_744, %get3A_756 : vector<16xf32>
        %min3A_758 = arith.minimumf %max3A_744, %get3A_756 : vector<16xf32>
        %max3A_759 = arith.maximumf %max3A_746, %min3A_758 : vector<16xf32>
        %min3A_760 = arith.minimumf %max3A_746, %min3A_758 : vector<16xf32>
        %max3A_761 = arith.maximumf %max3A_748, %min3A_760 : vector<16xf32>
        %min3A_762 = arith.minimumf %max3A_748, %min3A_760 : vector<16xf32>
        %max3A_763 = arith.maximumf %max3A_750, %min3A_762 : vector<16xf32>
        %get3A_764 = arith.constant 12 : i32
        %get3A_765 = arith.constant 2 : i32
        %get3A_766 = arith.index_cast %get3A_764 : i32 to index
        %get3A_767 = arith.index_cast %get3A_765 : i32 to index
        %get3A_768 = arith.index_cast %mul3A_184 : i32 to index
        %get3A_769 = tpu.vector_load %arg8[%get3A_766, %get3A_767, %get3A_768] {strides = array<i32>} : memref<17x4x32xf32, #tpu.memory_space<vmem>>, vector<16xf32>,
        %max3A_770 = arith.maximumf %max3A_757, %get3A_769 : vector<16xf32>
        %min3A_771 = arith.minimumf %max3A_757, %get3A_769 : vector<16xf32>
        %max3A_772 = arith.maximumf %max3A_759, %min3A_771 : vector<16xf32>
        %min3A_773 = arith.minimumf %max3A_759, %min3A_771 : vector<16xf32>
        %max3A_774 = arith.maximumf %max3A_761, %min3A_773 : vector<16xf32>
        %min3A_775 = arith.minimumf %max3A_761, %min3A_773 : vector<16xf32>
        %max3A_776 = arith.maximumf %max3A_763, %min3A_775 : vector<16xf32>
        %get3A_777 = arith.constant 13 : i32
        %get3A_778 = arith.constant 2 : i32
        %get3A_779 = arith.index_cast %get3A_777 : i32 to index
        %get3A_780 = arith.index_cast %get3A_778 : i32 to index
        %get3A_781 = arith.index_cast %mul3A_184 : i32 to index
        %get3A_782 = tpu.vector_load %arg8[%get3A_779, %get3A_780, %get3A_781] {strides = array<i32>} : memref<17x4x32xf32, #tpu.memory_space<vmem>>, vector<16xf32>,
        %max3A_783 = arith.maximumf %max3A_770, %get3A_782 : vector<16xf32>
        %min3A_784 = arith.minimumf %max3A_770, %get3A_782 : vector<16xf32>
        %max3A_785 = arith.maximumf %max3A_772, %min3A_784 : vector<16xf32>
        %min3A_786 = arith.minimumf %max3A_772, %min3A_784 : vector<16xf32>
        %max3A_787 = arith.maximumf %max3A_774, %min3A_786 : vector<16xf32>
        %min3A_788 = arith.minimumf %max3A_774, %min3A_786 : vector<16xf32>
        %max3A_789 = arith.maximumf %max3A_776, %min3A_788 : vector<16xf32>
        %get3A_790 = arith.constant 14 : i32
        %get3A_791 = arith.constant 2 : i32
        %get3A_792 = arith.index_cast %get3A_790 : i32 to index
        %get3A_793 = arith.index_cast %get3A_791 : i32 to index
        %get3A_794 = arith.index_cast %mul3A_184 : i32 to index
        %get3A_795 = tpu.vector_load %arg8[%get3A_792, %get3A_793, %get3A_794] {strides = array<i32>} : memref<17x4x32xf32, #tpu.memory_space<vmem>>, vector<16xf32>,
        %max3A_796 = arith.maximumf %max3A_783, %get3A_795 : vector<16xf32>
        %min3A_797 = arith.minimumf %max3A_783, %get3A_795 : vector<16xf32>
        %max3A_798 = arith.maximumf %max3A_785, %min3A_797 : vector<16xf32>
        %min3A_799 = arith.minimumf %max3A_785, %min3A_797 : vector<16xf32>
        %max3A_800 = arith.maximumf %max3A_787, %min3A_799 : vector<16xf32>
        %min3A_801 = arith.minimumf %max3A_787, %min3A_799 : vector<16xf32>
        %max3A_802 = arith.maximumf %max3A_789, %min3A_801 : vector<16xf32>
        %get3A_803 = arith.constant 15 : i32
        %get3A_804 = arith.constant 2 : i32
        %get3A_805 = arith.index_cast %get3A_803 : i32 to index
        %get3A_806 = arith.index_cast %get3A_804 : i32 to index
        %get3A_807 = arith.index_cast %mul3A_184 : i32 to index
        %get3A_808 = tpu.vector_load %arg8[%get3A_805, %get3A_806, %get3A_807] {strides = array<i32>} : memref<17x4x32xf32, #tpu.memory_space<vmem>>, vector<16xf32>,
        %max3A_809 = arith.maximumf %max3A_796, %get3A_808 : vector<16xf32>
        %min3A_810 = arith.minimumf %max3A_796, %get3A_808 : vector<16xf32>
        %max3A_811 = arith.maximumf %max3A_798, %min3A_810 : vector<16xf32>
        %min3A_812 = arith.minimumf %max3A_798, %min3A_810 : vector<16xf32>
        %max3A_813 = arith.maximumf %max3A_800, %min3A_812 : vector<16xf32>
        %min3A_814 = arith.minimumf %max3A_800, %min3A_812 : vector<16xf32>
        %max3A_815 = arith.maximumf %max3A_802, %min3A_814 : vector<16xf32>
        %get3A_816 = arith.constant 16 : i32
        %get3A_817 = arith.constant 2 : i32
        %get3A_818 = arith.index_cast %get3A_816 : i32 to index
        %get3A_819 = arith.index_cast %get3A_817 : i32 to index
        %get3A_820 = arith.index_cast %mul3A_184 : i32 to index
        %get3A_821 = tpu.vector_load %arg8[%get3A_818, %get3A_819, %get3A_820] {strides = array<i32>} : memref<17x4x32xf32, #tpu.memory_space<vmem>>, vector<16xf32>,
        %max3A_822 = arith.maximumf %max3A_809, %get3A_821 : vector<16xf32>
        %min3A_823 = arith.minimumf %max3A_809, %get3A_821 : vector<16xf32>
        %max3A_824 = arith.maximumf %max3A_811, %min3A_823 : vector<16xf32>
        %min3A_825 = arith.minimumf %max3A_811, %min3A_823 : vector<16xf32>
        %max3A_826 = arith.maximumf %max3A_813, %min3A_825 : vector<16xf32>
        %min3A_827 = arith.minimumf %max3A_813, %min3A_825 : vector<16xf32>
        %max3A_828 = arith.maximumf %max3A_815, %min3A_827 : vector<16xf32>
        %swap3A_829 = arith.constant 8 : i32
        %swap3A_830 = arith.index_cast %swap3A_829 : i32 to index
        %swap3A_831 = arith.index_cast %mul3A_184 : i32 to index
        %swap3A_832 = tpu.vector_load %arg9[%swap3A_830, %swap3A_831] {strides = array<i32>} : memref<16x32xf32, #tpu.memory_space<vmem>>, vector<16xf32>,
        tpu.vector_store %arg9[%swap3A_830, %swap3A_831], %max3A_822 {strides = array<i32>} : memref<16x32xf32, #tpu.memory_space<vmem>>, vector<16xf32>,
        %swap3A_833 = arith.constant 9 : i32
        %swap3A_834 = arith.index_cast %swap3A_833 : i32 to index
        %swap3A_835 = arith.index_cast %mul3A_184 : i32 to index
        %swap3A_836 = tpu.vector_load %arg9[%swap3A_834, %swap3A_835] {strides = array<i32>} : memref<16x32xf32, #tpu.memory_space<vmem>>, vector<16xf32>,
        tpu.vector_store %arg9[%swap3A_834, %swap3A_835], %max3A_824 {strides = array<i32>} : memref<16x32xf32, #tpu.memory_space<vmem>>, vector<16xf32>,
        %swap3A_837 = arith.constant 10 : i32
        %swap3A_838 = arith.index_cast %swap3A_837 : i32 to index
        %swap3A_839 = arith.index_cast %mul3A_184 : i32 to index
        %swap3A_840 = tpu.vector_load %arg9[%swap3A_838, %swap3A_839] {strides = array<i32>} : memref<16x32xf32, #tpu.memory_space<vmem>>, vector<16xf32>,
        tpu.vector_store %arg9[%swap3A_838, %swap3A_839], %max3A_826 {strides = array<i32>} : memref<16x32xf32, #tpu.memory_space<vmem>>, vector<16xf32>,
        %swap3A_841 = arith.constant 11 : i32
        %swap3A_842 = arith.index_cast %swap3A_841 : i32 to index
        %swap3A_843 = arith.index_cast %mul3A_184 : i32 to index
        %swap3A_844 = tpu.vector_load %arg9[%swap3A_842, %swap3A_843] {strides = array<i32>} : memref<16x32xf32, #tpu.memory_space<vmem>>, vector<16xf32>,
        tpu.vector_store %arg9[%swap3A_842, %swap3A_843], %max3A_828 {strides = array<i32>} : memref<16x32xf32, #tpu.memory_space<vmem>>, vector<16xf32>,
        %get3A_845 = arith.constant 0 : i32
        %get3A_846 = arith.constant 3 : i32
        %get3A_847 = arith.index_cast %get3A_845 : i32 to index
        %get3A_848 = arith.index_cast %get3A_846 : i32 to index
        %get3A_849 = arith.index_cast %mul3A_184 : i32 to index
        %get3A_850 = tpu.vector_load %arg8[%get3A_847, %get3A_848, %get3A_849] {strides = array<i32>} : memref<17x4x32xf32, #tpu.memory_space<vmem>>, vector<16xf32>,
        %get3A_851 = arith.constant 1 : i32
        %get3A_852 = arith.constant 3 : i32
        %get3A_853 = arith.index_cast %get3A_851 : i32 to index
        %get3A_854 = arith.index_cast %get3A_852 : i32 to index
        %get3A_855 = arith.index_cast %mul3A_184 : i32 to index
        %get3A_856 = tpu.vector_load %arg8[%get3A_853, %get3A_854, %get3A_855] {strides = array<i32>} : memref<17x4x32xf32, #tpu.memory_space<vmem>>, vector<16xf32>,
        %max3A_857 = arith.maximumf %get3A_850, %get3A_856 : vector<16xf32>
        %min3A_858 = arith.minimumf %get3A_850, %get3A_856 : vector<16xf32>
        %get3A_859 = arith.constant 2 : i32
        %get3A_860 = arith.constant 3 : i32
        %get3A_861 = arith.index_cast %get3A_859 : i32 to index
        %get3A_862 = arith.index_cast %get3A_860 : i32 to index
        %get3A_863 = arith.index_cast %mul3A_184 : i32 to index
        %get3A_864 = tpu.vector_load %arg8[%get3A_861, %get3A_862, %get3A_863] {strides = array<i32>} : memref<17x4x32xf32, #tpu.memory_space<vmem>>, vector<16xf32>,
        %max3A_865 = arith.maximumf %max3A_857, %get3A_864 : vector<16xf32>
        %min3A_866 = arith.minimumf %max3A_857, %get3A_864 : vector<16xf32>
        %max3A_867 = arith.maximumf %min3A_858, %min3A_866 : vector<16xf32>
        %min3A_868 = arith.minimumf %min3A_858, %min3A_866 : vector<16xf32>
        %get3A_869 = arith.constant 3 : i32
        %get3A_870 = arith.constant 3 : i32
        %get3A_871 = arith.index_cast %get3A_869 : i32 to index
        %get3A_872 = arith.index_cast %get3A_870 : i32 to index
        %get3A_873 = arith.index_cast %mul3A_184 : i32 to index
        %get3A_874 = tpu.vector_load %arg8[%get3A_871, %get3A_872, %get3A_873] {strides = array<i32>} : memref<17x4x32xf32, #tpu.memory_space<vmem>>, vector<16xf32>,
        %max3A_875 = arith.maximumf %max3A_865, %get3A_874 : vector<16xf32>
        %min3A_876 = arith.minimumf %max3A_865, %get3A_874 : vector<16xf32>
        %max3A_877 = arith.maximumf %max3A_867, %min3A_876 : vector<16xf32>
        %min3A_878 = arith.minimumf %max3A_867, %min3A_876 : vector<16xf32>
        %max3A_879 = arith.maximumf %min3A_868, %min3A_878 : vector<16xf32>
        %min3A_880 = arith.minimumf %min3A_868, %min3A_878 : vector<16xf32>
        %get3A_881 = arith.constant 4 : i32
        %get3A_882 = arith.constant 3 : i32
        %get3A_883 = arith.index_cast %get3A_881 : i32 to index
        %get3A_884 = arith.index_cast %get3A_882 : i32 to index
        %get3A_885 = arith.index_cast %mul3A_184 : i32 to index
        %get3A_886 = tpu.vector_load %arg8[%get3A_883, %get3A_884, %get3A_885] {strides = array<i32>} : memref<17x4x32xf32, #tpu.memory_space<vmem>>, vector<16xf32>,
        %max3A_887 = arith.maximumf %max3A_875, %get3A_886 : vector<16xf32>
        %min3A_888 = arith.minimumf %max3A_875, %get3A_886 : vector<16xf32>
        %max3A_889 = arith.maximumf %max3A_877, %min3A_888 : vector<16xf32>
        %min3A_890 = arith.minimumf %max3A_877, %min3A_888 : vector<16xf32>
        %max3A_891 = arith.maximumf %max3A_879, %min3A_890 : vector<16xf32>
        %min3A_892 = arith.minimumf %max3A_879, %min3A_890 : vector<16xf32>
        %max3A_893 = arith.maximumf %min3A_880, %min3A_892 : vector<16xf32>
        %get3A_894 = arith.constant 5 : i32
        %get3A_895 = arith.constant 3 : i32
        %get3A_896 = arith.index_cast %get3A_894 : i32 to index
        %get3A_897 = arith.index_cast %get3A_895 : i32 to index
        %get3A_898 = arith.index_cast %mul3A_184 : i32 to index
        %get3A_899 = tpu.vector_load %arg8[%get3A_896, %get3A_897, %get3A_898] {strides = array<i32>} : memref<17x4x32xf32, #tpu.memory_space<vmem>>, vector<16xf32>,
        %max3A_900 = arith.maximumf %max3A_887, %get3A_899 : vector<16xf32>
        %min3A_901 = arith.minimumf %max3A_887, %get3A_899 : vector<16xf32>
        %max3A_902 = arith.maximumf %max3A_889, %min3A_901 : vector<16xf32>
        %min3A_903 = arith.minimumf %max3A_889, %min3A_901 : vector<16xf32>
        %max3A_904 = arith.maximumf %max3A_891, %min3A_903 : vector<16xf32>
        %min3A_905 = arith.minimumf %max3A_891, %min3A_903 : vector<16xf32>
        %max3A_906 = arith.maximumf %max3A_893, %min3A_905 : vector<16xf32>
        %get3A_907 = arith.constant 6 : i32
        %get3A_908 = arith.constant 3 : i32
        %get3A_909 = arith.index_cast %get3A_907 : i32 to index
        %get3A_910 = arith.index_cast %get3A_908 : i32 to index
        %get3A_911 = arith.index_cast %mul3A_184 : i32 to index
        %get3A_912 = tpu.vector_load %arg8[%get3A_909, %get3A_910, %get3A_911] {strides = array<i32>} : memref<17x4x32xf32, #tpu.memory_space<vmem>>, vector<16xf32>,
        %max3A_913 = arith.maximumf %max3A_900, %get3A_912 : vector<16xf32>
        %min3A_914 = arith.minimumf %max3A_900, %get3A_912 : vector<16xf32>
        %max3A_915 = arith.maximumf %max3A_902, %min3A_914 : vector<16xf32>
        %min3A_916 = arith.minimumf %max3A_902, %min3A_914 : vector<16xf32>
        %max3A_917 = arith.maximumf %max3A_904, %min3A_916 : vector<16xf32>
        %min3A_918 = arith.minimumf %max3A_904, %min3A_916 : vector<16xf32>
        %max3A_919 = arith.maximumf %max3A_906, %min3A_918 : vector<16xf32>
        %get3A_920 = arith.constant 7 : i32
        %get3A_921 = arith.constant 3 : i32
        %get3A_922 = arith.index_cast %get3A_920 : i32 to index
        %get3A_923 = arith.index_cast %get3A_921 : i32 to index
        %get3A_924 = arith.index_cast %mul3A_184 : i32 to index
        %get3A_925 = tpu.vector_load %arg8[%get3A_922, %get3A_923, %get3A_924] {strides = array<i32>} : memref<17x4x32xf32, #tpu.memory_space<vmem>>, vector<16xf32>,
        %max3A_926 = arith.maximumf %max3A_913, %get3A_925 : vector<16xf32>
        %min3A_927 = arith.minimumf %max3A_913, %get3A_925 : vector<16xf32>
        %max3A_928 = arith.maximumf %max3A_915, %min3A_927 : vector<16xf32>
        %min3A_929 = arith.minimumf %max3A_915, %min3A_927 : vector<16xf32>
        %max3A_930 = arith.maximumf %max3A_917, %min3A_929 : vector<16xf32>
        %min3A_931 = arith.minimumf %max3A_917, %min3A_929 : vector<16xf32>
        %max3A_932 = arith.maximumf %max3A_919, %min3A_931 : vector<16xf32>
        %get3A_933 = arith.constant 8 : i32
        %get3A_934 = arith.constant 3 : i32
        %get3A_935 = arith.index_cast %get3A_933 : i32 to index
        %get3A_936 = arith.index_cast %get3A_934 : i32 to index
        %get3A_937 = arith.index_cast %mul3A_184 : i32 to index
        %get3A_938 = tpu.vector_load %arg8[%get3A_935, %get3A_936, %get3A_937] {strides = array<i32>} : memref<17x4x32xf32, #tpu.memory_space<vmem>>, vector<16xf32>,
        %max3A_939 = arith.maximumf %max3A_926, %get3A_938 : vector<16xf32>
        %min3A_940 = arith.minimumf %max3A_926, %get3A_938 : vector<16xf32>
        %max3A_941 = arith.maximumf %max3A_928, %min3A_940 : vector<16xf32>
        %min3A_942 = arith.minimumf %max3A_928, %min3A_940 : vector<16xf32>
        %max3A_943 = arith.maximumf %max3A_930, %min3A_942 : vector<16xf32>
        %min3A_944 = arith.minimumf %max3A_930, %min3A_942 : vector<16xf32>
        %max3A_945 = arith.maximumf %max3A_932, %min3A_944 : vector<16xf32>
        %get3A_946 = arith.constant 9 : i32
        %get3A_947 = arith.constant 3 : i32
        %get3A_948 = arith.index_cast %get3A_946 : i32 to index
        %get3A_949 = arith.index_cast %get3A_947 : i32 to index
        %get3A_950 = arith.index_cast %mul3A_184 : i32 to index
        %get3A_951 = tpu.vector_load %arg8[%get3A_948, %get3A_949, %get3A_950] {strides = array<i32>} : memref<17x4x32xf32, #tpu.memory_space<vmem>>, vector<16xf32>,
        %max3A_952 = arith.maximumf %max3A_939, %get3A_951 : vector<16xf32>
        %min3A_953 = arith.minimumf %max3A_939, %get3A_951 : vector<16xf32>
        %max3A_954 = arith.maximumf %max3A_941, %min3A_953 : vector<16xf32>
        %min3A_955 = arith.minimumf %max3A_941, %min3A_953 : vector<16xf32>
        %max3A_956 = arith.maximumf %max3A_943, %min3A_955 : vector<16xf32>
        %min3A_957 = arith.minimumf %max3A_943, %min3A_955 : vector<16xf32>
        %max3A_958 = arith.maximumf %max3A_945, %min3A_957 : vector<16xf32>
        %get3A_959 = arith.constant 10 : i32
        %get3A_960 = arith.constant 3 : i32
        %get3A_961 = arith.index_cast %get3A_959 : i32 to index
        %get3A_962 = arith.index_cast %get3A_960 : i32 to index
        %get3A_963 = arith.index_cast %mul3A_184 : i32 to index
        %get3A_964 = tpu.vector_load %arg8[%get3A_961, %get3A_962, %get3A_963] {strides = array<i32>} : memref<17x4x32xf32, #tpu.memory_space<vmem>>, vector<16xf32>,
        %max3A_965 = arith.maximumf %max3A_952, %get3A_964 : vector<16xf32>
        %min3A_966 = arith.minimumf %max3A_952, %get3A_964 : vector<16xf32>
        %max3A_967 = arith.maximumf %max3A_954, %min3A_966 : vector<16xf32>
        %min3A_968 = arith.minimumf %max3A_954, %min3A_966 : vector<16xf32>
        %max3A_969 = arith.maximumf %max3A_956, %min3A_968 : vector<16xf32>
        %min3A_970 = arith.minimumf %max3A_956, %min3A_968 : vector<16xf32>
        %max3A_971 = arith.maximumf %max3A_958, %min3A_970 : vector<16xf32>
        %get3A_972 = arith.constant 11 : i32
        %get3A_973 = arith.constant 3 : i32
        %get3A_974 = arith.index_cast %get3A_972 : i32 to index
        %get3A_975 = arith.index_cast %get3A_973 : i32 to index
        %get3A_976 = arith.index_cast %mul3A_184 : i32 to index
        %get3A_977 = tpu.vector_load %arg8[%get3A_974, %get3A_975, %get3A_976] {strides = array<i32>} : memref<17x4x32xf32, #tpu.memory_space<vmem>>, vector<16xf32>,
        %max3A_978 = arith.maximumf %max3A_965, %get3A_977 : vector<16xf32>
        %min3A_979 = arith.minimumf %max3A_965, %get3A_977 : vector<16xf32>
        %max3A_980 = arith.maximumf %max3A_967, %min3A_979 : vector<16xf32>
        %min3A_981 = arith.minimumf %max3A_967, %min3A_979 : vector<16xf32>
        %max3A_982 = arith.maximumf %max3A_969, %min3A_981 : vector<16xf32>
        %min3A_983 = arith.minimumf %max3A_969, %min3A_981 : vector<16xf32>
        %max3A_984 = arith.maximumf %max3A_971, %min3A_983 : vector<16xf32>
        %get3A_985 = arith.constant 12 : i32
        %get3A_986 = arith.constant 3 : i32
        %get3A_987 = arith.index_cast %get3A_985 : i32 to index
        %get3A_988 = arith.index_cast %get3A_986 : i32 to index
        %get3A_989 = arith.index_cast %mul3A_184 : i32 to index
        %get3A_990 = tpu.vector_load %arg8[%get3A_987, %get3A_988, %get3A_989] {strides = array<i32>} : memref<17x4x32xf32, #tpu.memory_space<vmem>>, vector<16xf32>,
        %max3A_991 = arith.maximumf %max3A_978, %get3A_990 : vector<16xf32>
        %min3A_992 = arith.minimumf %max3A_978, %get3A_990 : vector<16xf32>
        %max3A_993 = arith.maximumf %max3A_980, %min3A_992 : vector<16xf32>
        %min3A_994 = arith.minimumf %max3A_980, %min3A_992 : vector<16xf32>
        %max3A_995 = arith.maximumf %max3A_982, %min3A_994 : vector<16xf32>
        %min3A_996 = arith.minimumf %max3A_982, %min3A_994 : vector<16xf32>
        %max3A_997 = arith.maximumf %max3A_984, %min3A_996 : vector<16xf32>
        %get3A_998 = arith.constant 13 : i32
        %get3A_999 = arith.constant 3 : i32
        %get3A_1000 = arith.index_cast %get3A_998 : i32 to index
        %get3A_1001 = arith.index_cast %get3A_999 : i32 to index
        %get3A_1002 = arith.index_cast %mul3A_184 : i32 to index
        %get3A_1003 = tpu.vector_load %arg8[%get3A_1000, %get3A_1001, %get3A_1002] {strides = array<i32>} : memref<17x4x32xf32, #tpu.memory_space<vmem>>, vector<16xf32>,
        %max3A_1004 = arith.maximumf %max3A_991, %get3A_1003 : vector<16xf32>
        %min3A_1005 = arith.minimumf %max3A_991, %get3A_1003 : vector<16xf32>
        %max3A_1006 = arith.maximumf %max3A_993, %min3A_1005 : vector<16xf32>
        %min3A_1007 = arith.minimumf %max3A_993, %min3A_1005 : vector<16xf32>
        %max3A_1008 = arith.maximumf %max3A_995, %min3A_1007 : vector<16xf32>
        %min3A_1009 = arith.minimumf %max3A_995, %min3A_1007 : vector<16xf32>
        %max3A_1010 = arith.maximumf %max3A_997, %min3A_1009 : vector<16xf32>
        %get3A_1011 = arith.constant 14 : i32
        %get3A_1012 = arith.constant 3 : i32
        %get3A_1013 = arith.index_cast %get3A_1011 : i32 to index
        %get3A_1014 = arith.index_cast %get3A_1012 : i32 to index
        %get3A_1015 = arith.index_cast %mul3A_184 : i32 to index
        %get3A_1016 = tpu.vector_load %arg8[%get3A_1013, %get3A_1014, %get3A_1015] {strides = array<i32>} : memref<17x4x32xf32, #tpu.memory_space<vmem>>, vector<16xf32>,
        %max3A_1017 = arith.maximumf %max3A_1004, %get3A_1016 : vector<16xf32>
        %min3A_1018 = arith.minimumf %max3A_1004, %get3A_1016 : vector<16xf32>
        %max3A_1019 = arith.maximumf %max3A_1006, %min3A_1018 : vector<16xf32>
        %min3A_1020 = arith.minimumf %max3A_1006, %min3A_1018 : vector<16xf32>
        %max3A_1021 = arith.maximumf %max3A_1008, %min3A_1020 : vector<16xf32>
        %min3A_1022 = arith.minimumf %max3A_1008, %min3A_1020 : vector<16xf32>
        %max3A_1023 = arith.maximumf %max3A_1010, %min3A_1022 : vector<16xf32>
        %get3A_1024 = arith.constant 15 : i32
        %get3A_1025 = arith.constant 3 : i32
        %get3A_1026 = arith.index_cast %get3A_1024 : i32 to index
        %get3A_1027 = arith.index_cast %get3A_1025 : i32 to index
        %get3A_1028 = arith.index_cast %mul3A_184 : i32 to index
        %get3A_1029 = tpu.vector_load %arg8[%get3A_1026, %get3A_1027, %get3A_1028] {strides = array<i32>} : memref<17x4x32xf32, #tpu.memory_space<vmem>>, vector<16xf32>,
        %max3A_1030 = arith.maximumf %max3A_1017, %get3A_1029 : vector<16xf32>
        %min3A_1031 = arith.minimumf %max3A_1017, %get3A_1029 : vector<16xf32>
        %max3A_1032 = arith.maximumf %max3A_1019, %min3A_1031 : vector<16xf32>
        %min3A_1033 = arith.minimumf %max3A_1019, %min3A_1031 : vector<16xf32>
        %max3A_1034 = arith.maximumf %max3A_1021, %min3A_1033 : vector<16xf32>
        %min3A_1035 = arith.minimumf %max3A_1021, %min3A_1033 : vector<16xf32>
        %max3A_1036 = arith.maximumf %max3A_1023, %min3A_1035 : vector<16xf32>
        %get3A_1037 = arith.constant 16 : i32
        %get3A_1038 = arith.constant 3 : i32
        %get3A_1039 = arith.index_cast %get3A_1037 : i32 to index
        %get3A_1040 = arith.index_cast %get3A_1038 : i32 to index
        %get3A_1041 = arith.index_cast %mul3A_184 : i32 to index
        %get3A_1042 = tpu.vector_load %arg8[%get3A_1039, %get3A_1040, %get3A_1041] {strides = array<i32>} : memref<17x4x32xf32, #tpu.memory_space<vmem>>, vector<16xf32>,
        %max3A_1043 = arith.maximumf %max3A_1030, %get3A_1042 : vector<16xf32>
        %min3A_1044 = arith.minimumf %max3A_1030, %get3A_1042 : vector<16xf32>
        %max3A_1045 = arith.maximumf %max3A_1032, %min3A_1044 : vector<16xf32>
        %min3A_1046 = arith.minimumf %max3A_1032, %min3A_1044 : vector<16xf32>
        %max3A_1047 = arith.maximumf %max3A_1034, %min3A_1046 : vector<16xf32>
        %min3A_1048 = arith.minimumf %max3A_1034, %min3A_1046 : vector<16xf32>
        %max3A_1049 = arith.maximumf %max3A_1036, %min3A_1048 : vector<16xf32>
        %swap3A_1050 = arith.constant 12 : i32
        %swap3A_1051 = arith.index_cast %swap3A_1050 : i32 to index
        %swap3A_1052 = arith.index_cast %mul3A_184 : i32 to index
        %swap3A_1053 = tpu.vector_load %arg9[%swap3A_1051, %swap3A_1052] {strides = array<i32>} : memref<16x32xf32, #tpu.memory_space<vmem>>, vector<16xf32>,
        tpu.vector_store %arg9[%swap3A_1051, %swap3A_1052], %max3A_1043 {strides = array<i32>} : memref<16x32xf32, #tpu.memory_space<vmem>>, vector<16xf32>,
        %swap3A_1054 = arith.constant 13 : i32
        %swap3A_1055 = arith.index_cast %swap3A_1054 : i32 to index
        %swap3A_1056 = arith.index_cast %mul3A_184 : i32 to index
        %swap3A_1057 = tpu.vector_load %arg9[%swap3A_1055, %swap3A_1056] {strides = array<i32>} : memref<16x32xf32, #tpu.memory_space<vmem>>, vector<16xf32>,
        tpu.vector_store %arg9[%swap3A_1055, %swap3A_1056], %max3A_1045 {strides = array<i32>} : memref<16x32xf32, #tpu.memory_space<vmem>>, vector<16xf32>,
        %swap3A_1058 = arith.constant 14 : i32
        %swap3A_1059 = arith.index_cast %swap3A_1058 : i32 to index
        %swap3A_1060 = arith.index_cast %mul3A_184 : i32 to index
        %swap3A_1061 = tpu.vector_load %arg9[%swap3A_1059, %swap3A_1060] {strides = array<i32>} : memref<16x32xf32, #tpu.memory_space<vmem>>, vector<16xf32>,
        tpu.vector_store %arg9[%swap3A_1059, %swap3A_1060], %max3A_1047 {strides = array<i32>} : memref<16x32xf32, #tpu.memory_space<vmem>>, vector<16xf32>,
        %swap3A_1062 = arith.constant 15 : i32
        %swap3A_1063 = arith.index_cast %swap3A_1062 : i32 to index
        %swap3A_1064 = arith.index_cast %mul3A_184 : i32 to index
        %swap3A_1065 = tpu.vector_load %arg9[%swap3A_1063, %swap3A_1064] {strides = array<i32>} : memref<16x32xf32, #tpu.memory_space<vmem>>, vector<16xf32>,
        tpu.vector_store %arg9[%swap3A_1063, %swap3A_1064], %max3A_1049 {strides = array<i32>} : memref<16x32xf32, #tpu.memory_space<vmem>>, vector<16xf32>,
      }
      %scan3A_177 = arith.constant 2 : i32
      "tpu.region"() ({
        %run_scoped3A = tpu.sem_alloc : memref<!tpu.dma_semaphore, #tpu.memory_space<semaphore_mem>>
        %dma_start3A_178 = arith.constant 0 : i32
        %dma_start3A_179 = arith.constant 19968 : i32
        %dma_start3A_180 = tpu.memref_slice %arg3[%add3A, %dma_start3A_178, %dma_start3A_179] : memref<16x16x20000xf32, #tpu.memory_space<hbm>> -> memref<1x16x32xf32, #tpu.memory_space<hbm>>
        %dma_start3A_181 = tpu.memref_squeeze %dma_start3A_180 : memref<1x16x32xf32, #tpu.memory_space<hbm>> -> memref<16x32xf32, #tpu.memory_space<hbm>>
        %dma_start3A_182 = arith.constant 0 : i32
        %dma_start3A_183 = arith.constant 19968 : i32
        %dma_start3A_184 = tpu.memref_slice %arg3[%add3A, %dma_start3A_182, %dma_start3A_183] : memref<16x16x20000xf32, #tpu.memory_space<hbm>> -> memref<1x16x32xf32, #tpu.memory_space<hbm>>
        %dma_start3A_185 = tpu.memref_squeeze %dma_start3A_184 : memref<1x16x32xf32, #tpu.memory_space<hbm>> -> memref<16x32xf32, #tpu.memory_space<hbm>>
        tpu.enqueue_dma source(%arg9 : memref<16x32xf32, #tpu.memory_space<vmem>>) target(%dma_start3A_185 : memref<16x32xf32, #tpu.memory_space<hbm>>) target_semaphore(%run_scoped3A : memref<!tpu.dma_semaphore, #tpu.memory_space<semaphore_mem>>)
        %dma_wait3A_186 = arith.constant 0 : i32
        %dma_wait3A_187 = arith.constant 19968 : i32
        %dma_wait3A_188 = tpu.memref_slice %arg3[%add3A, %dma_wait3A_186, %dma_wait3A_187] : memref<16x16x20000xf32, #tpu.memory_space<hbm>> -> memref<1x16x32xf32, #tpu.memory_space<hbm>>
        %dma_wait3A_189 = tpu.memref_squeeze %dma_wait3A_188 : memref<1x16x32xf32, #tpu.memory_space<hbm>> -> memref<16x32xf32, #tpu.memory_space<hbm>>
        %dma_wait3A_190 = arith.constant 0 : i32
        %dma_wait3A_191 = arith.constant 19968 : i32
        %dma_wait3A_192 = tpu.memref_slice %arg3[%add3A, %dma_wait3A_190, %dma_wait3A_191] : memref<16x16x20000xf32, #tpu.memory_space<hbm>> -> memref<1x16x32xf32, #tpu.memory_space<hbm>>
        %dma_wait3A_193 = tpu.memref_squeeze %dma_wait3A_192 : memref<1x16x32xf32, #tpu.memory_space<hbm>> -> memref<16x32xf32, #tpu.memory_space<hbm>>
        tpu.wait_dma2 semaphore(%run_scoped3A : memref<!tpu.dma_semaphore, #tpu.memory_space<semaphore_mem>>) src(%arg9 : memref<16x32xf32, #tpu.memory_space<vmem>>) dst(%dma_wait3A_193 : memref<16x32xf32, #tpu.memory_space<hbm>>)
        tpu.yield
      }) : () -> ()
    } else {
    }
    %sub3A_85 = arith.constant 0 : i32
    %sub3A_86 = arith.subi %add3A_8, %sub3A_85 : i32
    %sub3A_87 = arith.constant 1 : i32
    %sub3A_88 = arith.constant 1 : i32
    %sub3A_89 = arith.subi %sub3A_87, %sub3A_88 : i32
    %add3A_90 = arith.addi %sub3A_86, %sub3A_89 : i32
    %div3A_91 = arith.constant 1 : i32
    %div3A_92 = arith.divsi %add3A_90, %div3A_91 : i32
    %while3A = arith.constant 1 : i32
    %while3A_93 = arith.constant 0 : i32
    %while3A_94 = arith.constant 0 : i32
    %while3A_95 = arith.subi %div3A_92, %while3A_94 : i32
    %while3A_96 = arith.addi %while3A_94, %while3A_95 : i32
    %while3A_97 = arith.constant 1 : i32
    %while3A_98 = arith.divsi %while3A_95, %while3A_97 : i32
    %while3A_99 = arith.muli %while3A_98, %while3A_97 : i32
    %while3A_100 = arith.addi %while3A_94, %while3A_99 : i32
    %while3A_101 = arith.constant 1 : i32
    scf.for %while3A_172 = %while3A_94 to %while3A_100 step %while3A_101  : i32 {
      %mul3A_173 = arith.muli %while3A_172, %while3A : i32
      %add3A_174 = arith.addi %while3A_93, %mul3A_173 : i32
      %jit3A_175 = arith.constant 2 : i32
      %eq3A = arith.constant 0 : i32
      %eq3A_176 = arith.cmpi eq, %jit3A_175, %eq3A : i32
      %jit3A_177 = arith.constant 1 : i32
      %select_n3A_178 = arith.select %eq3A_176, %jit3A_177, %jit3A_175 : i32
      %rem3A_179 = arith.remsi %add3A_174, %select_n3A_178 : i32
      %ne3A_180 = arith.constant 0 : i32
      %ne3A_181 = arith.cmpi ne, %rem3A_179, %ne3A_180 : i32
      %lt3A_182 = arith.constant 0 : i32
      %lt3A_183 = arith.cmpi slt, %rem3A_179, %lt3A_182 : i32
      %lt3A_184 = arith.constant 0 : i32
      %lt3A_185 = arith.cmpi slt, %select_n3A_178, %lt3A_184 : i32
      %ne3A_186 = arith.xori %lt3A_183, %lt3A_185 : i1
      %and3A_187 = arith.andi %ne3A_186, %ne3A_181 : i1
      %add3A_188 = arith.addi %rem3A_179, %select_n3A_178 : i32
      %select_n3A_189 = arith.select %and3A_187, %add3A_188, %rem3A_179 : i32
      %eq3A_190 = arith.constant 0 : i32
      %eq3A_191 = arith.cmpi eq, %select_n3A_189, %eq3A_190 : i32
      %convert_element_type3A_192 = arith.extui %eq3A_191 : i1 to i32
      %cond3A_193 = arith.constant 0 : i32
      %cond3A_194 = arith.cmpi ne, %convert_element_type3A_192, %cond3A_193 : i32
      scf.if %cond3A_194 {
        %add3A_216 = arith.addi %add3A_4, %add3A_174 : i32
        %jit3A_217 = arith.constant 52 : i32
        %div3A_218 = arith.divsi %add3A_216, %jit3A_217 : i32
        %sign3A_219 = arith.constant 0 : i32
        %sign3A_220 = arith.cmpi sgt, %add3A_216, %sign3A_219 : i32
        %sign3A_221 = arith.extui %sign3A_220 : i1 to i32
        %sign3A_222 = arith.constant 0 : i32
        %sign3A_223 = arith.cmpi slt, %add3A_216, %sign3A_222 : i32
        %sign3A_224 = arith.extui %sign3A_223 : i1 to i32
        %sign3A_225 = arith.subi %sign3A_221, %sign3A_224 : i32
        %sign3A_226 = arith.constant 0 : i32
        %sign3A_227 = arith.cmpi sgt, %jit3A_217, %sign3A_226 : i32
        %sign3A_228 = arith.extui %sign3A_227 : i1 to i32
        %sign3A_229 = arith.constant 0 : i32
        %sign3A_230 = arith.cmpi slt, %jit3A_217, %sign3A_229 : i32
        %sign3A_231 = arith.extui %sign3A_230 : i1 to i32
        %sign3A_232 = arith.subi %sign3A_228, %sign3A_231 : i32
        %ne3A_233 = arith.cmpi ne, %sign3A_225, %sign3A_232 : i32
        %rem3A_234 = arith.remsi %add3A_216, %jit3A_217 : i32
        %ne3A_235 = arith.constant 0 : i32
        %ne3A_236 = arith.cmpi ne, %rem3A_234, %ne3A_235 : i32
        %and3A_237 = arith.andi %ne3A_233, %ne3A_236 : i1
        %sub3A_238 = arith.constant 1 : i32
        %sub3A_239 = arith.subi %div3A_218, %sub3A_238 : i32
        %select_n3A_240 = arith.select %and3A_237, %sub3A_239, %div3A_218 : i32
        %mul3A_241 = arith.constant 52 : i32
        %mul3A_242 = arith.muli %select_n3A_240, %mul3A_241 : i32
        %sub3A_243 = arith.subi %add3A_216, %mul3A_242 : i32
        %add3A_244 = arith.constant 0 : i32
        %add3A_245 = arith.addi %add3A_244, %select_n3A_240 : i32
        %mul3A_246 = arith.constant 384 : i32
        %mul3A_247 = arith.muli %sub3A_243, %mul3A_246 : i32
        %dma_wait3A_248 = arith.constant 0 : i32
        %dma_wait3A_249 = arith.constant 0 : i32
        %dma_wait3A_250 = tpu.memref_slice %arg2[%add3A_245, %dma_wait3A_248, %dma_wait3A_249, %mul3A_247] : memref<16x17x4x20000xf32, #tpu.memory_space<hbm>> -> memref<1x17x4x384xf32, #tpu.memory_space<hbm>>
        %dma_wait3A_251 = tpu.memref_squeeze %dma_wait3A_250 : memref<1x17x4x384xf32, #tpu.memory_space<hbm>> -> memref<17x4x384xf32, #tpu.memory_space<hbm>>
        %dma_wait3A_252 = arith.constant 0 : i32
        %dma_wait3A_253 = arith.constant 0 : i32
        %dma_wait3A_254 = tpu.memref_slice %arg2[%add3A_245, %dma_wait3A_252, %dma_wait3A_253, %mul3A_247] : memref<16x17x4x20000xf32, #tpu.memory_space<hbm>> -> memref<1x17x4x384xf32, #tpu.memory_space<hbm>>
        %dma_wait3A_255 = tpu.memref_squeeze %dma_wait3A_254 : memref<1x17x4x384xf32, #tpu.memory_space<hbm>> -> memref<17x4x384xf32, #tpu.memory_space<hbm>>
        tpu.wait_dma2 semaphore(%arg10 : memref<!tpu.dma_semaphore, #tpu.memory_space<semaphore_mem>>) src(%dma_wait3A_255 : memref<17x4x384xf32, #tpu.memory_space<hbm>>) dst(%arg4 : memref<17x4x384xf32, #tpu.memory_space<vmem>>)
        %ge3A = arith.constant 2 : i32
        %ge3A_256 = arith.cmpi sge, %add3A_174, %ge3A : i32
        %convert_element_type3A_257 = arith.extui %ge3A_256 : i1 to i32
        %cond3A_258 = arith.constant 0 : i32
        %cond3A_259 = arith.cmpi ne, %convert_element_type3A_257, %cond3A_258 : i32
        scf.if %cond3A_259 {
          %jit3A_305 = arith.constant 52 : i32
          %div3A_306 = arith.divsi %add3A_216, %jit3A_305 : i32
          %sign3A_307 = arith.constant 0 : i32
          %sign3A_308 = arith.cmpi sgt, %add3A_216, %sign3A_307 : i32
          %sign3A_309 = arith.extui %sign3A_308 : i1 to i32
          %sign3A_310 = arith.constant 0 : i32
          %sign3A_311 = arith.cmpi slt, %add3A_216, %sign3A_310 : i32
          %sign3A_312 = arith.extui %sign3A_311 : i1 to i32
          %sign3A_313 = arith.subi %sign3A_309, %sign3A_312 : i32
          %sign3A_314 = arith.constant 0 : i32
          %sign3A_315 = arith.cmpi sgt, %jit3A_305, %sign3A_314 : i32
          %sign3A_316 = arith.extui %sign3A_315 : i1 to i32
          %sign3A_317 = arith.constant 0 : i32
          %sign3A_318 = arith.cmpi slt, %jit3A_305, %sign3A_317 : i32
          %sign3A_319 = arith.extui %sign3A_318 : i1 to i32
          %sign3A_320 = arith.subi %sign3A_316, %sign3A_319 : i32
          %ne3A_321 = arith.cmpi ne, %sign3A_313, %sign3A_320 : i32
          %rem3A_322 = arith.remsi %add3A_216, %jit3A_305 : i32
          %ne3A_323 = arith.constant 0 : i32
          %ne3A_324 = arith.cmpi ne, %rem3A_322, %ne3A_323 : i32
          %and3A_325 = arith.andi %ne3A_321, %ne3A_324 : i1
          %sub3A_326 = arith.constant 1 : i32
          %sub3A_327 = arith.subi %div3A_306, %sub3A_326 : i32
          %select_n3A_328 = arith.select %and3A_325, %sub3A_327, %div3A_306 : i32
          %mul3A_329 = arith.constant 52 : i32
          %mul3A_330 = arith.muli %select_n3A_328, %mul3A_329 : i32
          %sub3A_331 = arith.subi %add3A_216, %mul3A_330 : i32
          %mul3A_332 = arith.constant 384 : i32
          %mul3A_333 = arith.muli %sub3A_331, %mul3A_332 : i32
          %dma_wait3A_334 = arith.constant 0 : i32
          %dma_wait3A_335 = tpu.memref_slice %arg3[%select_n3A_328, %dma_wait3A_334, %mul3A_333] : memref<16x16x20000xf32, #tpu.memory_space<hbm>> -> memref<1x16x384xf32, #tpu.memory_space<hbm>>
          %dma_wait3A_336 = tpu.memref_squeeze %dma_wait3A_335 : memref<1x16x384xf32, #tpu.memory_space<hbm>> -> memref<16x384xf32, #tpu.memory_space<hbm>>
          %dma_wait3A_337 = arith.constant 0 : i32
          %dma_wait3A_338 = tpu.memref_slice %arg3[%select_n3A_328, %dma_wait3A_337, %mul3A_333] : memref<16x16x20000xf32, #tpu.memory_space<hbm>> -> memref<1x16x384xf32, #tpu.memory_space<hbm>>
          %dma_wait3A_339 = tpu.memref_squeeze %dma_wait3A_338 : memref<1x16x384xf32, #tpu.memory_space<hbm>> -> memref<16x384xf32, #tpu.memory_space<hbm>>
          tpu.wait_dma2 semaphore(%arg12 : memref<!tpu.dma_semaphore, #tpu.memory_space<semaphore_mem>>) src(%arg6 : memref<16x384xf32, #tpu.memory_space<vmem>>) dst(%dma_wait3A_339 : memref<16x384xf32, #tpu.memory_space<hbm>>)
        } else {
        }
        %scan3A = arith.constant 0 : i32
        %scan3A_260 = arith.constant 24 : i32
        %scan3A_261 = arith.addi %scan3A, %scan3A_260 : i32
        %scan3A_262 = arith.constant 1 : i32
        scf.for %scan3A_305 = %scan3A to %scan3A_261 step %scan3A_262  : i32 {
          %mul3A_306 = arith.constant 1 : i32
          %mul3A_307 = arith.muli %scan3A_305, %mul3A_306 : i32
          %add3A_308 = arith.constant 0 : i32
          %add3A_309 = arith.addi %add3A_308, %mul3A_307 : i32
          %mul3A_310 = arith.constant 16 : i32
          %mul3A_311 = arith.muli %add3A_309, %mul3A_310 : i32
          %get3A = arith.constant 0 : i32
          %get3A_312 = arith.constant 0 : i32
          %get3A_313 = arith.index_cast %get3A : i32 to index
          %get3A_314 = arith.index_cast %get3A_312 : i32 to index
          %get3A_315 = arith.index_cast %mul3A_311 : i32 to index
          %get3A_316 = tpu.vector_load %arg4[%get3A_313, %get3A_314, %get3A_315] {strides = array<i32>} : memref<17x4x384xf32, #tpu.memory_space<vmem>>, vector<16xf32>,
          %get3A_317 = arith.constant 1 : i32
          %get3A_318 = arith.constant 0 : i32
          %get3A_319 = arith.index_cast %get3A_317 : i32 to index
          %get3A_320 = arith.index_cast %get3A_318 : i32 to index
          %get3A_321 = arith.index_cast %mul3A_311 : i32 to index
          %get3A_322 = tpu.vector_load %arg4[%get3A_319, %get3A_320, %get3A_321] {strides = array<i32>} : memref<17x4x384xf32, #tpu.memory_space<vmem>>, vector<16xf32>,
          %max3A = arith.maximumf %get3A_316, %get3A_322 : vector<16xf32>
          %min3A_323 = arith.minimumf %get3A_316, %get3A_322 : vector<16xf32>
          %get3A_324 = arith.constant 2 : i32
          %get3A_325 = arith.constant 0 : i32
          %get3A_326 = arith.index_cast %get3A_324 : i32 to index
          %get3A_327 = arith.index_cast %get3A_325 : i32 to index
          %get3A_328 = arith.index_cast %mul3A_311 : i32 to index
          %get3A_329 = tpu.vector_load %arg4[%get3A_326, %get3A_327, %get3A_328] {strides = array<i32>} : memref<17x4x384xf32, #tpu.memory_space<vmem>>, vector<16xf32>,
          %max3A_330 = arith.maximumf %max3A, %get3A_329 : vector<16xf32>
          %min3A_331 = arith.minimumf %max3A, %get3A_329 : vector<16xf32>
          %max3A_332 = arith.maximumf %min3A_323, %min3A_331 : vector<16xf32>
          %min3A_333 = arith.minimumf %min3A_323, %min3A_331 : vector<16xf32>
          %get3A_334 = arith.constant 3 : i32
          %get3A_335 = arith.constant 0 : i32
          %get3A_336 = arith.index_cast %get3A_334 : i32 to index
          %get3A_337 = arith.index_cast %get3A_335 : i32 to index
          %get3A_338 = arith.index_cast %mul3A_311 : i32 to index
          %get3A_339 = tpu.vector_load %arg4[%get3A_336, %get3A_337, %get3A_338] {strides = array<i32>} : memref<17x4x384xf32, #tpu.memory_space<vmem>>, vector<16xf32>,
          %max3A_340 = arith.maximumf %max3A_330, %get3A_339 : vector<16xf32>
          %min3A_341 = arith.minimumf %max3A_330, %get3A_339 : vector<16xf32>
          %max3A_342 = arith.maximumf %max3A_332, %min3A_341 : vector<16xf32>
          %min3A_343 = arith.minimumf %max3A_332, %min3A_341 : vector<16xf32>
          %max3A_344 = arith.maximumf %min3A_333, %min3A_343 : vector<16xf32>
          %min3A_345 = arith.minimumf %min3A_333, %min3A_343 : vector<16xf32>
          %get3A_346 = arith.constant 4 : i32
          %get3A_347 = arith.constant 0 : i32
          %get3A_348 = arith.index_cast %get3A_346 : i32 to index
          %get3A_349 = arith.index_cast %get3A_347 : i32 to index
          %get3A_350 = arith.index_cast %mul3A_311 : i32 to index
          %get3A_351 = tpu.vector_load %arg4[%get3A_348, %get3A_349, %get3A_350] {strides = array<i32>} : memref<17x4x384xf32, #tpu.memory_space<vmem>>, vector<16xf32>,
          %max3A_352 = arith.maximumf %max3A_340, %get3A_351 : vector<16xf32>
          %min3A_353 = arith.minimumf %max3A_340, %get3A_351 : vector<16xf32>
          %max3A_354 = arith.maximumf %max3A_342, %min3A_353 : vector<16xf32>
          %min3A_355 = arith.minimumf %max3A_342, %min3A_353 : vector<16xf32>
          %max3A_356 = arith.maximumf %max3A_344, %min3A_355 : vector<16xf32>
          %min3A_357 = arith.minimumf %max3A_344, %min3A_355 : vector<16xf32>
          %max3A_358 = arith.maximumf %min3A_345, %min3A_357 : vector<16xf32>
          %get3A_359 = arith.constant 5 : i32
          %get3A_360 = arith.constant 0 : i32
          %get3A_361 = arith.index_cast %get3A_359 : i32 to index
          %get3A_362 = arith.index_cast %get3A_360 : i32 to index
          %get3A_363 = arith.index_cast %mul3A_311 : i32 to index
          %get3A_364 = tpu.vector_load %arg4[%get3A_361, %get3A_362, %get3A_363] {strides = array<i32>} : memref<17x4x384xf32, #tpu.memory_space<vmem>>, vector<16xf32>,
          %max3A_365 = arith.maximumf %max3A_352, %get3A_364 : vector<16xf32>
          %min3A_366 = arith.minimumf %max3A_352, %get3A_364 : vector<16xf32>
          %max3A_367 = arith.maximumf %max3A_354, %min3A_366 : vector<16xf32>
          %min3A_368 = arith.minimumf %max3A_354, %min3A_366 : vector<16xf32>
          %max3A_369 = arith.maximumf %max3A_356, %min3A_368 : vector<16xf32>
          %min3A_370 = arith.minimumf %max3A_356, %min3A_368 : vector<16xf32>
          %max3A_371 = arith.maximumf %max3A_358, %min3A_370 : vector<16xf32>
          %get3A_372 = arith.constant 6 : i32
          %get3A_373 = arith.constant 0 : i32
          %get3A_374 = arith.index_cast %get3A_372 : i32 to index
          %get3A_375 = arith.index_cast %get3A_373 : i32 to index
          %get3A_376 = arith.index_cast %mul3A_311 : i32 to index
          %get3A_377 = tpu.vector_load %arg4[%get3A_374, %get3A_375, %get3A_376] {strides = array<i32>} : memref<17x4x384xf32, #tpu.memory_space<vmem>>, vector<16xf32>,
          %max3A_378 = arith.maximumf %max3A_365, %get3A_377 : vector<16xf32>
          %min3A_379 = arith.minimumf %max3A_365, %get3A_377 : vector<16xf32>
          %max3A_380 = arith.maximumf %max3A_367, %min3A_379 : vector<16xf32>
          %min3A_381 = arith.minimumf %max3A_367, %min3A_379 : vector<16xf32>
          %max3A_382 = arith.maximumf %max3A_369, %min3A_381 : vector<16xf32>
          %min3A_383 = arith.minimumf %max3A_369, %min3A_381 : vector<16xf32>
          %max3A_384 = arith.maximumf %max3A_371, %min3A_383 : vector<16xf32>
          %get3A_385 = arith.constant 7 : i32
          %get3A_386 = arith.constant 0 : i32
          %get3A_387 = arith.index_cast %get3A_385 : i32 to index
          %get3A_388 = arith.index_cast %get3A_386 : i32 to index
          %get3A_389 = arith.index_cast %mul3A_311 : i32 to index
          %get3A_390 = tpu.vector_load %arg4[%get3A_387, %get3A_388, %get3A_389] {strides = array<i32>} : memref<17x4x384xf32, #tpu.memory_space<vmem>>, vector<16xf32>,
          %max3A_391 = arith.maximumf %max3A_378, %get3A_390 : vector<16xf32>
          %min3A_392 = arith.minimumf %max3A_378, %get3A_390 : vector<16xf32>
          %max3A_393 = arith.maximumf %max3A_380, %min3A_392 : vector<16xf32>
          %min3A_394 = arith.minimumf %max3A_380, %min3A_392 : vector<16xf32>
          %max3A_395 = arith.maximumf %max3A_382, %min3A_394 : vector<16xf32>
          %min3A_396 = arith.minimumf %max3A_382, %min3A_394 : vector<16xf32>
          %max3A_397 = arith.maximumf %max3A_384, %min3A_396 : vector<16xf32>
          %get3A_398 = arith.constant 8 : i32
          %get3A_399 = arith.constant 0 : i32
          %get3A_400 = arith.index_cast %get3A_398 : i32 to index
          %get3A_401 = arith.index_cast %get3A_399 : i32 to index
          %get3A_402 = arith.index_cast %mul3A_311 : i32 to index
          %get3A_403 = tpu.vector_load %arg4[%get3A_400, %get3A_401, %get3A_402] {strides = array<i32>} : memref<17x4x384xf32, #tpu.memory_space<vmem>>, vector<16xf32>,
          %max3A_404 = arith.maximumf %max3A_391, %get3A_403 : vector<16xf32>
          %min3A_405 = arith.minimumf %max3A_391, %get3A_403 : vector<16xf32>
          %max3A_406 = arith.maximumf %max3A_393, %min3A_405 : vector<16xf32>
          %min3A_407 = arith.minimumf %max3A_393, %min3A_405 : vector<16xf32>
          %max3A_408 = arith.maximumf %max3A_395, %min3A_407 : vector<16xf32>
          %min3A_409 = arith.minimumf %max3A_395, %min3A_407 : vector<16xf32>
          %max3A_410 = arith.maximumf %max3A_397, %min3A_409 : vector<16xf32>
          %get3A_411 = arith.constant 9 : i32
          %get3A_412 = arith.constant 0 : i32
          %get3A_413 = arith.index_cast %get3A_411 : i32 to index
          %get3A_414 = arith.index_cast %get3A_412 : i32 to index
          %get3A_415 = arith.index_cast %mul3A_311 : i32 to index
          %get3A_416 = tpu.vector_load %arg4[%get3A_413, %get3A_414, %get3A_415] {strides = array<i32>} : memref<17x4x384xf32, #tpu.memory_space<vmem>>, vector<16xf32>,
          %max3A_417 = arith.maximumf %max3A_404, %get3A_416 : vector<16xf32>
          %min3A_418 = arith.minimumf %max3A_404, %get3A_416 : vector<16xf32>
          %max3A_419 = arith.maximumf %max3A_406, %min3A_418 : vector<16xf32>
          %min3A_420 = arith.minimumf %max3A_406, %min3A_418 : vector<16xf32>
          %max3A_421 = arith.maximumf %max3A_408, %min3A_420 : vector<16xf32>
          %min3A_422 = arith.minimumf %max3A_408, %min3A_420 : vector<16xf32>
          %max3A_423 = arith.maximumf %max3A_410, %min3A_422 : vector<16xf32>
          %get3A_424 = arith.constant 10 : i32
          %get3A_425 = arith.constant 0 : i32
          %get3A_426 = arith.index_cast %get3A_424 : i32 to index
          %get3A_427 = arith.index_cast %get3A_425 : i32 to index
          %get3A_428 = arith.index_cast %mul3A_311 : i32 to index
          %get3A_429 = tpu.vector_load %arg4[%get3A_426, %get3A_427, %get3A_428] {strides = array<i32>} : memref<17x4x384xf32, #tpu.memory_space<vmem>>, vector<16xf32>,
          %max3A_430 = arith.maximumf %max3A_417, %get3A_429 : vector<16xf32>
          %min3A_431 = arith.minimumf %max3A_417, %get3A_429 : vector<16xf32>
          %max3A_432 = arith.maximumf %max3A_419, %min3A_431 : vector<16xf32>
          %min3A_433 = arith.minimumf %max3A_419, %min3A_431 : vector<16xf32>
          %max3A_434 = arith.maximumf %max3A_421, %min3A_433 : vector<16xf32>
          %min3A_435 = arith.minimumf %max3A_421, %min3A_433 : vector<16xf32>
          %max3A_436 = arith.maximumf %max3A_423, %min3A_435 : vector<16xf32>
          %get3A_437 = arith.constant 11 : i32
          %get3A_438 = arith.constant 0 : i32
          %get3A_439 = arith.index_cast %get3A_437 : i32 to index
          %get3A_440 = arith.index_cast %get3A_438 : i32 to index
          %get3A_441 = arith.index_cast %mul3A_311 : i32 to index
          %get3A_442 = tpu.vector_load %arg4[%get3A_439, %get3A_440, %get3A_441] {strides = array<i32>} : memref<17x4x384xf32, #tpu.memory_space<vmem>>, vector<16xf32>,
          %max3A_443 = arith.maximumf %max3A_430, %get3A_442 : vector<16xf32>
          %min3A_444 = arith.minimumf %max3A_430, %get3A_442 : vector<16xf32>
          %max3A_445 = arith.maximumf %max3A_432, %min3A_444 : vector<16xf32>
          %min3A_446 = arith.minimumf %max3A_432, %min3A_444 : vector<16xf32>
          %max3A_447 = arith.maximumf %max3A_434, %min3A_446 : vector<16xf32>
          %min3A_448 = arith.minimumf %max3A_434, %min3A_446 : vector<16xf32>
          %max3A_449 = arith.maximumf %max3A_436, %min3A_448 : vector<16xf32>
          %get3A_450 = arith.constant 12 : i32
          %get3A_451 = arith.constant 0 : i32
          %get3A_452 = arith.index_cast %get3A_450 : i32 to index
          %get3A_453 = arith.index_cast %get3A_451 : i32 to index
          %get3A_454 = arith.index_cast %mul3A_311 : i32 to index
          %get3A_455 = tpu.vector_load %arg4[%get3A_452, %get3A_453, %get3A_454] {strides = array<i32>} : memref<17x4x384xf32, #tpu.memory_space<vmem>>, vector<16xf32>,
          %max3A_456 = arith.maximumf %max3A_443, %get3A_455 : vector<16xf32>
          %min3A_457 = arith.minimumf %max3A_443, %get3A_455 : vector<16xf32>
          %max3A_458 = arith.maximumf %max3A_445, %min3A_457 : vector<16xf32>
          %min3A_459 = arith.minimumf %max3A_445, %min3A_457 : vector<16xf32>
          %max3A_460 = arith.maximumf %max3A_447, %min3A_459 : vector<16xf32>
          %min3A_461 = arith.minimumf %max3A_447, %min3A_459 : vector<16xf32>
          %max3A_462 = arith.maximumf %max3A_449, %min3A_461 : vector<16xf32>
          %get3A_463 = arith.constant 13 : i32
          %get3A_464 = arith.constant 0 : i32
          %get3A_465 = arith.index_cast %get3A_463 : i32 to index
          %get3A_466 = arith.index_cast %get3A_464 : i32 to index
          %get3A_467 = arith.index_cast %mul3A_311 : i32 to index
          %get3A_468 = tpu.vector_load %arg4[%get3A_465, %get3A_466, %get3A_467] {strides = array<i32>} : memref<17x4x384xf32, #tpu.memory_space<vmem>>, vector<16xf32>,
          %max3A_469 = arith.maximumf %max3A_456, %get3A_468 : vector<16xf32>
          %min3A_470 = arith.minimumf %max3A_456, %get3A_468 : vector<16xf32>
          %max3A_471 = arith.maximumf %max3A_458, %min3A_470 : vector<16xf32>
          %min3A_472 = arith.minimumf %max3A_458, %min3A_470 : vector<16xf32>
          %max3A_473 = arith.maximumf %max3A_460, %min3A_472 : vector<16xf32>
          %min3A_474 = arith.minimumf %max3A_460, %min3A_472 : vector<16xf32>
          %max3A_475 = arith.maximumf %max3A_462, %min3A_474 : vector<16xf32>
          %get3A_476 = arith.constant 14 : i32
          %get3A_477 = arith.constant 0 : i32
          %get3A_478 = arith.index_cast %get3A_476 : i32 to index
          %get3A_479 = arith.index_cast %get3A_477 : i32 to index
          %get3A_480 = arith.index_cast %mul3A_311 : i32 to index
          %get3A_481 = tpu.vector_load %arg4[%get3A_478, %get3A_479, %get3A_480] {strides = array<i32>} : memref<17x4x384xf32, #tpu.memory_space<vmem>>, vector<16xf32>,
          %max3A_482 = arith.maximumf %max3A_469, %get3A_481 : vector<16xf32>
          %min3A_483 = arith.minimumf %max3A_469, %get3A_481 : vector<16xf32>
          %max3A_484 = arith.maximumf %max3A_471, %min3A_483 : vector<16xf32>
          %min3A_485 = arith.minimumf %max3A_471, %min3A_483 : vector<16xf32>
          %max3A_486 = arith.maximumf %max3A_473, %min3A_485 : vector<16xf32>
          %min3A_487 = arith.minimumf %max3A_473, %min3A_485 : vector<16xf32>
          %max3A_488 = arith.maximumf %max3A_475, %min3A_487 : vector<16xf32>
          %get3A_489 = arith.constant 15 : i32
          %get3A_490 = arith.constant 0 : i32
          %get3A_491 = arith.index_cast %get3A_489 : i32 to index
          %get3A_492 = arith.index_cast %get3A_490 : i32 to index
          %get3A_493 = arith.index_cast %mul3A_311 : i32 to index
          %get3A_494 = tpu.vector_load %arg4[%get3A_491, %get3A_492, %get3A_493] {strides = array<i32>} : memref<17x4x384xf32, #tpu.memory_space<vmem>>, vector<16xf32>,
          %max3A_495 = arith.maximumf %max3A_482, %get3A_494 : vector<16xf32>
          %min3A_496 = arith.minimumf %max3A_482, %get3A_494 : vector<16xf32>
          %max3A_497 = arith.maximumf %max3A_484, %min3A_496 : vector<16xf32>
          %min3A_498 = arith.minimumf %max3A_484, %min3A_496 : vector<16xf32>
          %max3A_499 = arith.maximumf %max3A_486, %min3A_498 : vector<16xf32>
          %min3A_500 = arith.minimumf %max3A_486, %min3A_498 : vector<16xf32>
          %max3A_501 = arith.maximumf %max3A_488, %min3A_500 : vector<16xf32>
          %get3A_502 = arith.constant 16 : i32
          %get3A_503 = arith.constant 0 : i32
          %get3A_504 = arith.index_cast %get3A_502 : i32 to index
          %get3A_505 = arith.index_cast %get3A_503 : i32 to index
          %get3A_506 = arith.index_cast %mul3A_311 : i32 to index
          %get3A_507 = tpu.vector_load %arg4[%get3A_504, %get3A_505, %get3A_506] {strides = array<i32>} : memref<17x4x384xf32, #tpu.memory_space<vmem>>, vector<16xf32>,
          %max3A_508 = arith.maximumf %max3A_495, %get3A_507 : vector<16xf32>
          %min3A_509 = arith.minimumf %max3A_495, %get3A_507 : vector<16xf32>
          %max3A_510 = arith.maximumf %max3A_497, %min3A_509 : vector<16xf32>
          %min3A_511 = arith.minimumf %max3A_497, %min3A_509 : vector<16xf32>
          %max3A_512 = arith.maximumf %max3A_499, %min3A_511 : vector<16xf32>
          %min3A_513 = arith.minimumf %max3A_499, %min3A_511 : vector<16xf32>
          %max3A_514 = arith.maximumf %max3A_501, %min3A_513 : vector<16xf32>
          %swap3A = arith.constant 0 : i32
          %swap3A_515 = arith.index_cast %swap3A : i32 to index
          %swap3A_516 = arith.index_cast %mul3A_311 : i32 to index
          %swap3A_517 = tpu.vector_load %arg6[%swap3A_515, %swap3A_516] {strides = array<i32>} : memref<16x384xf32, #tpu.memory_space<vmem>>, vector<16xf32>,
          tpu.vector_store %arg6[%swap3A_515, %swap3A_516], %max3A_508 {strides = array<i32>} : memref<16x384xf32, #tpu.memory_space<vmem>>, vector<16xf32>,
          %swap3A_518 = arith.constant 1 : i32
          %swap3A_519 = arith.index_cast %swap3A_518 : i32 to index
          %swap3A_520 = arith.index_cast %mul3A_311 : i32 to index
          %swap3A_521 = tpu.vector_load %arg6[%swap3A_519, %swap3A_520] {strides = array<i32>} : memref<16x384xf32, #tpu.memory_space<vmem>>, vector<16xf32>,
          tpu.vector_store %arg6[%swap3A_519, %swap3A_520], %max3A_510 {strides = array<i32>} : memref<16x384xf32, #tpu.memory_space<vmem>>, vector<16xf32>,
          %swap3A_522 = arith.constant 2 : i32
          %swap3A_523 = arith.index_cast %swap3A_522 : i32 to index
          %swap3A_524 = arith.index_cast %mul3A_311 : i32 to index
          %swap3A_525 = tpu.vector_load %arg6[%swap3A_523, %swap3A_524] {strides = array<i32>} : memref<16x384xf32, #tpu.memory_space<vmem>>, vector<16xf32>,
          tpu.vector_store %arg6[%swap3A_523, %swap3A_524], %max3A_512 {strides = array<i32>} : memref<16x384xf32, #tpu.memory_space<vmem>>, vector<16xf32>,
          %swap3A_526 = arith.constant 3 : i32
          %swap3A_527 = arith.index_cast %swap3A_526 : i32 to index
          %swap3A_528 = arith.index_cast %mul3A_311 : i32 to index
          %swap3A_529 = tpu.vector_load %arg6[%swap3A_527, %swap3A_528] {strides = array<i32>} : memref<16x384xf32, #tpu.memory_space<vmem>>, vector<16xf32>,
          tpu.vector_store %arg6[%swap3A_527, %swap3A_528], %max3A_514 {strides = array<i32>} : memref<16x384xf32, #tpu.memory_space<vmem>>, vector<16xf32>,
          %get3A_530 = arith.constant 0 : i32
          %get3A_531 = arith.constant 1 : i32
          %get3A_532 = arith.index_cast %get3A_530 : i32 to index
          %get3A_533 = arith.index_cast %get3A_531 : i32 to index
          %get3A_534 = arith.index_cast %mul3A_311 : i32 to index
          %get3A_535 = tpu.vector_load %arg4[%get3A_532, %get3A_533, %get3A_534] {strides = array<i32>} : memref<17x4x384xf32, #tpu.memory_space<vmem>>, vector<16xf32>,
          %get3A_536 = arith.constant 1 : i32
          %get3A_537 = arith.constant 1 : i32
          %get3A_538 = arith.index_cast %get3A_536 : i32 to index
          %get3A_539 = arith.index_cast %get3A_537 : i32 to index
          %get3A_540 = arith.index_cast %mul3A_311 : i32 to index
          %get3A_541 = tpu.vector_load %arg4[%get3A_538, %get3A_539, %get3A_540] {strides = array<i32>} : memref<17x4x384xf32, #tpu.memory_space<vmem>>, vector<16xf32>,
          %max3A_542 = arith.maximumf %get3A_535, %get3A_541 : vector<16xf32>
          %min3A_543 = arith.minimumf %get3A_535, %get3A_541 : vector<16xf32>
          %get3A_544 = arith.constant 2 : i32
          %get3A_545 = arith.constant 1 : i32
          %get3A_546 = arith.index_cast %get3A_544 : i32 to index
          %get3A_547 = arith.index_cast %get3A_545 : i32 to index
          %get3A_548 = arith.index_cast %mul3A_311 : i32 to index
          %get3A_549 = tpu.vector_load %arg4[%get3A_546, %get3A_547, %get3A_548] {strides = array<i32>} : memref<17x4x384xf32, #tpu.memory_space<vmem>>, vector<16xf32>,
          %max3A_550 = arith.maximumf %max3A_542, %get3A_549 : vector<16xf32>
          %min3A_551 = arith.minimumf %max3A_542, %get3A_549 : vector<16xf32>
          %max3A_552 = arith.maximumf %min3A_543, %min3A_551 : vector<16xf32>
          %min3A_553 = arith.minimumf %min3A_543, %min3A_551 : vector<16xf32>
          %get3A_554 = arith.constant 3 : i32
          %get3A_555 = arith.constant 1 : i32
          %get3A_556 = arith.index_cast %get3A_554 : i32 to index
          %get3A_557 = arith.index_cast %get3A_555 : i32 to index
          %get3A_558 = arith.index_cast %mul3A_311 : i32 to index
          %get3A_559 = tpu.vector_load %arg4[%get3A_556, %get3A_557, %get3A_558] {strides = array<i32>} : memref<17x4x384xf32, #tpu.memory_space<vmem>>, vector<16xf32>,
          %max3A_560 = arith.maximumf %max3A_550, %get3A_559 : vector<16xf32>
          %min3A_561 = arith.minimumf %max3A_550, %get3A_559 : vector<16xf32>
          %max3A_562 = arith.maximumf %max3A_552, %min3A_561 : vector<16xf32>
          %min3A_563 = arith.minimumf %max3A_552, %min3A_561 : vector<16xf32>
          %max3A_564 = arith.maximumf %min3A_553, %min3A_563 : vector<16xf32>
          %min3A_565 = arith.minimumf %min3A_553, %min3A_563 : vector<16xf32>
          %get3A_566 = arith.constant 4 : i32
          %get3A_567 = arith.constant 1 : i32
          %get3A_568 = arith.index_cast %get3A_566 : i32 to index
          %get3A_569 = arith.index_cast %get3A_567 : i32 to index
          %get3A_570 = arith.index_cast %mul3A_311 : i32 to index
          %get3A_571 = tpu.vector_load %arg4[%get3A_568, %get3A_569, %get3A_570] {strides = array<i32>} : memref<17x4x384xf32, #tpu.memory_space<vmem>>, vector<16xf32>,
          %max3A_572 = arith.maximumf %max3A_560, %get3A_571 : vector<16xf32>
          %min3A_573 = arith.minimumf %max3A_560, %get3A_571 : vector<16xf32>
          %max3A_574 = arith.maximumf %max3A_562, %min3A_573 : vector<16xf32>
          %min3A_575 = arith.minimumf %max3A_562, %min3A_573 : vector<16xf32>
          %max3A_576 = arith.maximumf %max3A_564, %min3A_575 : vector<16xf32>
          %min3A_577 = arith.minimumf %max3A_564, %min3A_575 : vector<16xf32>
          %max3A_578 = arith.maximumf %min3A_565, %min3A_577 : vector<16xf32>
          %get3A_579 = arith.constant 5 : i32
          %get3A_580 = arith.constant 1 : i32
          %get3A_581 = arith.index_cast %get3A_579 : i32 to index
          %get3A_582 = arith.index_cast %get3A_580 : i32 to index
          %get3A_583 = arith.index_cast %mul3A_311 : i32 to index
          %get3A_584 = tpu.vector_load %arg4[%get3A_581, %get3A_582, %get3A_583] {strides = array<i32>} : memref<17x4x384xf32, #tpu.memory_space<vmem>>, vector<16xf32>,
          %max3A_585 = arith.maximumf %max3A_572, %get3A_584 : vector<16xf32>
          %min3A_586 = arith.minimumf %max3A_572, %get3A_584 : vector<16xf32>
          %max3A_587 = arith.maximumf %max3A_574, %min3A_586 : vector<16xf32>
          %min3A_588 = arith.minimumf %max3A_574, %min3A_586 : vector<16xf32>
          %max3A_589 = arith.maximumf %max3A_576, %min3A_588 : vector<16xf32>
          %min3A_590 = arith.minimumf %max3A_576, %min3A_588 : vector<16xf32>
          %max3A_591 = arith.maximumf %max3A_578, %min3A_590 : vector<16xf32>
          %get3A_592 = arith.constant 6 : i32
          %get3A_593 = arith.constant 1 : i32
          %get3A_594 = arith.index_cast %get3A_592 : i32 to index
          %get3A_595 = arith.index_cast %get3A_593 : i32 to index
          %get3A_596 = arith.index_cast %mul3A_311 : i32 to index
          %get3A_597 = tpu.vector_load %arg4[%get3A_594, %get3A_595, %get3A_596] {strides = array<i32>} : memref<17x4x384xf32, #tpu.memory_space<vmem>>, vector<16xf32>,
          %max3A_598 = arith.maximumf %max3A_585, %get3A_597 : vector<16xf32>
          %min3A_599 = arith.minimumf %max3A_585, %get3A_597 : vector<16xf32>
          %max3A_600 = arith.maximumf %max3A_587, %min3A_599 : vector<16xf32>
          %min3A_601 = arith.minimumf %max3A_587, %min3A_599 : vector<16xf32>
          %max3A_602 = arith.maximumf %max3A_589, %min3A_601 : vector<16xf32>
          %min3A_603 = arith.minimumf %max3A_589, %min3A_601 : vector<16xf32>
          %max3A_604 = arith.maximumf %max3A_591, %min3A_603 : vector<16xf32>
          %get3A_605 = arith.constant 7 : i32
          %get3A_606 = arith.constant 1 : i32
          %get3A_607 = arith.index_cast %get3A_605 : i32 to index
          %get3A_608 = arith.index_cast %get3A_606 : i32 to index
          %get3A_609 = arith.index_cast %mul3A_311 : i32 to index
          %get3A_610 = tpu.vector_load %arg4[%get3A_607, %get3A_608, %get3A_609] {strides = array<i32>} : memref<17x4x384xf32, #tpu.memory_space<vmem>>, vector<16xf32>,
          %max3A_611 = arith.maximumf %max3A_598, %get3A_610 : vector<16xf32>
          %min3A_612 = arith.minimumf %max3A_598, %get3A_610 : vector<16xf32>
          %max3A_613 = arith.maximumf %max3A_600, %min3A_612 : vector<16xf32>
          %min3A_614 = arith.minimumf %max3A_600, %min3A_612 : vector<16xf32>
          %max3A_615 = arith.maximumf %max3A_602, %min3A_614 : vector<16xf32>
          %min3A_616 = arith.minimumf %max3A_602, %min3A_614 : vector<16xf32>
          %max3A_617 = arith.maximumf %max3A_604, %min3A_616 : vector<16xf32>
          %get3A_618 = arith.constant 8 : i32
          %get3A_619 = arith.constant 1 : i32
          %get3A_620 = arith.index_cast %get3A_618 : i32 to index
          %get3A_621 = arith.index_cast %get3A_619 : i32 to index
          %get3A_622 = arith.index_cast %mul3A_311 : i32 to index
          %get3A_623 = tpu.vector_load %arg4[%get3A_620, %get3A_621, %get3A_622] {strides = array<i32>} : memref<17x4x384xf32, #tpu.memory_space<vmem>>, vector<16xf32>,
          %max3A_624 = arith.maximumf %max3A_611, %get3A_623 : vector<16xf32>
          %min3A_625 = arith.minimumf %max3A_611, %get3A_623 : vector<16xf32>
          %max3A_626 = arith.maximumf %max3A_613, %min3A_625 : vector<16xf32>
          %min3A_627 = arith.minimumf %max3A_613, %min3A_625 : vector<16xf32>
          %max3A_628 = arith.maximumf %max3A_615, %min3A_627 : vector<16xf32>
          %min3A_629 = arith.minimumf %max3A_615, %min3A_627 : vector<16xf32>
          %max3A_630 = arith.maximumf %max3A_617, %min3A_629 : vector<16xf32>
          %get3A_631 = arith.constant 9 : i32
          %get3A_632 = arith.constant 1 : i32
          %get3A_633 = arith.index_cast %get3A_631 : i32 to index
          %get3A_634 = arith.index_cast %get3A_632 : i32 to index
          %get3A_635 = arith.index_cast %mul3A_311 : i32 to index
          %get3A_636 = tpu.vector_load %arg4[%get3A_633, %get3A_634, %get3A_635] {strides = array<i32>} : memref<17x4x384xf32, #tpu.memory_space<vmem>>, vector<16xf32>,
          %max3A_637 = arith.maximumf %max3A_624, %get3A_636 : vector<16xf32>
          %min3A_638 = arith.minimumf %max3A_624, %get3A_636 : vector<16xf32>
          %max3A_639 = arith.maximumf %max3A_626, %min3A_638 : vector<16xf32>
          %min3A_640 = arith.minimumf %max3A_626, %min3A_638 : vector<16xf32>
          %max3A_641 = arith.maximumf %max3A_628, %min3A_640 : vector<16xf32>
          %min3A_642 = arith.minimumf %max3A_628, %min3A_640 : vector<16xf32>
          %max3A_643 = arith.maximumf %max3A_630, %min3A_642 : vector<16xf32>
          %get3A_644 = arith.constant 10 : i32
          %get3A_645 = arith.constant 1 : i32
          %get3A_646 = arith.index_cast %get3A_644 : i32 to index
          %get3A_647 = arith.index_cast %get3A_645 : i32 to index
          %get3A_648 = arith.index_cast %mul3A_311 : i32 to index
          %get3A_649 = tpu.vector_load %arg4[%get3A_646, %get3A_647, %get3A_648] {strides = array<i32>} : memref<17x4x384xf32, #tpu.memory_space<vmem>>, vector<16xf32>,
          %max3A_650 = arith.maximumf %max3A_637, %get3A_649 : vector<16xf32>
          %min3A_651 = arith.minimumf %max3A_637, %get3A_649 : vector<16xf32>
          %max3A_652 = arith.maximumf %max3A_639, %min3A_651 : vector<16xf32>
          %min3A_653 = arith.minimumf %max3A_639, %min3A_651 : vector<16xf32>
          %max3A_654 = arith.maximumf %max3A_641, %min3A_653 : vector<16xf32>
          %min3A_655 = arith.minimumf %max3A_641, %min3A_653 : vector<16xf32>
          %max3A_656 = arith.maximumf %max3A_643, %min3A_655 : vector<16xf32>
          %get3A_657 = arith.constant 11 : i32
          %get3A_658 = arith.constant 1 : i32
          %get3A_659 = arith.index_cast %get3A_657 : i32 to index
          %get3A_660 = arith.index_cast %get3A_658 : i32 to index
          %get3A_661 = arith.index_cast %mul3A_311 : i32 to index
          %get3A_662 = tpu.vector_load %arg4[%get3A_659, %get3A_660, %get3A_661] {strides = array<i32>} : memref<17x4x384xf32, #tpu.memory_space<vmem>>, vector<16xf32>,
          %max3A_663 = arith.maximumf %max3A_650, %get3A_662 : vector<16xf32>
          %min3A_664 = arith.minimumf %max3A_650, %get3A_662 : vector<16xf32>
          %max3A_665 = arith.maximumf %max3A_652, %min3A_664 : vector<16xf32>
          %min3A_666 = arith.minimumf %max3A_652, %min3A_664 : vector<16xf32>
          %max3A_667 = arith.maximumf %max3A_654, %min3A_666 : vector<16xf32>
          %min3A_668 = arith.minimumf %max3A_654, %min3A_666 : vector<16xf32>
          %max3A_669 = arith.maximumf %max3A_656, %min3A_668 : vector<16xf32>
          %get3A_670 = arith.constant 12 : i32
          %get3A_671 = arith.constant 1 : i32
          %get3A_672 = arith.index_cast %get3A_670 : i32 to index
          %get3A_673 = arith.index_cast %get3A_671 : i32 to index
          %get3A_674 = arith.index_cast %mul3A_311 : i32 to index
          %get3A_675 = tpu.vector_load %arg4[%get3A_672, %get3A_673, %get3A_674] {strides = array<i32>} : memref<17x4x384xf32, #tpu.memory_space<vmem>>, vector<16xf32>,
          %max3A_676 = arith.maximumf %max3A_663, %get3A_675 : vector<16xf32>
          %min3A_677 = arith.minimumf %max3A_663, %get3A_675 : vector<16xf32>
          %max3A_678 = arith.maximumf %max3A_665, %min3A_677 : vector<16xf32>
          %min3A_679 = arith.minimumf %max3A_665, %min3A_677 : vector<16xf32>
          %max3A_680 = arith.maximumf %max3A_667, %min3A_679 : vector<16xf32>
          %min3A_681 = arith.minimumf %max3A_667, %min3A_679 : vector<16xf32>
          %max3A_682 = arith.maximumf %max3A_669, %min3A_681 : vector<16xf32>
          %get3A_683 = arith.constant 13 : i32
          %get3A_684 = arith.constant 1 : i32
          %get3A_685 = arith.index_cast %get3A_683 : i32 to index
          %get3A_686 = arith.index_cast %get3A_684 : i32 to index
          %get3A_687 = arith.index_cast %mul3A_311 : i32 to index
          %get3A_688 = tpu.vector_load %arg4[%get3A_685, %get3A_686, %get3A_687] {strides = array<i32>} : memref<17x4x384xf32, #tpu.memory_space<vmem>>, vector<16xf32>,
          %max3A_689 = arith.maximumf %max3A_676, %get3A_688 : vector<16xf32>
          %min3A_690 = arith.minimumf %max3A_676, %get3A_688 : vector<16xf32>
          %max3A_691 = arith.maximumf %max3A_678, %min3A_690 : vector<16xf32>
          %min3A_692 = arith.minimumf %max3A_678, %min3A_690 : vector<16xf32>
          %max3A_693 = arith.maximumf %max3A_680, %min3A_692 : vector<16xf32>
          %min3A_694 = arith.minimumf %max3A_680, %min3A_692 : vector<16xf32>
          %max3A_695 = arith.maximumf %max3A_682, %min3A_694 : vector<16xf32>
          %get3A_696 = arith.constant 14 : i32
          %get3A_697 = arith.constant 1 : i32
          %get3A_698 = arith.index_cast %get3A_696 : i32 to index
          %get3A_699 = arith.index_cast %get3A_697 : i32 to index
          %get3A_700 = arith.index_cast %mul3A_311 : i32 to index
          %get3A_701 = tpu.vector_load %arg4[%get3A_698, %get3A_699, %get3A_700] {strides = array<i32>} : memref<17x4x384xf32, #tpu.memory_space<vmem>>, vector<16xf32>,
          %max3A_702 = arith.maximumf %max3A_689, %get3A_701 : vector<16xf32>
          %min3A_703 = arith.minimumf %max3A_689, %get3A_701 : vector<16xf32>
          %max3A_704 = arith.maximumf %max3A_691, %min3A_703 : vector<16xf32>
          %min3A_705 = arith.minimumf %max3A_691, %min3A_703 : vector<16xf32>
          %max3A_706 = arith.maximumf %max3A_693, %min3A_705 : vector<16xf32>
          %min3A_707 = arith.minimumf %max3A_693, %min3A_705 : vector<16xf32>
          %max3A_708 = arith.maximumf %max3A_695, %min3A_707 : vector<16xf32>
          %get3A_709 = arith.constant 15 : i32
          %get3A_710 = arith.constant 1 : i32
          %get3A_711 = arith.index_cast %get3A_709 : i32 to index
          %get3A_712 = arith.index_cast %get3A_710 : i32 to index
          %get3A_713 = arith.index_cast %mul3A_311 : i32 to index
          %get3A_714 = tpu.vector_load %arg4[%get3A_711, %get3A_712, %get3A_713] {strides = array<i32>} : memref<17x4x384xf32, #tpu.memory_space<vmem>>, vector<16xf32>,
          %max3A_715 = arith.maximumf %max3A_702, %get3A_714 : vector<16xf32>
          %min3A_716 = arith.minimumf %max3A_702, %get3A_714 : vector<16xf32>
          %max3A_717 = arith.maximumf %max3A_704, %min3A_716 : vector<16xf32>
          %min3A_718 = arith.minimumf %max3A_704, %min3A_716 : vector<16xf32>
          %max3A_719 = arith.maximumf %max3A_706, %min3A_718 : vector<16xf32>
          %min3A_720 = arith.minimumf %max3A_706, %min3A_718 : vector<16xf32>
          %max3A_721 = arith.maximumf %max3A_708, %min3A_720 : vector<16xf32>
          %get3A_722 = arith.constant 16 : i32
          %get3A_723 = arith.constant 1 : i32
          %get3A_724 = arith.index_cast %get3A_722 : i32 to index
          %get3A_725 = arith.index_cast %get3A_723 : i32 to index
          %get3A_726 = arith.index_cast %mul3A_311 : i32 to index
          %get3A_727 = tpu.vector_load %arg4[%get3A_724, %get3A_725, %get3A_726] {strides = array<i32>} : memref<17x4x384xf32, #tpu.memory_space<vmem>>, vector<16xf32>,
          %max3A_728 = arith.maximumf %max3A_715, %get3A_727 : vector<16xf32>
          %min3A_729 = arith.minimumf %max3A_715, %get3A_727 : vector<16xf32>
          %max3A_730 = arith.maximumf %max3A_717, %min3A_729 : vector<16xf32>
          %min3A_731 = arith.minimumf %max3A_717, %min3A_729 : vector<16xf32>
          %max3A_732 = arith.maximumf %max3A_719, %min3A_731 : vector<16xf32>
          %min3A_733 = arith.minimumf %max3A_719, %min3A_731 : vector<16xf32>
          %max3A_734 = arith.maximumf %max3A_721, %min3A_733 : vector<16xf32>
          %swap3A_735 = arith.constant 4 : i32
          %swap3A_736 = arith.index_cast %swap3A_735 : i32 to index
          %swap3A_737 = arith.index_cast %mul3A_311 : i32 to index
          %swap3A_738 = tpu.vector_load %arg6[%swap3A_736, %swap3A_737] {strides = array<i32>} : memref<16x384xf32, #tpu.memory_space<vmem>>, vector<16xf32>,
          tpu.vector_store %arg6[%swap3A_736, %swap3A_737], %max3A_728 {strides = array<i32>} : memref<16x384xf32, #tpu.memory_space<vmem>>, vector<16xf32>,
          %swap3A_739 = arith.constant 5 : i32
          %swap3A_740 = arith.index_cast %swap3A_739 : i32 to index
          %swap3A_741 = arith.index_cast %mul3A_311 : i32 to index
          %swap3A_742 = tpu.vector_load %arg6[%swap3A_740, %swap3A_741] {strides = array<i32>} : memref<16x384xf32, #tpu.memory_space<vmem>>, vector<16xf32>,
          tpu.vector_store %arg6[%swap3A_740, %swap3A_741], %max3A_730 {strides = array<i32>} : memref<16x384xf32, #tpu.memory_space<vmem>>, vector<16xf32>,
          %swap3A_743 = arith.constant 6 : i32
          %swap3A_744 = arith.index_cast %swap3A_743 : i32 to index
          %swap3A_745 = arith.index_cast %mul3A_311 : i32 to index
          %swap3A_746 = tpu.vector_load %arg6[%swap3A_744, %swap3A_745] {strides = array<i32>} : memref<16x384xf32, #tpu.memory_space<vmem>>, vector<16xf32>,
          tpu.vector_store %arg6[%swap3A_744, %swap3A_745], %max3A_732 {strides = array<i32>} : memref<16x384xf32, #tpu.memory_space<vmem>>, vector<16xf32>,
          %swap3A_747 = arith.constant 7 : i32
          %swap3A_748 = arith.index_cast %swap3A_747 : i32 to index
          %swap3A_749 = arith.index_cast %mul3A_311 : i32 to index
          %swap3A_750 = tpu.vector_load %arg6[%swap3A_748, %swap3A_749] {strides = array<i32>} : memref<16x384xf32, #tpu.memory_space<vmem>>, vector<16xf32>,
          tpu.vector_store %arg6[%swap3A_748, %swap3A_749], %max3A_734 {strides = array<i32>} : memref<16x384xf32, #tpu.memory_space<vmem>>, vector<16xf32>,
          %get3A_751 = arith.constant 0 : i32
          %get3A_752 = arith.constant 2 : i32
          %get3A_753 = arith.index_cast %get3A_751 : i32 to index
          %get3A_754 = arith.index_cast %get3A_752 : i32 to index
          %get3A_755 = arith.index_cast %mul3A_311 : i32 to index
          %get3A_756 = tpu.vector_load %arg4[%get3A_753, %get3A_754, %get3A_755] {strides = array<i32>} : memref<17x4x384xf32, #tpu.memory_space<vmem>>, vector<16xf32>,
          %get3A_757 = arith.constant 1 : i32
          %get3A_758 = arith.constant 2 : i32
          %get3A_759 = arith.index_cast %get3A_757 : i32 to index
          %get3A_760 = arith.index_cast %get3A_758 : i32 to index
          %get3A_761 = arith.index_cast %mul3A_311 : i32 to index
          %get3A_762 = tpu.vector_load %arg4[%get3A_759, %get3A_760, %get3A_761] {strides = array<i32>} : memref<17x4x384xf32, #tpu.memory_space<vmem>>, vector<16xf32>,
          %max3A_763 = arith.maximumf %get3A_756, %get3A_762 : vector<16xf32>
          %min3A_764 = arith.minimumf %get3A_756, %get3A_762 : vector<16xf32>
          %get3A_765 = arith.constant 2 : i32
          %get3A_766 = arith.constant 2 : i32
          %get3A_767 = arith.index_cast %get3A_765 : i32 to index
          %get3A_768 = arith.index_cast %get3A_766 : i32 to index
          %get3A_769 = arith.index_cast %mul3A_311 : i32 to index
          %get3A_770 = tpu.vector_load %arg4[%get3A_767, %get3A_768, %get3A_769] {strides = array<i32>} : memref<17x4x384xf32, #tpu.memory_space<vmem>>, vector<16xf32>,
          %max3A_771 = arith.maximumf %max3A_763, %get3A_770 : vector<16xf32>
          %min3A_772 = arith.minimumf %max3A_763, %get3A_770 : vector<16xf32>
          %max3A_773 = arith.maximumf %min3A_764, %min3A_772 : vector<16xf32>
          %min3A_774 = arith.minimumf %min3A_764, %min3A_772 : vector<16xf32>
          %get3A_775 = arith.constant 3 : i32
          %get3A_776 = arith.constant 2 : i32
          %get3A_777 = arith.index_cast %get3A_775 : i32 to index
          %get3A_778 = arith.index_cast %get3A_776 : i32 to index
          %get3A_779 = arith.index_cast %mul3A_311 : i32 to index
          %get3A_780 = tpu.vector_load %arg4[%get3A_777, %get3A_778, %get3A_779] {strides = array<i32>} : memref<17x4x384xf32, #tpu.memory_space<vmem>>, vector<16xf32>,
          %max3A_781 = arith.maximumf %max3A_771, %get3A_780 : vector<16xf32>
          %min3A_782 = arith.minimumf %max3A_771, %get3A_780 : vector<16xf32>
          %max3A_783 = arith.maximumf %max3A_773, %min3A_782 : vector<16xf32>
          %min3A_784 = arith.minimumf %max3A_773, %min3A_782 : vector<16xf32>
          %max3A_785 = arith.maximumf %min3A_774, %min3A_784 : vector<16xf32>
          %min3A_786 = arith.minimumf %min3A_774, %min3A_784 : vector<16xf32>
          %get3A_787 = arith.constant 4 : i32
          %get3A_788 = arith.constant 2 : i32
          %get3A_789 = arith.index_cast %get3A_787 : i32 to index
          %get3A_790 = arith.index_cast %get3A_788 : i32 to index
          %get3A_791 = arith.index_cast %mul3A_311 : i32 to index
          %get3A_792 = tpu.vector_load %arg4[%get3A_789, %get3A_790, %get3A_791] {strides = array<i32>} : memref<17x4x384xf32, #tpu.memory_space<vmem>>, vector<16xf32>,
          %max3A_793 = arith.maximumf %max3A_781, %get3A_792 : vector<16xf32>
          %min3A_794 = arith.minimumf %max3A_781, %get3A_792 : vector<16xf32>
          %max3A_795 = arith.maximumf %max3A_783, %min3A_794 : vector<16xf32>
          %min3A_796 = arith.minimumf %max3A_783, %min3A_794 : vector<16xf32>
          %max3A_797 = arith.maximumf %max3A_785, %min3A_796 : vector<16xf32>
          %min3A_798 = arith.minimumf %max3A_785, %min3A_796 : vector<16xf32>
          %max3A_799 = arith.maximumf %min3A_786, %min3A_798 : vector<16xf32>
          %get3A_800 = arith.constant 5 : i32
          %get3A_801 = arith.constant 2 : i32
          %get3A_802 = arith.index_cast %get3A_800 : i32 to index
          %get3A_803 = arith.index_cast %get3A_801 : i32 to index
          %get3A_804 = arith.index_cast %mul3A_311 : i32 to index
          %get3A_805 = tpu.vector_load %arg4[%get3A_802, %get3A_803, %get3A_804] {strides = array<i32>} : memref<17x4x384xf32, #tpu.memory_space<vmem>>, vector<16xf32>,
          %max3A_806 = arith.maximumf %max3A_793, %get3A_805 : vector<16xf32>
          %min3A_807 = arith.minimumf %max3A_793, %get3A_805 : vector<16xf32>
          %max3A_808 = arith.maximumf %max3A_795, %min3A_807 : vector<16xf32>
          %min3A_809 = arith.minimumf %max3A_795, %min3A_807 : vector<16xf32>
          %max3A_810 = arith.maximumf %max3A_797, %min3A_809 : vector<16xf32>
          %min3A_811 = arith.minimumf %max3A_797, %min3A_809 : vector<16xf32>
          %max3A_812 = arith.maximumf %max3A_799, %min3A_811 : vector<16xf32>
          %get3A_813 = arith.constant 6 : i32
          %get3A_814 = arith.constant 2 : i32
          %get3A_815 = arith.index_cast %get3A_813 : i32 to index
          %get3A_816 = arith.index_cast %get3A_814 : i32 to index
          %get3A_817 = arith.index_cast %mul3A_311 : i32 to index
          %get3A_818 = tpu.vector_load %arg4[%get3A_815, %get3A_816, %get3A_817] {strides = array<i32>} : memref<17x4x384xf32, #tpu.memory_space<vmem>>, vector<16xf32>,
          %max3A_819 = arith.maximumf %max3A_806, %get3A_818 : vector<16xf32>
          %min3A_820 = arith.minimumf %max3A_806, %get3A_818 : vector<16xf32>
          %max3A_821 = arith.maximumf %max3A_808, %min3A_820 : vector<16xf32>
          %min3A_822 = arith.minimumf %max3A_808, %min3A_820 : vector<16xf32>
          %max3A_823 = arith.maximumf %max3A_810, %min3A_822 : vector<16xf32>
          %min3A_824 = arith.minimumf %max3A_810, %min3A_822 : vector<16xf32>
          %max3A_825 = arith.maximumf %max3A_812, %min3A_824 : vector<16xf32>
          %get3A_826 = arith.constant 7 : i32
          %get3A_827 = arith.constant 2 : i32
          %get3A_828 = arith.index_cast %get3A_826 : i32 to index
          %get3A_829 = arith.index_cast %get3A_827 : i32 to index
          %get3A_830 = arith.index_cast %mul3A_311 : i32 to index
          %get3A_831 = tpu.vector_load %arg4[%get3A_828, %get3A_829, %get3A_830] {strides = array<i32>} : memref<17x4x384xf32, #tpu.memory_space<vmem>>, vector<16xf32>,
          %max3A_832 = arith.maximumf %max3A_819, %get3A_831 : vector<16xf32>
          %min3A_833 = arith.minimumf %max3A_819, %get3A_831 : vector<16xf32>
          %max3A_834 = arith.maximumf %max3A_821, %min3A_833 : vector<16xf32>
          %min3A_835 = arith.minimumf %max3A_821, %min3A_833 : vector<16xf32>
          %max3A_836 = arith.maximumf %max3A_823, %min3A_835 : vector<16xf32>
          %min3A_837 = arith.minimumf %max3A_823, %min3A_835 : vector<16xf32>
          %max3A_838 = arith.maximumf %max3A_825, %min3A_837 : vector<16xf32>
          %get3A_839 = arith.constant 8 : i32
          %get3A_840 = arith.constant 2 : i32
          %get3A_841 = arith.index_cast %get3A_839 : i32 to index
          %get3A_842 = arith.index_cast %get3A_840 : i32 to index
          %get3A_843 = arith.index_cast %mul3A_311 : i32 to index
          %get3A_844 = tpu.vector_load %arg4[%get3A_841, %get3A_842, %get3A_843] {strides = array<i32>} : memref<17x4x384xf32, #tpu.memory_space<vmem>>, vector<16xf32>,
          %max3A_845 = arith.maximumf %max3A_832, %get3A_844 : vector<16xf32>
          %min3A_846 = arith.minimumf %max3A_832, %get3A_844 : vector<16xf32>
          %max3A_847 = arith.maximumf %max3A_834, %min3A_846 : vector<16xf32>
          %min3A_848 = arith.minimumf %max3A_834, %min3A_846 : vector<16xf32>
          %max3A_849 = arith.maximumf %max3A_836, %min3A_848 : vector<16xf32>
          %min3A_850 = arith.minimumf %max3A_836, %min3A_848 : vector<16xf32>
          %max3A_851 = arith.maximumf %max3A_838, %min3A_850 : vector<16xf32>
          %get3A_852 = arith.constant 9 : i32
          %get3A_853 = arith.constant 2 : i32
          %get3A_854 = arith.index_cast %get3A_852 : i32 to index
          %get3A_855 = arith.index_cast %get3A_853 : i32 to index
          %get3A_856 = arith.index_cast %mul3A_311 : i32 to index
          %get3A_857 = tpu.vector_load %arg4[%get3A_854, %get3A_855, %get3A_856] {strides = array<i32>} : memref<17x4x384xf32, #tpu.memory_space<vmem>>, vector<16xf32>,
          %max3A_858 = arith.maximumf %max3A_845, %get3A_857 : vector<16xf32>
          %min3A_859 = arith.minimumf %max3A_845, %get3A_857 : vector<16xf32>
          %max3A_860 = arith.maximumf %max3A_847, %min3A_859 : vector<16xf32>
          %min3A_861 = arith.minimumf %max3A_847, %min3A_859 : vector<16xf32>
          %max3A_862 = arith.maximumf %max3A_849, %min3A_861 : vector<16xf32>
          %min3A_863 = arith.minimumf %max3A_849, %min3A_861 : vector<16xf32>
          %max3A_864 = arith.maximumf %max3A_851, %min3A_863 : vector<16xf32>
          %get3A_865 = arith.constant 10 : i32
          %get3A_866 = arith.constant 2 : i32
          %get3A_867 = arith.index_cast %get3A_865 : i32 to index
          %get3A_868 = arith.index_cast %get3A_866 : i32 to index
          %get3A_869 = arith.index_cast %mul3A_311 : i32 to index
          %get3A_870 = tpu.vector_load %arg4[%get3A_867, %get3A_868, %get3A_869] {strides = array<i32>} : memref<17x4x384xf32, #tpu.memory_space<vmem>>, vector<16xf32>,
          %max3A_871 = arith.maximumf %max3A_858, %get3A_870 : vector<16xf32>
          %min3A_872 = arith.minimumf %max3A_858, %get3A_870 : vector<16xf32>
          %max3A_873 = arith.maximumf %max3A_860, %min3A_872 : vector<16xf32>
          %min3A_874 = arith.minimumf %max3A_860, %min3A_872 : vector<16xf32>
          %max3A_875 = arith.maximumf %max3A_862, %min3A_874 : vector<16xf32>
          %min3A_876 = arith.minimumf %max3A_862, %min3A_874 : vector<16xf32>
          %max3A_877 = arith.maximumf %max3A_864, %min3A_876 : vector<16xf32>
          %get3A_878 = arith.constant 11 : i32
          %get3A_879 = arith.constant 2 : i32
          %get3A_880 = arith.index_cast %get3A_878 : i32 to index
          %get3A_881 = arith.index_cast %get3A_879 : i32 to index
          %get3A_882 = arith.index_cast %mul3A_311 : i32 to index
          %get3A_883 = tpu.vector_load %arg4[%get3A_880, %get3A_881, %get3A_882] {strides = array<i32>} : memref<17x4x384xf32, #tpu.memory_space<vmem>>, vector<16xf32>,
          %max3A_884 = arith.maximumf %max3A_871, %get3A_883 : vector<16xf32>
          %min3A_885 = arith.minimumf %max3A_871, %get3A_883 : vector<16xf32>
          %max3A_886 = arith.maximumf %max3A_873, %min3A_885 : vector<16xf32>
          %min3A_887 = arith.minimumf %max3A_873, %min3A_885 : vector<16xf32>
          %max3A_888 = arith.maximumf %max3A_875, %min3A_887 : vector<16xf32>
          %min3A_889 = arith.minimumf %max3A_875, %min3A_887 : vector<16xf32>
          %max3A_890 = arith.maximumf %max3A_877, %min3A_889 : vector<16xf32>
          %get3A_891 = arith.constant 12 : i32
          %get3A_892 = arith.constant 2 : i32
          %get3A_893 = arith.index_cast %get3A_891 : i32 to index
          %get3A_894 = arith.index_cast %get3A_892 : i32 to index
          %get3A_895 = arith.index_cast %mul3A_311 : i32 to index
          %get3A_896 = tpu.vector_load %arg4[%get3A_893, %get3A_894, %get3A_895] {strides = array<i32>} : memref<17x4x384xf32, #tpu.memory_space<vmem>>, vector<16xf32>,
          %max3A_897 = arith.maximumf %max3A_884, %get3A_896 : vector<16xf32>
          %min3A_898 = arith.minimumf %max3A_884, %get3A_896 : vector<16xf32>
          %max3A_899 = arith.maximumf %max3A_886, %min3A_898 : vector<16xf32>
          %min3A_900 = arith.minimumf %max3A_886, %min3A_898 : vector<16xf32>
          %max3A_901 = arith.maximumf %max3A_888, %min3A_900 : vector<16xf32>
          %min3A_902 = arith.minimumf %max3A_888, %min3A_900 : vector<16xf32>
          %max3A_903 = arith.maximumf %max3A_890, %min3A_902 : vector<16xf32>
          %get3A_904 = arith.constant 13 : i32
          %get3A_905 = arith.constant 2 : i32
          %get3A_906 = arith.index_cast %get3A_904 : i32 to index
          %get3A_907 = arith.index_cast %get3A_905 : i32 to index
          %get3A_908 = arith.index_cast %mul3A_311 : i32 to index
          %get3A_909 = tpu.vector_load %arg4[%get3A_906, %get3A_907, %get3A_908] {strides = array<i32>} : memref<17x4x384xf32, #tpu.memory_space<vmem>>, vector<16xf32>,
          %max3A_910 = arith.maximumf %max3A_897, %get3A_909 : vector<16xf32>
          %min3A_911 = arith.minimumf %max3A_897, %get3A_909 : vector<16xf32>
          %max3A_912 = arith.maximumf %max3A_899, %min3A_911 : vector<16xf32>
          %min3A_913 = arith.minimumf %max3A_899, %min3A_911 : vector<16xf32>
          %max3A_914 = arith.maximumf %max3A_901, %min3A_913 : vector<16xf32>
          %min3A_915 = arith.minimumf %max3A_901, %min3A_913 : vector<16xf32>
          %max3A_916 = arith.maximumf %max3A_903, %min3A_915 : vector<16xf32>
          %get3A_917 = arith.constant 14 : i32
          %get3A_918 = arith.constant 2 : i32
          %get3A_919 = arith.index_cast %get3A_917 : i32 to index
          %get3A_920 = arith.index_cast %get3A_918 : i32 to index
          %get3A_921 = arith.index_cast %mul3A_311 : i32 to index
          %get3A_922 = tpu.vector_load %arg4[%get3A_919, %get3A_920, %get3A_921] {strides = array<i32>} : memref<17x4x384xf32, #tpu.memory_space<vmem>>, vector<16xf32>,
          %max3A_923 = arith.maximumf %max3A_910, %get3A_922 : vector<16xf32>
          %min3A_924 = arith.minimumf %max3A_910, %get3A_922 : vector<16xf32>
          %max3A_925 = arith.maximumf %max3A_912, %min3A_924 : vector<16xf32>
          %min3A_926 = arith.minimumf %max3A_912, %min3A_924 : vector<16xf32>
          %max3A_927 = arith.maximumf %max3A_914, %min3A_926 : vector<16xf32>
          %min3A_928 = arith.minimumf %max3A_914, %min3A_926 : vector<16xf32>
          %max3A_929 = arith.maximumf %max3A_916, %min3A_928 : vector<16xf32>
          %get3A_930 = arith.constant 15 : i32
          %get3A_931 = arith.constant 2 : i32
          %get3A_932 = arith.index_cast %get3A_930 : i32 to index
          %get3A_933 = arith.index_cast %get3A_931 : i32 to index
          %get3A_934 = arith.index_cast %mul3A_311 : i32 to index
          %get3A_935 = tpu.vector_load %arg4[%get3A_932, %get3A_933, %get3A_934] {strides = array<i32>} : memref<17x4x384xf32, #tpu.memory_space<vmem>>, vector<16xf32>,
          %max3A_936 = arith.maximumf %max3A_923, %get3A_935 : vector<16xf32>
          %min3A_937 = arith.minimumf %max3A_923, %get3A_935 : vector<16xf32>
          %max3A_938 = arith.maximumf %max3A_925, %min3A_937 : vector<16xf32>
          %min3A_939 = arith.minimumf %max3A_925, %min3A_937 : vector<16xf32>
          %max3A_940 = arith.maximumf %max3A_927, %min3A_939 : vector<16xf32>
          %min3A_941 = arith.minimumf %max3A_927, %min3A_939 : vector<16xf32>
          %max3A_942 = arith.maximumf %max3A_929, %min3A_941 : vector<16xf32>
          %get3A_943 = arith.constant 16 : i32
          %get3A_944 = arith.constant 2 : i32
          %get3A_945 = arith.index_cast %get3A_943 : i32 to index
          %get3A_946 = arith.index_cast %get3A_944 : i32 to index
          %get3A_947 = arith.index_cast %mul3A_311 : i32 to index
          %get3A_948 = tpu.vector_load %arg4[%get3A_945, %get3A_946, %get3A_947] {strides = array<i32>} : memref<17x4x384xf32, #tpu.memory_space<vmem>>, vector<16xf32>,
          %max3A_949 = arith.maximumf %max3A_936, %get3A_948 : vector<16xf32>
          %min3A_950 = arith.minimumf %max3A_936, %get3A_948 : vector<16xf32>
          %max3A_951 = arith.maximumf %max3A_938, %min3A_950 : vector<16xf32>
          %min3A_952 = arith.minimumf %max3A_938, %min3A_950 : vector<16xf32>
          %max3A_953 = arith.maximumf %max3A_940, %min3A_952 : vector<16xf32>
          %min3A_954 = arith.minimumf %max3A_940, %min3A_952 : vector<16xf32>
          %max3A_955 = arith.maximumf %max3A_942, %min3A_954 : vector<16xf32>
          %swap3A_956 = arith.constant 8 : i32
          %swap3A_957 = arith.index_cast %swap3A_956 : i32 to index
          %swap3A_958 = arith.index_cast %mul3A_311 : i32 to index
          %swap3A_959 = tpu.vector_load %arg6[%swap3A_957, %swap3A_958] {strides = array<i32>} : memref<16x384xf32, #tpu.memory_space<vmem>>, vector<16xf32>,
          tpu.vector_store %arg6[%swap3A_957, %swap3A_958], %max3A_949 {strides = array<i32>} : memref<16x384xf32, #tpu.memory_space<vmem>>, vector<16xf32>,
          %swap3A_960 = arith.constant 9 : i32
          %swap3A_961 = arith.index_cast %swap3A_960 : i32 to index
          %swap3A_962 = arith.index_cast %mul3A_311 : i32 to index
          %swap3A_963 = tpu.vector_load %arg6[%swap3A_961, %swap3A_962] {strides = array<i32>} : memref<16x384xf32, #tpu.memory_space<vmem>>, vector<16xf32>,
          tpu.vector_store %arg6[%swap3A_961, %swap3A_962], %max3A_951 {strides = array<i32>} : memref<16x384xf32, #tpu.memory_space<vmem>>, vector<16xf32>,
          %swap3A_964 = arith.constant 10 : i32
          %swap3A_965 = arith.index_cast %swap3A_964 : i32 to index
          %swap3A_966 = arith.index_cast %mul3A_311 : i32 to index
          %swap3A_967 = tpu.vector_load %arg6[%swap3A_965, %swap3A_966] {strides = array<i32>} : memref<16x384xf32, #tpu.memory_space<vmem>>, vector<16xf32>,
          tpu.vector_store %arg6[%swap3A_965, %swap3A_966], %max3A_953 {strides = array<i32>} : memref<16x384xf32, #tpu.memory_space<vmem>>, vector<16xf32>,
          %swap3A_968 = arith.constant 11 : i32
          %swap3A_969 = arith.index_cast %swap3A_968 : i32 to index
          %swap3A_970 = arith.index_cast %mul3A_311 : i32 to index
          %swap3A_971 = tpu.vector_load %arg6[%swap3A_969, %swap3A_970] {strides = array<i32>} : memref<16x384xf32, #tpu.memory_space<vmem>>, vector<16xf32>,
          tpu.vector_store %arg6[%swap3A_969, %swap3A_970], %max3A_955 {strides = array<i32>} : memref<16x384xf32, #tpu.memory_space<vmem>>, vector<16xf32>,
          %get3A_972 = arith.constant 0 : i32
          %get3A_973 = arith.constant 3 : i32
          %get3A_974 = arith.index_cast %get3A_972 : i32 to index
          %get3A_975 = arith.index_cast %get3A_973 : i32 to index
          %get3A_976 = arith.index_cast %mul3A_311 : i32 to index
          %get3A_977 = tpu.vector_load %arg4[%get3A_974, %get3A_975, %get3A_976] {strides = array<i32>} : memref<17x4x384xf32, #tpu.memory_space<vmem>>, vector<16xf32>,
          %get3A_978 = arith.constant 1 : i32
          %get3A_979 = arith.constant 3 : i32
          %get3A_980 = arith.index_cast %get3A_978 : i32 to index
          %get3A_981 = arith.index_cast %get3A_979 : i32 to index
          %get3A_982 = arith.index_cast %mul3A_311 : i32 to index
          %get3A_983 = tpu.vector_load %arg4[%get3A_980, %get3A_981, %get3A_982] {strides = array<i32>} : memref<17x4x384xf32, #tpu.memory_space<vmem>>, vector<16xf32>,
          %max3A_984 = arith.maximumf %get3A_977, %get3A_983 : vector<16xf32>
          %min3A_985 = arith.minimumf %get3A_977, %get3A_983 : vector<16xf32>
          %get3A_986 = arith.constant 2 : i32
          %get3A_987 = arith.constant 3 : i32
          %get3A_988 = arith.index_cast %get3A_986 : i32 to index
          %get3A_989 = arith.index_cast %get3A_987 : i32 to index
          %get3A_990 = arith.index_cast %mul3A_311 : i32 to index
          %get3A_991 = tpu.vector_load %arg4[%get3A_988, %get3A_989, %get3A_990] {strides = array<i32>} : memref<17x4x384xf32, #tpu.memory_space<vmem>>, vector<16xf32>,
          %max3A_992 = arith.maximumf %max3A_984, %get3A_991 : vector<16xf32>
          %min3A_993 = arith.minimumf %max3A_984, %get3A_991 : vector<16xf32>
          %max3A_994 = arith.maximumf %min3A_985, %min3A_993 : vector<16xf32>
          %min3A_995 = arith.minimumf %min3A_985, %min3A_993 : vector<16xf32>
          %get3A_996 = arith.constant 3 : i32
          %get3A_997 = arith.constant 3 : i32
          %get3A_998 = arith.index_cast %get3A_996 : i32 to index
          %get3A_999 = arith.index_cast %get3A_997 : i32 to index
          %get3A_1000 = arith.index_cast %mul3A_311 : i32 to index
          %get3A_1001 = tpu.vector_load %arg4[%get3A_998, %get3A_999, %get3A_1000] {strides = array<i32>} : memref<17x4x384xf32, #tpu.memory_space<vmem>>, vector<16xf32>,
          %max3A_1002 = arith.maximumf %max3A_992, %get3A_1001 : vector<16xf32>
          %min3A_1003 = arith.minimumf %max3A_992, %get3A_1001 : vector<16xf32>
          %max3A_1004 = arith.maximumf %max3A_994, %min3A_1003 : vector<16xf32>
          %min3A_1005 = arith.minimumf %max3A_994, %min3A_1003 : vector<16xf32>
          %max3A_1006 = arith.maximumf %min3A_995, %min3A_1005 : vector<16xf32>
          %min3A_1007 = arith.minimumf %min3A_995, %min3A_1005 : vector<16xf32>
          %get3A_1008 = arith.constant 4 : i32
          %get3A_1009 = arith.constant 3 : i32
          %get3A_1010 = arith.index_cast %get3A_1008 : i32 to index
          %get3A_1011 = arith.index_cast %get3A_1009 : i32 to index
          %get3A_1012 = arith.index_cast %mul3A_311 : i32 to index
          %get3A_1013 = tpu.vector_load %arg4[%get3A_1010, %get3A_1011, %get3A_1012] {strides = array<i32>} : memref<17x4x384xf32, #tpu.memory_space<vmem>>, vector<16xf32>,
          %max3A_1014 = arith.maximumf %max3A_1002, %get3A_1013 : vector<16xf32>
          %min3A_1015 = arith.minimumf %max3A_1002, %get3A_1013 : vector<16xf32>
          %max3A_1016 = arith.maximumf %max3A_1004, %min3A_1015 : vector<16xf32>
          %min3A_1017 = arith.minimumf %max3A_1004, %min3A_1015 : vector<16xf32>
          %max3A_1018 = arith.maximumf %max3A_1006, %min3A_1017 : vector<16xf32>
          %min3A_1019 = arith.minimumf %max3A_1006, %min3A_1017 : vector<16xf32>
          %max3A_1020 = arith.maximumf %min3A_1007, %min3A_1019 : vector<16xf32>
          %get3A_1021 = arith.constant 5 : i32
          %get3A_1022 = arith.constant 3 : i32
          %get3A_1023 = arith.index_cast %get3A_1021 : i32 to index
          %get3A_1024 = arith.index_cast %get3A_1022 : i32 to index
          %get3A_1025 = arith.index_cast %mul3A_311 : i32 to index
          %get3A_1026 = tpu.vector_load %arg4[%get3A_1023, %get3A_1024, %get3A_1025] {strides = array<i32>} : memref<17x4x384xf32, #tpu.memory_space<vmem>>, vector<16xf32>,
          %max3A_1027 = arith.maximumf %max3A_1014, %get3A_1026 : vector<16xf32>
          %min3A_1028 = arith.minimumf %max3A_1014, %get3A_1026 : vector<16xf32>
          %max3A_1029 = arith.maximumf %max3A_1016, %min3A_1028 : vector<16xf32>
          %min3A_1030 = arith.minimumf %max3A_1016, %min3A_1028 : vector<16xf32>
          %max3A_1031 = arith.maximumf %max3A_1018, %min3A_1030 : vector<16xf32>
          %min3A_1032 = arith.minimumf %max3A_1018, %min3A_1030 : vector<16xf32>
          %max3A_1033 = arith.maximumf %max3A_1020, %min3A_1032 : vector<16xf32>
          %get3A_1034 = arith.constant 6 : i32
          %get3A_1035 = arith.constant 3 : i32
          %get3A_1036 = arith.index_cast %get3A_1034 : i32 to index
          %get3A_1037 = arith.index_cast %get3A_1035 : i32 to index
          %get3A_1038 = arith.index_cast %mul3A_311 : i32 to index
          %get3A_1039 = tpu.vector_load %arg4[%get3A_1036, %get3A_1037, %get3A_1038] {strides = array<i32>} : memref<17x4x384xf32, #tpu.memory_space<vmem>>, vector<16xf32>,
          %max3A_1040 = arith.maximumf %max3A_1027, %get3A_1039 : vector<16xf32>
          %min3A_1041 = arith.minimumf %max3A_1027, %get3A_1039 : vector<16xf32>
          %max3A_1042 = arith.maximumf %max3A_1029, %min3A_1041 : vector<16xf32>
          %min3A_1043 = arith.minimumf %max3A_1029, %min3A_1041 : vector<16xf32>
          %max3A_1044 = arith.maximumf %max3A_1031, %min3A_1043 : vector<16xf32>
          %min3A_1045 = arith.minimumf %max3A_1031, %min3A_1043 : vector<16xf32>
          %max3A_1046 = arith.maximumf %max3A_1033, %min3A_1045 : vector<16xf32>
          %get3A_1047 = arith.constant 7 : i32
          %get3A_1048 = arith.constant 3 : i32
          %get3A_1049 = arith.index_cast %get3A_1047 : i32 to index
          %get3A_1050 = arith.index_cast %get3A_1048 : i32 to index
          %get3A_1051 = arith.index_cast %mul3A_311 : i32 to index
          %get3A_1052 = tpu.vector_load %arg4[%get3A_1049, %get3A_1050, %get3A_1051] {strides = array<i32>} : memref<17x4x384xf32, #tpu.memory_space<vmem>>, vector<16xf32>,
          %max3A_1053 = arith.maximumf %max3A_1040, %get3A_1052 : vector<16xf32>
          %min3A_1054 = arith.minimumf %max3A_1040, %get3A_1052 : vector<16xf32>
          %max3A_1055 = arith.maximumf %max3A_1042, %min3A_1054 : vector<16xf32>
          %min3A_1056 = arith.minimumf %max3A_1042, %min3A_1054 : vector<16xf32>
          %max3A_1057 = arith.maximumf %max3A_1044, %min3A_1056 : vector<16xf32>
          %min3A_1058 = arith.minimumf %max3A_1044, %min3A_1056 : vector<16xf32>
          %max3A_1059 = arith.maximumf %max3A_1046, %min3A_1058 : vector<16xf32>
          %get3A_1060 = arith.constant 8 : i32
          %get3A_1061 = arith.constant 3 : i32
          %get3A_1062 = arith.index_cast %get3A_1060 : i32 to index
          %get3A_1063 = arith.index_cast %get3A_1061 : i32 to index
          %get3A_1064 = arith.index_cast %mul3A_311 : i32 to index
          %get3A_1065 = tpu.vector_load %arg4[%get3A_1062, %get3A_1063, %get3A_1064] {strides = array<i32>} : memref<17x4x384xf32, #tpu.memory_space<vmem>>, vector<16xf32>,
          %max3A_1066 = arith.maximumf %max3A_1053, %get3A_1065 : vector<16xf32>
          %min3A_1067 = arith.minimumf %max3A_1053, %get3A_1065 : vector<16xf32>
          %max3A_1068 = arith.maximumf %max3A_1055, %min3A_1067 : vector<16xf32>
          %min3A_1069 = arith.minimumf %max3A_1055, %min3A_1067 : vector<16xf32>
          %max3A_1070 = arith.maximumf %max3A_1057, %min3A_1069 : vector<16xf32>
          %min3A_1071 = arith.minimumf %max3A_1057, %min3A_1069 : vector<16xf32>
          %max3A_1072 = arith.maximumf %max3A_1059, %min3A_1071 : vector<16xf32>
          %get3A_1073 = arith.constant 9 : i32
          %get3A_1074 = arith.constant 3 : i32
          %get3A_1075 = arith.index_cast %get3A_1073 : i32 to index
          %get3A_1076 = arith.index_cast %get3A_1074 : i32 to index
          %get3A_1077 = arith.index_cast %mul3A_311 : i32 to index
          %get3A_1078 = tpu.vector_load %arg4[%get3A_1075, %get3A_1076, %get3A_1077] {strides = array<i32>} : memref<17x4x384xf32, #tpu.memory_space<vmem>>, vector<16xf32>,
          %max3A_1079 = arith.maximumf %max3A_1066, %get3A_1078 : vector<16xf32>
          %min3A_1080 = arith.minimumf %max3A_1066, %get3A_1078 : vector<16xf32>
          %max3A_1081 = arith.maximumf %max3A_1068, %min3A_1080 : vector<16xf32>
          %min3A_1082 = arith.minimumf %max3A_1068, %min3A_1080 : vector<16xf32>
          %max3A_1083 = arith.maximumf %max3A_1070, %min3A_1082 : vector<16xf32>
          %min3A_1084 = arith.minimumf %max3A_1070, %min3A_1082 : vector<16xf32>
          %max3A_1085 = arith.maximumf %max3A_1072, %min3A_1084 : vector<16xf32>
          %get3A_1086 = arith.constant 10 : i32
          %get3A_1087 = arith.constant 3 : i32
          %get3A_1088 = arith.index_cast %get3A_1086 : i32 to index
          %get3A_1089 = arith.index_cast %get3A_1087 : i32 to index
          %get3A_1090 = arith.index_cast %mul3A_311 : i32 to index
          %get3A_1091 = tpu.vector_load %arg4[%get3A_1088, %get3A_1089, %get3A_1090] {strides = array<i32>} : memref<17x4x384xf32, #tpu.memory_space<vmem>>, vector<16xf32>,
          %max3A_1092 = arith.maximumf %max3A_1079, %get3A_1091 : vector<16xf32>
          %min3A_1093 = arith.minimumf %max3A_1079, %get3A_1091 : vector<16xf32>
          %max3A_1094 = arith.maximumf %max3A_1081, %min3A_1093 : vector<16xf32>
          %min3A_1095 = arith.minimumf %max3A_1081, %min3A_1093 : vector<16xf32>
          %max3A_1096 = arith.maximumf %max3A_1083, %min3A_1095 : vector<16xf32>
          %min3A_1097 = arith.minimumf %max3A_1083, %min3A_1095 : vector<16xf32>
          %max3A_1098 = arith.maximumf %max3A_1085, %min3A_1097 : vector<16xf32>
          %get3A_1099 = arith.constant 11 : i32
          %get3A_1100 = arith.constant 3 : i32
          %get3A_1101 = arith.index_cast %get3A_1099 : i32 to index
          %get3A_1102 = arith.index_cast %get3A_1100 : i32 to index
          %get3A_1103 = arith.index_cast %mul3A_311 : i32 to index
          %get3A_1104 = tpu.vector_load %arg4[%get3A_1101, %get3A_1102, %get3A_1103] {strides = array<i32>} : memref<17x4x384xf32, #tpu.memory_space<vmem>>, vector<16xf32>,
          %max3A_1105 = arith.maximumf %max3A_1092, %get3A_1104 : vector<16xf32>
          %min3A_1106 = arith.minimumf %max3A_1092, %get3A_1104 : vector<16xf32>
          %max3A_1107 = arith.maximumf %max3A_1094, %min3A_1106 : vector<16xf32>
          %min3A_1108 = arith.minimumf %max3A_1094, %min3A_1106 : vector<16xf32>
          %max3A_1109 = arith.maximumf %max3A_1096, %min3A_1108 : vector<16xf32>
          %min3A_1110 = arith.minimumf %max3A_1096, %min3A_1108 : vector<16xf32>
          %max3A_1111 = arith.maximumf %max3A_1098, %min3A_1110 : vector<16xf32>
          %get3A_1112 = arith.constant 12 : i32
          %get3A_1113 = arith.constant 3 : i32
          %get3A_1114 = arith.index_cast %get3A_1112 : i32 to index
          %get3A_1115 = arith.index_cast %get3A_1113 : i32 to index
          %get3A_1116 = arith.index_cast %mul3A_311 : i32 to index
          %get3A_1117 = tpu.vector_load %arg4[%get3A_1114, %get3A_1115, %get3A_1116] {strides = array<i32>} : memref<17x4x384xf32, #tpu.memory_space<vmem>>, vector<16xf32>,
          %max3A_1118 = arith.maximumf %max3A_1105, %get3A_1117 : vector<16xf32>
          %min3A_1119 = arith.minimumf %max3A_1105, %get3A_1117 : vector<16xf32>
          %max3A_1120 = arith.maximumf %max3A_1107, %min3A_1119 : vector<16xf32>
          %min3A_1121 = arith.minimumf %max3A_1107, %min3A_1119 : vector<16xf32>
          %max3A_1122 = arith.maximumf %max3A_1109, %min3A_1121 : vector<16xf32>
          %min3A_1123 = arith.minimumf %max3A_1109, %min3A_1121 : vector<16xf32>
          %max3A_1124 = arith.maximumf %max3A_1111, %min3A_1123 : vector<16xf32>
          %get3A_1125 = arith.constant 13 : i32
          %get3A_1126 = arith.constant 3 : i32
          %get3A_1127 = arith.index_cast %get3A_1125 : i32 to index
          %get3A_1128 = arith.index_cast %get3A_1126 : i32 to index
          %get3A_1129 = arith.index_cast %mul3A_311 : i32 to index
          %get3A_1130 = tpu.vector_load %arg4[%get3A_1127, %get3A_1128, %get3A_1129] {strides = array<i32>} : memref<17x4x384xf32, #tpu.memory_space<vmem>>, vector<16xf32>,
          %max3A_1131 = arith.maximumf %max3A_1118, %get3A_1130 : vector<16xf32>
          %min3A_1132 = arith.minimumf %max3A_1118, %get3A_1130 : vector<16xf32>
          %max3A_1133 = arith.maximumf %max3A_1120, %min3A_1132 : vector<16xf32>
          %min3A_1134 = arith.minimumf %max3A_1120, %min3A_1132 : vector<16xf32>
          %max3A_1135 = arith.maximumf %max3A_1122, %min3A_1134 : vector<16xf32>
          %min3A_1136 = arith.minimumf %max3A_1122, %min3A_1134 : vector<16xf32>
          %max3A_1137 = arith.maximumf %max3A_1124, %min3A_1136 : vector<16xf32>
          %get3A_1138 = arith.constant 14 : i32
          %get3A_1139 = arith.constant 3 : i32
          %get3A_1140 = arith.index_cast %get3A_1138 : i32 to index
          %get3A_1141 = arith.index_cast %get3A_1139 : i32 to index
          %get3A_1142 = arith.index_cast %mul3A_311 : i32 to index
          %get3A_1143 = tpu.vector_load %arg4[%get3A_1140, %get3A_1141, %get3A_1142] {strides = array<i32>} : memref<17x4x384xf32, #tpu.memory_space<vmem>>, vector<16xf32>,
          %max3A_1144 = arith.maximumf %max3A_1131, %get3A_1143 : vector<16xf32>
          %min3A_1145 = arith.minimumf %max3A_1131, %get3A_1143 : vector<16xf32>
          %max3A_1146 = arith.maximumf %max3A_1133, %min3A_1145 : vector<16xf32>
          %min3A_1147 = arith.minimumf %max3A_1133, %min3A_1145 : vector<16xf32>
          %max3A_1148 = arith.maximumf %max3A_1135, %min3A_1147 : vector<16xf32>
          %min3A_1149 = arith.minimumf %max3A_1135, %min3A_1147 : vector<16xf32>
          %max3A_1150 = arith.maximumf %max3A_1137, %min3A_1149 : vector<16xf32>
          %get3A_1151 = arith.constant 15 : i32
          %get3A_1152 = arith.constant 3 : i32
          %get3A_1153 = arith.index_cast %get3A_1151 : i32 to index
          %get3A_1154 = arith.index_cast %get3A_1152 : i32 to index
          %get3A_1155 = arith.index_cast %mul3A_311 : i32 to index
          %get3A_1156 = tpu.vector_load %arg4[%get3A_1153, %get3A_1154, %get3A_1155] {strides = array<i32>} : memref<17x4x384xf32, #tpu.memory_space<vmem>>, vector<16xf32>,
          %max3A_1157 = arith.maximumf %max3A_1144, %get3A_1156 : vector<16xf32>
          %min3A_1158 = arith.minimumf %max3A_1144, %get3A_1156 : vector<16xf32>
          %max3A_1159 = arith.maximumf %max3A_1146, %min3A_1158 : vector<16xf32>
          %min3A_1160 = arith.minimumf %max3A_1146, %min3A_1158 : vector<16xf32>
          %max3A_1161 = arith.maximumf %max3A_1148, %min3A_1160 : vector<16xf32>
          %min3A_1162 = arith.minimumf %max3A_1148, %min3A_1160 : vector<16xf32>
          %max3A_1163 = arith.maximumf %max3A_1150, %min3A_1162 : vector<16xf32>
          %get3A_1164 = arith.constant 16 : i32
          %get3A_1165 = arith.constant 3 : i32
          %get3A_1166 = arith.index_cast %get3A_1164 : i32 to index
          %get3A_1167 = arith.index_cast %get3A_1165 : i32 to index
          %get3A_1168 = arith.index_cast %mul3A_311 : i32 to index
          %get3A_1169 = tpu.vector_load %arg4[%get3A_1166, %get3A_1167, %get3A_1168] {strides = array<i32>} : memref<17x4x384xf32, #tpu.memory_space<vmem>>, vector<16xf32>,
          %max3A_1170 = arith.maximumf %max3A_1157, %get3A_1169 : vector<16xf32>
          %min3A_1171 = arith.minimumf %max3A_1157, %get3A_1169 : vector<16xf32>
          %max3A_1172 = arith.maximumf %max3A_1159, %min3A_1171 : vector<16xf32>
          %min3A_1173 = arith.minimumf %max3A_1159, %min3A_1171 : vector<16xf32>
          %max3A_1174 = arith.maximumf %max3A_1161, %min3A_1173 : vector<16xf32>
          %min3A_1175 = arith.minimumf %max3A_1161, %min3A_1173 : vector<16xf32>
          %max3A_1176 = arith.maximumf %max3A_1163, %min3A_1175 : vector<16xf32>
          %swap3A_1177 = arith.constant 12 : i32
          %swap3A_1178 = arith.index_cast %swap3A_1177 : i32 to index
          %swap3A_1179 = arith.index_cast %mul3A_311 : i32 to index
          %swap3A_1180 = tpu.vector_load %arg6[%swap3A_1178, %swap3A_1179] {strides = array<i32>} : memref<16x384xf32, #tpu.memory_space<vmem>>, vector<16xf32>,
          tpu.vector_store %arg6[%swap3A_1178, %swap3A_1179], %max3A_1170 {strides = array<i32>} : memref<16x384xf32, #tpu.memory_space<vmem>>, vector<16xf32>,
          %swap3A_1181 = arith.constant 13 : i32
          %swap3A_1182 = arith.index_cast %swap3A_1181 : i32 to index
          %swap3A_1183 = arith.index_cast %mul3A_311 : i32 to index
          %swap3A_1184 = tpu.vector_load %arg6[%swap3A_1182, %swap3A_1183] {strides = array<i32>} : memref<16x384xf32, #tpu.memory_space<vmem>>, vector<16xf32>,
          tpu.vector_store %arg6[%swap3A_1182, %swap3A_1183], %max3A_1172 {strides = array<i32>} : memref<16x384xf32, #tpu.memory_space<vmem>>, vector<16xf32>,
          %swap3A_1185 = arith.constant 14 : i32
          %swap3A_1186 = arith.index_cast %swap3A_1185 : i32 to index
          %swap3A_1187 = arith.index_cast %mul3A_311 : i32 to index
          %swap3A_1188 = tpu.vector_load %arg6[%swap3A_1186, %swap3A_1187] {strides = array<i32>} : memref<16x384xf32, #tpu.memory_space<vmem>>, vector<16xf32>,
          tpu.vector_store %arg6[%swap3A_1186, %swap3A_1187], %max3A_1174 {strides = array<i32>} : memref<16x384xf32, #tpu.memory_space<vmem>>, vector<16xf32>,
          %swap3A_1189 = arith.constant 15 : i32
          %swap3A_1190 = arith.index_cast %swap3A_1189 : i32 to index
          %swap3A_1191 = arith.index_cast %mul3A_311 : i32 to index
          %swap3A_1192 = tpu.vector_load %arg6[%swap3A_1190, %swap3A_1191] {strides = array<i32>} : memref<16x384xf32, #tpu.memory_space<vmem>>, vector<16xf32>,
          tpu.vector_store %arg6[%swap3A_1190, %swap3A_1191], %max3A_1176 {strides = array<i32>} : memref<16x384xf32, #tpu.memory_space<vmem>>, vector<16xf32>,
        }
        %scan3A_263 = arith.constant 24 : i32
        %add3A_264 = arith.constant 2 : i32
        %add3A_265 = arith.addi %add3A_174, %add3A_264 : i32
        %lt3A_266 = arith.cmpi slt, %add3A_265, %add3A_8 : i32
        %convert_element_type3A_267 = arith.extui %lt3A_266 : i1 to i32
        %cond3A_268 = arith.constant 0 : i32
        %cond3A_269 = arith.cmpi ne, %convert_element_type3A_267, %cond3A_268 : i32
        scf.if %cond3A_269 {
          %add3A_305 = arith.constant 2 : i32
          %add3A_306 = arith.addi %add3A_216, %add3A_305 : i32
          %jit3A_307 = arith.constant 52 : i32
          %div3A_308 = arith.divsi %add3A_306, %jit3A_307 : i32
          %sign3A_309 = arith.constant 0 : i32
          %sign3A_310 = arith.cmpi sgt, %add3A_306, %sign3A_309 : i32
          %sign3A_311 = arith.extui %sign3A_310 : i1 to i32
          %sign3A_312 = arith.constant 0 : i32
          %sign3A_313 = arith.cmpi slt, %add3A_306, %sign3A_312 : i32
          %sign3A_314 = arith.extui %sign3A_313 : i1 to i32
          %sign3A_315 = arith.subi %sign3A_311, %sign3A_314 : i32
          %sign3A_316 = arith.constant 0 : i32
          %sign3A_317 = arith.cmpi sgt, %jit3A_307, %sign3A_316 : i32
          %sign3A_318 = arith.extui %sign3A_317 : i1 to i32
          %sign3A_319 = arith.constant 0 : i32
          %sign3A_320 = arith.cmpi slt, %jit3A_307, %sign3A_319 : i32
          %sign3A_321 = arith.extui %sign3A_320 : i1 to i32
          %sign3A_322 = arith.subi %sign3A_318, %sign3A_321 : i32
          %ne3A_323 = arith.cmpi ne, %sign3A_315, %sign3A_322 : i32
          %rem3A_324 = arith.remsi %add3A_306, %jit3A_307 : i32
          %ne3A_325 = arith.constant 0 : i32
          %ne3A_326 = arith.cmpi ne, %rem3A_324, %ne3A_325 : i32
          %and3A_327 = arith.andi %ne3A_323, %ne3A_326 : i1
          %sub3A_328 = arith.constant 1 : i32
          %sub3A_329 = arith.subi %div3A_308, %sub3A_328 : i32
          %select_n3A_330 = arith.select %and3A_327, %sub3A_329, %div3A_308 : i32
          %mul3A_331 = arith.constant 52 : i32
          %mul3A_332 = arith.muli %select_n3A_330, %mul3A_331 : i32
          %sub3A_333 = arith.subi %add3A_306, %mul3A_332 : i32
          %add3A_334 = arith.constant 0 : i32
          %add3A_335 = arith.addi %add3A_334, %select_n3A_330 : i32
          %mul3A_336 = arith.constant 384 : i32
          %mul3A_337 = arith.muli %sub3A_333, %mul3A_336 : i32
          %dma_start3A_338 = arith.constant 0 : i32
          %dma_start3A_339 = arith.constant 0 : i32
          %dma_start3A_340 = tpu.memref_slice %arg2[%add3A_335, %dma_start3A_338, %dma_start3A_339, %mul3A_337] : memref<16x17x4x20000xf32, #tpu.memory_space<hbm>> -> memref<1x17x4x384xf32, #tpu.memory_space<hbm>>
          %dma_start3A_341 = tpu.memref_squeeze %dma_start3A_340 : memref<1x17x4x384xf32, #tpu.memory_space<hbm>> -> memref<17x4x384xf32, #tpu.memory_space<hbm>>
          %dma_start3A_342 = arith.constant 0 : i32
          %dma_start3A_343 = arith.constant 0 : i32
          %dma_start3A_344 = tpu.memref_slice %arg2[%add3A_335, %dma_start3A_342, %dma_start3A_343, %mul3A_337] : memref<16x17x4x20000xf32, #tpu.memory_space<hbm>> -> memref<1x17x4x384xf32, #tpu.memory_space<hbm>>
          %dma_start3A_345 = tpu.memref_squeeze %dma_start3A_344 : memref<1x17x4x384xf32, #tpu.memory_space<hbm>> -> memref<17x4x384xf32, #tpu.memory_space<hbm>>
          tpu.enqueue_dma source(%dma_start3A_345 : memref<17x4x384xf32, #tpu.memory_space<hbm>>) target(%arg4 : memref<17x4x384xf32, #tpu.memory_space<vmem>>) target_semaphore(%arg10 : memref<!tpu.dma_semaphore, #tpu.memory_space<semaphore_mem>>)
        } else {
        }
        %jit3A_270 = arith.constant 52 : i32
        %div3A_271 = arith.divsi %add3A_216, %jit3A_270 : i32
        %sign3A_272 = arith.constant 0 : i32
        %sign3A_273 = arith.cmpi sgt, %add3A_216, %sign3A_272 : i32
        %sign3A_274 = arith.extui %sign3A_273 : i1 to i32
        %sign3A_275 = arith.constant 0 : i32
        %sign3A_276 = arith.cmpi slt, %add3A_216, %sign3A_275 : i32
        %sign3A_277 = arith.extui %sign3A_276 : i1 to i32
        %sign3A_278 = arith.subi %sign3A_274, %sign3A_277 : i32
        %sign3A_279 = arith.constant 0 : i32
        %sign3A_280 = arith.cmpi sgt, %jit3A_270, %sign3A_279 : i32
        %sign3A_281 = arith.extui %sign3A_280 : i1 to i32
        %sign3A_282 = arith.constant 0 : i32
        %sign3A_283 = arith.cmpi slt, %jit3A_270, %sign3A_282 : i32
        %sign3A_284 = arith.extui %sign3A_283 : i1 to i32
        %sign3A_285 = arith.subi %sign3A_281, %sign3A_284 : i32
        %ne3A_286 = arith.cmpi ne, %sign3A_278, %sign3A_285 : i32
        %rem3A_287 = arith.remsi %add3A_216, %jit3A_270 : i32
        %ne3A_288 = arith.constant 0 : i32
        %ne3A_289 = arith.cmpi ne, %rem3A_287, %ne3A_288 : i32
        %and3A_290 = arith.andi %ne3A_286, %ne3A_289 : i1
        %sub3A_291 = arith.constant 1 : i32
        %sub3A_292 = arith.subi %div3A_271, %sub3A_291 : i32
        %select_n3A_293 = arith.select %and3A_290, %sub3A_292, %div3A_271 : i32
        %mul3A_294 = arith.constant 52 : i32
        %mul3A_295 = arith.muli %select_n3A_293, %mul3A_294 : i32
        %sub3A_296 = arith.subi %add3A_216, %mul3A_295 : i32
        %mul3A_297 = arith.constant 384 : i32
        %mul3A_298 = arith.muli %sub3A_296, %mul3A_297 : i32
        %dma_start3A_299 = arith.constant 0 : i32
        %dma_start3A_300 = tpu.memref_slice %arg3[%select_n3A_293, %dma_start3A_299, %mul3A_298] : memref<16x16x20000xf32, #tpu.memory_space<hbm>> -> memref<1x16x384xf32, #tpu.memory_space<hbm>>
        %dma_start3A_301 = tpu.memref_squeeze %dma_start3A_300 : memref<1x16x384xf32, #tpu.memory_space<hbm>> -> memref<16x384xf32, #tpu.memory_space<hbm>>
        %dma_start3A_302 = arith.constant 0 : i32
        %dma_start3A_303 = tpu.memref_slice %arg3[%select_n3A_293, %dma_start3A_302, %mul3A_298] : memref<16x16x20000xf32, #tpu.memory_space<hbm>> -> memref<1x16x384xf32, #tpu.memory_space<hbm>>
        %dma_start3A_304 = tpu.memref_squeeze %dma_start3A_303 : memref<1x16x384xf32, #tpu.memory_space<hbm>> -> memref<16x384xf32, #tpu.memory_space<hbm>>
        tpu.enqueue_dma source(%arg6 : memref<16x384xf32, #tpu.memory_space<vmem>>) target(%dma_start3A_304 : memref<16x384xf32, #tpu.memory_space<hbm>>) target_semaphore(%arg12 : memref<!tpu.dma_semaphore, #tpu.memory_space<semaphore_mem>>)
      } else {
      }
      %jit3A_195 = arith.constant 2 : i32
      %eq3A_196 = arith.constant 0 : i32
      %eq3A_197 = arith.cmpi eq, %jit3A_195, %eq3A_196 : i32
      %jit3A_198 = arith.constant 1 : i32
      %select_n3A_199 = arith.select %eq3A_197, %jit3A_198, %jit3A_195 : i32
      %rem3A_200 = arith.remsi %add3A_174, %select_n3A_199 : i32
      %ne3A_201 = arith.constant 0 : i32
      %ne3A_202 = arith.cmpi ne, %rem3A_200, %ne3A_201 : i32
      %lt3A_203 = arith.constant 0 : i32
      %lt3A_204 = arith.cmpi slt, %rem3A_200, %lt3A_203 : i32
      %lt3A_205 = arith.constant 0 : i32
      %lt3A_206 = arith.cmpi slt, %select_n3A_199, %lt3A_205 : i32
      %ne3A_207 = arith.xori %lt3A_204, %lt3A_206 : i1
      %and3A_208 = arith.andi %ne3A_207, %ne3A_202 : i1
      %add3A_209 = arith.addi %rem3A_200, %select_n3A_199 : i32
      %select_n3A_210 = arith.select %and3A_208, %add3A_209, %rem3A_200 : i32
      %eq3A_211 = arith.constant 1 : i32
      %eq3A_212 = arith.cmpi eq, %select_n3A_210, %eq3A_211 : i32
      %convert_element_type3A_213 = arith.extui %eq3A_212 : i1 to i32
      %cond3A_214 = arith.constant 0 : i32
      %cond3A_215 = arith.cmpi ne, %convert_element_type3A_213, %cond3A_214 : i32
      scf.if %cond3A_215 {
        %add3A_216 = arith.addi %add3A_4, %add3A_174 : i32
        %jit3A_217 = arith.constant 52 : i32
        %div3A_218 = arith.divsi %add3A_216, %jit3A_217 : i32
        %sign3A_219 = arith.constant 0 : i32
        %sign3A_220 = arith.cmpi sgt, %add3A_216, %sign3A_219 : i32
        %sign3A_221 = arith.extui %sign3A_220 : i1 to i32
        %sign3A_222 = arith.constant 0 : i32
        %sign3A_223 = arith.cmpi slt, %add3A_216, %sign3A_222 : i32
        %sign3A_224 = arith.extui %sign3A_223 : i1 to i32
        %sign3A_225 = arith.subi %sign3A_221, %sign3A_224 : i32
        %sign3A_226 = arith.constant 0 : i32
        %sign3A_227 = arith.cmpi sgt, %jit3A_217, %sign3A_226 : i32
        %sign3A_228 = arith.extui %sign3A_227 : i1 to i32
        %sign3A_229 = arith.constant 0 : i32
        %sign3A_230 = arith.cmpi slt, %jit3A_217, %sign3A_229 : i32
        %sign3A_231 = arith.extui %sign3A_230 : i1 to i32
        %sign3A_232 = arith.subi %sign3A_228, %sign3A_231 : i32
        %ne3A_233 = arith.cmpi ne, %sign3A_225, %sign3A_232 : i32
        %rem3A_234 = arith.remsi %add3A_216, %jit3A_217 : i32
        %ne3A_235 = arith.constant 0 : i32
        %ne3A_236 = arith.cmpi ne, %rem3A_234, %ne3A_235 : i32
        %and3A_237 = arith.andi %ne3A_233, %ne3A_236 : i1
        %sub3A_238 = arith.constant 1 : i32
        %sub3A_239 = arith.subi %div3A_218, %sub3A_238 : i32
        %select_n3A_240 = arith.select %and3A_237, %sub3A_239, %div3A_218 : i32
        %mul3A_241 = arith.constant 52 : i32
        %mul3A_242 = arith.muli %select_n3A_240, %mul3A_241 : i32
        %sub3A_243 = arith.subi %add3A_216, %mul3A_242 : i32
        %add3A_244 = arith.constant 0 : i32
        %add3A_245 = arith.addi %add3A_244, %select_n3A_240 : i32
        %mul3A_246 = arith.constant 384 : i32
        %mul3A_247 = arith.muli %sub3A_243, %mul3A_246 : i32
        %dma_wait3A_248 = arith.constant 0 : i32
        %dma_wait3A_249 = arith.constant 0 : i32
        %dma_wait3A_250 = tpu.memref_slice %arg2[%add3A_245, %dma_wait3A_248, %dma_wait3A_249, %mul3A_247] : memref<16x17x4x20000xf32, #tpu.memory_space<hbm>> -> memref<1x17x4x384xf32, #tpu.memory_space<hbm>>
        %dma_wait3A_251 = tpu.memref_squeeze %dma_wait3A_250 : memref<1x17x4x384xf32, #tpu.memory_space<hbm>> -> memref<17x4x384xf32, #tpu.memory_space<hbm>>
        %dma_wait3A_252 = arith.constant 0 : i32
        %dma_wait3A_253 = arith.constant 0 : i32
        %dma_wait3A_254 = tpu.memref_slice %arg2[%add3A_245, %dma_wait3A_252, %dma_wait3A_253, %mul3A_247] : memref<16x17x4x20000xf32, #tpu.memory_space<hbm>> -> memref<1x17x4x384xf32, #tpu.memory_space<hbm>>
        %dma_wait3A_255 = tpu.memref_squeeze %dma_wait3A_254 : memref<1x17x4x384xf32, #tpu.memory_space<hbm>> -> memref<17x4x384xf32, #tpu.memory_space<hbm>>
        tpu.wait_dma2 semaphore(%arg11 : memref<!tpu.dma_semaphore, #tpu.memory_space<semaphore_mem>>) src(%dma_wait3A_255 : memref<17x4x384xf32, #tpu.memory_space<hbm>>) dst(%arg5 : memref<17x4x384xf32, #tpu.memory_space<vmem>>)
        %ge3A = arith.constant 2 : i32
        %ge3A_256 = arith.cmpi sge, %add3A_174, %ge3A : i32
        %convert_element_type3A_257 = arith.extui %ge3A_256 : i1 to i32
        %cond3A_258 = arith.constant 0 : i32
        %cond3A_259 = arith.cmpi ne, %convert_element_type3A_257, %cond3A_258 : i32
        scf.if %cond3A_259 {
          %jit3A_305 = arith.constant 52 : i32
          %div3A_306 = arith.divsi %add3A_216, %jit3A_305 : i32
          %sign3A_307 = arith.constant 0 : i32
          %sign3A_308 = arith.cmpi sgt, %add3A_216, %sign3A_307 : i32
          %sign3A_309 = arith.extui %sign3A_308 : i1 to i32
          %sign3A_310 = arith.constant 0 : i32
          %sign3A_311 = arith.cmpi slt, %add3A_216, %sign3A_310 : i32
          %sign3A_312 = arith.extui %sign3A_311 : i1 to i32
          %sign3A_313 = arith.subi %sign3A_309, %sign3A_312 : i32
          %sign3A_314 = arith.constant 0 : i32
          %sign3A_315 = arith.cmpi sgt, %jit3A_305, %sign3A_314 : i32
          %sign3A_316 = arith.extui %sign3A_315 : i1 to i32
          %sign3A_317 = arith.constant 0 : i32
          %sign3A_318 = arith.cmpi slt, %jit3A_305, %sign3A_317 : i32
          %sign3A_319 = arith.extui %sign3A_318 : i1 to i32
          %sign3A_320 = arith.subi %sign3A_316, %sign3A_319 : i32
          %ne3A_321 = arith.cmpi ne, %sign3A_313, %sign3A_320 : i32
          %rem3A_322 = arith.remsi %add3A_216, %jit3A_305 : i32
          %ne3A_323 = arith.constant 0 : i32
          %ne3A_324 = arith.cmpi ne, %rem3A_322, %ne3A_323 : i32
          %and3A_325 = arith.andi %ne3A_321, %ne3A_324 : i1
          %sub3A_326 = arith.constant 1 : i32
          %sub3A_327 = arith.subi %div3A_306, %sub3A_326 : i32
          %select_n3A_328 = arith.select %and3A_325, %sub3A_327, %div3A_306 : i32
          %mul3A_329 = arith.constant 52 : i32
          %mul3A_330 = arith.muli %select_n3A_328, %mul3A_329 : i32
          %sub3A_331 = arith.subi %add3A_216, %mul3A_330 : i32
          %mul3A_332 = arith.constant 384 : i32
          %mul3A_333 = arith.muli %sub3A_331, %mul3A_332 : i32
          %dma_wait3A_334 = arith.constant 0 : i32
          %dma_wait3A_335 = tpu.memref_slice %arg3[%select_n3A_328, %dma_wait3A_334, %mul3A_333] : memref<16x16x20000xf32, #tpu.memory_space<hbm>> -> memref<1x16x384xf32, #tpu.memory_space<hbm>>
          %dma_wait3A_336 = tpu.memref_squeeze %dma_wait3A_335 : memref<1x16x384xf32, #tpu.memory_space<hbm>> -> memref<16x384xf32, #tpu.memory_space<hbm>>
          %dma_wait3A_337 = arith.constant 0 : i32
          %dma_wait3A_338 = tpu.memref_slice %arg3[%select_n3A_328, %dma_wait3A_337, %mul3A_333] : memref<16x16x20000xf32, #tpu.memory_space<hbm>> -> memref<1x16x384xf32, #tpu.memory_space<hbm>>
          %dma_wait3A_339 = tpu.memref_squeeze %dma_wait3A_338 : memref<1x16x384xf32, #tpu.memory_space<hbm>> -> memref<16x384xf32, #tpu.memory_space<hbm>>
          tpu.wait_dma2 semaphore(%arg13 : memref<!tpu.dma_semaphore, #tpu.memory_space<semaphore_mem>>) src(%arg7 : memref<16x384xf32, #tpu.memory_space<vmem>>) dst(%dma_wait3A_339 : memref<16x384xf32, #tpu.memory_space<hbm>>)
        } else {
        }
        %scan3A = arith.constant 0 : i32
        %scan3A_260 = arith.constant 24 : i32
        %scan3A_261 = arith.addi %scan3A, %scan3A_260 : i32
        %scan3A_262 = arith.constant 1 : i32
        scf.for %scan3A_305 = %scan3A to %scan3A_261 step %scan3A_262  : i32 {
          %mul3A_306 = arith.constant 1 : i32
          %mul3A_307 = arith.muli %scan3A_305, %mul3A_306 : i32
          %add3A_308 = arith.constant 0 : i32
          %add3A_309 = arith.addi %add3A_308, %mul3A_307 : i32
          %mul3A_310 = arith.constant 16 : i32
          %mul3A_311 = arith.muli %add3A_309, %mul3A_310 : i32
          %get3A = arith.constant 0 : i32
          %get3A_312 = arith.constant 0 : i32
          %get3A_313 = arith.index_cast %get3A : i32 to index
          %get3A_314 = arith.index_cast %get3A_312 : i32 to index
          %get3A_315 = arith.index_cast %mul3A_311 : i32 to index
          %get3A_316 = tpu.vector_load %arg5[%get3A_313, %get3A_314, %get3A_315] {strides = array<i32>} : memref<17x4x384xf32, #tpu.memory_space<vmem>>, vector<16xf32>,
          %get3A_317 = arith.constant 1 : i32
          %get3A_318 = arith.constant 0 : i32
          %get3A_319 = arith.index_cast %get3A_317 : i32 to index
          %get3A_320 = arith.index_cast %get3A_318 : i32 to index
          %get3A_321 = arith.index_cast %mul3A_311 : i32 to index
          %get3A_322 = tpu.vector_load %arg5[%get3A_319, %get3A_320, %get3A_321] {strides = array<i32>} : memref<17x4x384xf32, #tpu.memory_space<vmem>>, vector<16xf32>,
          %max3A = arith.maximumf %get3A_316, %get3A_322 : vector<16xf32>
          %min3A_323 = arith.minimumf %get3A_316, %get3A_322 : vector<16xf32>
          %get3A_324 = arith.constant 2 : i32
          %get3A_325 = arith.constant 0 : i32
          %get3A_326 = arith.index_cast %get3A_324 : i32 to index
          %get3A_327 = arith.index_cast %get3A_325 : i32 to index
          %get3A_328 = arith.index_cast %mul3A_311 : i32 to index
          %get3A_329 = tpu.vector_load %arg5[%get3A_326, %get3A_327, %get3A_328] {strides = array<i32>} : memref<17x4x384xf32, #tpu.memory_space<vmem>>, vector<16xf32>,
          %max3A_330 = arith.maximumf %max3A, %get3A_329 : vector<16xf32>
          %min3A_331 = arith.minimumf %max3A, %get3A_329 : vector<16xf32>
          %max3A_332 = arith.maximumf %min3A_323, %min3A_331 : vector<16xf32>
          %min3A_333 = arith.minimumf %min3A_323, %min3A_331 : vector<16xf32>
          %get3A_334 = arith.constant 3 : i32
          %get3A_335 = arith.constant 0 : i32
          %get3A_336 = arith.index_cast %get3A_334 : i32 to index
          %get3A_337 = arith.index_cast %get3A_335 : i32 to index
          %get3A_338 = arith.index_cast %mul3A_311 : i32 to index
          %get3A_339 = tpu.vector_load %arg5[%get3A_336, %get3A_337, %get3A_338] {strides = array<i32>} : memref<17x4x384xf32, #tpu.memory_space<vmem>>, vector<16xf32>,
          %max3A_340 = arith.maximumf %max3A_330, %get3A_339 : vector<16xf32>
          %min3A_341 = arith.minimumf %max3A_330, %get3A_339 : vector<16xf32>
          %max3A_342 = arith.maximumf %max3A_332, %min3A_341 : vector<16xf32>
          %min3A_343 = arith.minimumf %max3A_332, %min3A_341 : vector<16xf32>
          %max3A_344 = arith.maximumf %min3A_333, %min3A_343 : vector<16xf32>
          %min3A_345 = arith.minimumf %min3A_333, %min3A_343 : vector<16xf32>
          %get3A_346 = arith.constant 4 : i32
          %get3A_347 = arith.constant 0 : i32
          %get3A_348 = arith.index_cast %get3A_346 : i32 to index
          %get3A_349 = arith.index_cast %get3A_347 : i32 to index
          %get3A_350 = arith.index_cast %mul3A_311 : i32 to index
          %get3A_351 = tpu.vector_load %arg5[%get3A_348, %get3A_349, %get3A_350] {strides = array<i32>} : memref<17x4x384xf32, #tpu.memory_space<vmem>>, vector<16xf32>,
          %max3A_352 = arith.maximumf %max3A_340, %get3A_351 : vector<16xf32>
          %min3A_353 = arith.minimumf %max3A_340, %get3A_351 : vector<16xf32>
          %max3A_354 = arith.maximumf %max3A_342, %min3A_353 : vector<16xf32>
          %min3A_355 = arith.minimumf %max3A_342, %min3A_353 : vector<16xf32>
          %max3A_356 = arith.maximumf %max3A_344, %min3A_355 : vector<16xf32>
          %min3A_357 = arith.minimumf %max3A_344, %min3A_355 : vector<16xf32>
          %max3A_358 = arith.maximumf %min3A_345, %min3A_357 : vector<16xf32>
          %get3A_359 = arith.constant 5 : i32
          %get3A_360 = arith.constant 0 : i32
          %get3A_361 = arith.index_cast %get3A_359 : i32 to index
          %get3A_362 = arith.index_cast %get3A_360 : i32 to index
          %get3A_363 = arith.index_cast %mul3A_311 : i32 to index
          %get3A_364 = tpu.vector_load %arg5[%get3A_361, %get3A_362, %get3A_363] {strides = array<i32>} : memref<17x4x384xf32, #tpu.memory_space<vmem>>, vector<16xf32>,
          %max3A_365 = arith.maximumf %max3A_352, %get3A_364 : vector<16xf32>
          %min3A_366 = arith.minimumf %max3A_352, %get3A_364 : vector<16xf32>
          %max3A_367 = arith.maximumf %max3A_354, %min3A_366 : vector<16xf32>
          %min3A_368 = arith.minimumf %max3A_354, %min3A_366 : vector<16xf32>
          %max3A_369 = arith.maximumf %max3A_356, %min3A_368 : vector<16xf32>
          %min3A_370 = arith.minimumf %max3A_356, %min3A_368 : vector<16xf32>
          %max3A_371 = arith.maximumf %max3A_358, %min3A_370 : vector<16xf32>
          %get3A_372 = arith.constant 6 : i32
          %get3A_373 = arith.constant 0 : i32
          %get3A_374 = arith.index_cast %get3A_372 : i32 to index
          %get3A_375 = arith.index_cast %get3A_373 : i32 to index
          %get3A_376 = arith.index_cast %mul3A_311 : i32 to index
          %get3A_377 = tpu.vector_load %arg5[%get3A_374, %get3A_375, %get3A_376] {strides = array<i32>} : memref<17x4x384xf32, #tpu.memory_space<vmem>>, vector<16xf32>,
          %max3A_378 = arith.maximumf %max3A_365, %get3A_377 : vector<16xf32>
          %min3A_379 = arith.minimumf %max3A_365, %get3A_377 : vector<16xf32>
          %max3A_380 = arith.maximumf %max3A_367, %min3A_379 : vector<16xf32>
          %min3A_381 = arith.minimumf %max3A_367, %min3A_379 : vector<16xf32>
          %max3A_382 = arith.maximumf %max3A_369, %min3A_381 : vector<16xf32>
          %min3A_383 = arith.minimumf %max3A_369, %min3A_381 : vector<16xf32>
          %max3A_384 = arith.maximumf %max3A_371, %min3A_383 : vector<16xf32>
          %get3A_385 = arith.constant 7 : i32
          %get3A_386 = arith.constant 0 : i32
          %get3A_387 = arith.index_cast %get3A_385 : i32 to index
          %get3A_388 = arith.index_cast %get3A_386 : i32 to index
          %get3A_389 = arith.index_cast %mul3A_311 : i32 to index
          %get3A_390 = tpu.vector_load %arg5[%get3A_387, %get3A_388, %get3A_389] {strides = array<i32>} : memref<17x4x384xf32, #tpu.memory_space<vmem>>, vector<16xf32>,
          %max3A_391 = arith.maximumf %max3A_378, %get3A_390 : vector<16xf32>
          %min3A_392 = arith.minimumf %max3A_378, %get3A_390 : vector<16xf32>
          %max3A_393 = arith.maximumf %max3A_380, %min3A_392 : vector<16xf32>
          %min3A_394 = arith.minimumf %max3A_380, %min3A_392 : vector<16xf32>
          %max3A_395 = arith.maximumf %max3A_382, %min3A_394 : vector<16xf32>
          %min3A_396 = arith.minimumf %max3A_382, %min3A_394 : vector<16xf32>
          %max3A_397 = arith.maximumf %max3A_384, %min3A_396 : vector<16xf32>
          %get3A_398 = arith.constant 8 : i32
          %get3A_399 = arith.constant 0 : i32
          %get3A_400 = arith.index_cast %get3A_398 : i32 to index
          %get3A_401 = arith.index_cast %get3A_399 : i32 to index
          %get3A_402 = arith.index_cast %mul3A_311 : i32 to index
          %get3A_403 = tpu.vector_load %arg5[%get3A_400, %get3A_401, %get3A_402] {strides = array<i32>} : memref<17x4x384xf32, #tpu.memory_space<vmem>>, vector<16xf32>,
          %max3A_404 = arith.maximumf %max3A_391, %get3A_403 : vector<16xf32>
          %min3A_405 = arith.minimumf %max3A_391, %get3A_403 : vector<16xf32>
          %max3A_406 = arith.maximumf %max3A_393, %min3A_405 : vector<16xf32>
          %min3A_407 = arith.minimumf %max3A_393, %min3A_405 : vector<16xf32>
          %max3A_408 = arith.maximumf %max3A_395, %min3A_407 : vector<16xf32>
          %min3A_409 = arith.minimumf %max3A_395, %min3A_407 : vector<16xf32>
          %max3A_410 = arith.maximumf %max3A_397, %min3A_409 : vector<16xf32>
          %get3A_411 = arith.constant 9 : i32
          %get3A_412 = arith.constant 0 : i32
          %get3A_413 = arith.index_cast %get3A_411 : i32 to index
          %get3A_414 = arith.index_cast %get3A_412 : i32 to index
          %get3A_415 = arith.index_cast %mul3A_311 : i32 to index
          %get3A_416 = tpu.vector_load %arg5[%get3A_413, %get3A_414, %get3A_415] {strides = array<i32>} : memref<17x4x384xf32, #tpu.memory_space<vmem>>, vector<16xf32>,
          %max3A_417 = arith.maximumf %max3A_404, %get3A_416 : vector<16xf32>
          %min3A_418 = arith.minimumf %max3A_404, %get3A_416 : vector<16xf32>
          %max3A_419 = arith.maximumf %max3A_406, %min3A_418 : vector<16xf32>
          %min3A_420 = arith.minimumf %max3A_406, %min3A_418 : vector<16xf32>
          %max3A_421 = arith.maximumf %max3A_408, %min3A_420 : vector<16xf32>
          %min3A_422 = arith.minimumf %max3A_408, %min3A_420 : vector<16xf32>
          %max3A_423 = arith.maximumf %max3A_410, %min3A_422 : vector<16xf32>
          %get3A_424 = arith.constant 10 : i32
          %get3A_425 = arith.constant 0 : i32
          %get3A_426 = arith.index_cast %get3A_424 : i32 to index
          %get3A_427 = arith.index_cast %get3A_425 : i32 to index
          %get3A_428 = arith.index_cast %mul3A_311 : i32 to index
          %get3A_429 = tpu.vector_load %arg5[%get3A_426, %get3A_427, %get3A_428] {strides = array<i32>} : memref<17x4x384xf32, #tpu.memory_space<vmem>>, vector<16xf32>,
          %max3A_430 = arith.maximumf %max3A_417, %get3A_429 : vector<16xf32>
          %min3A_431 = arith.minimumf %max3A_417, %get3A_429 : vector<16xf32>
          %max3A_432 = arith.maximumf %max3A_419, %min3A_431 : vector<16xf32>
          %min3A_433 = arith.minimumf %max3A_419, %min3A_431 : vector<16xf32>
          %max3A_434 = arith.maximumf %max3A_421, %min3A_433 : vector<16xf32>
          %min3A_435 = arith.minimumf %max3A_421, %min3A_433 : vector<16xf32>
          %max3A_436 = arith.maximumf %max3A_423, %min3A_435 : vector<16xf32>
          %get3A_437 = arith.constant 11 : i32
          %get3A_438 = arith.constant 0 : i32
          %get3A_439 = arith.index_cast %get3A_437 : i32 to index
          %get3A_440 = arith.index_cast %get3A_438 : i32 to index
          %get3A_441 = arith.index_cast %mul3A_311 : i32 to index
          %get3A_442 = tpu.vector_load %arg5[%get3A_439, %get3A_440, %get3A_441] {strides = array<i32>} : memref<17x4x384xf32, #tpu.memory_space<vmem>>, vector<16xf32>,
          %max3A_443 = arith.maximumf %max3A_430, %get3A_442 : vector<16xf32>
          %min3A_444 = arith.minimumf %max3A_430, %get3A_442 : vector<16xf32>
          %max3A_445 = arith.maximumf %max3A_432, %min3A_444 : vector<16xf32>
          %min3A_446 = arith.minimumf %max3A_432, %min3A_444 : vector<16xf32>
          %max3A_447 = arith.maximumf %max3A_434, %min3A_446 : vector<16xf32>
          %min3A_448 = arith.minimumf %max3A_434, %min3A_446 : vector<16xf32>
          %max3A_449 = arith.maximumf %max3A_436, %min3A_448 : vector<16xf32>
          %get3A_450 = arith.constant 12 : i32
          %get3A_451 = arith.constant 0 : i32
          %get3A_452 = arith.index_cast %get3A_450 : i32 to index
          %get3A_453 = arith.index_cast %get3A_451 : i32 to index
          %get3A_454 = arith.index_cast %mul3A_311 : i32 to index
          %get3A_455 = tpu.vector_load %arg5[%get3A_452, %get3A_453, %get3A_454] {strides = array<i32>} : memref<17x4x384xf32, #tpu.memory_space<vmem>>, vector<16xf32>,
          %max3A_456 = arith.maximumf %max3A_443, %get3A_455 : vector<16xf32>
          %min3A_457 = arith.minimumf %max3A_443, %get3A_455 : vector<16xf32>
          %max3A_458 = arith.maximumf %max3A_445, %min3A_457 : vector<16xf32>
          %min3A_459 = arith.minimumf %max3A_445, %min3A_457 : vector<16xf32>
          %max3A_460 = arith.maximumf %max3A_447, %min3A_459 : vector<16xf32>
          %min3A_461 = arith.minimumf %max3A_447, %min3A_459 : vector<16xf32>
          %max3A_462 = arith.maximumf %max3A_449, %min3A_461 : vector<16xf32>
          %get3A_463 = arith.constant 13 : i32
          %get3A_464 = arith.constant 0 : i32
          %get3A_465 = arith.index_cast %get3A_463 : i32 to index
          %get3A_466 = arith.index_cast %get3A_464 : i32 to index
          %get3A_467 = arith.index_cast %mul3A_311 : i32 to index
          %get3A_468 = tpu.vector_load %arg5[%get3A_465, %get3A_466, %get3A_467] {strides = array<i32>} : memref<17x4x384xf32, #tpu.memory_space<vmem>>, vector<16xf32>,
          %max3A_469 = arith.maximumf %max3A_456, %get3A_468 : vector<16xf32>
          %min3A_470 = arith.minimumf %max3A_456, %get3A_468 : vector<16xf32>
          %max3A_471 = arith.maximumf %max3A_458, %min3A_470 : vector<16xf32>
          %min3A_472 = arith.minimumf %max3A_458, %min3A_470 : vector<16xf32>
          %max3A_473 = arith.maximumf %max3A_460, %min3A_472 : vector<16xf32>
          %min3A_474 = arith.minimumf %max3A_460, %min3A_472 : vector<16xf32>
          %max3A_475 = arith.maximumf %max3A_462, %min3A_474 : vector<16xf32>
          %get3A_476 = arith.constant 14 : i32
          %get3A_477 = arith.constant 0 : i32
          %get3A_478 = arith.index_cast %get3A_476 : i32 to index
          %get3A_479 = arith.index_cast %get3A_477 : i32 to index
          %get3A_480 = arith.index_cast %mul3A_311 : i32 to index
          %get3A_481 = tpu.vector_load %arg5[%get3A_478, %get3A_479, %get3A_480] {strides = array<i32>} : memref<17x4x384xf32, #tpu.memory_space<vmem>>, vector<16xf32>,
          %max3A_482 = arith.maximumf %max3A_469, %get3A_481 : vector<16xf32>
          %min3A_483 = arith.minimumf %max3A_469, %get3A_481 : vector<16xf32>
          %max3A_484 = arith.maximumf %max3A_471, %min3A_483 : vector<16xf32>
          %min3A_485 = arith.minimumf %max3A_471, %min3A_483 : vector<16xf32>
          %max3A_486 = arith.maximumf %max3A_473, %min3A_485 : vector<16xf32>
          %min3A_487 = arith.minimumf %max3A_473, %min3A_485 : vector<16xf32>
          %max3A_488 = arith.maximumf %max3A_475, %min3A_487 : vector<16xf32>
          %get3A_489 = arith.constant 15 : i32
          %get3A_490 = arith.constant 0 : i32
          %get3A_491 = arith.index_cast %get3A_489 : i32 to index
          %get3A_492 = arith.index_cast %get3A_490 : i32 to index
          %get3A_493 = arith.index_cast %mul3A_311 : i32 to index
          %get3A_494 = tpu.vector_load %arg5[%get3A_491, %get3A_492, %get3A_493] {strides = array<i32>} : memref<17x4x384xf32, #tpu.memory_space<vmem>>, vector<16xf32>,
          %max3A_495 = arith.maximumf %max3A_482, %get3A_494 : vector<16xf32>
          %min3A_496 = arith.minimumf %max3A_482, %get3A_494 : vector<16xf32>
          %max3A_497 = arith.maximumf %max3A_484, %min3A_496 : vector<16xf32>
          %min3A_498 = arith.minimumf %max3A_484, %min3A_496 : vector<16xf32>
          %max3A_499 = arith.maximumf %max3A_486, %min3A_498 : vector<16xf32>
          %min3A_500 = arith.minimumf %max3A_486, %min3A_498 : vector<16xf32>
          %max3A_501 = arith.maximumf %max3A_488, %min3A_500 : vector<16xf32>
          %get3A_502 = arith.constant 16 : i32
          %get3A_503 = arith.constant 0 : i32
          %get3A_504 = arith.index_cast %get3A_502 : i32 to index
          %get3A_505 = arith.index_cast %get3A_503 : i32 to index
          %get3A_506 = arith.index_cast %mul3A_311 : i32 to index
          %get3A_507 = tpu.vector_load %arg5[%get3A_504, %get3A_505, %get3A_506] {strides = array<i32>} : memref<17x4x384xf32, #tpu.memory_space<vmem>>, vector<16xf32>,
          %max3A_508 = arith.maximumf %max3A_495, %get3A_507 : vector<16xf32>
          %min3A_509 = arith.minimumf %max3A_495, %get3A_507 : vector<16xf32>
          %max3A_510 = arith.maximumf %max3A_497, %min3A_509 : vector<16xf32>
          %min3A_511 = arith.minimumf %max3A_497, %min3A_509 : vector<16xf32>
          %max3A_512 = arith.maximumf %max3A_499, %min3A_511 : vector<16xf32>
          %min3A_513 = arith.minimumf %max3A_499, %min3A_511 : vector<16xf32>
          %max3A_514 = arith.maximumf %max3A_501, %min3A_513 : vector<16xf32>
          %swap3A = arith.constant 0 : i32
          %swap3A_515 = arith.index_cast %swap3A : i32 to index
          %swap3A_516 = arith.index_cast %mul3A_311 : i32 to index
          %swap3A_517 = tpu.vector_load %arg7[%swap3A_515, %swap3A_516] {strides = array<i32>} : memref<16x384xf32, #tpu.memory_space<vmem>>, vector<16xf32>,
          tpu.vector_store %arg7[%swap3A_515, %swap3A_516], %max3A_508 {strides = array<i32>} : memref<16x384xf32, #tpu.memory_space<vmem>>, vector<16xf32>,
          %swap3A_518 = arith.constant 1 : i32
          %swap3A_519 = arith.index_cast %swap3A_518 : i32 to index
          %swap3A_520 = arith.index_cast %mul3A_311 : i32 to index
          %swap3A_521 = tpu.vector_load %arg7[%swap3A_519, %swap3A_520] {strides = array<i32>} : memref<16x384xf32, #tpu.memory_space<vmem>>, vector<16xf32>,
          tpu.vector_store %arg7[%swap3A_519, %swap3A_520], %max3A_510 {strides = array<i32>} : memref<16x384xf32, #tpu.memory_space<vmem>>, vector<16xf32>,
          %swap3A_522 = arith.constant 2 : i32
          %swap3A_523 = arith.index_cast %swap3A_522 : i32 to index
          %swap3A_524 = arith.index_cast %mul3A_311 : i32 to index
          %swap3A_525 = tpu.vector_load %arg7[%swap3A_523, %swap3A_524] {strides = array<i32>} : memref<16x384xf32, #tpu.memory_space<vmem>>, vector<16xf32>,
          tpu.vector_store %arg7[%swap3A_523, %swap3A_524], %max3A_512 {strides = array<i32>} : memref<16x384xf32, #tpu.memory_space<vmem>>, vector<16xf32>,
          %swap3A_526 = arith.constant 3 : i32
          %swap3A_527 = arith.index_cast %swap3A_526 : i32 to index
          %swap3A_528 = arith.index_cast %mul3A_311 : i32 to index
          %swap3A_529 = tpu.vector_load %arg7[%swap3A_527, %swap3A_528] {strides = array<i32>} : memref<16x384xf32, #tpu.memory_space<vmem>>, vector<16xf32>,
          tpu.vector_store %arg7[%swap3A_527, %swap3A_528], %max3A_514 {strides = array<i32>} : memref<16x384xf32, #tpu.memory_space<vmem>>, vector<16xf32>,
          %get3A_530 = arith.constant 0 : i32
          %get3A_531 = arith.constant 1 : i32
          %get3A_532 = arith.index_cast %get3A_530 : i32 to index
          %get3A_533 = arith.index_cast %get3A_531 : i32 to index
          %get3A_534 = arith.index_cast %mul3A_311 : i32 to index
          %get3A_535 = tpu.vector_load %arg5[%get3A_532, %get3A_533, %get3A_534] {strides = array<i32>} : memref<17x4x384xf32, #tpu.memory_space<vmem>>, vector<16xf32>,
          %get3A_536 = arith.constant 1 : i32
          %get3A_537 = arith.constant 1 : i32
          %get3A_538 = arith.index_cast %get3A_536 : i32 to index
          %get3A_539 = arith.index_cast %get3A_537 : i32 to index
          %get3A_540 = arith.index_cast %mul3A_311 : i32 to index
          %get3A_541 = tpu.vector_load %arg5[%get3A_538, %get3A_539, %get3A_540] {strides = array<i32>} : memref<17x4x384xf32, #tpu.memory_space<vmem>>, vector<16xf32>,
          %max3A_542 = arith.maximumf %get3A_535, %get3A_541 : vector<16xf32>
          %min3A_543 = arith.minimumf %get3A_535, %get3A_541 : vector<16xf32>
          %get3A_544 = arith.constant 2 : i32
          %get3A_545 = arith.constant 1 : i32
          %get3A_546 = arith.index_cast %get3A_544 : i32 to index
          %get3A_547 = arith.index_cast %get3A_545 : i32 to index
          %get3A_548 = arith.index_cast %mul3A_311 : i32 to index
          %get3A_549 = tpu.vector_load %arg5[%get3A_546, %get3A_547, %get3A_548] {strides = array<i32>} : memref<17x4x384xf32, #tpu.memory_space<vmem>>, vector<16xf32>,
          %max3A_550 = arith.maximumf %max3A_542, %get3A_549 : vector<16xf32>
          %min3A_551 = arith.minimumf %max3A_542, %get3A_549 : vector<16xf32>
          %max3A_552 = arith.maximumf %min3A_543, %min3A_551 : vector<16xf32>
          %min3A_553 = arith.minimumf %min3A_543, %min3A_551 : vector<16xf32>
          %get3A_554 = arith.constant 3 : i32
          %get3A_555 = arith.constant 1 : i32
          %get3A_556 = arith.index_cast %get3A_554 : i32 to index
          %get3A_557 = arith.index_cast %get3A_555 : i32 to index
          %get3A_558 = arith.index_cast %mul3A_311 : i32 to index
          %get3A_559 = tpu.vector_load %arg5[%get3A_556, %get3A_557, %get3A_558] {strides = array<i32>} : memref<17x4x384xf32, #tpu.memory_space<vmem>>, vector<16xf32>,
          %max3A_560 = arith.maximumf %max3A_550, %get3A_559 : vector<16xf32>
          %min3A_561 = arith.minimumf %max3A_550, %get3A_559 : vector<16xf32>
          %max3A_562 = arith.maximumf %max3A_552, %min3A_561 : vector<16xf32>
          %min3A_563 = arith.minimumf %max3A_552, %min3A_561 : vector<16xf32>
          %max3A_564 = arith.maximumf %min3A_553, %min3A_563 : vector<16xf32>
          %min3A_565 = arith.minimumf %min3A_553, %min3A_563 : vector<16xf32>
          %get3A_566 = arith.constant 4 : i32
          %get3A_567 = arith.constant 1 : i32
          %get3A_568 = arith.index_cast %get3A_566 : i32 to index
          %get3A_569 = arith.index_cast %get3A_567 : i32 to index
          %get3A_570 = arith.index_cast %mul3A_311 : i32 to index
          %get3A_571 = tpu.vector_load %arg5[%get3A_568, %get3A_569, %get3A_570] {strides = array<i32>} : memref<17x4x384xf32, #tpu.memory_space<vmem>>, vector<16xf32>,
          %max3A_572 = arith.maximumf %max3A_560, %get3A_571 : vector<16xf32>
          %min3A_573 = arith.minimumf %max3A_560, %get3A_571 : vector<16xf32>
          %max3A_574 = arith.maximumf %max3A_562, %min3A_573 : vector<16xf32>
          %min3A_575 = arith.minimumf %max3A_562, %min3A_573 : vector<16xf32>
          %max3A_576 = arith.maximumf %max3A_564, %min3A_575 : vector<16xf32>
          %min3A_577 = arith.minimumf %max3A_564, %min3A_575 : vector<16xf32>
          %max3A_578 = arith.maximumf %min3A_565, %min3A_577 : vector<16xf32>
          %get3A_579 = arith.constant 5 : i32
          %get3A_580 = arith.constant 1 : i32
          %get3A_581 = arith.index_cast %get3A_579 : i32 to index
          %get3A_582 = arith.index_cast %get3A_580 : i32 to index
          %get3A_583 = arith.index_cast %mul3A_311 : i32 to index
          %get3A_584 = tpu.vector_load %arg5[%get3A_581, %get3A_582, %get3A_583] {strides = array<i32>} : memref<17x4x384xf32, #tpu.memory_space<vmem>>, vector<16xf32>,
          %max3A_585 = arith.maximumf %max3A_572, %get3A_584 : vector<16xf32>
          %min3A_586 = arith.minimumf %max3A_572, %get3A_584 : vector<16xf32>
          %max3A_587 = arith.maximumf %max3A_574, %min3A_586 : vector<16xf32>
          %min3A_588 = arith.minimumf %max3A_574, %min3A_586 : vector<16xf32>
          %max3A_589 = arith.maximumf %max3A_576, %min3A_588 : vector<16xf32>
          %min3A_590 = arith.minimumf %max3A_576, %min3A_588 : vector<16xf32>
          %max3A_591 = arith.maximumf %max3A_578, %min3A_590 : vector<16xf32>
          %get3A_592 = arith.constant 6 : i32
          %get3A_593 = arith.constant 1 : i32
          %get3A_594 = arith.index_cast %get3A_592 : i32 to index
          %get3A_595 = arith.index_cast %get3A_593 : i32 to index
          %get3A_596 = arith.index_cast %mul3A_311 : i32 to index
          %get3A_597 = tpu.vector_load %arg5[%get3A_594, %get3A_595, %get3A_596] {strides = array<i32>} : memref<17x4x384xf32, #tpu.memory_space<vmem>>, vector<16xf32>,
          %max3A_598 = arith.maximumf %max3A_585, %get3A_597 : vector<16xf32>
          %min3A_599 = arith.minimumf %max3A_585, %get3A_597 : vector<16xf32>
          %max3A_600 = arith.maximumf %max3A_587, %min3A_599 : vector<16xf32>
          %min3A_601 = arith.minimumf %max3A_587, %min3A_599 : vector<16xf32>
          %max3A_602 = arith.maximumf %max3A_589, %min3A_601 : vector<16xf32>
          %min3A_603 = arith.minimumf %max3A_589, %min3A_601 : vector<16xf32>
          %max3A_604 = arith.maximumf %max3A_591, %min3A_603 : vector<16xf32>
          %get3A_605 = arith.constant 7 : i32
          %get3A_606 = arith.constant 1 : i32
          %get3A_607 = arith.index_cast %get3A_605 : i32 to index
          %get3A_608 = arith.index_cast %get3A_606 : i32 to index
          %get3A_609 = arith.index_cast %mul3A_311 : i32 to index
          %get3A_610 = tpu.vector_load %arg5[%get3A_607, %get3A_608, %get3A_609] {strides = array<i32>} : memref<17x4x384xf32, #tpu.memory_space<vmem>>, vector<16xf32>,
          %max3A_611 = arith.maximumf %max3A_598, %get3A_610 : vector<16xf32>
          %min3A_612 = arith.minimumf %max3A_598, %get3A_610 : vector<16xf32>
          %max3A_613 = arith.maximumf %max3A_600, %min3A_612 : vector<16xf32>
          %min3A_614 = arith.minimumf %max3A_600, %min3A_612 : vector<16xf32>
          %max3A_615 = arith.maximumf %max3A_602, %min3A_614 : vector<16xf32>
          %min3A_616 = arith.minimumf %max3A_602, %min3A_614 : vector<16xf32>
          %max3A_617 = arith.maximumf %max3A_604, %min3A_616 : vector<16xf32>
          %get3A_618 = arith.constant 8 : i32
          %get3A_619 = arith.constant 1 : i32
          %get3A_620 = arith.index_cast %get3A_618 : i32 to index
          %get3A_621 = arith.index_cast %get3A_619 : i32 to index
          %get3A_622 = arith.index_cast %mul3A_311 : i32 to index
          %get3A_623 = tpu.vector_load %arg5[%get3A_620, %get3A_621, %get3A_622] {strides = array<i32>} : memref<17x4x384xf32, #tpu.memory_space<vmem>>, vector<16xf32>,
          %max3A_624 = arith.maximumf %max3A_611, %get3A_623 : vector<16xf32>
          %min3A_625 = arith.minimumf %max3A_611, %get3A_623 : vector<16xf32>
          %max3A_626 = arith.maximumf %max3A_613, %min3A_625 : vector<16xf32>
          %min3A_627 = arith.minimumf %max3A_613, %min3A_625 : vector<16xf32>
          %max3A_628 = arith.maximumf %max3A_615, %min3A_627 : vector<16xf32>
          %min3A_629 = arith.minimumf %max3A_615, %min3A_627 : vector<16xf32>
          %max3A_630 = arith.maximumf %max3A_617, %min3A_629 : vector<16xf32>
          %get3A_631 = arith.constant 9 : i32
          %get3A_632 = arith.constant 1 : i32
          %get3A_633 = arith.index_cast %get3A_631 : i32 to index
          %get3A_634 = arith.index_cast %get3A_632 : i32 to index
          %get3A_635 = arith.index_cast %mul3A_311 : i32 to index
          %get3A_636 = tpu.vector_load %arg5[%get3A_633, %get3A_634, %get3A_635] {strides = array<i32>} : memref<17x4x384xf32, #tpu.memory_space<vmem>>, vector<16xf32>,
          %max3A_637 = arith.maximumf %max3A_624, %get3A_636 : vector<16xf32>
          %min3A_638 = arith.minimumf %max3A_624, %get3A_636 : vector<16xf32>
          %max3A_639 = arith.maximumf %max3A_626, %min3A_638 : vector<16xf32>
          %min3A_640 = arith.minimumf %max3A_626, %min3A_638 : vector<16xf32>
          %max3A_641 = arith.maximumf %max3A_628, %min3A_640 : vector<16xf32>
          %min3A_642 = arith.minimumf %max3A_628, %min3A_640 : vector<16xf32>
          %max3A_643 = arith.maximumf %max3A_630, %min3A_642 : vector<16xf32>
          %get3A_644 = arith.constant 10 : i32
          %get3A_645 = arith.constant 1 : i32
          %get3A_646 = arith.index_cast %get3A_644 : i32 to index
          %get3A_647 = arith.index_cast %get3A_645 : i32 to index
          %get3A_648 = arith.index_cast %mul3A_311 : i32 to index
          %get3A_649 = tpu.vector_load %arg5[%get3A_646, %get3A_647, %get3A_648] {strides = array<i32>} : memref<17x4x384xf32, #tpu.memory_space<vmem>>, vector<16xf32>,
          %max3A_650 = arith.maximumf %max3A_637, %get3A_649 : vector<16xf32>
          %min3A_651 = arith.minimumf %max3A_637, %get3A_649 : vector<16xf32>
          %max3A_652 = arith.maximumf %max3A_639, %min3A_651 : vector<16xf32>
          %min3A_653 = arith.minimumf %max3A_639, %min3A_651 : vector<16xf32>
          %max3A_654 = arith.maximumf %max3A_641, %min3A_653 : vector<16xf32>
          %min3A_655 = arith.minimumf %max3A_641, %min3A_653 : vector<16xf32>
          %max3A_656 = arith.maximumf %max3A_643, %min3A_655 : vector<16xf32>
          %get3A_657 = arith.constant 11 : i32
          %get3A_658 = arith.constant 1 : i32
          %get3A_659 = arith.index_cast %get3A_657 : i32 to index
          %get3A_660 = arith.index_cast %get3A_658 : i32 to index
          %get3A_661 = arith.index_cast %mul3A_311 : i32 to index
          %get3A_662 = tpu.vector_load %arg5[%get3A_659, %get3A_660, %get3A_661] {strides = array<i32>} : memref<17x4x384xf32, #tpu.memory_space<vmem>>, vector<16xf32>,
          %max3A_663 = arith.maximumf %max3A_650, %get3A_662 : vector<16xf32>
          %min3A_664 = arith.minimumf %max3A_650, %get3A_662 : vector<16xf32>
          %max3A_665 = arith.maximumf %max3A_652, %min3A_664 : vector<16xf32>
          %min3A_666 = arith.minimumf %max3A_652, %min3A_664 : vector<16xf32>
          %max3A_667 = arith.maximumf %max3A_654, %min3A_666 : vector<16xf32>
          %min3A_668 = arith.minimumf %max3A_654, %min3A_666 : vector<16xf32>
          %max3A_669 = arith.maximumf %max3A_656, %min3A_668 : vector<16xf32>
          %get3A_670 = arith.constant 12 : i32
          %get3A_671 = arith.constant 1 : i32
          %get3A_672 = arith.index_cast %get3A_670 : i32 to index
          %get3A_673 = arith.index_cast %get3A_671 : i32 to index
          %get3A_674 = arith.index_cast %mul3A_311 : i32 to index
          %get3A_675 = tpu.vector_load %arg5[%get3A_672, %get3A_673, %get3A_674] {strides = array<i32>} : memref<17x4x384xf32, #tpu.memory_space<vmem>>, vector<16xf32>,
          %max3A_676 = arith.maximumf %max3A_663, %get3A_675 : vector<16xf32>
          %min3A_677 = arith.minimumf %max3A_663, %get3A_675 : vector<16xf32>
          %max3A_678 = arith.maximumf %max3A_665, %min3A_677 : vector<16xf32>
          %min3A_679 = arith.minimumf %max3A_665, %min3A_677 : vector<16xf32>
          %max3A_680 = arith.maximumf %max3A_667, %min3A_679 : vector<16xf32>
          %min3A_681 = arith.minimumf %max3A_667, %min3A_679 : vector<16xf32>
          %max3A_682 = arith.maximumf %max3A_669, %min3A_681 : vector<16xf32>
          %get3A_683 = arith.constant 13 : i32
          %get3A_684 = arith.constant 1 : i32
          %get3A_685 = arith.index_cast %get3A_683 : i32 to index
          %get3A_686 = arith.index_cast %get3A_684 : i32 to index
          %get3A_687 = arith.index_cast %mul3A_311 : i32 to index
          %get3A_688 = tpu.vector_load %arg5[%get3A_685, %get3A_686, %get3A_687] {strides = array<i32>} : memref<17x4x384xf32, #tpu.memory_space<vmem>>, vector<16xf32>,
          %max3A_689 = arith.maximumf %max3A_676, %get3A_688 : vector<16xf32>
          %min3A_690 = arith.minimumf %max3A_676, %get3A_688 : vector<16xf32>
          %max3A_691 = arith.maximumf %max3A_678, %min3A_690 : vector<16xf32>
          %min3A_692 = arith.minimumf %max3A_678, %min3A_690 : vector<16xf32>
          %max3A_693 = arith.maximumf %max3A_680, %min3A_692 : vector<16xf32>
          %min3A_694 = arith.minimumf %max3A_680, %min3A_692 : vector<16xf32>
          %max3A_695 = arith.maximumf %max3A_682, %min3A_694 : vector<16xf32>
          %get3A_696 = arith.constant 14 : i32
          %get3A_697 = arith.constant 1 : i32
          %get3A_698 = arith.index_cast %get3A_696 : i32 to index
          %get3A_699 = arith.index_cast %get3A_697 : i32 to index
          %get3A_700 = arith.index_cast %mul3A_311 : i32 to index
          %get3A_701 = tpu.vector_load %arg5[%get3A_698, %get3A_699, %get3A_700] {strides = array<i32>} : memref<17x4x384xf32, #tpu.memory_space<vmem>>, vector<16xf32>,
          %max3A_702 = arith.maximumf %max3A_689, %get3A_701 : vector<16xf32>
          %min3A_703 = arith.minimumf %max3A_689, %get3A_701 : vector<16xf32>
          %max3A_704 = arith.maximumf %max3A_691, %min3A_703 : vector<16xf32>
          %min3A_705 = arith.minimumf %max3A_691, %min3A_703 : vector<16xf32>
          %max3A_706 = arith.maximumf %max3A_693, %min3A_705 : vector<16xf32>
          %min3A_707 = arith.minimumf %max3A_693, %min3A_705 : vector<16xf32>
          %max3A_708 = arith.maximumf %max3A_695, %min3A_707 : vector<16xf32>
          %get3A_709 = arith.constant 15 : i32
          %get3A_710 = arith.constant 1 : i32
          %get3A_711 = arith.index_cast %get3A_709 : i32 to index
          %get3A_712 = arith.index_cast %get3A_710 : i32 to index
          %get3A_713 = arith.index_cast %mul3A_311 : i32 to index
          %get3A_714 = tpu.vector_load %arg5[%get3A_711, %get3A_712, %get3A_713] {strides = array<i32>} : memref<17x4x384xf32, #tpu.memory_space<vmem>>, vector<16xf32>,
          %max3A_715 = arith.maximumf %max3A_702, %get3A_714 : vector<16xf32>
          %min3A_716 = arith.minimumf %max3A_702, %get3A_714 : vector<16xf32>
          %max3A_717 = arith.maximumf %max3A_704, %min3A_716 : vector<16xf32>
          %min3A_718 = arith.minimumf %max3A_704, %min3A_716 : vector<16xf32>
          %max3A_719 = arith.maximumf %max3A_706, %min3A_718 : vector<16xf32>
          %min3A_720 = arith.minimumf %max3A_706, %min3A_718 : vector<16xf32>
          %max3A_721 = arith.maximumf %max3A_708, %min3A_720 : vector<16xf32>
          %get3A_722 = arith.constant 16 : i32
          %get3A_723 = arith.constant 1 : i32
          %get3A_724 = arith.index_cast %get3A_722 : i32 to index
          %get3A_725 = arith.index_cast %get3A_723 : i32 to index
          %get3A_726 = arith.index_cast %mul3A_311 : i32 to index
          %get3A_727 = tpu.vector_load %arg5[%get3A_724, %get3A_725, %get3A_726] {strides = array<i32>} : memref<17x4x384xf32, #tpu.memory_space<vmem>>, vector<16xf32>,
          %max3A_728 = arith.maximumf %max3A_715, %get3A_727 : vector<16xf32>
          %min3A_729 = arith.minimumf %max3A_715, %get3A_727 : vector<16xf32>
          %max3A_730 = arith.maximumf %max3A_717, %min3A_729 : vector<16xf32>
          %min3A_731 = arith.minimumf %max3A_717, %min3A_729 : vector<16xf32>
          %max3A_732 = arith.maximumf %max3A_719, %min3A_731 : vector<16xf32>
          %min3A_733 = arith.minimumf %max3A_719, %min3A_731 : vector<16xf32>
          %max3A_734 = arith.maximumf %max3A_721, %min3A_733 : vector<16xf32>
          %swap3A_735 = arith.constant 4 : i32
          %swap3A_736 = arith.index_cast %swap3A_735 : i32 to index
          %swap3A_737 = arith.index_cast %mul3A_311 : i32 to index
          %swap3A_738 = tpu.vector_load %arg7[%swap3A_736, %swap3A_737] {strides = array<i32>} : memref<16x384xf32, #tpu.memory_space<vmem>>, vector<16xf32>,
          tpu.vector_store %arg7[%swap3A_736, %swap3A_737], %max3A_728 {strides = array<i32>} : memref<16x384xf32, #tpu.memory_space<vmem>>, vector<16xf32>,
          %swap3A_739 = arith.constant 5 : i32
          %swap3A_740 = arith.index_cast %swap3A_739 : i32 to index
          %swap3A_741 = arith.index_cast %mul3A_311 : i32 to index
          %swap3A_742 = tpu.vector_load %arg7[%swap3A_740, %swap3A_741] {strides = array<i32>} : memref<16x384xf32, #tpu.memory_space<vmem>>, vector<16xf32>,
          tpu.vector_store %arg7[%swap3A_740, %swap3A_741], %max3A_730 {strides = array<i32>} : memref<16x384xf32, #tpu.memory_space<vmem>>, vector<16xf32>,
          %swap3A_743 = arith.constant 6 : i32
          %swap3A_744 = arith.index_cast %swap3A_743 : i32 to index
          %swap3A_745 = arith.index_cast %mul3A_311 : i32 to index
          %swap3A_746 = tpu.vector_load %arg7[%swap3A_744, %swap3A_745] {strides = array<i32>} : memref<16x384xf32, #tpu.memory_space<vmem>>, vector<16xf32>,
          tpu.vector_store %arg7[%swap3A_744, %swap3A_745], %max3A_732 {strides = array<i32>} : memref<16x384xf32, #tpu.memory_space<vmem>>, vector<16xf32>,
          %swap3A_747 = arith.constant 7 : i32
          %swap3A_748 = arith.index_cast %swap3A_747 : i32 to index
          %swap3A_749 = arith.index_cast %mul3A_311 : i32 to index
          %swap3A_750 = tpu.vector_load %arg7[%swap3A_748, %swap3A_749] {strides = array<i32>} : memref<16x384xf32, #tpu.memory_space<vmem>>, vector<16xf32>,
          tpu.vector_store %arg7[%swap3A_748, %swap3A_749], %max3A_734 {strides = array<i32>} : memref<16x384xf32, #tpu.memory_space<vmem>>, vector<16xf32>,
          %get3A_751 = arith.constant 0 : i32
          %get3A_752 = arith.constant 2 : i32
          %get3A_753 = arith.index_cast %get3A_751 : i32 to index
          %get3A_754 = arith.index_cast %get3A_752 : i32 to index
          %get3A_755 = arith.index_cast %mul3A_311 : i32 to index
          %get3A_756 = tpu.vector_load %arg5[%get3A_753, %get3A_754, %get3A_755] {strides = array<i32>} : memref<17x4x384xf32, #tpu.memory_space<vmem>>, vector<16xf32>,
          %get3A_757 = arith.constant 1 : i32
          %get3A_758 = arith.constant 2 : i32
          %get3A_759 = arith.index_cast %get3A_757 : i32 to index
          %get3A_760 = arith.index_cast %get3A_758 : i32 to index
          %get3A_761 = arith.index_cast %mul3A_311 : i32 to index
          %get3A_762 = tpu.vector_load %arg5[%get3A_759, %get3A_760, %get3A_761] {strides = array<i32>} : memref<17x4x384xf32, #tpu.memory_space<vmem>>, vector<16xf32>,
          %max3A_763 = arith.maximumf %get3A_756, %get3A_762 : vector<16xf32>
          %min3A_764 = arith.minimumf %get3A_756, %get3A_762 : vector<16xf32>
          %get3A_765 = arith.constant 2 : i32
          %get3A_766 = arith.constant 2 : i32
          %get3A_767 = arith.index_cast %get3A_765 : i32 to index
          %get3A_768 = arith.index_cast %get3A_766 : i32 to index
          %get3A_769 = arith.index_cast %mul3A_311 : i32 to index
          %get3A_770 = tpu.vector_load %arg5[%get3A_767, %get3A_768, %get3A_769] {strides = array<i32>} : memref<17x4x384xf32, #tpu.memory_space<vmem>>, vector<16xf32>,
          %max3A_771 = arith.maximumf %max3A_763, %get3A_770 : vector<16xf32>
          %min3A_772 = arith.minimumf %max3A_763, %get3A_770 : vector<16xf32>
          %max3A_773 = arith.maximumf %min3A_764, %min3A_772 : vector<16xf32>
          %min3A_774 = arith.minimumf %min3A_764, %min3A_772 : vector<16xf32>
          %get3A_775 = arith.constant 3 : i32
          %get3A_776 = arith.constant 2 : i32
          %get3A_777 = arith.index_cast %get3A_775 : i32 to index
          %get3A_778 = arith.index_cast %get3A_776 : i32 to index
          %get3A_779 = arith.index_cast %mul3A_311 : i32 to index
          %get3A_780 = tpu.vector_load %arg5[%get3A_777, %get3A_778, %get3A_779] {strides = array<i32>} : memref<17x4x384xf32, #tpu.memory_space<vmem>>, vector<16xf32>,
          %max3A_781 = arith.maximumf %max3A_771, %get3A_780 : vector<16xf32>
          %min3A_782 = arith.minimumf %max3A_771, %get3A_780 : vector<16xf32>
          %max3A_783 = arith.maximumf %max3A_773, %min3A_782 : vector<16xf32>
          %min3A_784 = arith.minimumf %max3A_773, %min3A_782 : vector<16xf32>
          %max3A_785 = arith.maximumf %min3A_774, %min3A_784 : vector<16xf32>
          %min3A_786 = arith.minimumf %min3A_774, %min3A_784 : vector<16xf32>
          %get3A_787 = arith.constant 4 : i32
          %get3A_788 = arith.constant 2 : i32
          %get3A_789 = arith.index_cast %get3A_787 : i32 to index
          %get3A_790 = arith.index_cast %get3A_788 : i32 to index
          %get3A_791 = arith.index_cast %mul3A_311 : i32 to index
          %get3A_792 = tpu.vector_load %arg5[%get3A_789, %get3A_790, %get3A_791] {strides = array<i32>} : memref<17x4x384xf32, #tpu.memory_space<vmem>>, vector<16xf32>,
          %max3A_793 = arith.maximumf %max3A_781, %get3A_792 : vector<16xf32>
          %min3A_794 = arith.minimumf %max3A_781, %get3A_792 : vector<16xf32>
          %max3A_795 = arith.maximumf %max3A_783, %min3A_794 : vector<16xf32>
          %min3A_796 = arith.minimumf %max3A_783, %min3A_794 : vector<16xf32>
          %max3A_797 = arith.maximumf %max3A_785, %min3A_796 : vector<16xf32>
          %min3A_798 = arith.minimumf %max3A_785, %min3A_796 : vector<16xf32>
          %max3A_799 = arith.maximumf %min3A_786, %min3A_798 : vector<16xf32>
          %get3A_800 = arith.constant 5 : i32
          %get3A_801 = arith.constant 2 : i32
          %get3A_802 = arith.index_cast %get3A_800 : i32 to index
          %get3A_803 = arith.index_cast %get3A_801 : i32 to index
          %get3A_804 = arith.index_cast %mul3A_311 : i32 to index
          %get3A_805 = tpu.vector_load %arg5[%get3A_802, %get3A_803, %get3A_804] {strides = array<i32>} : memref<17x4x384xf32, #tpu.memory_space<vmem>>, vector<16xf32>,
          %max3A_806 = arith.maximumf %max3A_793, %get3A_805 : vector<16xf32>
          %min3A_807 = arith.minimumf %max3A_793, %get3A_805 : vector<16xf32>
          %max3A_808 = arith.maximumf %max3A_795, %min3A_807 : vector<16xf32>
          %min3A_809 = arith.minimumf %max3A_795, %min3A_807 : vector<16xf32>
          %max3A_810 = arith.maximumf %max3A_797, %min3A_809 : vector<16xf32>
          %min3A_811 = arith.minimumf %max3A_797, %min3A_809 : vector<16xf32>
          %max3A_812 = arith.maximumf %max3A_799, %min3A_811 : vector<16xf32>
          %get3A_813 = arith.constant 6 : i32
          %get3A_814 = arith.constant 2 : i32
          %get3A_815 = arith.index_cast %get3A_813 : i32 to index
          %get3A_816 = arith.index_cast %get3A_814 : i32 to index
          %get3A_817 = arith.index_cast %mul3A_311 : i32 to index
          %get3A_818 = tpu.vector_load %arg5[%get3A_815, %get3A_816, %get3A_817] {strides = array<i32>} : memref<17x4x384xf32, #tpu.memory_space<vmem>>, vector<16xf32>,
          %max3A_819 = arith.maximumf %max3A_806, %get3A_818 : vector<16xf32>
          %min3A_820 = arith.minimumf %max3A_806, %get3A_818 : vector<16xf32>
          %max3A_821 = arith.maximumf %max3A_808, %min3A_820 : vector<16xf32>
          %min3A_822 = arith.minimumf %max3A_808, %min3A_820 : vector<16xf32>
          %max3A_823 = arith.maximumf %max3A_810, %min3A_822 : vector<16xf32>
          %min3A_824 = arith.minimumf %max3A_810, %min3A_822 : vector<16xf32>
          %max3A_825 = arith.maximumf %max3A_812, %min3A_824 : vector<16xf32>
          %get3A_826 = arith.constant 7 : i32
          %get3A_827 = arith.constant 2 : i32
          %get3A_828 = arith.index_cast %get3A_826 : i32 to index
          %get3A_829 = arith.index_cast %get3A_827 : i32 to index
          %get3A_830 = arith.index_cast %mul3A_311 : i32 to index
          %get3A_831 = tpu.vector_load %arg5[%get3A_828, %get3A_829, %get3A_830] {strides = array<i32>} : memref<17x4x384xf32, #tpu.memory_space<vmem>>, vector<16xf32>,
          %max3A_832 = arith.maximumf %max3A_819, %get3A_831 : vector<16xf32>
          %min3A_833 = arith.minimumf %max3A_819, %get3A_831 : vector<16xf32>
          %max3A_834 = arith.maximumf %max3A_821, %min3A_833 : vector<16xf32>
          %min3A_835 = arith.minimumf %max3A_821, %min3A_833 : vector<16xf32>
          %max3A_836 = arith.maximumf %max3A_823, %min3A_835 : vector<16xf32>
          %min3A_837 = arith.minimumf %max3A_823, %min3A_835 : vector<16xf32>
          %max3A_838 = arith.maximumf %max3A_825, %min3A_837 : vector<16xf32>
          %get3A_839 = arith.constant 8 : i32
          %get3A_840 = arith.constant 2 : i32
          %get3A_841 = arith.index_cast %get3A_839 : i32 to index
          %get3A_842 = arith.index_cast %get3A_840 : i32 to index
          %get3A_843 = arith.index_cast %mul3A_311 : i32 to index
          %get3A_844 = tpu.vector_load %arg5[%get3A_841, %get3A_842, %get3A_843] {strides = array<i32>} : memref<17x4x384xf32, #tpu.memory_space<vmem>>, vector<16xf32>,
          %max3A_845 = arith.maximumf %max3A_832, %get3A_844 : vector<16xf32>
          %min3A_846 = arith.minimumf %max3A_832, %get3A_844 : vector<16xf32>
          %max3A_847 = arith.maximumf %max3A_834, %min3A_846 : vector<16xf32>
          %min3A_848 = arith.minimumf %max3A_834, %min3A_846 : vector<16xf32>
          %max3A_849 = arith.maximumf %max3A_836, %min3A_848 : vector<16xf32>
          %min3A_850 = arith.minimumf %max3A_836, %min3A_848 : vector<16xf32>
          %max3A_851 = arith.maximumf %max3A_838, %min3A_850 : vector<16xf32>
          %get3A_852 = arith.constant 9 : i32
          %get3A_853 = arith.constant 2 : i32
          %get3A_854 = arith.index_cast %get3A_852 : i32 to index
          %get3A_855 = arith.index_cast %get3A_853 : i32 to index
          %get3A_856 = arith.index_cast %mul3A_311 : i32 to index
          %get3A_857 = tpu.vector_load %arg5[%get3A_854, %get3A_855, %get3A_856] {strides = array<i32>} : memref<17x4x384xf32, #tpu.memory_space<vmem>>, vector<16xf32>,
          %max3A_858 = arith.maximumf %max3A_845, %get3A_857 : vector<16xf32>
          %min3A_859 = arith.minimumf %max3A_845, %get3A_857 : vector<16xf32>
          %max3A_860 = arith.maximumf %max3A_847, %min3A_859 : vector<16xf32>
          %min3A_861 = arith.minimumf %max3A_847, %min3A_859 : vector<16xf32>
          %max3A_862 = arith.maximumf %max3A_849, %min3A_861 : vector<16xf32>
          %min3A_863 = arith.minimumf %max3A_849, %min3A_861 : vector<16xf32>
          %max3A_864 = arith.maximumf %max3A_851, %min3A_863 : vector<16xf32>
          %get3A_865 = arith.constant 10 : i32
          %get3A_866 = arith.constant 2 : i32
          %get3A_867 = arith.index_cast %get3A_865 : i32 to index
          %get3A_868 = arith.index_cast %get3A_866 : i32 to index
          %get3A_869 = arith.index_cast %mul3A_311 : i32 to index
          %get3A_870 = tpu.vector_load %arg5[%get3A_867, %get3A_868, %get3A_869] {strides = array<i32>} : memref<17x4x384xf32, #tpu.memory_space<vmem>>, vector<16xf32>,
          %max3A_871 = arith.maximumf %max3A_858, %get3A_870 : vector<16xf32>
          %min3A_872 = arith.minimumf %max3A_858, %get3A_870 : vector<16xf32>
          %max3A_873 = arith.maximumf %max3A_860, %min3A_872 : vector<16xf32>
          %min3A_874 = arith.minimumf %max3A_860, %min3A_872 : vector<16xf32>
          %max3A_875 = arith.maximumf %max3A_862, %min3A_874 : vector<16xf32>
          %min3A_876 = arith.minimumf %max3A_862, %min3A_874 : vector<16xf32>
          %max3A_877 = arith.maximumf %max3A_864, %min3A_876 : vector<16xf32>
          %get3A_878 = arith.constant 11 : i32
          %get3A_879 = arith.constant 2 : i32
          %get3A_880 = arith.index_cast %get3A_878 : i32 to index
          %get3A_881 = arith.index_cast %get3A_879 : i32 to index
          %get3A_882 = arith.index_cast %mul3A_311 : i32 to index
          %get3A_883 = tpu.vector_load %arg5[%get3A_880, %get3A_881, %get3A_882] {strides = array<i32>} : memref<17x4x384xf32, #tpu.memory_space<vmem>>, vector<16xf32>,
          %max3A_884 = arith.maximumf %max3A_871, %get3A_883 : vector<16xf32>
          %min3A_885 = arith.minimumf %max3A_871, %get3A_883 : vector<16xf32>
          %max3A_886 = arith.maximumf %max3A_873, %min3A_885 : vector<16xf32>
          %min3A_887 = arith.minimumf %max3A_873, %min3A_885 : vector<16xf32>
          %max3A_888 = arith.maximumf %max3A_875, %min3A_887 : vector<16xf32>
          %min3A_889 = arith.minimumf %max3A_875, %min3A_887 : vector<16xf32>
          %max3A_890 = arith.maximumf %max3A_877, %min3A_889 : vector<16xf32>
          %get3A_891 = arith.constant 12 : i32
          %get3A_892 = arith.constant 2 : i32
          %get3A_893 = arith.index_cast %get3A_891 : i32 to index
          %get3A_894 = arith.index_cast %get3A_892 : i32 to index
          %get3A_895 = arith.index_cast %mul3A_311 : i32 to index
          %get3A_896 = tpu.vector_load %arg5[%get3A_893, %get3A_894, %get3A_895] {strides = array<i32>} : memref<17x4x384xf32, #tpu.memory_space<vmem>>, vector<16xf32>,
          %max3A_897 = arith.maximumf %max3A_884, %get3A_896 : vector<16xf32>
          %min3A_898 = arith.minimumf %max3A_884, %get3A_896 : vector<16xf32>
          %max3A_899 = arith.maximumf %max3A_886, %min3A_898 : vector<16xf32>
          %min3A_900 = arith.minimumf %max3A_886, %min3A_898 : vector<16xf32>
          %max3A_901 = arith.maximumf %max3A_888, %min3A_900 : vector<16xf32>
          %min3A_902 = arith.minimumf %max3A_888, %min3A_900 : vector<16xf32>
          %max3A_903 = arith.maximumf %max3A_890, %min3A_902 : vector<16xf32>
          %get3A_904 = arith.constant 13 : i32
          %get3A_905 = arith.constant 2 : i32
          %get3A_906 = arith.index_cast %get3A_904 : i32 to index
          %get3A_907 = arith.index_cast %get3A_905 : i32 to index
          %get3A_908 = arith.index_cast %mul3A_311 : i32 to index
          %get3A_909 = tpu.vector_load %arg5[%get3A_906, %get3A_907, %get3A_908] {strides = array<i32>} : memref<17x4x384xf32, #tpu.memory_space<vmem>>, vector<16xf32>,
          %max3A_910 = arith.maximumf %max3A_897, %get3A_909 : vector<16xf32>
          %min3A_911 = arith.minimumf %max3A_897, %get3A_909 : vector<16xf32>
          %max3A_912 = arith.maximumf %max3A_899, %min3A_911 : vector<16xf32>
          %min3A_913 = arith.minimumf %max3A_899, %min3A_911 : vector<16xf32>
          %max3A_914 = arith.maximumf %max3A_901, %min3A_913 : vector<16xf32>
          %min3A_915 = arith.minimumf %max3A_901, %min3A_913 : vector<16xf32>
          %max3A_916 = arith.maximumf %max3A_903, %min3A_915 : vector<16xf32>
          %get3A_917 = arith.constant 14 : i32
          %get3A_918 = arith.constant 2 : i32
          %get3A_919 = arith.index_cast %get3A_917 : i32 to index
          %get3A_920 = arith.index_cast %get3A_918 : i32 to index
          %get3A_921 = arith.index_cast %mul3A_311 : i32 to index
          %get3A_922 = tpu.vector_load %arg5[%get3A_919, %get3A_920, %get3A_921] {strides = array<i32>} : memref<17x4x384xf32, #tpu.memory_space<vmem>>, vector<16xf32>,
          %max3A_923 = arith.maximumf %max3A_910, %get3A_922 : vector<16xf32>
          %min3A_924 = arith.minimumf %max3A_910, %get3A_922 : vector<16xf32>
          %max3A_925 = arith.maximumf %max3A_912, %min3A_924 : vector<16xf32>
          %min3A_926 = arith.minimumf %max3A_912, %min3A_924 : vector<16xf32>
          %max3A_927 = arith.maximumf %max3A_914, %min3A_926 : vector<16xf32>
          %min3A_928 = arith.minimumf %max3A_914, %min3A_926 : vector<16xf32>
          %max3A_929 = arith.maximumf %max3A_916, %min3A_928 : vector<16xf32>
          %get3A_930 = arith.constant 15 : i32
          %get3A_931 = arith.constant 2 : i32
          %get3A_932 = arith.index_cast %get3A_930 : i32 to index
          %get3A_933 = arith.index_cast %get3A_931 : i32 to index
          %get3A_934 = arith.index_cast %mul3A_311 : i32 to index
          %get3A_935 = tpu.vector_load %arg5[%get3A_932, %get3A_933, %get3A_934] {strides = array<i32>} : memref<17x4x384xf32, #tpu.memory_space<vmem>>, vector<16xf32>,
          %max3A_936 = arith.maximumf %max3A_923, %get3A_935 : vector<16xf32>
          %min3A_937 = arith.minimumf %max3A_923, %get3A_935 : vector<16xf32>
          %max3A_938 = arith.maximumf %max3A_925, %min3A_937 : vector<16xf32>
          %min3A_939 = arith.minimumf %max3A_925, %min3A_937 : vector<16xf32>
          %max3A_940 = arith.maximumf %max3A_927, %min3A_939 : vector<16xf32>
          %min3A_941 = arith.minimumf %max3A_927, %min3A_939 : vector<16xf32>
          %max3A_942 = arith.maximumf %max3A_929, %min3A_941 : vector<16xf32>
          %get3A_943 = arith.constant 16 : i32
          %get3A_944 = arith.constant 2 : i32
          %get3A_945 = arith.index_cast %get3A_943 : i32 to index
          %get3A_946 = arith.index_cast %get3A_944 : i32 to index
          %get3A_947 = arith.index_cast %mul3A_311 : i32 to index
          %get3A_948 = tpu.vector_load %arg5[%get3A_945, %get3A_946, %get3A_947] {strides = array<i32>} : memref<17x4x384xf32, #tpu.memory_space<vmem>>, vector<16xf32>,
          %max3A_949 = arith.maximumf %max3A_936, %get3A_948 : vector<16xf32>
          %min3A_950 = arith.minimumf %max3A_936, %get3A_948 : vector<16xf32>
          %max3A_951 = arith.maximumf %max3A_938, %min3A_950 : vector<16xf32>
          %min3A_952 = arith.minimumf %max3A_938, %min3A_950 : vector<16xf32>
          %max3A_953 = arith.maximumf %max3A_940, %min3A_952 : vector<16xf32>
          %min3A_954 = arith.minimumf %max3A_940, %min3A_952 : vector<16xf32>
          %max3A_955 = arith.maximumf %max3A_942, %min3A_954 : vector<16xf32>
          %swap3A_956 = arith.constant 8 : i32
          %swap3A_957 = arith.index_cast %swap3A_956 : i32 to index
          %swap3A_958 = arith.index_cast %mul3A_311 : i32 to index
          %swap3A_959 = tpu.vector_load %arg7[%swap3A_957, %swap3A_958] {strides = array<i32>} : memref<16x384xf32, #tpu.memory_space<vmem>>, vector<16xf32>,
          tpu.vector_store %arg7[%swap3A_957, %swap3A_958], %max3A_949 {strides = array<i32>} : memref<16x384xf32, #tpu.memory_space<vmem>>, vector<16xf32>,
          %swap3A_960 = arith.constant 9 : i32
          %swap3A_961 = arith.index_cast %swap3A_960 : i32 to index
          %swap3A_962 = arith.index_cast %mul3A_311 : i32 to index
          %swap3A_963 = tpu.vector_load %arg7[%swap3A_961, %swap3A_962] {strides = array<i32>} : memref<16x384xf32, #tpu.memory_space<vmem>>, vector<16xf32>,
          tpu.vector_store %arg7[%swap3A_961, %swap3A_962], %max3A_951 {strides = array<i32>} : memref<16x384xf32, #tpu.memory_space<vmem>>, vector<16xf32>,
          %swap3A_964 = arith.constant 10 : i32
          %swap3A_965 = arith.index_cast %swap3A_964 : i32 to index
          %swap3A_966 = arith.index_cast %mul3A_311 : i32 to index
          %swap3A_967 = tpu.vector_load %arg7[%swap3A_965, %swap3A_966] {strides = array<i32>} : memref<16x384xf32, #tpu.memory_space<vmem>>, vector<16xf32>,
          tpu.vector_store %arg7[%swap3A_965, %swap3A_966], %max3A_953 {strides = array<i32>} : memref<16x384xf32, #tpu.memory_space<vmem>>, vector<16xf32>,
          %swap3A_968 = arith.constant 11 : i32
          %swap3A_969 = arith.index_cast %swap3A_968 : i32 to index
          %swap3A_970 = arith.index_cast %mul3A_311 : i32 to index
          %swap3A_971 = tpu.vector_load %arg7[%swap3A_969, %swap3A_970] {strides = array<i32>} : memref<16x384xf32, #tpu.memory_space<vmem>>, vector<16xf32>,
          tpu.vector_store %arg7[%swap3A_969, %swap3A_970], %max3A_955 {strides = array<i32>} : memref<16x384xf32, #tpu.memory_space<vmem>>, vector<16xf32>,
          %get3A_972 = arith.constant 0 : i32
          %get3A_973 = arith.constant 3 : i32
          %get3A_974 = arith.index_cast %get3A_972 : i32 to index
          %get3A_975 = arith.index_cast %get3A_973 : i32 to index
          %get3A_976 = arith.index_cast %mul3A_311 : i32 to index
          %get3A_977 = tpu.vector_load %arg5[%get3A_974, %get3A_975, %get3A_976] {strides = array<i32>} : memref<17x4x384xf32, #tpu.memory_space<vmem>>, vector<16xf32>,
          %get3A_978 = arith.constant 1 : i32
          %get3A_979 = arith.constant 3 : i32
          %get3A_980 = arith.index_cast %get3A_978 : i32 to index
          %get3A_981 = arith.index_cast %get3A_979 : i32 to index
          %get3A_982 = arith.index_cast %mul3A_311 : i32 to index
          %get3A_983 = tpu.vector_load %arg5[%get3A_980, %get3A_981, %get3A_982] {strides = array<i32>} : memref<17x4x384xf32, #tpu.memory_space<vmem>>, vector<16xf32>,
          %max3A_984 = arith.maximumf %get3A_977, %get3A_983 : vector<16xf32>
          %min3A_985 = arith.minimumf %get3A_977, %get3A_983 : vector<16xf32>
          %get3A_986 = arith.constant 2 : i32
          %get3A_987 = arith.constant 3 : i32
          %get3A_988 = arith.index_cast %get3A_986 : i32 to index
          %get3A_989 = arith.index_cast %get3A_987 : i32 to index
          %get3A_990 = arith.index_cast %mul3A_311 : i32 to index
          %get3A_991 = tpu.vector_load %arg5[%get3A_988, %get3A_989, %get3A_990] {strides = array<i32>} : memref<17x4x384xf32, #tpu.memory_space<vmem>>, vector<16xf32>,
          %max3A_992 = arith.maximumf %max3A_984, %get3A_991 : vector<16xf32>
          %min3A_993 = arith.minimumf %max3A_984, %get3A_991 : vector<16xf32>
          %max3A_994 = arith.maximumf %min3A_985, %min3A_993 : vector<16xf32>
          %min3A_995 = arith.minimumf %min3A_985, %min3A_993 : vector<16xf32>
          %get3A_996 = arith.constant 3 : i32
          %get3A_997 = arith.constant 3 : i32
          %get3A_998 = arith.index_cast %get3A_996 : i32 to index
          %get3A_999 = arith.index_cast %get3A_997 : i32 to index
          %get3A_1000 = arith.index_cast %mul3A_311 : i32 to index
          %get3A_1001 = tpu.vector_load %arg5[%get3A_998, %get3A_999, %get3A_1000] {strides = array<i32>} : memref<17x4x384xf32, #tpu.memory_space<vmem>>, vector<16xf32>,
          %max3A_1002 = arith.maximumf %max3A_992, %get3A_1001 : vector<16xf32>
          %min3A_1003 = arith.minimumf %max3A_992, %get3A_1001 : vector<16xf32>
          %max3A_1004 = arith.maximumf %max3A_994, %min3A_1003 : vector<16xf32>
          %min3A_1005 = arith.minimumf %max3A_994, %min3A_1003 : vector<16xf32>
          %max3A_1006 = arith.maximumf %min3A_995, %min3A_1005 : vector<16xf32>
          %min3A_1007 = arith.minimumf %min3A_995, %min3A_1005 : vector<16xf32>
          %get3A_1008 = arith.constant 4 : i32
          %get3A_1009 = arith.constant 3 : i32
          %get3A_1010 = arith.index_cast %get3A_1008 : i32 to index
          %get3A_1011 = arith.index_cast %get3A_1009 : i32 to index
          %get3A_1012 = arith.index_cast %mul3A_311 : i32 to index
          %get3A_1013 = tpu.vector_load %arg5[%get3A_1010, %get3A_1011, %get3A_1012] {strides = array<i32>} : memref<17x4x384xf32, #tpu.memory_space<vmem>>, vector<16xf32>,
          %max3A_1014 = arith.maximumf %max3A_1002, %get3A_1013 : vector<16xf32>
          %min3A_1015 = arith.minimumf %max3A_1002, %get3A_1013 : vector<16xf32>
          %max3A_1016 = arith.maximumf %max3A_1004, %min3A_1015 : vector<16xf32>
          %min3A_1017 = arith.minimumf %max3A_1004, %min3A_1015 : vector<16xf32>
          %max3A_1018 = arith.maximumf %max3A_1006, %min3A_1017 : vector<16xf32>
          %min3A_1019 = arith.minimumf %max3A_1006, %min3A_1017 : vector<16xf32>
          %max3A_1020 = arith.maximumf %min3A_1007, %min3A_1019 : vector<16xf32>
          %get3A_1021 = arith.constant 5 : i32
          %get3A_1022 = arith.constant 3 : i32
          %get3A_1023 = arith.index_cast %get3A_1021 : i32 to index
          %get3A_1024 = arith.index_cast %get3A_1022 : i32 to index
          %get3A_1025 = arith.index_cast %mul3A_311 : i32 to index
          %get3A_1026 = tpu.vector_load %arg5[%get3A_1023, %get3A_1024, %get3A_1025] {strides = array<i32>} : memref<17x4x384xf32, #tpu.memory_space<vmem>>, vector<16xf32>,
          %max3A_1027 = arith.maximumf %max3A_1014, %get3A_1026 : vector<16xf32>
          %min3A_1028 = arith.minimumf %max3A_1014, %get3A_1026 : vector<16xf32>
          %max3A_1029 = arith.maximumf %max3A_1016, %min3A_1028 : vector<16xf32>
          %min3A_1030 = arith.minimumf %max3A_1016, %min3A_1028 : vector<16xf32>
          %max3A_1031 = arith.maximumf %max3A_1018, %min3A_1030 : vector<16xf32>
          %min3A_1032 = arith.minimumf %max3A_1018, %min3A_1030 : vector<16xf32>
          %max3A_1033 = arith.maximumf %max3A_1020, %min3A_1032 : vector<16xf32>
          %get3A_1034 = arith.constant 6 : i32
          %get3A_1035 = arith.constant 3 : i32
          %get3A_1036 = arith.index_cast %get3A_1034 : i32 to index
          %get3A_1037 = arith.index_cast %get3A_1035 : i32 to index
          %get3A_1038 = arith.index_cast %mul3A_311 : i32 to index
          %get3A_1039 = tpu.vector_load %arg5[%get3A_1036, %get3A_1037, %get3A_1038] {strides = array<i32>} : memref<17x4x384xf32, #tpu.memory_space<vmem>>, vector<16xf32>,
          %max3A_1040 = arith.maximumf %max3A_1027, %get3A_1039 : vector<16xf32>
          %min3A_1041 = arith.minimumf %max3A_1027, %get3A_1039 : vector<16xf32>
          %max3A_1042 = arith.maximumf %max3A_1029, %min3A_1041 : vector<16xf32>
          %min3A_1043 = arith.minimumf %max3A_1029, %min3A_1041 : vector<16xf32>
          %max3A_1044 = arith.maximumf %max3A_1031, %min3A_1043 : vector<16xf32>
          %min3A_1045 = arith.minimumf %max3A_1031, %min3A_1043 : vector<16xf32>
          %max3A_1046 = arith.maximumf %max3A_1033, %min3A_1045 : vector<16xf32>
          %get3A_1047 = arith.constant 7 : i32
          %get3A_1048 = arith.constant 3 : i32
          %get3A_1049 = arith.index_cast %get3A_1047 : i32 to index
          %get3A_1050 = arith.index_cast %get3A_1048 : i32 to index
          %get3A_1051 = arith.index_cast %mul3A_311 : i32 to index
          %get3A_1052 = tpu.vector_load %arg5[%get3A_1049, %get3A_1050, %get3A_1051] {strides = array<i32>} : memref<17x4x384xf32, #tpu.memory_space<vmem>>, vector<16xf32>,
          %max3A_1053 = arith.maximumf %max3A_1040, %get3A_1052 : vector<16xf32>
          %min3A_1054 = arith.minimumf %max3A_1040, %get3A_1052 : vector<16xf32>
          %max3A_1055 = arith.maximumf %max3A_1042, %min3A_1054 : vector<16xf32>
          %min3A_1056 = arith.minimumf %max3A_1042, %min3A_1054 : vector<16xf32>
          %max3A_1057 = arith.maximumf %max3A_1044, %min3A_1056 : vector<16xf32>
          %min3A_1058 = arith.minimumf %max3A_1044, %min3A_1056 : vector<16xf32>
          %max3A_1059 = arith.maximumf %max3A_1046, %min3A_1058 : vector<16xf32>
          %get3A_1060 = arith.constant 8 : i32
          %get3A_1061 = arith.constant 3 : i32
          %get3A_1062 = arith.index_cast %get3A_1060 : i32 to index
          %get3A_1063 = arith.index_cast %get3A_1061 : i32 to index
          %get3A_1064 = arith.index_cast %mul3A_311 : i32 to index
          %get3A_1065 = tpu.vector_load %arg5[%get3A_1062, %get3A_1063, %get3A_1064] {strides = array<i32>} : memref<17x4x384xf32, #tpu.memory_space<vmem>>, vector<16xf32>,
          %max3A_1066 = arith.maximumf %max3A_1053, %get3A_1065 : vector<16xf32>
          %min3A_1067 = arith.minimumf %max3A_1053, %get3A_1065 : vector<16xf32>
          %max3A_1068 = arith.maximumf %max3A_1055, %min3A_1067 : vector<16xf32>
          %min3A_1069 = arith.minimumf %max3A_1055, %min3A_1067 : vector<16xf32>
          %max3A_1070 = arith.maximumf %max3A_1057, %min3A_1069 : vector<16xf32>
          %min3A_1071 = arith.minimumf %max3A_1057, %min3A_1069 : vector<16xf32>
          %max3A_1072 = arith.maximumf %max3A_1059, %min3A_1071 : vector<16xf32>
          %get3A_1073 = arith.constant 9 : i32
          %get3A_1074 = arith.constant 3 : i32
          %get3A_1075 = arith.index_cast %get3A_1073 : i32 to index
          %get3A_1076 = arith.index_cast %get3A_1074 : i32 to index
          %get3A_1077 = arith.index_cast %mul3A_311 : i32 to index
          %get3A_1078 = tpu.vector_load %arg5[%get3A_1075, %get3A_1076, %get3A_1077] {strides = array<i32>} : memref<17x4x384xf32, #tpu.memory_space<vmem>>, vector<16xf32>,
          %max3A_1079 = arith.maximumf %max3A_1066, %get3A_1078 : vector<16xf32>
          %min3A_1080 = arith.minimumf %max3A_1066, %get3A_1078 : vector<16xf32>
          %max3A_1081 = arith.maximumf %max3A_1068, %min3A_1080 : vector<16xf32>
          %min3A_1082 = arith.minimumf %max3A_1068, %min3A_1080 : vector<16xf32>
          %max3A_1083 = arith.maximumf %max3A_1070, %min3A_1082 : vector<16xf32>
          %min3A_1084 = arith.minimumf %max3A_1070, %min3A_1082 : vector<16xf32>
          %max3A_1085 = arith.maximumf %max3A_1072, %min3A_1084 : vector<16xf32>
          %get3A_1086 = arith.constant 10 : i32
          %get3A_1087 = arith.constant 3 : i32
          %get3A_1088 = arith.index_cast %get3A_1086 : i32 to index
          %get3A_1089 = arith.index_cast %get3A_1087 : i32 to index
          %get3A_1090 = arith.index_cast %mul3A_311 : i32 to index
          %get3A_1091 = tpu.vector_load %arg5[%get3A_1088, %get3A_1089, %get3A_1090] {strides = array<i32>} : memref<17x4x384xf32, #tpu.memory_space<vmem>>, vector<16xf32>,
          %max3A_1092 = arith.maximumf %max3A_1079, %get3A_1091 : vector<16xf32>
          %min3A_1093 = arith.minimumf %max3A_1079, %get3A_1091 : vector<16xf32>
          %max3A_1094 = arith.maximumf %max3A_1081, %min3A_1093 : vector<16xf32>
          %min3A_1095 = arith.minimumf %max3A_1081, %min3A_1093 : vector<16xf32>
          %max3A_1096 = arith.maximumf %max3A_1083, %min3A_1095 : vector<16xf32>
          %min3A_1097 = arith.minimumf %max3A_1083, %min3A_1095 : vector<16xf32>
          %max3A_1098 = arith.maximumf %max3A_1085, %min3A_1097 : vector<16xf32>
          %get3A_1099 = arith.constant 11 : i32
          %get3A_1100 = arith.constant 3 : i32
          %get3A_1101 = arith.index_cast %get3A_1099 : i32 to index
          %get3A_1102 = arith.index_cast %get3A_1100 : i32 to index
          %get3A_1103 = arith.index_cast %mul3A_311 : i32 to index
          %get3A_1104 = tpu.vector_load %arg5[%get3A_1101, %get3A_1102, %get3A_1103] {strides = array<i32>} : memref<17x4x384xf32, #tpu.memory_space<vmem>>, vector<16xf32>,
          %max3A_1105 = arith.maximumf %max3A_1092, %get3A_1104 : vector<16xf32>
          %min3A_1106 = arith.minimumf %max3A_1092, %get3A_1104 : vector<16xf32>
          %max3A_1107 = arith.maximumf %max3A_1094, %min3A_1106 : vector<16xf32>
          %min3A_1108 = arith.minimumf %max3A_1094, %min3A_1106 : vector<16xf32>
          %max3A_1109 = arith.maximumf %max3A_1096, %min3A_1108 : vector<16xf32>
          %min3A_1110 = arith.minimumf %max3A_1096, %min3A_1108 : vector<16xf32>
          %max3A_1111 = arith.maximumf %max3A_1098, %min3A_1110 : vector<16xf32>
          %get3A_1112 = arith.constant 12 : i32
          %get3A_1113 = arith.constant 3 : i32
          %get3A_1114 = arith.index_cast %get3A_1112 : i32 to index
          %get3A_1115 = arith.index_cast %get3A_1113 : i32 to index
          %get3A_1116 = arith.index_cast %mul3A_311 : i32 to index
          %get3A_1117 = tpu.vector_load %arg5[%get3A_1114, %get3A_1115, %get3A_1116] {strides = array<i32>} : memref<17x4x384xf32, #tpu.memory_space<vmem>>, vector<16xf32>,
          %max3A_1118 = arith.maximumf %max3A_1105, %get3A_1117 : vector<16xf32>
          %min3A_1119 = arith.minimumf %max3A_1105, %get3A_1117 : vector<16xf32>
          %max3A_1120 = arith.maximumf %max3A_1107, %min3A_1119 : vector<16xf32>
          %min3A_1121 = arith.minimumf %max3A_1107, %min3A_1119 : vector<16xf32>
          %max3A_1122 = arith.maximumf %max3A_1109, %min3A_1121 : vector<16xf32>
          %min3A_1123 = arith.minimumf %max3A_1109, %min3A_1121 : vector<16xf32>
          %max3A_1124 = arith.maximumf %max3A_1111, %min3A_1123 : vector<16xf32>
          %get3A_1125 = arith.constant 13 : i32
          %get3A_1126 = arith.constant 3 : i32
          %get3A_1127 = arith.index_cast %get3A_1125 : i32 to index
          %get3A_1128 = arith.index_cast %get3A_1126 : i32 to index
          %get3A_1129 = arith.index_cast %mul3A_311 : i32 to index
          %get3A_1130 = tpu.vector_load %arg5[%get3A_1127, %get3A_1128, %get3A_1129] {strides = array<i32>} : memref<17x4x384xf32, #tpu.memory_space<vmem>>, vector<16xf32>,
          %max3A_1131 = arith.maximumf %max3A_1118, %get3A_1130 : vector<16xf32>
          %min3A_1132 = arith.minimumf %max3A_1118, %get3A_1130 : vector<16xf32>
          %max3A_1133 = arith.maximumf %max3A_1120, %min3A_1132 : vector<16xf32>
          %min3A_1134 = arith.minimumf %max3A_1120, %min3A_1132 : vector<16xf32>
          %max3A_1135 = arith.maximumf %max3A_1122, %min3A_1134 : vector<16xf32>
          %min3A_1136 = arith.minimumf %max3A_1122, %min3A_1134 : vector<16xf32>
          %max3A_1137 = arith.maximumf %max3A_1124, %min3A_1136 : vector<16xf32>
          %get3A_1138 = arith.constant 14 : i32
          %get3A_1139 = arith.constant 3 : i32
          %get3A_1140 = arith.index_cast %get3A_1138 : i32 to index
          %get3A_1141 = arith.index_cast %get3A_1139 : i32 to index
          %get3A_1142 = arith.index_cast %mul3A_311 : i32 to index
          %get3A_1143 = tpu.vector_load %arg5[%get3A_1140, %get3A_1141, %get3A_1142] {strides = array<i32>} : memref<17x4x384xf32, #tpu.memory_space<vmem>>, vector<16xf32>,
          %max3A_1144 = arith.maximumf %max3A_1131, %get3A_1143 : vector<16xf32>
          %min3A_1145 = arith.minimumf %max3A_1131, %get3A_1143 : vector<16xf32>
          %max3A_1146 = arith.maximumf %max3A_1133, %min3A_1145 : vector<16xf32>
          %min3A_1147 = arith.minimumf %max3A_1133, %min3A_1145 : vector<16xf32>
          %max3A_1148 = arith.maximumf %max3A_1135, %min3A_1147 : vector<16xf32>
          %min3A_1149 = arith.minimumf %max3A_1135, %min3A_1147 : vector<16xf32>
          %max3A_1150 = arith.maximumf %max3A_1137, %min3A_1149 : vector<16xf32>
          %get3A_1151 = arith.constant 15 : i32
          %get3A_1152 = arith.constant 3 : i32
          %get3A_1153 = arith.index_cast %get3A_1151 : i32 to index
          %get3A_1154 = arith.index_cast %get3A_1152 : i32 to index
          %get3A_1155 = arith.index_cast %mul3A_311 : i32 to index
          %get3A_1156 = tpu.vector_load %arg5[%get3A_1153, %get3A_1154, %get3A_1155] {strides = array<i32>} : memref<17x4x384xf32, #tpu.memory_space<vmem>>, vector<16xf32>,
          %max3A_1157 = arith.maximumf %max3A_1144, %get3A_1156 : vector<16xf32>
          %min3A_1158 = arith.minimumf %max3A_1144, %get3A_1156 : vector<16xf32>
          %max3A_1159 = arith.maximumf %max3A_1146, %min3A_1158 : vector<16xf32>
          %min3A_1160 = arith.minimumf %max3A_1146, %min3A_1158 : vector<16xf32>
          %max3A_1161 = arith.maximumf %max3A_1148, %min3A_1160 : vector<16xf32>
          %min3A_1162 = arith.minimumf %max3A_1148, %min3A_1160 : vector<16xf32>
          %max3A_1163 = arith.maximumf %max3A_1150, %min3A_1162 : vector<16xf32>
          %get3A_1164 = arith.constant 16 : i32
          %get3A_1165 = arith.constant 3 : i32
          %get3A_1166 = arith.index_cast %get3A_1164 : i32 to index
          %get3A_1167 = arith.index_cast %get3A_1165 : i32 to index
          %get3A_1168 = arith.index_cast %mul3A_311 : i32 to index
          %get3A_1169 = tpu.vector_load %arg5[%get3A_1166, %get3A_1167, %get3A_1168] {strides = array<i32>} : memref<17x4x384xf32, #tpu.memory_space<vmem>>, vector<16xf32>,
          %max3A_1170 = arith.maximumf %max3A_1157, %get3A_1169 : vector<16xf32>
          %min3A_1171 = arith.minimumf %max3A_1157, %get3A_1169 : vector<16xf32>
          %max3A_1172 = arith.maximumf %max3A_1159, %min3A_1171 : vector<16xf32>
          %min3A_1173 = arith.minimumf %max3A_1159, %min3A_1171 : vector<16xf32>
          %max3A_1174 = arith.maximumf %max3A_1161, %min3A_1173 : vector<16xf32>
          %min3A_1175 = arith.minimumf %max3A_1161, %min3A_1173 : vector<16xf32>
          %max3A_1176 = arith.maximumf %max3A_1163, %min3A_1175 : vector<16xf32>
          %swap3A_1177 = arith.constant 12 : i32
          %swap3A_1178 = arith.index_cast %swap3A_1177 : i32 to index
          %swap3A_1179 = arith.index_cast %mul3A_311 : i32 to index
          %swap3A_1180 = tpu.vector_load %arg7[%swap3A_1178, %swap3A_1179] {strides = array<i32>} : memref<16x384xf32, #tpu.memory_space<vmem>>, vector<16xf32>,
          tpu.vector_store %arg7[%swap3A_1178, %swap3A_1179], %max3A_1170 {strides = array<i32>} : memref<16x384xf32, #tpu.memory_space<vmem>>, vector<16xf32>,
          %swap3A_1181 = arith.constant 13 : i32
          %swap3A_1182 = arith.index_cast %swap3A_1181 : i32 to index
          %swap3A_1183 = arith.index_cast %mul3A_311 : i32 to index
          %swap3A_1184 = tpu.vector_load %arg7[%swap3A_1182, %swap3A_1183] {strides = array<i32>} : memref<16x384xf32, #tpu.memory_space<vmem>>, vector<16xf32>,
          tpu.vector_store %arg7[%swap3A_1182, %swap3A_1183], %max3A_1172 {strides = array<i32>} : memref<16x384xf32, #tpu.memory_space<vmem>>, vector<16xf32>,
          %swap3A_1185 = arith.constant 14 : i32
          %swap3A_1186 = arith.index_cast %swap3A_1185 : i32 to index
          %swap3A_1187 = arith.index_cast %mul3A_311 : i32 to index
          %swap3A_1188 = tpu.vector_load %arg7[%swap3A_1186, %swap3A_1187] {strides = array<i32>} : memref<16x384xf32, #tpu.memory_space<vmem>>, vector<16xf32>,
          tpu.vector_store %arg7[%swap3A_1186, %swap3A_1187], %max3A_1174 {strides = array<i32>} : memref<16x384xf32, #tpu.memory_space<vmem>>, vector<16xf32>,
          %swap3A_1189 = arith.constant 15 : i32
          %swap3A_1190 = arith.index_cast %swap3A_1189 : i32 to index
          %swap3A_1191 = arith.index_cast %mul3A_311 : i32 to index
          %swap3A_1192 = tpu.vector_load %arg7[%swap3A_1190, %swap3A_1191] {strides = array<i32>} : memref<16x384xf32, #tpu.memory_space<vmem>>, vector<16xf32>,
          tpu.vector_store %arg7[%swap3A_1190, %swap3A_1191], %max3A_1176 {strides = array<i32>} : memref<16x384xf32, #tpu.memory_space<vmem>>, vector<16xf32>,
        }
        %scan3A_263 = arith.constant 24 : i32
        %add3A_264 = arith.constant 2 : i32
        %add3A_265 = arith.addi %add3A_174, %add3A_264 : i32
        %lt3A_266 = arith.cmpi slt, %add3A_265, %add3A_8 : i32
        %convert_element_type3A_267 = arith.extui %lt3A_266 : i1 to i32
        %cond3A_268 = arith.constant 0 : i32
        %cond3A_269 = arith.cmpi ne, %convert_element_type3A_267, %cond3A_268 : i32
        scf.if %cond3A_269 {
          %add3A_305 = arith.constant 2 : i32
          %add3A_306 = arith.addi %add3A_216, %add3A_305 : i32
          %jit3A_307 = arith.constant 52 : i32
          %div3A_308 = arith.divsi %add3A_306, %jit3A_307 : i32
          %sign3A_309 = arith.constant 0 : i32
          %sign3A_310 = arith.cmpi sgt, %add3A_306, %sign3A_309 : i32
          %sign3A_311 = arith.extui %sign3A_310 : i1 to i32
          %sign3A_312 = arith.constant 0 : i32
          %sign3A_313 = arith.cmpi slt, %add3A_306, %sign3A_312 : i32
          %sign3A_314 = arith.extui %sign3A_313 : i1 to i32
          %sign3A_315 = arith.subi %sign3A_311, %sign3A_314 : i32
          %sign3A_316 = arith.constant 0 : i32
          %sign3A_317 = arith.cmpi sgt, %jit3A_307, %sign3A_316 : i32
          %sign3A_318 = arith.extui %sign3A_317 : i1 to i32
          %sign3A_319 = arith.constant 0 : i32
          %sign3A_320 = arith.cmpi slt, %jit3A_307, %sign3A_319 : i32
          %sign3A_321 = arith.extui %sign3A_320 : i1 to i32
          %sign3A_322 = arith.subi %sign3A_318, %sign3A_321 : i32
          %ne3A_323 = arith.cmpi ne, %sign3A_315, %sign3A_322 : i32
          %rem3A_324 = arith.remsi %add3A_306, %jit3A_307 : i32
          %ne3A_325 = arith.constant 0 : i32
          %ne3A_326 = arith.cmpi ne, %rem3A_324, %ne3A_325 : i32
          %and3A_327 = arith.andi %ne3A_323, %ne3A_326 : i1
          %sub3A_328 = arith.constant 1 : i32
          %sub3A_329 = arith.subi %div3A_308, %sub3A_328 : i32
          %select_n3A_330 = arith.select %and3A_327, %sub3A_329, %div3A_308 : i32
          %mul3A_331 = arith.constant 52 : i32
          %mul3A_332 = arith.muli %select_n3A_330, %mul3A_331 : i32
          %sub3A_333 = arith.subi %add3A_306, %mul3A_332 : i32
          %add3A_334 = arith.constant 0 : i32
          %add3A_335 = arith.addi %add3A_334, %select_n3A_330 : i32
          %mul3A_336 = arith.constant 384 : i32
          %mul3A_337 = arith.muli %sub3A_333, %mul3A_336 : i32
          %dma_start3A_338 = arith.constant 0 : i32
          %dma_start3A_339 = arith.constant 0 : i32
          %dma_start3A_340 = tpu.memref_slice %arg2[%add3A_335, %dma_start3A_338, %dma_start3A_339, %mul3A_337] : memref<16x17x4x20000xf32, #tpu.memory_space<hbm>> -> memref<1x17x4x384xf32, #tpu.memory_space<hbm>>
          %dma_start3A_341 = tpu.memref_squeeze %dma_start3A_340 : memref<1x17x4x384xf32, #tpu.memory_space<hbm>> -> memref<17x4x384xf32, #tpu.memory_space<hbm>>
          %dma_start3A_342 = arith.constant 0 : i32
          %dma_start3A_343 = arith.constant 0 : i32
          %dma_start3A_344 = tpu.memref_slice %arg2[%add3A_335, %dma_start3A_342, %dma_start3A_343, %mul3A_337] : memref<16x17x4x20000xf32, #tpu.memory_space<hbm>> -> memref<1x17x4x384xf32, #tpu.memory_space<hbm>>
          %dma_start3A_345 = tpu.memref_squeeze %dma_start3A_344 : memref<1x17x4x384xf32, #tpu.memory_space<hbm>> -> memref<17x4x384xf32, #tpu.memory_space<hbm>>
          tpu.enqueue_dma source(%dma_start3A_345 : memref<17x4x384xf32, #tpu.memory_space<hbm>>) target(%arg5 : memref<17x4x384xf32, #tpu.memory_space<vmem>>) target_semaphore(%arg11 : memref<!tpu.dma_semaphore, #tpu.memory_space<semaphore_mem>>)
        } else {
        }
        %jit3A_270 = arith.constant 52 : i32
        %div3A_271 = arith.divsi %add3A_216, %jit3A_270 : i32
        %sign3A_272 = arith.constant 0 : i32
        %sign3A_273 = arith.cmpi sgt, %add3A_216, %sign3A_272 : i32
        %sign3A_274 = arith.extui %sign3A_273 : i1 to i32
        %sign3A_275 = arith.constant 0 : i32
        %sign3A_276 = arith.cmpi slt, %add3A_216, %sign3A_275 : i32
        %sign3A_277 = arith.extui %sign3A_276 : i1 to i32
        %sign3A_278 = arith.subi %sign3A_274, %sign3A_277 : i32
        %sign3A_279 = arith.constant 0 : i32
        %sign3A_280 = arith.cmpi sgt, %jit3A_270, %sign3A_279 : i32
        %sign3A_281 = arith.extui %sign3A_280 : i1 to i32
        %sign3A_282 = arith.constant 0 : i32
        %sign3A_283 = arith.cmpi slt, %jit3A_270, %sign3A_282 : i32
        %sign3A_284 = arith.extui %sign3A_283 : i1 to i32
        %sign3A_285 = arith.subi %sign3A_281, %sign3A_284 : i32
        %ne3A_286 = arith.cmpi ne, %sign3A_278, %sign3A_285 : i32
        %rem3A_287 = arith.remsi %add3A_216, %jit3A_270 : i32
        %ne3A_288 = arith.constant 0 : i32
        %ne3A_289 = arith.cmpi ne, %rem3A_287, %ne3A_288 : i32
        %and3A_290 = arith.andi %ne3A_286, %ne3A_289 : i1
        %sub3A_291 = arith.constant 1 : i32
        %sub3A_292 = arith.subi %div3A_271, %sub3A_291 : i32
        %select_n3A_293 = arith.select %and3A_290, %sub3A_292, %div3A_271 : i32
        %mul3A_294 = arith.constant 52 : i32
        %mul3A_295 = arith.muli %select_n3A_293, %mul3A_294 : i32
        %sub3A_296 = arith.subi %add3A_216, %mul3A_295 : i32
        %mul3A_297 = arith.constant 384 : i32
        %mul3A_298 = arith.muli %sub3A_296, %mul3A_297 : i32
        %dma_start3A_299 = arith.constant 0 : i32
        %dma_start3A_300 = tpu.memref_slice %arg3[%select_n3A_293, %dma_start3A_299, %mul3A_298] : memref<16x16x20000xf32, #tpu.memory_space<hbm>> -> memref<1x16x384xf32, #tpu.memory_space<hbm>>
        %dma_start3A_301 = tpu.memref_squeeze %dma_start3A_300 : memref<1x16x384xf32, #tpu.memory_space<hbm>> -> memref<16x384xf32, #tpu.memory_space<hbm>>
        %dma_start3A_302 = arith.constant 0 : i32
        %dma_start3A_303 = tpu.memref_slice %arg3[%select_n3A_293, %dma_start3A_302, %mul3A_298] : memref<16x16x20000xf32, #tpu.memory_space<hbm>> -> memref<1x16x384xf32, #tpu.memory_space<hbm>>
        %dma_start3A_304 = tpu.memref_squeeze %dma_start3A_303 : memref<1x16x384xf32, #tpu.memory_space<hbm>> -> memref<16x384xf32, #tpu.memory_space<hbm>>
        tpu.enqueue_dma source(%arg7 : memref<16x384xf32, #tpu.memory_space<vmem>>) target(%dma_start3A_304 : memref<16x384xf32, #tpu.memory_space<hbm>>) target_semaphore(%arg13 : memref<!tpu.dma_semaphore, #tpu.memory_space<semaphore_mem>>)
      } else {
      }
    }
    %while3A_102 = arith.constant 1 : i32
    scf.for %while3A_172 = %while3A_100 to %while3A_96 step %while3A_102  : i32 {
      %mul3A_173 = arith.muli %while3A_172, %while3A : i32
      %add3A_174 = arith.addi %while3A_93, %mul3A_173 : i32
      %jit3A_175 = arith.constant 2 : i32
      %eq3A = arith.constant 0 : i32
      %eq3A_176 = arith.cmpi eq, %jit3A_175, %eq3A : i32
      %jit3A_177 = arith.constant 1 : i32
      %select_n3A_178 = arith.select %eq3A_176, %jit3A_177, %jit3A_175 : i32
      %rem3A_179 = arith.remsi %add3A_174, %select_n3A_178 : i32
      %ne3A_180 = arith.constant 0 : i32
      %ne3A_181 = arith.cmpi ne, %rem3A_179, %ne3A_180 : i32
      %lt3A_182 = arith.constant 0 : i32
      %lt3A_183 = arith.cmpi slt, %rem3A_179, %lt3A_182 : i32
      %lt3A_184 = arith.constant 0 : i32
      %lt3A_185 = arith.cmpi slt, %select_n3A_178, %lt3A_184 : i32
      %ne3A_186 = arith.xori %lt3A_183, %lt3A_185 : i1
      %and3A_187 = arith.andi %ne3A_186, %ne3A_181 : i1
      %add3A_188 = arith.addi %rem3A_179, %select_n3A_178 : i32
      %select_n3A_189 = arith.select %and3A_187, %add3A_188, %rem3A_179 : i32
      %eq3A_190 = arith.constant 0 : i32
      %eq3A_191 = arith.cmpi eq, %select_n3A_189, %eq3A_190 : i32
      %convert_element_type3A_192 = arith.extui %eq3A_191 : i1 to i32
      %cond3A_193 = arith.constant 0 : i32
      %cond3A_194 = arith.cmpi ne, %convert_element_type3A_192, %cond3A_193 : i32
      scf.if %cond3A_194 {
        %add3A_216 = arith.addi %add3A_4, %add3A_174 : i32
        %jit3A_217 = arith.constant 52 : i32
        %div3A_218 = arith.divsi %add3A_216, %jit3A_217 : i32
        %sign3A_219 = arith.constant 0 : i32
        %sign3A_220 = arith.cmpi sgt, %add3A_216, %sign3A_219 : i32
        %sign3A_221 = arith.extui %sign3A_220 : i1 to i32
        %sign3A_222 = arith.constant 0 : i32
        %sign3A_223 = arith.cmpi slt, %add3A_216, %sign3A_222 : i32
        %sign3A_224 = arith.extui %sign3A_223 : i1 to i32
        %sign3A_225 = arith.subi %sign3A_221, %sign3A_224 : i32
        %sign3A_226 = arith.constant 0 : i32
        %sign3A_227 = arith.cmpi sgt, %jit3A_217, %sign3A_226 : i32
        %sign3A_228 = arith.extui %sign3A_227 : i1 to i32
        %sign3A_229 = arith.constant 0 : i32
        %sign3A_230 = arith.cmpi slt, %jit3A_217, %sign3A_229 : i32
        %sign3A_231 = arith.extui %sign3A_230 : i1 to i32
        %sign3A_232 = arith.subi %sign3A_228, %sign3A_231 : i32
        %ne3A_233 = arith.cmpi ne, %sign3A_225, %sign3A_232 : i32
        %rem3A_234 = arith.remsi %add3A_216, %jit3A_217 : i32
        %ne3A_235 = arith.constant 0 : i32
        %ne3A_236 = arith.cmpi ne, %rem3A_234, %ne3A_235 : i32
        %and3A_237 = arith.andi %ne3A_233, %ne3A_236 : i1
        %sub3A_238 = arith.constant 1 : i32
        %sub3A_239 = arith.subi %div3A_218, %sub3A_238 : i32
        %select_n3A_240 = arith.select %and3A_237, %sub3A_239, %div3A_218 : i32
        %mul3A_241 = arith.constant 52 : i32
        %mul3A_242 = arith.muli %select_n3A_240, %mul3A_241 : i32
        %sub3A_243 = arith.subi %add3A_216, %mul3A_242 : i32
        %add3A_244 = arith.constant 0 : i32
        %add3A_245 = arith.addi %add3A_244, %select_n3A_240 : i32
        %mul3A_246 = arith.constant 384 : i32
        %mul3A_247 = arith.muli %sub3A_243, %mul3A_246 : i32
        %dma_wait3A_248 = arith.constant 0 : i32
        %dma_wait3A_249 = arith.constant 0 : i32
        %dma_wait3A_250 = tpu.memref_slice %arg2[%add3A_245, %dma_wait3A_248, %dma_wait3A_249, %mul3A_247] : memref<16x17x4x20000xf32, #tpu.memory_space<hbm>> -> memref<1x17x4x384xf32, #tpu.memory_space<hbm>>
        %dma_wait3A_251 = tpu.memref_squeeze %dma_wait3A_250 : memref<1x17x4x384xf32, #tpu.memory_space<hbm>> -> memref<17x4x384xf32, #tpu.memory_space<hbm>>
        %dma_wait3A_252 = arith.constant 0 : i32
        %dma_wait3A_253 = arith.constant 0 : i32
        %dma_wait3A_254 = tpu.memref_slice %arg2[%add3A_245, %dma_wait3A_252, %dma_wait3A_253, %mul3A_247] : memref<16x17x4x20000xf32, #tpu.memory_space<hbm>> -> memref<1x17x4x384xf32, #tpu.memory_space<hbm>>
        %dma_wait3A_255 = tpu.memref_squeeze %dma_wait3A_254 : memref<1x17x4x384xf32, #tpu.memory_space<hbm>> -> memref<17x4x384xf32, #tpu.memory_space<hbm>>
        tpu.wait_dma2 semaphore(%arg10 : memref<!tpu.dma_semaphore, #tpu.memory_space<semaphore_mem>>) src(%dma_wait3A_255 : memref<17x4x384xf32, #tpu.memory_space<hbm>>) dst(%arg4 : memref<17x4x384xf32, #tpu.memory_space<vmem>>)
        %ge3A = arith.constant 2 : i32
        %ge3A_256 = arith.cmpi sge, %add3A_174, %ge3A : i32
        %convert_element_type3A_257 = arith.extui %ge3A_256 : i1 to i32
        %cond3A_258 = arith.constant 0 : i32
        %cond3A_259 = arith.cmpi ne, %convert_element_type3A_257, %cond3A_258 : i32
        scf.if %cond3A_259 {
          %jit3A_305 = arith.constant 52 : i32
          %div3A_306 = arith.divsi %add3A_216, %jit3A_305 : i32
          %sign3A_307 = arith.constant 0 : i32
          %sign3A_308 = arith.cmpi sgt, %add3A_216, %sign3A_307 : i32
          %sign3A_309 = arith.extui %sign3A_308 : i1 to i32
          %sign3A_310 = arith.constant 0 : i32
          %sign3A_311 = arith.cmpi slt, %add3A_216, %sign3A_310 : i32
          %sign3A_312 = arith.extui %sign3A_311 : i1 to i32
          %sign3A_313 = arith.subi %sign3A_309, %sign3A_312 : i32
          %sign3A_314 = arith.constant 0 : i32
          %sign3A_315 = arith.cmpi sgt, %jit3A_305, %sign3A_314 : i32
          %sign3A_316 = arith.extui %sign3A_315 : i1 to i32
          %sign3A_317 = arith.constant 0 : i32
          %sign3A_318 = arith.cmpi slt, %jit3A_305, %sign3A_317 : i32
          %sign3A_319 = arith.extui %sign3A_318 : i1 to i32
          %sign3A_320 = arith.subi %sign3A_316, %sign3A_319 : i32
          %ne3A_321 = arith.cmpi ne, %sign3A_313, %sign3A_320 : i32
          %rem3A_322 = arith.remsi %add3A_216, %jit3A_305 : i32
          %ne3A_323 = arith.constant 0 : i32
          %ne3A_324 = arith.cmpi ne, %rem3A_322, %ne3A_323 : i32
          %and3A_325 = arith.andi %ne3A_321, %ne3A_324 : i1
          %sub3A_326 = arith.constant 1 : i32
          %sub3A_327 = arith.subi %div3A_306, %sub3A_326 : i32
          %select_n3A_328 = arith.select %and3A_325, %sub3A_327, %div3A_306 : i32
          %mul3A_329 = arith.constant 52 : i32
          %mul3A_330 = arith.muli %select_n3A_328, %mul3A_329 : i32
          %sub3A_331 = arith.subi %add3A_216, %mul3A_330 : i32
          %mul3A_332 = arith.constant 384 : i32
          %mul3A_333 = arith.muli %sub3A_331, %mul3A_332 : i32
          %dma_wait3A_334 = arith.constant 0 : i32
          %dma_wait3A_335 = tpu.memref_slice %arg3[%select_n3A_328, %dma_wait3A_334, %mul3A_333] : memref<16x16x20000xf32, #tpu.memory_space<hbm>> -> memref<1x16x384xf32, #tpu.memory_space<hbm>>
          %dma_wait3A_336 = tpu.memref_squeeze %dma_wait3A_335 : memref<1x16x384xf32, #tpu.memory_space<hbm>> -> memref<16x384xf32, #tpu.memory_space<hbm>>
          %dma_wait3A_337 = arith.constant 0 : i32
          %dma_wait3A_338 = tpu.memref_slice %arg3[%select_n3A_328, %dma_wait3A_337, %mul3A_333] : memref<16x16x20000xf32, #tpu.memory_space<hbm>> -> memref<1x16x384xf32, #tpu.memory_space<hbm>>
          %dma_wait3A_339 = tpu.memref_squeeze %dma_wait3A_338 : memref<1x16x384xf32, #tpu.memory_space<hbm>> -> memref<16x384xf32, #tpu.memory_space<hbm>>
          tpu.wait_dma2 semaphore(%arg12 : memref<!tpu.dma_semaphore, #tpu.memory_space<semaphore_mem>>) src(%arg6 : memref<16x384xf32, #tpu.memory_space<vmem>>) dst(%dma_wait3A_339 : memref<16x384xf32, #tpu.memory_space<hbm>>)
        } else {
        }
        %scan3A = arith.constant 0 : i32
        %scan3A_260 = arith.constant 24 : i32
        %scan3A_261 = arith.addi %scan3A, %scan3A_260 : i32
        %scan3A_262 = arith.constant 1 : i32
        scf.for %scan3A_305 = %scan3A to %scan3A_261 step %scan3A_262  : i32 {
          %mul3A_306 = arith.constant 1 : i32
          %mul3A_307 = arith.muli %scan3A_305, %mul3A_306 : i32
          %add3A_308 = arith.constant 0 : i32
          %add3A_309 = arith.addi %add3A_308, %mul3A_307 : i32
          %mul3A_310 = arith.constant 16 : i32
          %mul3A_311 = arith.muli %add3A_309, %mul3A_310 : i32
          %get3A = arith.constant 0 : i32
          %get3A_312 = arith.constant 0 : i32
          %get3A_313 = arith.index_cast %get3A : i32 to index
          %get3A_314 = arith.index_cast %get3A_312 : i32 to index
          %get3A_315 = arith.index_cast %mul3A_311 : i32 to index
          %get3A_316 = tpu.vector_load %arg4[%get3A_313, %get3A_314, %get3A_315] {strides = array<i32>} : memref<17x4x384xf32, #tpu.memory_space<vmem>>, vector<16xf32>,
          %get3A_317 = arith.constant 1 : i32
          %get3A_318 = arith.constant 0 : i32
          %get3A_319 = arith.index_cast %get3A_317 : i32 to index
          %get3A_320 = arith.index_cast %get3A_318 : i32 to index
          %get3A_321 = arith.index_cast %mul3A_311 : i32 to index
          %get3A_322 = tpu.vector_load %arg4[%get3A_319, %get3A_320, %get3A_321] {strides = array<i32>} : memref<17x4x384xf32, #tpu.memory_space<vmem>>, vector<16xf32>,
          %max3A = arith.maximumf %get3A_316, %get3A_322 : vector<16xf32>
          %min3A_323 = arith.minimumf %get3A_316, %get3A_322 : vector<16xf32>
          %get3A_324 = arith.constant 2 : i32
          %get3A_325 = arith.constant 0 : i32
          %get3A_326 = arith.index_cast %get3A_324 : i32 to index
          %get3A_327 = arith.index_cast %get3A_325 : i32 to index
          %get3A_328 = arith.index_cast %mul3A_311 : i32 to index
          %get3A_329 = tpu.vector_load %arg4[%get3A_326, %get3A_327, %get3A_328] {strides = array<i32>} : memref<17x4x384xf32, #tpu.memory_space<vmem>>, vector<16xf32>,
          %max3A_330 = arith.maximumf %max3A, %get3A_329 : vector<16xf32>
          %min3A_331 = arith.minimumf %max3A, %get3A_329 : vector<16xf32>
          %max3A_332 = arith.maximumf %min3A_323, %min3A_331 : vector<16xf32>
          %min3A_333 = arith.minimumf %min3A_323, %min3A_331 : vector<16xf32>
          %get3A_334 = arith.constant 3 : i32
          %get3A_335 = arith.constant 0 : i32
          %get3A_336 = arith.index_cast %get3A_334 : i32 to index
          %get3A_337 = arith.index_cast %get3A_335 : i32 to index
          %get3A_338 = arith.index_cast %mul3A_311 : i32 to index
          %get3A_339 = tpu.vector_load %arg4[%get3A_336, %get3A_337, %get3A_338] {strides = array<i32>} : memref<17x4x384xf32, #tpu.memory_space<vmem>>, vector<16xf32>,
          %max3A_340 = arith.maximumf %max3A_330, %get3A_339 : vector<16xf32>
          %min3A_341 = arith.minimumf %max3A_330, %get3A_339 : vector<16xf32>
          %max3A_342 = arith.maximumf %max3A_332, %min3A_341 : vector<16xf32>
          %min3A_343 = arith.minimumf %max3A_332, %min3A_341 : vector<16xf32>
          %max3A_344 = arith.maximumf %min3A_333, %min3A_343 : vector<16xf32>
          %min3A_345 = arith.minimumf %min3A_333, %min3A_343 : vector<16xf32>
          %get3A_346 = arith.constant 4 : i32
          %get3A_347 = arith.constant 0 : i32
          %get3A_348 = arith.index_cast %get3A_346 : i32 to index
          %get3A_349 = arith.index_cast %get3A_347 : i32 to index
          %get3A_350 = arith.index_cast %mul3A_311 : i32 to index
          %get3A_351 = tpu.vector_load %arg4[%get3A_348, %get3A_349, %get3A_350] {strides = array<i32>} : memref<17x4x384xf32, #tpu.memory_space<vmem>>, vector<16xf32>,
          %max3A_352 = arith.maximumf %max3A_340, %get3A_351 : vector<16xf32>
          %min3A_353 = arith.minimumf %max3A_340, %get3A_351 : vector<16xf32>
          %max3A_354 = arith.maximumf %max3A_342, %min3A_353 : vector<16xf32>
          %min3A_355 = arith.minimumf %max3A_342, %min3A_353 : vector<16xf32>
          %max3A_356 = arith.maximumf %max3A_344, %min3A_355 : vector<16xf32>
          %min3A_357 = arith.minimumf %max3A_344, %min3A_355 : vector<16xf32>
          %max3A_358 = arith.maximumf %min3A_345, %min3A_357 : vector<16xf32>
          %get3A_359 = arith.constant 5 : i32
          %get3A_360 = arith.constant 0 : i32
          %get3A_361 = arith.index_cast %get3A_359 : i32 to index
          %get3A_362 = arith.index_cast %get3A_360 : i32 to index
          %get3A_363 = arith.index_cast %mul3A_311 : i32 to index
          %get3A_364 = tpu.vector_load %arg4[%get3A_361, %get3A_362, %get3A_363] {strides = array<i32>} : memref<17x4x384xf32, #tpu.memory_space<vmem>>, vector<16xf32>,
          %max3A_365 = arith.maximumf %max3A_352, %get3A_364 : vector<16xf32>
          %min3A_366 = arith.minimumf %max3A_352, %get3A_364 : vector<16xf32>
          %max3A_367 = arith.maximumf %max3A_354, %min3A_366 : vector<16xf32>
          %min3A_368 = arith.minimumf %max3A_354, %min3A_366 : vector<16xf32>
          %max3A_369 = arith.maximumf %max3A_356, %min3A_368 : vector<16xf32>
          %min3A_370 = arith.minimumf %max3A_356, %min3A_368 : vector<16xf32>
          %max3A_371 = arith.maximumf %max3A_358, %min3A_370 : vector<16xf32>
          %get3A_372 = arith.constant 6 : i32
          %get3A_373 = arith.constant 0 : i32
          %get3A_374 = arith.index_cast %get3A_372 : i32 to index
          %get3A_375 = arith.index_cast %get3A_373 : i32 to index
          %get3A_376 = arith.index_cast %mul3A_311 : i32 to index
          %get3A_377 = tpu.vector_load %arg4[%get3A_374, %get3A_375, %get3A_376] {strides = array<i32>} : memref<17x4x384xf32, #tpu.memory_space<vmem>>, vector<16xf32>,
          %max3A_378 = arith.maximumf %max3A_365, %get3A_377 : vector<16xf32>
          %min3A_379 = arith.minimumf %max3A_365, %get3A_377 : vector<16xf32>
          %max3A_380 = arith.maximumf %max3A_367, %min3A_379 : vector<16xf32>
          %min3A_381 = arith.minimumf %max3A_367, %min3A_379 : vector<16xf32>
          %max3A_382 = arith.maximumf %max3A_369, %min3A_381 : vector<16xf32>
          %min3A_383 = arith.minimumf %max3A_369, %min3A_381 : vector<16xf32>
          %max3A_384 = arith.maximumf %max3A_371, %min3A_383 : vector<16xf32>
          %get3A_385 = arith.constant 7 : i32
          %get3A_386 = arith.constant 0 : i32
          %get3A_387 = arith.index_cast %get3A_385 : i32 to index
          %get3A_388 = arith.index_cast %get3A_386 : i32 to index
          %get3A_389 = arith.index_cast %mul3A_311 : i32 to index
          %get3A_390 = tpu.vector_load %arg4[%get3A_387, %get3A_388, %get3A_389] {strides = array<i32>} : memref<17x4x384xf32, #tpu.memory_space<vmem>>, vector<16xf32>,
          %max3A_391 = arith.maximumf %max3A_378, %get3A_390 : vector<16xf32>
          %min3A_392 = arith.minimumf %max3A_378, %get3A_390 : vector<16xf32>
          %max3A_393 = arith.maximumf %max3A_380, %min3A_392 : vector<16xf32>
          %min3A_394 = arith.minimumf %max3A_380, %min3A_392 : vector<16xf32>
          %max3A_395 = arith.maximumf %max3A_382, %min3A_394 : vector<16xf32>
          %min3A_396 = arith.minimumf %max3A_382, %min3A_394 : vector<16xf32>
          %max3A_397 = arith.maximumf %max3A_384, %min3A_396 : vector<16xf32>
          %get3A_398 = arith.constant 8 : i32
          %get3A_399 = arith.constant 0 : i32
          %get3A_400 = arith.index_cast %get3A_398 : i32 to index
          %get3A_401 = arith.index_cast %get3A_399 : i32 to index
          %get3A_402 = arith.index_cast %mul3A_311 : i32 to index
          %get3A_403 = tpu.vector_load %arg4[%get3A_400, %get3A_401, %get3A_402] {strides = array<i32>} : memref<17x4x384xf32, #tpu.memory_space<vmem>>, vector<16xf32>,
          %max3A_404 = arith.maximumf %max3A_391, %get3A_403 : vector<16xf32>
          %min3A_405 = arith.minimumf %max3A_391, %get3A_403 : vector<16xf32>
          %max3A_406 = arith.maximumf %max3A_393, %min3A_405 : vector<16xf32>
          %min3A_407 = arith.minimumf %max3A_393, %min3A_405 : vector<16xf32>
          %max3A_408 = arith.maximumf %max3A_395, %min3A_407 : vector<16xf32>
          %min3A_409 = arith.minimumf %max3A_395, %min3A_407 : vector<16xf32>
          %max3A_410 = arith.maximumf %max3A_397, %min3A_409 : vector<16xf32>
          %get3A_411 = arith.constant 9 : i32
          %get3A_412 = arith.constant 0 : i32
          %get3A_413 = arith.index_cast %get3A_411 : i32 to index
          %get3A_414 = arith.index_cast %get3A_412 : i32 to index
          %get3A_415 = arith.index_cast %mul3A_311 : i32 to index
          %get3A_416 = tpu.vector_load %arg4[%get3A_413, %get3A_414, %get3A_415] {strides = array<i32>} : memref<17x4x384xf32, #tpu.memory_space<vmem>>, vector<16xf32>,
          %max3A_417 = arith.maximumf %max3A_404, %get3A_416 : vector<16xf32>
          %min3A_418 = arith.minimumf %max3A_404, %get3A_416 : vector<16xf32>
          %max3A_419 = arith.maximumf %max3A_406, %min3A_418 : vector<16xf32>
          %min3A_420 = arith.minimumf %max3A_406, %min3A_418 : vector<16xf32>
          %max3A_421 = arith.maximumf %max3A_408, %min3A_420 : vector<16xf32>
          %min3A_422 = arith.minimumf %max3A_408, %min3A_420 : vector<16xf32>
          %max3A_423 = arith.maximumf %max3A_410, %min3A_422 : vector<16xf32>
          %get3A_424 = arith.constant 10 : i32
          %get3A_425 = arith.constant 0 : i32
          %get3A_426 = arith.index_cast %get3A_424 : i32 to index
          %get3A_427 = arith.index_cast %get3A_425 : i32 to index
          %get3A_428 = arith.index_cast %mul3A_311 : i32 to index
          %get3A_429 = tpu.vector_load %arg4[%get3A_426, %get3A_427, %get3A_428] {strides = array<i32>} : memref<17x4x384xf32, #tpu.memory_space<vmem>>, vector<16xf32>,
          %max3A_430 = arith.maximumf %max3A_417, %get3A_429 : vector<16xf32>
          %min3A_431 = arith.minimumf %max3A_417, %get3A_429 : vector<16xf32>
          %max3A_432 = arith.maximumf %max3A_419, %min3A_431 : vector<16xf32>
          %min3A_433 = arith.minimumf %max3A_419, %min3A_431 : vector<16xf32>
          %max3A_434 = arith.maximumf %max3A_421, %min3A_433 : vector<16xf32>
          %min3A_435 = arith.minimumf %max3A_421, %min3A_433 : vector<16xf32>
          %max3A_436 = arith.maximumf %max3A_423, %min3A_435 : vector<16xf32>
          %get3A_437 = arith.constant 11 : i32
          %get3A_438 = arith.constant 0 : i32
          %get3A_439 = arith.index_cast %get3A_437 : i32 to index
          %get3A_440 = arith.index_cast %get3A_438 : i32 to index
          %get3A_441 = arith.index_cast %mul3A_311 : i32 to index
          %get3A_442 = tpu.vector_load %arg4[%get3A_439, %get3A_440, %get3A_441] {strides = array<i32>} : memref<17x4x384xf32, #tpu.memory_space<vmem>>, vector<16xf32>,
          %max3A_443 = arith.maximumf %max3A_430, %get3A_442 : vector<16xf32>
          %min3A_444 = arith.minimumf %max3A_430, %get3A_442 : vector<16xf32>
          %max3A_445 = arith.maximumf %max3A_432, %min3A_444 : vector<16xf32>
          %min3A_446 = arith.minimumf %max3A_432, %min3A_444 : vector<16xf32>
          %max3A_447 = arith.maximumf %max3A_434, %min3A_446 : vector<16xf32>
          %min3A_448 = arith.minimumf %max3A_434, %min3A_446 : vector<16xf32>
          %max3A_449 = arith.maximumf %max3A_436, %min3A_448 : vector<16xf32>
          %get3A_450 = arith.constant 12 : i32
          %get3A_451 = arith.constant 0 : i32
          %get3A_452 = arith.index_cast %get3A_450 : i32 to index
          %get3A_453 = arith.index_cast %get3A_451 : i32 to index
          %get3A_454 = arith.index_cast %mul3A_311 : i32 to index
          %get3A_455 = tpu.vector_load %arg4[%get3A_452, %get3A_453, %get3A_454] {strides = array<i32>} : memref<17x4x384xf32, #tpu.memory_space<vmem>>, vector<16xf32>,
          %max3A_456 = arith.maximumf %max3A_443, %get3A_455 : vector<16xf32>
          %min3A_457 = arith.minimumf %max3A_443, %get3A_455 : vector<16xf32>
          %max3A_458 = arith.maximumf %max3A_445, %min3A_457 : vector<16xf32>
          %min3A_459 = arith.minimumf %max3A_445, %min3A_457 : vector<16xf32>
          %max3A_460 = arith.maximumf %max3A_447, %min3A_459 : vector<16xf32>
          %min3A_461 = arith.minimumf %max3A_447, %min3A_459 : vector<16xf32>
          %max3A_462 = arith.maximumf %max3A_449, %min3A_461 : vector<16xf32>
          %get3A_463 = arith.constant 13 : i32
          %get3A_464 = arith.constant 0 : i32
          %get3A_465 = arith.index_cast %get3A_463 : i32 to index
          %get3A_466 = arith.index_cast %get3A_464 : i32 to index
          %get3A_467 = arith.index_cast %mul3A_311 : i32 to index
          %get3A_468 = tpu.vector_load %arg4[%get3A_465, %get3A_466, %get3A_467] {strides = array<i32>} : memref<17x4x384xf32, #tpu.memory_space<vmem>>, vector<16xf32>,
          %max3A_469 = arith.maximumf %max3A_456, %get3A_468 : vector<16xf32>
          %min3A_470 = arith.minimumf %max3A_456, %get3A_468 : vector<16xf32>
          %max3A_471 = arith.maximumf %max3A_458, %min3A_470 : vector<16xf32>
          %min3A_472 = arith.minimumf %max3A_458, %min3A_470 : vector<16xf32>
          %max3A_473 = arith.maximumf %max3A_460, %min3A_472 : vector<16xf32>
          %min3A_474 = arith.minimumf %max3A_460, %min3A_472 : vector<16xf32>
          %max3A_475 = arith.maximumf %max3A_462, %min3A_474 : vector<16xf32>
          %get3A_476 = arith.constant 14 : i32
          %get3A_477 = arith.constant 0 : i32
          %get3A_478 = arith.index_cast %get3A_476 : i32 to index
          %get3A_479 = arith.index_cast %get3A_477 : i32 to index
          %get3A_480 = arith.index_cast %mul3A_311 : i32 to index
          %get3A_481 = tpu.vector_load %arg4[%get3A_478, %get3A_479, %get3A_480] {strides = array<i32>} : memref<17x4x384xf32, #tpu.memory_space<vmem>>, vector<16xf32>,
          %max3A_482 = arith.maximumf %max3A_469, %get3A_481 : vector<16xf32>
          %min3A_483 = arith.minimumf %max3A_469, %get3A_481 : vector<16xf32>
          %max3A_484 = arith.maximumf %max3A_471, %min3A_483 : vector<16xf32>
          %min3A_485 = arith.minimumf %max3A_471, %min3A_483 : vector<16xf32>
          %max3A_486 = arith.maximumf %max3A_473, %min3A_485 : vector<16xf32>
          %min3A_487 = arith.minimumf %max3A_473, %min3A_485 : vector<16xf32>
          %max3A_488 = arith.maximumf %max3A_475, %min3A_487 : vector<16xf32>
          %get3A_489 = arith.constant 15 : i32
          %get3A_490 = arith.constant 0 : i32
          %get3A_491 = arith.index_cast %get3A_489 : i32 to index
          %get3A_492 = arith.index_cast %get3A_490 : i32 to index
          %get3A_493 = arith.index_cast %mul3A_311 : i32 to index
          %get3A_494 = tpu.vector_load %arg4[%get3A_491, %get3A_492, %get3A_493] {strides = array<i32>} : memref<17x4x384xf32, #tpu.memory_space<vmem>>, vector<16xf32>,
          %max3A_495 = arith.maximumf %max3A_482, %get3A_494 : vector<16xf32>
          %min3A_496 = arith.minimumf %max3A_482, %get3A_494 : vector<16xf32>
          %max3A_497 = arith.maximumf %max3A_484, %min3A_496 : vector<16xf32>
          %min3A_498 = arith.minimumf %max3A_484, %min3A_496 : vector<16xf32>
          %max3A_499 = arith.maximumf %max3A_486, %min3A_498 : vector<16xf32>
          %min3A_500 = arith.minimumf %max3A_486, %min3A_498 : vector<16xf32>
          %max3A_501 = arith.maximumf %max3A_488, %min3A_500 : vector<16xf32>
          %get3A_502 = arith.constant 16 : i32
          %get3A_503 = arith.constant 0 : i32
          %get3A_504 = arith.index_cast %get3A_502 : i32 to index
          %get3A_505 = arith.index_cast %get3A_503 : i32 to index
          %get3A_506 = arith.index_cast %mul3A_311 : i32 to index
          %get3A_507 = tpu.vector_load %arg4[%get3A_504, %get3A_505, %get3A_506] {strides = array<i32>} : memref<17x4x384xf32, #tpu.memory_space<vmem>>, vector<16xf32>,
          %max3A_508 = arith.maximumf %max3A_495, %get3A_507 : vector<16xf32>
          %min3A_509 = arith.minimumf %max3A_495, %get3A_507 : vector<16xf32>
          %max3A_510 = arith.maximumf %max3A_497, %min3A_509 : vector<16xf32>
          %min3A_511 = arith.minimumf %max3A_497, %min3A_509 : vector<16xf32>
          %max3A_512 = arith.maximumf %max3A_499, %min3A_511 : vector<16xf32>
          %min3A_513 = arith.minimumf %max3A_499, %min3A_511 : vector<16xf32>
          %max3A_514 = arith.maximumf %max3A_501, %min3A_513 : vector<16xf32>
          %swap3A = arith.constant 0 : i32
          %swap3A_515 = arith.index_cast %swap3A : i32 to index
          %swap3A_516 = arith.index_cast %mul3A_311 : i32 to index
          %swap3A_517 = tpu.vector_load %arg6[%swap3A_515, %swap3A_516] {strides = array<i32>} : memref<16x384xf32, #tpu.memory_space<vmem>>, vector<16xf32>,
          tpu.vector_store %arg6[%swap3A_515, %swap3A_516], %max3A_508 {strides = array<i32>} : memref<16x384xf32, #tpu.memory_space<vmem>>, vector<16xf32>,
          %swap3A_518 = arith.constant 1 : i32
          %swap3A_519 = arith.index_cast %swap3A_518 : i32 to index
          %swap3A_520 = arith.index_cast %mul3A_311 : i32 to index
          %swap3A_521 = tpu.vector_load %arg6[%swap3A_519, %swap3A_520] {strides = array<i32>} : memref<16x384xf32, #tpu.memory_space<vmem>>, vector<16xf32>,
          tpu.vector_store %arg6[%swap3A_519, %swap3A_520], %max3A_510 {strides = array<i32>} : memref<16x384xf32, #tpu.memory_space<vmem>>, vector<16xf32>,
          %swap3A_522 = arith.constant 2 : i32
          %swap3A_523 = arith.index_cast %swap3A_522 : i32 to index
          %swap3A_524 = arith.index_cast %mul3A_311 : i32 to index
          %swap3A_525 = tpu.vector_load %arg6[%swap3A_523, %swap3A_524] {strides = array<i32>} : memref<16x384xf32, #tpu.memory_space<vmem>>, vector<16xf32>,
          tpu.vector_store %arg6[%swap3A_523, %swap3A_524], %max3A_512 {strides = array<i32>} : memref<16x384xf32, #tpu.memory_space<vmem>>, vector<16xf32>,
          %swap3A_526 = arith.constant 3 : i32
          %swap3A_527 = arith.index_cast %swap3A_526 : i32 to index
          %swap3A_528 = arith.index_cast %mul3A_311 : i32 to index
          %swap3A_529 = tpu.vector_load %arg6[%swap3A_527, %swap3A_528] {strides = array<i32>} : memref<16x384xf32, #tpu.memory_space<vmem>>, vector<16xf32>,
          tpu.vector_store %arg6[%swap3A_527, %swap3A_528], %max3A_514 {strides = array<i32>} : memref<16x384xf32, #tpu.memory_space<vmem>>, vector<16xf32>,
          %get3A_530 = arith.constant 0 : i32
          %get3A_531 = arith.constant 1 : i32
          %get3A_532 = arith.index_cast %get3A_530 : i32 to index
          %get3A_533 = arith.index_cast %get3A_531 : i32 to index
          %get3A_534 = arith.index_cast %mul3A_311 : i32 to index
          %get3A_535 = tpu.vector_load %arg4[%get3A_532, %get3A_533, %get3A_534] {strides = array<i32>} : memref<17x4x384xf32, #tpu.memory_space<vmem>>, vector<16xf32>,
          %get3A_536 = arith.constant 1 : i32
          %get3A_537 = arith.constant 1 : i32
          %get3A_538 = arith.index_cast %get3A_536 : i32 to index
          %get3A_539 = arith.index_cast %get3A_537 : i32 to index
          %get3A_540 = arith.index_cast %mul3A_311 : i32 to index
          %get3A_541 = tpu.vector_load %arg4[%get3A_538, %get3A_539, %get3A_540] {strides = array<i32>} : memref<17x4x384xf32, #tpu.memory_space<vmem>>, vector<16xf32>,
          %max3A_542 = arith.maximumf %get3A_535, %get3A_541 : vector<16xf32>
          %min3A_543 = arith.minimumf %get3A_535, %get3A_541 : vector<16xf32>
          %get3A_544 = arith.constant 2 : i32
          %get3A_545 = arith.constant 1 : i32
          %get3A_546 = arith.index_cast %get3A_544 : i32 to index
          %get3A_547 = arith.index_cast %get3A_545 : i32 to index
          %get3A_548 = arith.index_cast %mul3A_311 : i32 to index
          %get3A_549 = tpu.vector_load %arg4[%get3A_546, %get3A_547, %get3A_548] {strides = array<i32>} : memref<17x4x384xf32, #tpu.memory_space<vmem>>, vector<16xf32>,
          %max3A_550 = arith.maximumf %max3A_542, %get3A_549 : vector<16xf32>
          %min3A_551 = arith.minimumf %max3A_542, %get3A_549 : vector<16xf32>
          %max3A_552 = arith.maximumf %min3A_543, %min3A_551 : vector<16xf32>
          %min3A_553 = arith.minimumf %min3A_543, %min3A_551 : vector<16xf32>
          %get3A_554 = arith.constant 3 : i32
          %get3A_555 = arith.constant 1 : i32
          %get3A_556 = arith.index_cast %get3A_554 : i32 to index
          %get3A_557 = arith.index_cast %get3A_555 : i32 to index
          %get3A_558 = arith.index_cast %mul3A_311 : i32 to index
          %get3A_559 = tpu.vector_load %arg4[%get3A_556, %get3A_557, %get3A_558] {strides = array<i32>} : memref<17x4x384xf32, #tpu.memory_space<vmem>>, vector<16xf32>,
          %max3A_560 = arith.maximumf %max3A_550, %get3A_559 : vector<16xf32>
          %min3A_561 = arith.minimumf %max3A_550, %get3A_559 : vector<16xf32>
          %max3A_562 = arith.maximumf %max3A_552, %min3A_561 : vector<16xf32>
          %min3A_563 = arith.minimumf %max3A_552, %min3A_561 : vector<16xf32>
          %max3A_564 = arith.maximumf %min3A_553, %min3A_563 : vector<16xf32>
          %min3A_565 = arith.minimumf %min3A_553, %min3A_563 : vector<16xf32>
          %get3A_566 = arith.constant 4 : i32
          %get3A_567 = arith.constant 1 : i32
          %get3A_568 = arith.index_cast %get3A_566 : i32 to index
          %get3A_569 = arith.index_cast %get3A_567 : i32 to index
          %get3A_570 = arith.index_cast %mul3A_311 : i32 to index
          %get3A_571 = tpu.vector_load %arg4[%get3A_568, %get3A_569, %get3A_570] {strides = array<i32>} : memref<17x4x384xf32, #tpu.memory_space<vmem>>, vector<16xf32>,
          %max3A_572 = arith.maximumf %max3A_560, %get3A_571 : vector<16xf32>
          %min3A_573 = arith.minimumf %max3A_560, %get3A_571 : vector<16xf32>
          %max3A_574 = arith.maximumf %max3A_562, %min3A_573 : vector<16xf32>
          %min3A_575 = arith.minimumf %max3A_562, %min3A_573 : vector<16xf32>
          %max3A_576 = arith.maximumf %max3A_564, %min3A_575 : vector<16xf32>
          %min3A_577 = arith.minimumf %max3A_564, %min3A_575 : vector<16xf32>
          %max3A_578 = arith.maximumf %min3A_565, %min3A_577 : vector<16xf32>
          %get3A_579 = arith.constant 5 : i32
          %get3A_580 = arith.constant 1 : i32
          %get3A_581 = arith.index_cast %get3A_579 : i32 to index
          %get3A_582 = arith.index_cast %get3A_580 : i32 to index
          %get3A_583 = arith.index_cast %mul3A_311 : i32 to index
          %get3A_584 = tpu.vector_load %arg4[%get3A_581, %get3A_582, %get3A_583] {strides = array<i32>} : memref<17x4x384xf32, #tpu.memory_space<vmem>>, vector<16xf32>,
          %max3A_585 = arith.maximumf %max3A_572, %get3A_584 : vector<16xf32>
          %min3A_586 = arith.minimumf %max3A_572, %get3A_584 : vector<16xf32>
          %max3A_587 = arith.maximumf %max3A_574, %min3A_586 : vector<16xf32>
          %min3A_588 = arith.minimumf %max3A_574, %min3A_586 : vector<16xf32>
          %max3A_589 = arith.maximumf %max3A_576, %min3A_588 : vector<16xf32>
          %min3A_590 = arith.minimumf %max3A_576, %min3A_588 : vector<16xf32>
          %max3A_591 = arith.maximumf %max3A_578, %min3A_590 : vector<16xf32>
          %get3A_592 = arith.constant 6 : i32
          %get3A_593 = arith.constant 1 : i32
          %get3A_594 = arith.index_cast %get3A_592 : i32 to index
          %get3A_595 = arith.index_cast %get3A_593 : i32 to index
          %get3A_596 = arith.index_cast %mul3A_311 : i32 to index
          %get3A_597 = tpu.vector_load %arg4[%get3A_594, %get3A_595, %get3A_596] {strides = array<i32>} : memref<17x4x384xf32, #tpu.memory_space<vmem>>, vector<16xf32>,
          %max3A_598 = arith.maximumf %max3A_585, %get3A_597 : vector<16xf32>
          %min3A_599 = arith.minimumf %max3A_585, %get3A_597 : vector<16xf32>
          %max3A_600 = arith.maximumf %max3A_587, %min3A_599 : vector<16xf32>
          %min3A_601 = arith.minimumf %max3A_587, %min3A_599 : vector<16xf32>
          %max3A_602 = arith.maximumf %max3A_589, %min3A_601 : vector<16xf32>
          %min3A_603 = arith.minimumf %max3A_589, %min3A_601 : vector<16xf32>
          %max3A_604 = arith.maximumf %max3A_591, %min3A_603 : vector<16xf32>
          %get3A_605 = arith.constant 7 : i32
          %get3A_606 = arith.constant 1 : i32
          %get3A_607 = arith.index_cast %get3A_605 : i32 to index
          %get3A_608 = arith.index_cast %get3A_606 : i32 to index
          %get3A_609 = arith.index_cast %mul3A_311 : i32 to index
          %get3A_610 = tpu.vector_load %arg4[%get3A_607, %get3A_608, %get3A_609] {strides = array<i32>} : memref<17x4x384xf32, #tpu.memory_space<vmem>>, vector<16xf32>,
          %max3A_611 = arith.maximumf %max3A_598, %get3A_610 : vector<16xf32>
          %min3A_612 = arith.minimumf %max3A_598, %get3A_610 : vector<16xf32>
          %max3A_613 = arith.maximumf %max3A_600, %min3A_612 : vector<16xf32>
          %min3A_614 = arith.minimumf %max3A_600, %min3A_612 : vector<16xf32>
          %max3A_615 = arith.maximumf %max3A_602, %min3A_614 : vector<16xf32>
          %min3A_616 = arith.minimumf %max3A_602, %min3A_614 : vector<16xf32>
          %max3A_617 = arith.maximumf %max3A_604, %min3A_616 : vector<16xf32>
          %get3A_618 = arith.constant 8 : i32
          %get3A_619 = arith.constant 1 : i32
          %get3A_620 = arith.index_cast %get3A_618 : i32 to index
          %get3A_621 = arith.index_cast %get3A_619 : i32 to index
          %get3A_622 = arith.index_cast %mul3A_311 : i32 to index
          %get3A_623 = tpu.vector_load %arg4[%get3A_620, %get3A_621, %get3A_622] {strides = array<i32>} : memref<17x4x384xf32, #tpu.memory_space<vmem>>, vector<16xf32>,
          %max3A_624 = arith.maximumf %max3A_611, %get3A_623 : vector<16xf32>
          %min3A_625 = arith.minimumf %max3A_611, %get3A_623 : vector<16xf32>
          %max3A_626 = arith.maximumf %max3A_613, %min3A_625 : vector<16xf32>
          %min3A_627 = arith.minimumf %max3A_613, %min3A_625 : vector<16xf32>
          %max3A_628 = arith.maximumf %max3A_615, %min3A_627 : vector<16xf32>
          %min3A_629 = arith.minimumf %max3A_615, %min3A_627 : vector<16xf32>
          %max3A_630 = arith.maximumf %max3A_617, %min3A_629 : vector<16xf32>
          %get3A_631 = arith.constant 9 : i32
          %get3A_632 = arith.constant 1 : i32
          %get3A_633 = arith.index_cast %get3A_631 : i32 to index
          %get3A_634 = arith.index_cast %get3A_632 : i32 to index
          %get3A_635 = arith.index_cast %mul3A_311 : i32 to index
          %get3A_636 = tpu.vector_load %arg4[%get3A_633, %get3A_634, %get3A_635] {strides = array<i32>} : memref<17x4x384xf32, #tpu.memory_space<vmem>>, vector<16xf32>,
          %max3A_637 = arith.maximumf %max3A_624, %get3A_636 : vector<16xf32>
          %min3A_638 = arith.minimumf %max3A_624, %get3A_636 : vector<16xf32>
          %max3A_639 = arith.maximumf %max3A_626, %min3A_638 : vector<16xf32>
          %min3A_640 = arith.minimumf %max3A_626, %min3A_638 : vector<16xf32>
          %max3A_641 = arith.maximumf %max3A_628, %min3A_640 : vector<16xf32>
          %min3A_642 = arith.minimumf %max3A_628, %min3A_640 : vector<16xf32>
          %max3A_643 = arith.maximumf %max3A_630, %min3A_642 : vector<16xf32>
          %get3A_644 = arith.constant 10 : i32
          %get3A_645 = arith.constant 1 : i32
          %get3A_646 = arith.index_cast %get3A_644 : i32 to index
          %get3A_647 = arith.index_cast %get3A_645 : i32 to index
          %get3A_648 = arith.index_cast %mul3A_311 : i32 to index
          %get3A_649 = tpu.vector_load %arg4[%get3A_646, %get3A_647, %get3A_648] {strides = array<i32>} : memref<17x4x384xf32, #tpu.memory_space<vmem>>, vector<16xf32>,
          %max3A_650 = arith.maximumf %max3A_637, %get3A_649 : vector<16xf32>
          %min3A_651 = arith.minimumf %max3A_637, %get3A_649 : vector<16xf32>
          %max3A_652 = arith.maximumf %max3A_639, %min3A_651 : vector<16xf32>
          %min3A_653 = arith.minimumf %max3A_639, %min3A_651 : vector<16xf32>
          %max3A_654 = arith.maximumf %max3A_641, %min3A_653 : vector<16xf32>
          %min3A_655 = arith.minimumf %max3A_641, %min3A_653 : vector<16xf32>
          %max3A_656 = arith.maximumf %max3A_643, %min3A_655 : vector<16xf32>
          %get3A_657 = arith.constant 11 : i32
          %get3A_658 = arith.constant 1 : i32
          %get3A_659 = arith.index_cast %get3A_657 : i32 to index
          %get3A_660 = arith.index_cast %get3A_658 : i32 to index
          %get3A_661 = arith.index_cast %mul3A_311 : i32 to index
          %get3A_662 = tpu.vector_load %arg4[%get3A_659, %get3A_660, %get3A_661] {strides = array<i32>} : memref<17x4x384xf32, #tpu.memory_space<vmem>>, vector<16xf32>,
          %max3A_663 = arith.maximumf %max3A_650, %get3A_662 : vector<16xf32>
          %min3A_664 = arith.minimumf %max3A_650, %get3A_662 : vector<16xf32>
          %max3A_665 = arith.maximumf %max3A_652, %min3A_664 : vector<16xf32>
          %min3A_666 = arith.minimumf %max3A_652, %min3A_664 : vector<16xf32>
          %max3A_667 = arith.maximumf %max3A_654, %min3A_666 : vector<16xf32>
          %min3A_668 = arith.minimumf %max3A_654, %min3A_666 : vector<16xf32>
          %max3A_669 = arith.maximumf %max3A_656, %min3A_668 : vector<16xf32>
          %get3A_670 = arith.constant 12 : i32
          %get3A_671 = arith.constant 1 : i32
          %get3A_672 = arith.index_cast %get3A_670 : i32 to index
          %get3A_673 = arith.index_cast %get3A_671 : i32 to index
          %get3A_674 = arith.index_cast %mul3A_311 : i32 to index
          %get3A_675 = tpu.vector_load %arg4[%get3A_672, %get3A_673, %get3A_674] {strides = array<i32>} : memref<17x4x384xf32, #tpu.memory_space<vmem>>, vector<16xf32>,
          %max3A_676 = arith.maximumf %max3A_663, %get3A_675 : vector<16xf32>
          %min3A_677 = arith.minimumf %max3A_663, %get3A_675 : vector<16xf32>
          %max3A_678 = arith.maximumf %max3A_665, %min3A_677 : vector<16xf32>
          %min3A_679 = arith.minimumf %max3A_665, %min3A_677 : vector<16xf32>
          %max3A_680 = arith.maximumf %max3A_667, %min3A_679 : vector<16xf32>
          %min3A_681 = arith.minimumf %max3A_667, %min3A_679 : vector<16xf32>
          %max3A_682 = arith.maximumf %max3A_669, %min3A_681 : vector<16xf32>
          %get3A_683 = arith.constant 13 : i32
          %get3A_684 = arith.constant 1 : i32
          %get3A_685 = arith.index_cast %get3A_683 : i32 to index
          %get3A_686 = arith.index_cast %get3A_684 : i32 to index
          %get3A_687 = arith.index_cast %mul3A_311 : i32 to index
          %get3A_688 = tpu.vector_load %arg4[%get3A_685, %get3A_686, %get3A_687] {strides = array<i32>} : memref<17x4x384xf32, #tpu.memory_space<vmem>>, vector<16xf32>,
          %max3A_689 = arith.maximumf %max3A_676, %get3A_688 : vector<16xf32>
          %min3A_690 = arith.minimumf %max3A_676, %get3A_688 : vector<16xf32>
          %max3A_691 = arith.maximumf %max3A_678, %min3A_690 : vector<16xf32>
          %min3A_692 = arith.minimumf %max3A_678, %min3A_690 : vector<16xf32>
          %max3A_693 = arith.maximumf %max3A_680, %min3A_692 : vector<16xf32>
          %min3A_694 = arith.minimumf %max3A_680, %min3A_692 : vector<16xf32>
          %max3A_695 = arith.maximumf %max3A_682, %min3A_694 : vector<16xf32>
          %get3A_696 = arith.constant 14 : i32
          %get3A_697 = arith.constant 1 : i32
          %get3A_698 = arith.index_cast %get3A_696 : i32 to index
          %get3A_699 = arith.index_cast %get3A_697 : i32 to index
          %get3A_700 = arith.index_cast %mul3A_311 : i32 to index
          %get3A_701 = tpu.vector_load %arg4[%get3A_698, %get3A_699, %get3A_700] {strides = array<i32>} : memref<17x4x384xf32, #tpu.memory_space<vmem>>, vector<16xf32>,
          %max3A_702 = arith.maximumf %max3A_689, %get3A_701 : vector<16xf32>
          %min3A_703 = arith.minimumf %max3A_689, %get3A_701 : vector<16xf32>
          %max3A_704 = arith.maximumf %max3A_691, %min3A_703 : vector<16xf32>
          %min3A_705 = arith.minimumf %max3A_691, %min3A_703 : vector<16xf32>
          %max3A_706 = arith.maximumf %max3A_693, %min3A_705 : vector<16xf32>
          %min3A_707 = arith.minimumf %max3A_693, %min3A_705 : vector<16xf32>
          %max3A_708 = arith.maximumf %max3A_695, %min3A_707 : vector<16xf32>
          %get3A_709 = arith.constant 15 : i32
          %get3A_710 = arith.constant 1 : i32
          %get3A_711 = arith.index_cast %get3A_709 : i32 to index
          %get3A_712 = arith.index_cast %get3A_710 : i32 to index
          %get3A_713 = arith.index_cast %mul3A_311 : i32 to index
          %get3A_714 = tpu.vector_load %arg4[%get3A_711, %get3A_712, %get3A_713] {strides = array<i32>} : memref<17x4x384xf32, #tpu.memory_space<vmem>>, vector<16xf32>,
          %max3A_715 = arith.maximumf %max3A_702, %get3A_714 : vector<16xf32>
          %min3A_716 = arith.minimumf %max3A_702, %get3A_714 : vector<16xf32>
          %max3A_717 = arith.maximumf %max3A_704, %min3A_716 : vector<16xf32>
          %min3A_718 = arith.minimumf %max3A_704, %min3A_716 : vector<16xf32>
          %max3A_719 = arith.maximumf %max3A_706, %min3A_718 : vector<16xf32>
          %min3A_720 = arith.minimumf %max3A_706, %min3A_718 : vector<16xf32>
          %max3A_721 = arith.maximumf %max3A_708, %min3A_720 : vector<16xf32>
          %get3A_722 = arith.constant 16 : i32
          %get3A_723 = arith.constant 1 : i32
          %get3A_724 = arith.index_cast %get3A_722 : i32 to index
          %get3A_725 = arith.index_cast %get3A_723 : i32 to index
          %get3A_726 = arith.index_cast %mul3A_311 : i32 to index
          %get3A_727 = tpu.vector_load %arg4[%get3A_724, %get3A_725, %get3A_726] {strides = array<i32>} : memref<17x4x384xf32, #tpu.memory_space<vmem>>, vector<16xf32>,
          %max3A_728 = arith.maximumf %max3A_715, %get3A_727 : vector<16xf32>
          %min3A_729 = arith.minimumf %max3A_715, %get3A_727 : vector<16xf32>
          %max3A_730 = arith.maximumf %max3A_717, %min3A_729 : vector<16xf32>
          %min3A_731 = arith.minimumf %max3A_717, %min3A_729 : vector<16xf32>
          %max3A_732 = arith.maximumf %max3A_719, %min3A_731 : vector<16xf32>
          %min3A_733 = arith.minimumf %max3A_719, %min3A_731 : vector<16xf32>
          %max3A_734 = arith.maximumf %max3A_721, %min3A_733 : vector<16xf32>
          %swap3A_735 = arith.constant 4 : i32
          %swap3A_736 = arith.index_cast %swap3A_735 : i32 to index
          %swap3A_737 = arith.index_cast %mul3A_311 : i32 to index
          %swap3A_738 = tpu.vector_load %arg6[%swap3A_736, %swap3A_737] {strides = array<i32>} : memref<16x384xf32, #tpu.memory_space<vmem>>, vector<16xf32>,
          tpu.vector_store %arg6[%swap3A_736, %swap3A_737], %max3A_728 {strides = array<i32>} : memref<16x384xf32, #tpu.memory_space<vmem>>, vector<16xf32>,
          %swap3A_739 = arith.constant 5 : i32
          %swap3A_740 = arith.index_cast %swap3A_739 : i32 to index
          %swap3A_741 = arith.index_cast %mul3A_311 : i32 to index
          %swap3A_742 = tpu.vector_load %arg6[%swap3A_740, %swap3A_741] {strides = array<i32>} : memref<16x384xf32, #tpu.memory_space<vmem>>, vector<16xf32>,
          tpu.vector_store %arg6[%swap3A_740, %swap3A_741], %max3A_730 {strides = array<i32>} : memref<16x384xf32, #tpu.memory_space<vmem>>, vector<16xf32>,
          %swap3A_743 = arith.constant 6 : i32
          %swap3A_744 = arith.index_cast %swap3A_743 : i32 to index
          %swap3A_745 = arith.index_cast %mul3A_311 : i32 to index
          %swap3A_746 = tpu.vector_load %arg6[%swap3A_744, %swap3A_745] {strides = array<i32>} : memref<16x384xf32, #tpu.memory_space<vmem>>, vector<16xf32>,
          tpu.vector_store %arg6[%swap3A_744, %swap3A_745], %max3A_732 {strides = array<i32>} : memref<16x384xf32, #tpu.memory_space<vmem>>, vector<16xf32>,
          %swap3A_747 = arith.constant 7 : i32
          %swap3A_748 = arith.index_cast %swap3A_747 : i32 to index
          %swap3A_749 = arith.index_cast %mul3A_311 : i32 to index
          %swap3A_750 = tpu.vector_load %arg6[%swap3A_748, %swap3A_749] {strides = array<i32>} : memref<16x384xf32, #tpu.memory_space<vmem>>, vector<16xf32>,
          tpu.vector_store %arg6[%swap3A_748, %swap3A_749], %max3A_734 {strides = array<i32>} : memref<16x384xf32, #tpu.memory_space<vmem>>, vector<16xf32>,
          %get3A_751 = arith.constant 0 : i32
          %get3A_752 = arith.constant 2 : i32
          %get3A_753 = arith.index_cast %get3A_751 : i32 to index
          %get3A_754 = arith.index_cast %get3A_752 : i32 to index
          %get3A_755 = arith.index_cast %mul3A_311 : i32 to index
          %get3A_756 = tpu.vector_load %arg4[%get3A_753, %get3A_754, %get3A_755] {strides = array<i32>} : memref<17x4x384xf32, #tpu.memory_space<vmem>>, vector<16xf32>,
          %get3A_757 = arith.constant 1 : i32
          %get3A_758 = arith.constant 2 : i32
          %get3A_759 = arith.index_cast %get3A_757 : i32 to index
          %get3A_760 = arith.index_cast %get3A_758 : i32 to index
          %get3A_761 = arith.index_cast %mul3A_311 : i32 to index
          %get3A_762 = tpu.vector_load %arg4[%get3A_759, %get3A_760, %get3A_761] {strides = array<i32>} : memref<17x4x384xf32, #tpu.memory_space<vmem>>, vector<16xf32>,
          %max3A_763 = arith.maximumf %get3A_756, %get3A_762 : vector<16xf32>
          %min3A_764 = arith.minimumf %get3A_756, %get3A_762 : vector<16xf32>
          %get3A_765 = arith.constant 2 : i32
          %get3A_766 = arith.constant 2 : i32
          %get3A_767 = arith.index_cast %get3A_765 : i32 to index
          %get3A_768 = arith.index_cast %get3A_766 : i32 to index
          %get3A_769 = arith.index_cast %mul3A_311 : i32 to index
          %get3A_770 = tpu.vector_load %arg4[%get3A_767, %get3A_768, %get3A_769] {strides = array<i32>} : memref<17x4x384xf32, #tpu.memory_space<vmem>>, vector<16xf32>,
          %max3A_771 = arith.maximumf %max3A_763, %get3A_770 : vector<16xf32>
          %min3A_772 = arith.minimumf %max3A_763, %get3A_770 : vector<16xf32>
          %max3A_773 = arith.maximumf %min3A_764, %min3A_772 : vector<16xf32>
          %min3A_774 = arith.minimumf %min3A_764, %min3A_772 : vector<16xf32>
          %get3A_775 = arith.constant 3 : i32
          %get3A_776 = arith.constant 2 : i32
          %get3A_777 = arith.index_cast %get3A_775 : i32 to index
          %get3A_778 = arith.index_cast %get3A_776 : i32 to index
          %get3A_779 = arith.index_cast %mul3A_311 : i32 to index
          %get3A_780 = tpu.vector_load %arg4[%get3A_777, %get3A_778, %get3A_779] {strides = array<i32>} : memref<17x4x384xf32, #tpu.memory_space<vmem>>, vector<16xf32>,
          %max3A_781 = arith.maximumf %max3A_771, %get3A_780 : vector<16xf32>
          %min3A_782 = arith.minimumf %max3A_771, %get3A_780 : vector<16xf32>
          %max3A_783 = arith.maximumf %max3A_773, %min3A_782 : vector<16xf32>
          %min3A_784 = arith.minimumf %max3A_773, %min3A_782 : vector<16xf32>
          %max3A_785 = arith.maximumf %min3A_774, %min3A_784 : vector<16xf32>
          %min3A_786 = arith.minimumf %min3A_774, %min3A_784 : vector<16xf32>
          %get3A_787 = arith.constant 4 : i32
          %get3A_788 = arith.constant 2 : i32
          %get3A_789 = arith.index_cast %get3A_787 : i32 to index
          %get3A_790 = arith.index_cast %get3A_788 : i32 to index
          %get3A_791 = arith.index_cast %mul3A_311 : i32 to index
          %get3A_792 = tpu.vector_load %arg4[%get3A_789, %get3A_790, %get3A_791] {strides = array<i32>} : memref<17x4x384xf32, #tpu.memory_space<vmem>>, vector<16xf32>,
          %max3A_793 = arith.maximumf %max3A_781, %get3A_792 : vector<16xf32>
          %min3A_794 = arith.minimumf %max3A_781, %get3A_792 : vector<16xf32>
          %max3A_795 = arith.maximumf %max3A_783, %min3A_794 : vector<16xf32>
          %min3A_796 = arith.minimumf %max3A_783, %min3A_794 : vector<16xf32>
          %max3A_797 = arith.maximumf %max3A_785, %min3A_796 : vector<16xf32>
          %min3A_798 = arith.minimumf %max3A_785, %min3A_796 : vector<16xf32>
          %max3A_799 = arith.maximumf %min3A_786, %min3A_798 : vector<16xf32>
          %get3A_800 = arith.constant 5 : i32
          %get3A_801 = arith.constant 2 : i32
          %get3A_802 = arith.index_cast %get3A_800 : i32 to index
          %get3A_803 = arith.index_cast %get3A_801 : i32 to index
          %get3A_804 = arith.index_cast %mul3A_311 : i32 to index
          %get3A_805 = tpu.vector_load %arg4[%get3A_802, %get3A_803, %get3A_804] {strides = array<i32>} : memref<17x4x384xf32, #tpu.memory_space<vmem>>, vector<16xf32>,
          %max3A_806 = arith.maximumf %max3A_793, %get3A_805 : vector<16xf32>
          %min3A_807 = arith.minimumf %max3A_793, %get3A_805 : vector<16xf32>
          %max3A_808 = arith.maximumf %max3A_795, %min3A_807 : vector<16xf32>
          %min3A_809 = arith.minimumf %max3A_795, %min3A_807 : vector<16xf32>
          %max3A_810 = arith.maximumf %max3A_797, %min3A_809 : vector<16xf32>
          %min3A_811 = arith.minimumf %max3A_797, %min3A_809 : vector<16xf32>
          %max3A_812 = arith.maximumf %max3A_799, %min3A_811 : vector<16xf32>
          %get3A_813 = arith.constant 6 : i32
          %get3A_814 = arith.constant 2 : i32
          %get3A_815 = arith.index_cast %get3A_813 : i32 to index
          %get3A_816 = arith.index_cast %get3A_814 : i32 to index
          %get3A_817 = arith.index_cast %mul3A_311 : i32 to index
          %get3A_818 = tpu.vector_load %arg4[%get3A_815, %get3A_816, %get3A_817] {strides = array<i32>} : memref<17x4x384xf32, #tpu.memory_space<vmem>>, vector<16xf32>,
          %max3A_819 = arith.maximumf %max3A_806, %get3A_818 : vector<16xf32>
          %min3A_820 = arith.minimumf %max3A_806, %get3A_818 : vector<16xf32>
          %max3A_821 = arith.maximumf %max3A_808, %min3A_820 : vector<16xf32>
          %min3A_822 = arith.minimumf %max3A_808, %min3A_820 : vector<16xf32>
          %max3A_823 = arith.maximumf %max3A_810, %min3A_822 : vector<16xf32>
          %min3A_824 = arith.minimumf %max3A_810, %min3A_822 : vector<16xf32>
          %max3A_825 = arith.maximumf %max3A_812, %min3A_824 : vector<16xf32>
          %get3A_826 = arith.constant 7 : i32
          %get3A_827 = arith.constant 2 : i32
          %get3A_828 = arith.index_cast %get3A_826 : i32 to index
          %get3A_829 = arith.index_cast %get3A_827 : i32 to index
          %get3A_830 = arith.index_cast %mul3A_311 : i32 to index
          %get3A_831 = tpu.vector_load %arg4[%get3A_828, %get3A_829, %get3A_830] {strides = array<i32>} : memref<17x4x384xf32, #tpu.memory_space<vmem>>, vector<16xf32>,
          %max3A_832 = arith.maximumf %max3A_819, %get3A_831 : vector<16xf32>
          %min3A_833 = arith.minimumf %max3A_819, %get3A_831 : vector<16xf32>
          %max3A_834 = arith.maximumf %max3A_821, %min3A_833 : vector<16xf32>
          %min3A_835 = arith.minimumf %max3A_821, %min3A_833 : vector<16xf32>
          %max3A_836 = arith.maximumf %max3A_823, %min3A_835 : vector<16xf32>
          %min3A_837 = arith.minimumf %max3A_823, %min3A_835 : vector<16xf32>
          %max3A_838 = arith.maximumf %max3A_825, %min3A_837 : vector<16xf32>
          %get3A_839 = arith.constant 8 : i32
          %get3A_840 = arith.constant 2 : i32
          %get3A_841 = arith.index_cast %get3A_839 : i32 to index
          %get3A_842 = arith.index_cast %get3A_840 : i32 to index
          %get3A_843 = arith.index_cast %mul3A_311 : i32 to index
          %get3A_844 = tpu.vector_load %arg4[%get3A_841, %get3A_842, %get3A_843] {strides = array<i32>} : memref<17x4x384xf32, #tpu.memory_space<vmem>>, vector<16xf32>,
          %max3A_845 = arith.maximumf %max3A_832, %get3A_844 : vector<16xf32>
          %min3A_846 = arith.minimumf %max3A_832, %get3A_844 : vector<16xf32>
          %max3A_847 = arith.maximumf %max3A_834, %min3A_846 : vector<16xf32>
          %min3A_848 = arith.minimumf %max3A_834, %min3A_846 : vector<16xf32>
          %max3A_849 = arith.maximumf %max3A_836, %min3A_848 : vector<16xf32>
          %min3A_850 = arith.minimumf %max3A_836, %min3A_848 : vector<16xf32>
          %max3A_851 = arith.maximumf %max3A_838, %min3A_850 : vector<16xf32>
          %get3A_852 = arith.constant 9 : i32
          %get3A_853 = arith.constant 2 : i32
          %get3A_854 = arith.index_cast %get3A_852 : i32 to index
          %get3A_855 = arith.index_cast %get3A_853 : i32 to index
          %get3A_856 = arith.index_cast %mul3A_311 : i32 to index
          %get3A_857 = tpu.vector_load %arg4[%get3A_854, %get3A_855, %get3A_856] {strides = array<i32>} : memref<17x4x384xf32, #tpu.memory_space<vmem>>, vector<16xf32>,
          %max3A_858 = arith.maximumf %max3A_845, %get3A_857 : vector<16xf32>
          %min3A_859 = arith.minimumf %max3A_845, %get3A_857 : vector<16xf32>
          %max3A_860 = arith.maximumf %max3A_847, %min3A_859 : vector<16xf32>
          %min3A_861 = arith.minimumf %max3A_847, %min3A_859 : vector<16xf32>
          %max3A_862 = arith.maximumf %max3A_849, %min3A_861 : vector<16xf32>
          %min3A_863 = arith.minimumf %max3A_849, %min3A_861 : vector<16xf32>
          %max3A_864 = arith.maximumf %max3A_851, %min3A_863 : vector<16xf32>
          %get3A_865 = arith.constant 10 : i32
          %get3A_866 = arith.constant 2 : i32
          %get3A_867 = arith.index_cast %get3A_865 : i32 to index
          %get3A_868 = arith.index_cast %get3A_866 : i32 to index
          %get3A_869 = arith.index_cast %mul3A_311 : i32 to index
          %get3A_870 = tpu.vector_load %arg4[%get3A_867, %get3A_868, %get3A_869] {strides = array<i32>} : memref<17x4x384xf32, #tpu.memory_space<vmem>>, vector<16xf32>,
          %max3A_871 = arith.maximumf %max3A_858, %get3A_870 : vector<16xf32>
          %min3A_872 = arith.minimumf %max3A_858, %get3A_870 : vector<16xf32>
          %max3A_873 = arith.maximumf %max3A_860, %min3A_872 : vector<16xf32>
          %min3A_874 = arith.minimumf %max3A_860, %min3A_872 : vector<16xf32>
          %max3A_875 = arith.maximumf %max3A_862, %min3A_874 : vector<16xf32>
          %min3A_876 = arith.minimumf %max3A_862, %min3A_874 : vector<16xf32>
          %max3A_877 = arith.maximumf %max3A_864, %min3A_876 : vector<16xf32>
          %get3A_878 = arith.constant 11 : i32
          %get3A_879 = arith.constant 2 : i32
          %get3A_880 = arith.index_cast %get3A_878 : i32 to index
          %get3A_881 = arith.index_cast %get3A_879 : i32 to index
          %get3A_882 = arith.index_cast %mul3A_311 : i32 to index
          %get3A_883 = tpu.vector_load %arg4[%get3A_880, %get3A_881, %get3A_882] {strides = array<i32>} : memref<17x4x384xf32, #tpu.memory_space<vmem>>, vector<16xf32>,
          %max3A_884 = arith.maximumf %max3A_871, %get3A_883 : vector<16xf32>
          %min3A_885 = arith.minimumf %max3A_871, %get3A_883 : vector<16xf32>
          %max3A_886 = arith.maximumf %max3A_873, %min3A_885 : vector<16xf32>
          %min3A_887 = arith.minimumf %max3A_873, %min3A_885 : vector<16xf32>
          %max3A_888 = arith.maximumf %max3A_875, %min3A_887 : vector<16xf32>
          %min3A_889 = arith.minimumf %max3A_875, %min3A_887 : vector<16xf32>
          %max3A_890 = arith.maximumf %max3A_877, %min3A_889 : vector<16xf32>
          %get3A_891 = arith.constant 12 : i32
          %get3A_892 = arith.constant 2 : i32
          %get3A_893 = arith.index_cast %get3A_891 : i32 to index
          %get3A_894 = arith.index_cast %get3A_892 : i32 to index
          %get3A_895 = arith.index_cast %mul3A_311 : i32 to index
          %get3A_896 = tpu.vector_load %arg4[%get3A_893, %get3A_894, %get3A_895] {strides = array<i32>} : memref<17x4x384xf32, #tpu.memory_space<vmem>>, vector<16xf32>,
          %max3A_897 = arith.maximumf %max3A_884, %get3A_896 : vector<16xf32>
          %min3A_898 = arith.minimumf %max3A_884, %get3A_896 : vector<16xf32>
          %max3A_899 = arith.maximumf %max3A_886, %min3A_898 : vector<16xf32>
          %min3A_900 = arith.minimumf %max3A_886, %min3A_898 : vector<16xf32>
          %max3A_901 = arith.maximumf %max3A_888, %min3A_900 : vector<16xf32>
          %min3A_902 = arith.minimumf %max3A_888, %min3A_900 : vector<16xf32>
          %max3A_903 = arith.maximumf %max3A_890, %min3A_902 : vector<16xf32>
          %get3A_904 = arith.constant 13 : i32
          %get3A_905 = arith.constant 2 : i32
          %get3A_906 = arith.index_cast %get3A_904 : i32 to index
          %get3A_907 = arith.index_cast %get3A_905 : i32 to index
          %get3A_908 = arith.index_cast %mul3A_311 : i32 to index
          %get3A_909 = tpu.vector_load %arg4[%get3A_906, %get3A_907, %get3A_908] {strides = array<i32>} : memref<17x4x384xf32, #tpu.memory_space<vmem>>, vector<16xf32>,
          %max3A_910 = arith.maximumf %max3A_897, %get3A_909 : vector<16xf32>
          %min3A_911 = arith.minimumf %max3A_897, %get3A_909 : vector<16xf32>
          %max3A_912 = arith.maximumf %max3A_899, %min3A_911 : vector<16xf32>
          %min3A_913 = arith.minimumf %max3A_899, %min3A_911 : vector<16xf32>
          %max3A_914 = arith.maximumf %max3A_901, %min3A_913 : vector<16xf32>
          %min3A_915 = arith.minimumf %max3A_901, %min3A_913 : vector<16xf32>
          %max3A_916 = arith.maximumf %max3A_903, %min3A_915 : vector<16xf32>
          %get3A_917 = arith.constant 14 : i32
          %get3A_918 = arith.constant 2 : i32
          %get3A_919 = arith.index_cast %get3A_917 : i32 to index
          %get3A_920 = arith.index_cast %get3A_918 : i32 to index
          %get3A_921 = arith.index_cast %mul3A_311 : i32 to index
          %get3A_922 = tpu.vector_load %arg4[%get3A_919, %get3A_920, %get3A_921] {strides = array<i32>} : memref<17x4x384xf32, #tpu.memory_space<vmem>>, vector<16xf32>,
          %max3A_923 = arith.maximumf %max3A_910, %get3A_922 : vector<16xf32>
          %min3A_924 = arith.minimumf %max3A_910, %get3A_922 : vector<16xf32>
          %max3A_925 = arith.maximumf %max3A_912, %min3A_924 : vector<16xf32>
          %min3A_926 = arith.minimumf %max3A_912, %min3A_924 : vector<16xf32>
          %max3A_927 = arith.maximumf %max3A_914, %min3A_926 : vector<16xf32>
          %min3A_928 = arith.minimumf %max3A_914, %min3A_926 : vector<16xf32>
          %max3A_929 = arith.maximumf %max3A_916, %min3A_928 : vector<16xf32>
          %get3A_930 = arith.constant 15 : i32
          %get3A_931 = arith.constant 2 : i32
          %get3A_932 = arith.index_cast %get3A_930 : i32 to index
          %get3A_933 = arith.index_cast %get3A_931 : i32 to index
          %get3A_934 = arith.index_cast %mul3A_311 : i32 to index
          %get3A_935 = tpu.vector_load %arg4[%get3A_932, %get3A_933, %get3A_934] {strides = array<i32>} : memref<17x4x384xf32, #tpu.memory_space<vmem>>, vector<16xf32>,
          %max3A_936 = arith.maximumf %max3A_923, %get3A_935 : vector<16xf32>
          %min3A_937 = arith.minimumf %max3A_923, %get3A_935 : vector<16xf32>
          %max3A_938 = arith.maximumf %max3A_925, %min3A_937 : vector<16xf32>
          %min3A_939 = arith.minimumf %max3A_925, %min3A_937 : vector<16xf32>
          %max3A_940 = arith.maximumf %max3A_927, %min3A_939 : vector<16xf32>
          %min3A_941 = arith.minimumf %max3A_927, %min3A_939 : vector<16xf32>
          %max3A_942 = arith.maximumf %max3A_929, %min3A_941 : vector<16xf32>
          %get3A_943 = arith.constant 16 : i32
          %get3A_944 = arith.constant 2 : i32
          %get3A_945 = arith.index_cast %get3A_943 : i32 to index
          %get3A_946 = arith.index_cast %get3A_944 : i32 to index
          %get3A_947 = arith.index_cast %mul3A_311 : i32 to index
          %get3A_948 = tpu.vector_load %arg4[%get3A_945, %get3A_946, %get3A_947] {strides = array<i32>} : memref<17x4x384xf32, #tpu.memory_space<vmem>>, vector<16xf32>,
          %max3A_949 = arith.maximumf %max3A_936, %get3A_948 : vector<16xf32>
          %min3A_950 = arith.minimumf %max3A_936, %get3A_948 : vector<16xf32>
          %max3A_951 = arith.maximumf %max3A_938, %min3A_950 : vector<16xf32>
          %min3A_952 = arith.minimumf %max3A_938, %min3A_950 : vector<16xf32>
          %max3A_953 = arith.maximumf %max3A_940, %min3A_952 : vector<16xf32>
          %min3A_954 = arith.minimumf %max3A_940, %min3A_952 : vector<16xf32>
          %max3A_955 = arith.maximumf %max3A_942, %min3A_954 : vector<16xf32>
          %swap3A_956 = arith.constant 8 : i32
          %swap3A_957 = arith.index_cast %swap3A_956 : i32 to index
          %swap3A_958 = arith.index_cast %mul3A_311 : i32 to index
          %swap3A_959 = tpu.vector_load %arg6[%swap3A_957, %swap3A_958] {strides = array<i32>} : memref<16x384xf32, #tpu.memory_space<vmem>>, vector<16xf32>,
          tpu.vector_store %arg6[%swap3A_957, %swap3A_958], %max3A_949 {strides = array<i32>} : memref<16x384xf32, #tpu.memory_space<vmem>>, vector<16xf32>,
          %swap3A_960 = arith.constant 9 : i32
          %swap3A_961 = arith.index_cast %swap3A_960 : i32 to index
          %swap3A_962 = arith.index_cast %mul3A_311 : i32 to index
          %swap3A_963 = tpu.vector_load %arg6[%swap3A_961, %swap3A_962] {strides = array<i32>} : memref<16x384xf32, #tpu.memory_space<vmem>>, vector<16xf32>,
          tpu.vector_store %arg6[%swap3A_961, %swap3A_962], %max3A_951 {strides = array<i32>} : memref<16x384xf32, #tpu.memory_space<vmem>>, vector<16xf32>,
          %swap3A_964 = arith.constant 10 : i32
          %swap3A_965 = arith.index_cast %swap3A_964 : i32 to index
          %swap3A_966 = arith.index_cast %mul3A_311 : i32 to index
          %swap3A_967 = tpu.vector_load %arg6[%swap3A_965, %swap3A_966] {strides = array<i32>} : memref<16x384xf32, #tpu.memory_space<vmem>>, vector<16xf32>,
          tpu.vector_store %arg6[%swap3A_965, %swap3A_966], %max3A_953 {strides = array<i32>} : memref<16x384xf32, #tpu.memory_space<vmem>>, vector<16xf32>,
          %swap3A_968 = arith.constant 11 : i32
          %swap3A_969 = arith.index_cast %swap3A_968 : i32 to index
          %swap3A_970 = arith.index_cast %mul3A_311 : i32 to index
          %swap3A_971 = tpu.vector_load %arg6[%swap3A_969, %swap3A_970] {strides = array<i32>} : memref<16x384xf32, #tpu.memory_space<vmem>>, vector<16xf32>,
          tpu.vector_store %arg6[%swap3A_969, %swap3A_970], %max3A_955 {strides = array<i32>} : memref<16x384xf32, #tpu.memory_space<vmem>>, vector<16xf32>,
          %get3A_972 = arith.constant 0 : i32
          %get3A_973 = arith.constant 3 : i32
          %get3A_974 = arith.index_cast %get3A_972 : i32 to index
          %get3A_975 = arith.index_cast %get3A_973 : i32 to index
          %get3A_976 = arith.index_cast %mul3A_311 : i32 to index
          %get3A_977 = tpu.vector_load %arg4[%get3A_974, %get3A_975, %get3A_976] {strides = array<i32>} : memref<17x4x384xf32, #tpu.memory_space<vmem>>, vector<16xf32>,
          %get3A_978 = arith.constant 1 : i32
          %get3A_979 = arith.constant 3 : i32
          %get3A_980 = arith.index_cast %get3A_978 : i32 to index
          %get3A_981 = arith.index_cast %get3A_979 : i32 to index
          %get3A_982 = arith.index_cast %mul3A_311 : i32 to index
          %get3A_983 = tpu.vector_load %arg4[%get3A_980, %get3A_981, %get3A_982] {strides = array<i32>} : memref<17x4x384xf32, #tpu.memory_space<vmem>>, vector<16xf32>,
          %max3A_984 = arith.maximumf %get3A_977, %get3A_983 : vector<16xf32>
          %min3A_985 = arith.minimumf %get3A_977, %get3A_983 : vector<16xf32>
          %get3A_986 = arith.constant 2 : i32
          %get3A_987 = arith.constant 3 : i32
          %get3A_988 = arith.index_cast %get3A_986 : i32 to index
          %get3A_989 = arith.index_cast %get3A_987 : i32 to index
          %get3A_990 = arith.index_cast %mul3A_311 : i32 to index
          %get3A_991 = tpu.vector_load %arg4[%get3A_988, %get3A_989, %get3A_990] {strides = array<i32>} : memref<17x4x384xf32, #tpu.memory_space<vmem>>, vector<16xf32>,
          %max3A_992 = arith.maximumf %max3A_984, %get3A_991 : vector<16xf32>
          %min3A_993 = arith.minimumf %max3A_984, %get3A_991 : vector<16xf32>
          %max3A_994 = arith.maximumf %min3A_985, %min3A_993 : vector<16xf32>
          %min3A_995 = arith.minimumf %min3A_985, %min3A_993 : vector<16xf32>
          %get3A_996 = arith.constant 3 : i32
          %get3A_997 = arith.constant 3 : i32
          %get3A_998 = arith.index_cast %get3A_996 : i32 to index
          %get3A_999 = arith.index_cast %get3A_997 : i32 to index
          %get3A_1000 = arith.index_cast %mul3A_311 : i32 to index
          %get3A_1001 = tpu.vector_load %arg4[%get3A_998, %get3A_999, %get3A_1000] {strides = array<i32>} : memref<17x4x384xf32, #tpu.memory_space<vmem>>, vector<16xf32>,
          %max3A_1002 = arith.maximumf %max3A_992, %get3A_1001 : vector<16xf32>
          %min3A_1003 = arith.minimumf %max3A_992, %get3A_1001 : vector<16xf32>
          %max3A_1004 = arith.maximumf %max3A_994, %min3A_1003 : vector<16xf32>
          %min3A_1005 = arith.minimumf %max3A_994, %min3A_1003 : vector<16xf32>
          %max3A_1006 = arith.maximumf %min3A_995, %min3A_1005 : vector<16xf32>
          %min3A_1007 = arith.minimumf %min3A_995, %min3A_1005 : vector<16xf32>
          %get3A_1008 = arith.constant 4 : i32
          %get3A_1009 = arith.constant 3 : i32
          %get3A_1010 = arith.index_cast %get3A_1008 : i32 to index
          %get3A_1011 = arith.index_cast %get3A_1009 : i32 to index
          %get3A_1012 = arith.index_cast %mul3A_311 : i32 to index
          %get3A_1013 = tpu.vector_load %arg4[%get3A_1010, %get3A_1011, %get3A_1012] {strides = array<i32>} : memref<17x4x384xf32, #tpu.memory_space<vmem>>, vector<16xf32>,
          %max3A_1014 = arith.maximumf %max3A_1002, %get3A_1013 : vector<16xf32>
          %min3A_1015 = arith.minimumf %max3A_1002, %get3A_1013 : vector<16xf32>
          %max3A_1016 = arith.maximumf %max3A_1004, %min3A_1015 : vector<16xf32>
          %min3A_1017 = arith.minimumf %max3A_1004, %min3A_1015 : vector<16xf32>
          %max3A_1018 = arith.maximumf %max3A_1006, %min3A_1017 : vector<16xf32>
          %min3A_1019 = arith.minimumf %max3A_1006, %min3A_1017 : vector<16xf32>
          %max3A_1020 = arith.maximumf %min3A_1007, %min3A_1019 : vector<16xf32>
          %get3A_1021 = arith.constant 5 : i32
          %get3A_1022 = arith.constant 3 : i32
          %get3A_1023 = arith.index_cast %get3A_1021 : i32 to index
          %get3A_1024 = arith.index_cast %get3A_1022 : i32 to index
          %get3A_1025 = arith.index_cast %mul3A_311 : i32 to index
          %get3A_1026 = tpu.vector_load %arg4[%get3A_1023, %get3A_1024, %get3A_1025] {strides = array<i32>} : memref<17x4x384xf32, #tpu.memory_space<vmem>>, vector<16xf32>,
          %max3A_1027 = arith.maximumf %max3A_1014, %get3A_1026 : vector<16xf32>
          %min3A_1028 = arith.minimumf %max3A_1014, %get3A_1026 : vector<16xf32>
          %max3A_1029 = arith.maximumf %max3A_1016, %min3A_1028 : vector<16xf32>
          %min3A_1030 = arith.minimumf %max3A_1016, %min3A_1028 : vector<16xf32>
          %max3A_1031 = arith.maximumf %max3A_1018, %min3A_1030 : vector<16xf32>
          %min3A_1032 = arith.minimumf %max3A_1018, %min3A_1030 : vector<16xf32>
          %max3A_1033 = arith.maximumf %max3A_1020, %min3A_1032 : vector<16xf32>
          %get3A_1034 = arith.constant 6 : i32
          %get3A_1035 = arith.constant 3 : i32
          %get3A_1036 = arith.index_cast %get3A_1034 : i32 to index
          %get3A_1037 = arith.index_cast %get3A_1035 : i32 to index
          %get3A_1038 = arith.index_cast %mul3A_311 : i32 to index
          %get3A_1039 = tpu.vector_load %arg4[%get3A_1036, %get3A_1037, %get3A_1038] {strides = array<i32>} : memref<17x4x384xf32, #tpu.memory_space<vmem>>, vector<16xf32>,
          %max3A_1040 = arith.maximumf %max3A_1027, %get3A_1039 : vector<16xf32>
          %min3A_1041 = arith.minimumf %max3A_1027, %get3A_1039 : vector<16xf32>
          %max3A_1042 = arith.maximumf %max3A_1029, %min3A_1041 : vector<16xf32>
          %min3A_1043 = arith.minimumf %max3A_1029, %min3A_1041 : vector<16xf32>
          %max3A_1044 = arith.maximumf %max3A_1031, %min3A_1043 : vector<16xf32>
          %min3A_1045 = arith.minimumf %max3A_1031, %min3A_1043 : vector<16xf32>
          %max3A_1046 = arith.maximumf %max3A_1033, %min3A_1045 : vector<16xf32>
          %get3A_1047 = arith.constant 7 : i32
          %get3A_1048 = arith.constant 3 : i32
          %get3A_1049 = arith.index_cast %get3A_1047 : i32 to index
          %get3A_1050 = arith.index_cast %get3A_1048 : i32 to index
          %get3A_1051 = arith.index_cast %mul3A_311 : i32 to index
          %get3A_1052 = tpu.vector_load %arg4[%get3A_1049, %get3A_1050, %get3A_1051] {strides = array<i32>} : memref<17x4x384xf32, #tpu.memory_space<vmem>>, vector<16xf32>,
          %max3A_1053 = arith.maximumf %max3A_1040, %get3A_1052 : vector<16xf32>
          %min3A_1054 = arith.minimumf %max3A_1040, %get3A_1052 : vector<16xf32>
          %max3A_1055 = arith.maximumf %max3A_1042, %min3A_1054 : vector<16xf32>
          %min3A_1056 = arith.minimumf %max3A_1042, %min3A_1054 : vector<16xf32>
          %max3A_1057 = arith.maximumf %max3A_1044, %min3A_1056 : vector<16xf32>
          %min3A_1058 = arith.minimumf %max3A_1044, %min3A_1056 : vector<16xf32>
          %max3A_1059 = arith.maximumf %max3A_1046, %min3A_1058 : vector<16xf32>
          %get3A_1060 = arith.constant 8 : i32
          %get3A_1061 = arith.constant 3 : i32
          %get3A_1062 = arith.index_cast %get3A_1060 : i32 to index
          %get3A_1063 = arith.index_cast %get3A_1061 : i32 to index
          %get3A_1064 = arith.index_cast %mul3A_311 : i32 to index
          %get3A_1065 = tpu.vector_load %arg4[%get3A_1062, %get3A_1063, %get3A_1064] {strides = array<i32>} : memref<17x4x384xf32, #tpu.memory_space<vmem>>, vector<16xf32>,
          %max3A_1066 = arith.maximumf %max3A_1053, %get3A_1065 : vector<16xf32>
          %min3A_1067 = arith.minimumf %max3A_1053, %get3A_1065 : vector<16xf32>
          %max3A_1068 = arith.maximumf %max3A_1055, %min3A_1067 : vector<16xf32>
          %min3A_1069 = arith.minimumf %max3A_1055, %min3A_1067 : vector<16xf32>
          %max3A_1070 = arith.maximumf %max3A_1057, %min3A_1069 : vector<16xf32>
          %min3A_1071 = arith.minimumf %max3A_1057, %min3A_1069 : vector<16xf32>
          %max3A_1072 = arith.maximumf %max3A_1059, %min3A_1071 : vector<16xf32>
          %get3A_1073 = arith.constant 9 : i32
          %get3A_1074 = arith.constant 3 : i32
          %get3A_1075 = arith.index_cast %get3A_1073 : i32 to index
          %get3A_1076 = arith.index_cast %get3A_1074 : i32 to index
          %get3A_1077 = arith.index_cast %mul3A_311 : i32 to index
          %get3A_1078 = tpu.vector_load %arg4[%get3A_1075, %get3A_1076, %get3A_1077] {strides = array<i32>} : memref<17x4x384xf32, #tpu.memory_space<vmem>>, vector<16xf32>,
          %max3A_1079 = arith.maximumf %max3A_1066, %get3A_1078 : vector<16xf32>
          %min3A_1080 = arith.minimumf %max3A_1066, %get3A_1078 : vector<16xf32>
          %max3A_1081 = arith.maximumf %max3A_1068, %min3A_1080 : vector<16xf32>
          %min3A_1082 = arith.minimumf %max3A_1068, %min3A_1080 : vector<16xf32>
          %max3A_1083 = arith.maximumf %max3A_1070, %min3A_1082 : vector<16xf32>
          %min3A_1084 = arith.minimumf %max3A_1070, %min3A_1082 : vector<16xf32>
          %max3A_1085 = arith.maximumf %max3A_1072, %min3A_1084 : vector<16xf32>
          %get3A_1086 = arith.constant 10 : i32
          %get3A_1087 = arith.constant 3 : i32
          %get3A_1088 = arith.index_cast %get3A_1086 : i32 to index
          %get3A_1089 = arith.index_cast %get3A_1087 : i32 to index
          %get3A_1090 = arith.index_cast %mul3A_311 : i32 to index
          %get3A_1091 = tpu.vector_load %arg4[%get3A_1088, %get3A_1089, %get3A_1090] {strides = array<i32>} : memref<17x4x384xf32, #tpu.memory_space<vmem>>, vector<16xf32>,
          %max3A_1092 = arith.maximumf %max3A_1079, %get3A_1091 : vector<16xf32>
          %min3A_1093 = arith.minimumf %max3A_1079, %get3A_1091 : vector<16xf32>
          %max3A_1094 = arith.maximumf %max3A_1081, %min3A_1093 : vector<16xf32>
          %min3A_1095 = arith.minimumf %max3A_1081, %min3A_1093 : vector<16xf32>
          %max3A_1096 = arith.maximumf %max3A_1083, %min3A_1095 : vector<16xf32>
          %min3A_1097 = arith.minimumf %max3A_1083, %min3A_1095 : vector<16xf32>
          %max3A_1098 = arith.maximumf %max3A_1085, %min3A_1097 : vector<16xf32>
          %get3A_1099 = arith.constant 11 : i32
          %get3A_1100 = arith.constant 3 : i32
          %get3A_1101 = arith.index_cast %get3A_1099 : i32 to index
          %get3A_1102 = arith.index_cast %get3A_1100 : i32 to index
          %get3A_1103 = arith.index_cast %mul3A_311 : i32 to index
          %get3A_1104 = tpu.vector_load %arg4[%get3A_1101, %get3A_1102, %get3A_1103] {strides = array<i32>} : memref<17x4x384xf32, #tpu.memory_space<vmem>>, vector<16xf32>,
          %max3A_1105 = arith.maximumf %max3A_1092, %get3A_1104 : vector<16xf32>
          %min3A_1106 = arith.minimumf %max3A_1092, %get3A_1104 : vector<16xf32>
          %max3A_1107 = arith.maximumf %max3A_1094, %min3A_1106 : vector<16xf32>
          %min3A_1108 = arith.minimumf %max3A_1094, %min3A_1106 : vector<16xf32>
          %max3A_1109 = arith.maximumf %max3A_1096, %min3A_1108 : vector<16xf32>
          %min3A_1110 = arith.minimumf %max3A_1096, %min3A_1108 : vector<16xf32>
          %max3A_1111 = arith.maximumf %max3A_1098, %min3A_1110 : vector<16xf32>
          %get3A_1112 = arith.constant 12 : i32
          %get3A_1113 = arith.constant 3 : i32
          %get3A_1114 = arith.index_cast %get3A_1112 : i32 to index
          %get3A_1115 = arith.index_cast %get3A_1113 : i32 to index
          %get3A_1116 = arith.index_cast %mul3A_311 : i32 to index
          %get3A_1117 = tpu.vector_load %arg4[%get3A_1114, %get3A_1115, %get3A_1116] {strides = array<i32>} : memref<17x4x384xf32, #tpu.memory_space<vmem>>, vector<16xf32>,
          %max3A_1118 = arith.maximumf %max3A_1105, %get3A_1117 : vector<16xf32>
          %min3A_1119 = arith.minimumf %max3A_1105, %get3A_1117 : vector<16xf32>
          %max3A_1120 = arith.maximumf %max3A_1107, %min3A_1119 : vector<16xf32>
          %min3A_1121 = arith.minimumf %max3A_1107, %min3A_1119 : vector<16xf32>
          %max3A_1122 = arith.maximumf %max3A_1109, %min3A_1121 : vector<16xf32>
          %min3A_1123 = arith.minimumf %max3A_1109, %min3A_1121 : vector<16xf32>
          %max3A_1124 = arith.maximumf %max3A_1111, %min3A_1123 : vector<16xf32>
          %get3A_1125 = arith.constant 13 : i32
          %get3A_1126 = arith.constant 3 : i32
          %get3A_1127 = arith.index_cast %get3A_1125 : i32 to index
          %get3A_1128 = arith.index_cast %get3A_1126 : i32 to index
          %get3A_1129 = arith.index_cast %mul3A_311 : i32 to index
          %get3A_1130 = tpu.vector_load %arg4[%get3A_1127, %get3A_1128, %get3A_1129] {strides = array<i32>} : memref<17x4x384xf32, #tpu.memory_space<vmem>>, vector<16xf32>,
          %max3A_1131 = arith.maximumf %max3A_1118, %get3A_1130 : vector<16xf32>
          %min3A_1132 = arith.minimumf %max3A_1118, %get3A_1130 : vector<16xf32>
          %max3A_1133 = arith.maximumf %max3A_1120, %min3A_1132 : vector<16xf32>
          %min3A_1134 = arith.minimumf %max3A_1120, %min3A_1132 : vector<16xf32>
          %max3A_1135 = arith.maximumf %max3A_1122, %min3A_1134 : vector<16xf32>
          %min3A_1136 = arith.minimumf %max3A_1122, %min3A_1134 : vector<16xf32>
          %max3A_1137 = arith.maximumf %max3A_1124, %min3A_1136 : vector<16xf32>
          %get3A_1138 = arith.constant 14 : i32
          %get3A_1139 = arith.constant 3 : i32
          %get3A_1140 = arith.index_cast %get3A_1138 : i32 to index
          %get3A_1141 = arith.index_cast %get3A_1139 : i32 to index
          %get3A_1142 = arith.index_cast %mul3A_311 : i32 to index
          %get3A_1143 = tpu.vector_load %arg4[%get3A_1140, %get3A_1141, %get3A_1142] {strides = array<i32>} : memref<17x4x384xf32, #tpu.memory_space<vmem>>, vector<16xf32>,
          %max3A_1144 = arith.maximumf %max3A_1131, %get3A_1143 : vector<16xf32>
          %min3A_1145 = arith.minimumf %max3A_1131, %get3A_1143 : vector<16xf32>
          %max3A_1146 = arith.maximumf %max3A_1133, %min3A_1145 : vector<16xf32>
          %min3A_1147 = arith.minimumf %max3A_1133, %min3A_1145 : vector<16xf32>
          %max3A_1148 = arith.maximumf %max3A_1135, %min3A_1147 : vector<16xf32>
          %min3A_1149 = arith.minimumf %max3A_1135, %min3A_1147 : vector<16xf32>
          %max3A_1150 = arith.maximumf %max3A_1137, %min3A_1149 : vector<16xf32>
          %get3A_1151 = arith.constant 15 : i32
          %get3A_1152 = arith.constant 3 : i32
          %get3A_1153 = arith.index_cast %get3A_1151 : i32 to index
          %get3A_1154 = arith.index_cast %get3A_1152 : i32 to index
          %get3A_1155 = arith.index_cast %mul3A_311 : i32 to index
          %get3A_1156 = tpu.vector_load %arg4[%get3A_1153, %get3A_1154, %get3A_1155] {strides = array<i32>} : memref<17x4x384xf32, #tpu.memory_space<vmem>>, vector<16xf32>,
          %max3A_1157 = arith.maximumf %max3A_1144, %get3A_1156 : vector<16xf32>
          %min3A_1158 = arith.minimumf %max3A_1144, %get3A_1156 : vector<16xf32>
          %max3A_1159 = arith.maximumf %max3A_1146, %min3A_1158 : vector<16xf32>
          %min3A_1160 = arith.minimumf %max3A_1146, %min3A_1158 : vector<16xf32>
          %max3A_1161 = arith.maximumf %max3A_1148, %min3A_1160 : vector<16xf32>
          %min3A_1162 = arith.minimumf %max3A_1148, %min3A_1160 : vector<16xf32>
          %max3A_1163 = arith.maximumf %max3A_1150, %min3A_1162 : vector<16xf32>
          %get3A_1164 = arith.constant 16 : i32
          %get3A_1165 = arith.constant 3 : i32
          %get3A_1166 = arith.index_cast %get3A_1164 : i32 to index
          %get3A_1167 = arith.index_cast %get3A_1165 : i32 to index
          %get3A_1168 = arith.index_cast %mul3A_311 : i32 to index
          %get3A_1169 = tpu.vector_load %arg4[%get3A_1166, %get3A_1167, %get3A_1168] {strides = array<i32>} : memref<17x4x384xf32, #tpu.memory_space<vmem>>, vector<16xf32>,
          %max3A_1170 = arith.maximumf %max3A_1157, %get3A_1169 : vector<16xf32>
          %min3A_1171 = arith.minimumf %max3A_1157, %get3A_1169 : vector<16xf32>
          %max3A_1172 = arith.maximumf %max3A_1159, %min3A_1171 : vector<16xf32>
          %min3A_1173 = arith.minimumf %max3A_1159, %min3A_1171 : vector<16xf32>
          %max3A_1174 = arith.maximumf %max3A_1161, %min3A_1173 : vector<16xf32>
          %min3A_1175 = arith.minimumf %max3A_1161, %min3A_1173 : vector<16xf32>
          %max3A_1176 = arith.maximumf %max3A_1163, %min3A_1175 : vector<16xf32>
          %swap3A_1177 = arith.constant 12 : i32
          %swap3A_1178 = arith.index_cast %swap3A_1177 : i32 to index
          %swap3A_1179 = arith.index_cast %mul3A_311 : i32 to index
          %swap3A_1180 = tpu.vector_load %arg6[%swap3A_1178, %swap3A_1179] {strides = array<i32>} : memref<16x384xf32, #tpu.memory_space<vmem>>, vector<16xf32>,
          tpu.vector_store %arg6[%swap3A_1178, %swap3A_1179], %max3A_1170 {strides = array<i32>} : memref<16x384xf32, #tpu.memory_space<vmem>>, vector<16xf32>,
          %swap3A_1181 = arith.constant 13 : i32
          %swap3A_1182 = arith.index_cast %swap3A_1181 : i32 to index
          %swap3A_1183 = arith.index_cast %mul3A_311 : i32 to index
          %swap3A_1184 = tpu.vector_load %arg6[%swap3A_1182, %swap3A_1183] {strides = array<i32>} : memref<16x384xf32, #tpu.memory_space<vmem>>, vector<16xf32>,
          tpu.vector_store %arg6[%swap3A_1182, %swap3A_1183], %max3A_1172 {strides = array<i32>} : memref<16x384xf32, #tpu.memory_space<vmem>>, vector<16xf32>,
          %swap3A_1185 = arith.constant 14 : i32
          %swap3A_1186 = arith.index_cast %swap3A_1185 : i32 to index
          %swap3A_1187 = arith.index_cast %mul3A_311 : i32 to index
          %swap3A_1188 = tpu.vector_load %arg6[%swap3A_1186, %swap3A_1187] {strides = array<i32>} : memref<16x384xf32, #tpu.memory_space<vmem>>, vector<16xf32>,
          tpu.vector_store %arg6[%swap3A_1186, %swap3A_1187], %max3A_1174 {strides = array<i32>} : memref<16x384xf32, #tpu.memory_space<vmem>>, vector<16xf32>,
          %swap3A_1189 = arith.constant 15 : i32
          %swap3A_1190 = arith.index_cast %swap3A_1189 : i32 to index
          %swap3A_1191 = arith.index_cast %mul3A_311 : i32 to index
          %swap3A_1192 = tpu.vector_load %arg6[%swap3A_1190, %swap3A_1191] {strides = array<i32>} : memref<16x384xf32, #tpu.memory_space<vmem>>, vector<16xf32>,
          tpu.vector_store %arg6[%swap3A_1190, %swap3A_1191], %max3A_1176 {strides = array<i32>} : memref<16x384xf32, #tpu.memory_space<vmem>>, vector<16xf32>,
        }
        %scan3A_263 = arith.constant 24 : i32
        %add3A_264 = arith.constant 2 : i32
        %add3A_265 = arith.addi %add3A_174, %add3A_264 : i32
        %lt3A_266 = arith.cmpi slt, %add3A_265, %add3A_8 : i32
        %convert_element_type3A_267 = arith.extui %lt3A_266 : i1 to i32
        %cond3A_268 = arith.constant 0 : i32
        %cond3A_269 = arith.cmpi ne, %convert_element_type3A_267, %cond3A_268 : i32
        scf.if %cond3A_269 {
          %add3A_305 = arith.constant 2 : i32
          %add3A_306 = arith.addi %add3A_216, %add3A_305 : i32
          %jit3A_307 = arith.constant 52 : i32
          %div3A_308 = arith.divsi %add3A_306, %jit3A_307 : i32
          %sign3A_309 = arith.constant 0 : i32
          %sign3A_310 = arith.cmpi sgt, %add3A_306, %sign3A_309 : i32
          %sign3A_311 = arith.extui %sign3A_310 : i1 to i32
          %sign3A_312 = arith.constant 0 : i32
          %sign3A_313 = arith.cmpi slt, %add3A_306, %sign3A_312 : i32
          %sign3A_314 = arith.extui %sign3A_313 : i1 to i32
          %sign3A_315 = arith.subi %sign3A_311, %sign3A_314 : i32
          %sign3A_316 = arith.constant 0 : i32
          %sign3A_317 = arith.cmpi sgt, %jit3A_307, %sign3A_316 : i32
          %sign3A_318 = arith.extui %sign3A_317 : i1 to i32
          %sign3A_319 = arith.constant 0 : i32
          %sign3A_320 = arith.cmpi slt, %jit3A_307, %sign3A_319 : i32
          %sign3A_321 = arith.extui %sign3A_320 : i1 to i32
          %sign3A_322 = arith.subi %sign3A_318, %sign3A_321 : i32
          %ne3A_323 = arith.cmpi ne, %sign3A_315, %sign3A_322 : i32
          %rem3A_324 = arith.remsi %add3A_306, %jit3A_307 : i32
          %ne3A_325 = arith.constant 0 : i32
          %ne3A_326 = arith.cmpi ne, %rem3A_324, %ne3A_325 : i32
          %and3A_327 = arith.andi %ne3A_323, %ne3A_326 : i1
          %sub3A_328 = arith.constant 1 : i32
          %sub3A_329 = arith.subi %div3A_308, %sub3A_328 : i32
          %select_n3A_330 = arith.select %and3A_327, %sub3A_329, %div3A_308 : i32
          %mul3A_331 = arith.constant 52 : i32
          %mul3A_332 = arith.muli %select_n3A_330, %mul3A_331 : i32
          %sub3A_333 = arith.subi %add3A_306, %mul3A_332 : i32
          %add3A_334 = arith.constant 0 : i32
          %add3A_335 = arith.addi %add3A_334, %select_n3A_330 : i32
          %mul3A_336 = arith.constant 384 : i32
          %mul3A_337 = arith.muli %sub3A_333, %mul3A_336 : i32
          %dma_start3A_338 = arith.constant 0 : i32
          %dma_start3A_339 = arith.constant 0 : i32
          %dma_start3A_340 = tpu.memref_slice %arg2[%add3A_335, %dma_start3A_338, %dma_start3A_339, %mul3A_337] : memref<16x17x4x20000xf32, #tpu.memory_space<hbm>> -> memref<1x17x4x384xf32, #tpu.memory_space<hbm>>
          %dma_start3A_341 = tpu.memref_squeeze %dma_start3A_340 : memref<1x17x4x384xf32, #tpu.memory_space<hbm>> -> memref<17x4x384xf32, #tpu.memory_space<hbm>>
          %dma_start3A_342 = arith.constant 0 : i32
          %dma_start3A_343 = arith.constant 0 : i32
          %dma_start3A_344 = tpu.memref_slice %arg2[%add3A_335, %dma_start3A_342, %dma_start3A_343, %mul3A_337] : memref<16x17x4x20000xf32, #tpu.memory_space<hbm>> -> memref<1x17x4x384xf32, #tpu.memory_space<hbm>>
          %dma_start3A_345 = tpu.memref_squeeze %dma_start3A_344 : memref<1x17x4x384xf32, #tpu.memory_space<hbm>> -> memref<17x4x384xf32, #tpu.memory_space<hbm>>
          tpu.enqueue_dma source(%dma_start3A_345 : memref<17x4x384xf32, #tpu.memory_space<hbm>>) target(%arg4 : memref<17x4x384xf32, #tpu.memory_space<vmem>>) target_semaphore(%arg10 : memref<!tpu.dma_semaphore, #tpu.memory_space<semaphore_mem>>)
        } else {
        }
        %jit3A_270 = arith.constant 52 : i32
        %div3A_271 = arith.divsi %add3A_216, %jit3A_270 : i32
        %sign3A_272 = arith.constant 0 : i32
        %sign3A_273 = arith.cmpi sgt, %add3A_216, %sign3A_272 : i32
        %sign3A_274 = arith.extui %sign3A_273 : i1 to i32
        %sign3A_275 = arith.constant 0 : i32
        %sign3A_276 = arith.cmpi slt, %add3A_216, %sign3A_275 : i32
        %sign3A_277 = arith.extui %sign3A_276 : i1 to i32
        %sign3A_278 = arith.subi %sign3A_274, %sign3A_277 : i32
        %sign3A_279 = arith.constant 0 : i32
        %sign3A_280 = arith.cmpi sgt, %jit3A_270, %sign3A_279 : i32
        %sign3A_281 = arith.extui %sign3A_280 : i1 to i32
        %sign3A_282 = arith.constant 0 : i32
        %sign3A_283 = arith.cmpi slt, %jit3A_270, %sign3A_282 : i32
        %sign3A_284 = arith.extui %sign3A_283 : i1 to i32
        %sign3A_285 = arith.subi %sign3A_281, %sign3A_284 : i32
        %ne3A_286 = arith.cmpi ne, %sign3A_278, %sign3A_285 : i32
        %rem3A_287 = arith.remsi %add3A_216, %jit3A_270 : i32
        %ne3A_288 = arith.constant 0 : i32
        %ne3A_289 = arith.cmpi ne, %rem3A_287, %ne3A_288 : i32
        %and3A_290 = arith.andi %ne3A_286, %ne3A_289 : i1
        %sub3A_291 = arith.constant 1 : i32
        %sub3A_292 = arith.subi %div3A_271, %sub3A_291 : i32
        %select_n3A_293 = arith.select %and3A_290, %sub3A_292, %div3A_271 : i32
        %mul3A_294 = arith.constant 52 : i32
        %mul3A_295 = arith.muli %select_n3A_293, %mul3A_294 : i32
        %sub3A_296 = arith.subi %add3A_216, %mul3A_295 : i32
        %mul3A_297 = arith.constant 384 : i32
        %mul3A_298 = arith.muli %sub3A_296, %mul3A_297 : i32
        %dma_start3A_299 = arith.constant 0 : i32
        %dma_start3A_300 = tpu.memref_slice %arg3[%select_n3A_293, %dma_start3A_299, %mul3A_298] : memref<16x16x20000xf32, #tpu.memory_space<hbm>> -> memref<1x16x384xf32, #tpu.memory_space<hbm>>
        %dma_start3A_301 = tpu.memref_squeeze %dma_start3A_300 : memref<1x16x384xf32, #tpu.memory_space<hbm>> -> memref<16x384xf32, #tpu.memory_space<hbm>>
        %dma_start3A_302 = arith.constant 0 : i32
        %dma_start3A_303 = tpu.memref_slice %arg3[%select_n3A_293, %dma_start3A_302, %mul3A_298] : memref<16x16x20000xf32, #tpu.memory_space<hbm>> -> memref<1x16x384xf32, #tpu.memory_space<hbm>>
        %dma_start3A_304 = tpu.memref_squeeze %dma_start3A_303 : memref<1x16x384xf32, #tpu.memory_space<hbm>> -> memref<16x384xf32, #tpu.memory_space<hbm>>
        tpu.enqueue_dma source(%arg6 : memref<16x384xf32, #tpu.memory_space<vmem>>) target(%dma_start3A_304 : memref<16x384xf32, #tpu.memory_space<hbm>>) target_semaphore(%arg12 : memref<!tpu.dma_semaphore, #tpu.memory_space<semaphore_mem>>)
      } else {
      }
      %jit3A_195 = arith.constant 2 : i32
      %eq3A_196 = arith.constant 0 : i32
      %eq3A_197 = arith.cmpi eq, %jit3A_195, %eq3A_196 : i32
      %jit3A_198 = arith.constant 1 : i32
      %select_n3A_199 = arith.select %eq3A_197, %jit3A_198, %jit3A_195 : i32
      %rem3A_200 = arith.remsi %add3A_174, %select_n3A_199 : i32
      %ne3A_201 = arith.constant 0 : i32
      %ne3A_202 = arith.cmpi ne, %rem3A_200, %ne3A_201 : i32
      %lt3A_203 = arith.constant 0 : i32
      %lt3A_204 = arith.cmpi slt, %rem3A_200, %lt3A_203 : i32
      %lt3A_205 = arith.constant 0 : i32
      %lt3A_206 = arith.cmpi slt, %select_n3A_199, %lt3A_205 : i32
      %ne3A_207 = arith.xori %lt3A_204, %lt3A_206 : i1
      %and3A_208 = arith.andi %ne3A_207, %ne3A_202 : i1
      %add3A_209 = arith.addi %rem3A_200, %select_n3A_199 : i32
      %select_n3A_210 = arith.select %and3A_208, %add3A_209, %rem3A_200 : i32
      %eq3A_211 = arith.constant 1 : i32
      %eq3A_212 = arith.cmpi eq, %select_n3A_210, %eq3A_211 : i32
      %convert_element_type3A_213 = arith.extui %eq3A_212 : i1 to i32
      %cond3A_214 = arith.constant 0 : i32
      %cond3A_215 = arith.cmpi ne, %convert_element_type3A_213, %cond3A_214 : i32
      scf.if %cond3A_215 {
        %add3A_216 = arith.addi %add3A_4, %add3A_174 : i32
        %jit3A_217 = arith.constant 52 : i32
        %div3A_218 = arith.divsi %add3A_216, %jit3A_217 : i32
        %sign3A_219 = arith.constant 0 : i32
        %sign3A_220 = arith.cmpi sgt, %add3A_216, %sign3A_219 : i32
        %sign3A_221 = arith.extui %sign3A_220 : i1 to i32
        %sign3A_222 = arith.constant 0 : i32
        %sign3A_223 = arith.cmpi slt, %add3A_216, %sign3A_222 : i32
        %sign3A_224 = arith.extui %sign3A_223 : i1 to i32
        %sign3A_225 = arith.subi %sign3A_221, %sign3A_224 : i32
        %sign3A_226 = arith.constant 0 : i32
        %sign3A_227 = arith.cmpi sgt, %jit3A_217, %sign3A_226 : i32
        %sign3A_228 = arith.extui %sign3A_227 : i1 to i32
        %sign3A_229 = arith.constant 0 : i32
        %sign3A_230 = arith.cmpi slt, %jit3A_217, %sign3A_229 : i32
        %sign3A_231 = arith.extui %sign3A_230 : i1 to i32
        %sign3A_232 = arith.subi %sign3A_228, %sign3A_231 : i32
        %ne3A_233 = arith.cmpi ne, %sign3A_225, %sign3A_232 : i32
        %rem3A_234 = arith.remsi %add3A_216, %jit3A_217 : i32
        %ne3A_235 = arith.constant 0 : i32
        %ne3A_236 = arith.cmpi ne, %rem3A_234, %ne3A_235 : i32
        %and3A_237 = arith.andi %ne3A_233, %ne3A_236 : i1
        %sub3A_238 = arith.constant 1 : i32
        %sub3A_239 = arith.subi %div3A_218, %sub3A_238 : i32
        %select_n3A_240 = arith.select %and3A_237, %sub3A_239, %div3A_218 : i32
        %mul3A_241 = arith.constant 52 : i32
        %mul3A_242 = arith.muli %select_n3A_240, %mul3A_241 : i32
        %sub3A_243 = arith.subi %add3A_216, %mul3A_242 : i32
        %add3A_244 = arith.constant 0 : i32
        %add3A_245 = arith.addi %add3A_244, %select_n3A_240 : i32
        %mul3A_246 = arith.constant 384 : i32
        %mul3A_247 = arith.muli %sub3A_243, %mul3A_246 : i32
        %dma_wait3A_248 = arith.constant 0 : i32
        %dma_wait3A_249 = arith.constant 0 : i32
        %dma_wait3A_250 = tpu.memref_slice %arg2[%add3A_245, %dma_wait3A_248, %dma_wait3A_249, %mul3A_247] : memref<16x17x4x20000xf32, #tpu.memory_space<hbm>> -> memref<1x17x4x384xf32, #tpu.memory_space<hbm>>
        %dma_wait3A_251 = tpu.memref_squeeze %dma_wait3A_250 : memref<1x17x4x384xf32, #tpu.memory_space<hbm>> -> memref<17x4x384xf32, #tpu.memory_space<hbm>>
        %dma_wait3A_252 = arith.constant 0 : i32
        %dma_wait3A_253 = arith.constant 0 : i32
        %dma_wait3A_254 = tpu.memref_slice %arg2[%add3A_245, %dma_wait3A_252, %dma_wait3A_253, %mul3A_247] : memref<16x17x4x20000xf32, #tpu.memory_space<hbm>> -> memref<1x17x4x384xf32, #tpu.memory_space<hbm>>
        %dma_wait3A_255 = tpu.memref_squeeze %dma_wait3A_254 : memref<1x17x4x384xf32, #tpu.memory_space<hbm>> -> memref<17x4x384xf32, #tpu.memory_space<hbm>>
        tpu.wait_dma2 semaphore(%arg11 : memref<!tpu.dma_semaphore, #tpu.memory_space<semaphore_mem>>) src(%dma_wait3A_255 : memref<17x4x384xf32, #tpu.memory_space<hbm>>) dst(%arg5 : memref<17x4x384xf32, #tpu.memory_space<vmem>>)
        %ge3A = arith.constant 2 : i32
        %ge3A_256 = arith.cmpi sge, %add3A_174, %ge3A : i32
        %convert_element_type3A_257 = arith.extui %ge3A_256 : i1 to i32
        %cond3A_258 = arith.constant 0 : i32
        %cond3A_259 = arith.cmpi ne, %convert_element_type3A_257, %cond3A_258 : i32
        scf.if %cond3A_259 {
          %jit3A_305 = arith.constant 52 : i32
          %div3A_306 = arith.divsi %add3A_216, %jit3A_305 : i32
          %sign3A_307 = arith.constant 0 : i32
          %sign3A_308 = arith.cmpi sgt, %add3A_216, %sign3A_307 : i32
          %sign3A_309 = arith.extui %sign3A_308 : i1 to i32
          %sign3A_310 = arith.constant 0 : i32
          %sign3A_311 = arith.cmpi slt, %add3A_216, %sign3A_310 : i32
          %sign3A_312 = arith.extui %sign3A_311 : i1 to i32
          %sign3A_313 = arith.subi %sign3A_309, %sign3A_312 : i32
          %sign3A_314 = arith.constant 0 : i32
          %sign3A_315 = arith.cmpi sgt, %jit3A_305, %sign3A_314 : i32
          %sign3A_316 = arith.extui %sign3A_315 : i1 to i32
          %sign3A_317 = arith.constant 0 : i32
          %sign3A_318 = arith.cmpi slt, %jit3A_305, %sign3A_317 : i32
          %sign3A_319 = arith.extui %sign3A_318 : i1 to i32
          %sign3A_320 = arith.subi %sign3A_316, %sign3A_319 : i32
          %ne3A_321 = arith.cmpi ne, %sign3A_313, %sign3A_320 : i32
          %rem3A_322 = arith.remsi %add3A_216, %jit3A_305 : i32
          %ne3A_323 = arith.constant 0 : i32
          %ne3A_324 = arith.cmpi ne, %rem3A_322, %ne3A_323 : i32
          %and3A_325 = arith.andi %ne3A_321, %ne3A_324 : i1
          %sub3A_326 = arith.constant 1 : i32
          %sub3A_327 = arith.subi %div3A_306, %sub3A_326 : i32
          %select_n3A_328 = arith.select %and3A_325, %sub3A_327, %div3A_306 : i32
          %mul3A_329 = arith.constant 52 : i32
          %mul3A_330 = arith.muli %select_n3A_328, %mul3A_329 : i32
          %sub3A_331 = arith.subi %add3A_216, %mul3A_330 : i32
          %mul3A_332 = arith.constant 384 : i32
          %mul3A_333 = arith.muli %sub3A_331, %mul3A_332 : i32
          %dma_wait3A_334 = arith.constant 0 : i32
          %dma_wait3A_335 = tpu.memref_slice %arg3[%select_n3A_328, %dma_wait3A_334, %mul3A_333] : memref<16x16x20000xf32, #tpu.memory_space<hbm>> -> memref<1x16x384xf32, #tpu.memory_space<hbm>>
          %dma_wait3A_336 = tpu.memref_squeeze %dma_wait3A_335 : memref<1x16x384xf32, #tpu.memory_space<hbm>> -> memref<16x384xf32, #tpu.memory_space<hbm>>
          %dma_wait3A_337 = arith.constant 0 : i32
          %dma_wait3A_338 = tpu.memref_slice %arg3[%select_n3A_328, %dma_wait3A_337, %mul3A_333] : memref<16x16x20000xf32, #tpu.memory_space<hbm>> -> memref<1x16x384xf32, #tpu.memory_space<hbm>>
          %dma_wait3A_339 = tpu.memref_squeeze %dma_wait3A_338 : memref<1x16x384xf32, #tpu.memory_space<hbm>> -> memref<16x384xf32, #tpu.memory_space<hbm>>
          tpu.wait_dma2 semaphore(%arg13 : memref<!tpu.dma_semaphore, #tpu.memory_space<semaphore_mem>>) src(%arg7 : memref<16x384xf32, #tpu.memory_space<vmem>>) dst(%dma_wait3A_339 : memref<16x384xf32, #tpu.memory_space<hbm>>)
        } else {
        }
        %scan3A = arith.constant 0 : i32
        %scan3A_260 = arith.constant 24 : i32
        %scan3A_261 = arith.addi %scan3A, %scan3A_260 : i32
        %scan3A_262 = arith.constant 1 : i32
        scf.for %scan3A_305 = %scan3A to %scan3A_261 step %scan3A_262  : i32 {
          %mul3A_306 = arith.constant 1 : i32
          %mul3A_307 = arith.muli %scan3A_305, %mul3A_306 : i32
          %add3A_308 = arith.constant 0 : i32
          %add3A_309 = arith.addi %add3A_308, %mul3A_307 : i32
          %mul3A_310 = arith.constant 16 : i32
          %mul3A_311 = arith.muli %add3A_309, %mul3A_310 : i32
          %get3A = arith.constant 0 : i32
          %get3A_312 = arith.constant 0 : i32
          %get3A_313 = arith.index_cast %get3A : i32 to index
          %get3A_314 = arith.index_cast %get3A_312 : i32 to index
          %get3A_315 = arith.index_cast %mul3A_311 : i32 to index
          %get3A_316 = tpu.vector_load %arg5[%get3A_313, %get3A_314, %get3A_315] {strides = array<i32>} : memref<17x4x384xf32, #tpu.memory_space<vmem>>, vector<16xf32>,
          %get3A_317 = arith.constant 1 : i32
          %get3A_318 = arith.constant 0 : i32
          %get3A_319 = arith.index_cast %get3A_317 : i32 to index
          %get3A_320 = arith.index_cast %get3A_318 : i32 to index
          %get3A_321 = arith.index_cast %mul3A_311 : i32 to index
          %get3A_322 = tpu.vector_load %arg5[%get3A_319, %get3A_320, %get3A_321] {strides = array<i32>} : memref<17x4x384xf32, #tpu.memory_space<vmem>>, vector<16xf32>,
          %max3A = arith.maximumf %get3A_316, %get3A_322 : vector<16xf32>
          %min3A_323 = arith.minimumf %get3A_316, %get3A_322 : vector<16xf32>
          %get3A_324 = arith.constant 2 : i32
          %get3A_325 = arith.constant 0 : i32
          %get3A_326 = arith.index_cast %get3A_324 : i32 to index
          %get3A_327 = arith.index_cast %get3A_325 : i32 to index
          %get3A_328 = arith.index_cast %mul3A_311 : i32 to index
          %get3A_329 = tpu.vector_load %arg5[%get3A_326, %get3A_327, %get3A_328] {strides = array<i32>} : memref<17x4x384xf32, #tpu.memory_space<vmem>>, vector<16xf32>,
          %max3A_330 = arith.maximumf %max3A, %get3A_329 : vector<16xf32>
          %min3A_331 = arith.minimumf %max3A, %get3A_329 : vector<16xf32>
          %max3A_332 = arith.maximumf %min3A_323, %min3A_331 : vector<16xf32>
          %min3A_333 = arith.minimumf %min3A_323, %min3A_331 : vector<16xf32>
          %get3A_334 = arith.constant 3 : i32
          %get3A_335 = arith.constant 0 : i32
          %get3A_336 = arith.index_cast %get3A_334 : i32 to index
          %get3A_337 = arith.index_cast %get3A_335 : i32 to index
          %get3A_338 = arith.index_cast %mul3A_311 : i32 to index
          %get3A_339 = tpu.vector_load %arg5[%get3A_336, %get3A_337, %get3A_338] {strides = array<i32>} : memref<17x4x384xf32, #tpu.memory_space<vmem>>, vector<16xf32>,
          %max3A_340 = arith.maximumf %max3A_330, %get3A_339 : vector<16xf32>
          %min3A_341 = arith.minimumf %max3A_330, %get3A_339 : vector<16xf32>
          %max3A_342 = arith.maximumf %max3A_332, %min3A_341 : vector<16xf32>
          %min3A_343 = arith.minimumf %max3A_332, %min3A_341 : vector<16xf32>
          %max3A_344 = arith.maximumf %min3A_333, %min3A_343 : vector<16xf32>
          %min3A_345 = arith.minimumf %min3A_333, %min3A_343 : vector<16xf32>
          %get3A_346 = arith.constant 4 : i32
          %get3A_347 = arith.constant 0 : i32
          %get3A_348 = arith.index_cast %get3A_346 : i32 to index
          %get3A_349 = arith.index_cast %get3A_347 : i32 to index
          %get3A_350 = arith.index_cast %mul3A_311 : i32 to index
          %get3A_351 = tpu.vector_load %arg5[%get3A_348, %get3A_349, %get3A_350] {strides = array<i32>} : memref<17x4x384xf32, #tpu.memory_space<vmem>>, vector<16xf32>,
          %max3A_352 = arith.maximumf %max3A_340, %get3A_351 : vector<16xf32>
          %min3A_353 = arith.minimumf %max3A_340, %get3A_351 : vector<16xf32>
          %max3A_354 = arith.maximumf %max3A_342, %min3A_353 : vector<16xf32>
          %min3A_355 = arith.minimumf %max3A_342, %min3A_353 : vector<16xf32>
          %max3A_356 = arith.maximumf %max3A_344, %min3A_355 : vector<16xf32>
          %min3A_357 = arith.minimumf %max3A_344, %min3A_355 : vector<16xf32>
          %max3A_358 = arith.maximumf %min3A_345, %min3A_357 : vector<16xf32>
          %get3A_359 = arith.constant 5 : i32
          %get3A_360 = arith.constant 0 : i32
          %get3A_361 = arith.index_cast %get3A_359 : i32 to index
          %get3A_362 = arith.index_cast %get3A_360 : i32 to index
          %get3A_363 = arith.index_cast %mul3A_311 : i32 to index
          %get3A_364 = tpu.vector_load %arg5[%get3A_361, %get3A_362, %get3A_363] {strides = array<i32>} : memref<17x4x384xf32, #tpu.memory_space<vmem>>, vector<16xf32>,
          %max3A_365 = arith.maximumf %max3A_352, %get3A_364 : vector<16xf32>
          %min3A_366 = arith.minimumf %max3A_352, %get3A_364 : vector<16xf32>
          %max3A_367 = arith.maximumf %max3A_354, %min3A_366 : vector<16xf32>
          %min3A_368 = arith.minimumf %max3A_354, %min3A_366 : vector<16xf32>
          %max3A_369 = arith.maximumf %max3A_356, %min3A_368 : vector<16xf32>
          %min3A_370 = arith.minimumf %max3A_356, %min3A_368 : vector<16xf32>
          %max3A_371 = arith.maximumf %max3A_358, %min3A_370 : vector<16xf32>
          %get3A_372 = arith.constant 6 : i32
          %get3A_373 = arith.constant 0 : i32
          %get3A_374 = arith.index_cast %get3A_372 : i32 to index
          %get3A_375 = arith.index_cast %get3A_373 : i32 to index
          %get3A_376 = arith.index_cast %mul3A_311 : i32 to index
          %get3A_377 = tpu.vector_load %arg5[%get3A_374, %get3A_375, %get3A_376] {strides = array<i32>} : memref<17x4x384xf32, #tpu.memory_space<vmem>>, vector<16xf32>,
          %max3A_378 = arith.maximumf %max3A_365, %get3A_377 : vector<16xf32>
          %min3A_379 = arith.minimumf %max3A_365, %get3A_377 : vector<16xf32>
          %max3A_380 = arith.maximumf %max3A_367, %min3A_379 : vector<16xf32>
          %min3A_381 = arith.minimumf %max3A_367, %min3A_379 : vector<16xf32>
          %max3A_382 = arith.maximumf %max3A_369, %min3A_381 : vector<16xf32>
          %min3A_383 = arith.minimumf %max3A_369, %min3A_381 : vector<16xf32>
          %max3A_384 = arith.maximumf %max3A_371, %min3A_383 : vector<16xf32>
          %get3A_385 = arith.constant 7 : i32
          %get3A_386 = arith.constant 0 : i32
          %get3A_387 = arith.index_cast %get3A_385 : i32 to index
          %get3A_388 = arith.index_cast %get3A_386 : i32 to index
          %get3A_389 = arith.index_cast %mul3A_311 : i32 to index
          %get3A_390 = tpu.vector_load %arg5[%get3A_387, %get3A_388, %get3A_389] {strides = array<i32>} : memref<17x4x384xf32, #tpu.memory_space<vmem>>, vector<16xf32>,
          %max3A_391 = arith.maximumf %max3A_378, %get3A_390 : vector<16xf32>
          %min3A_392 = arith.minimumf %max3A_378, %get3A_390 : vector<16xf32>
          %max3A_393 = arith.maximumf %max3A_380, %min3A_392 : vector<16xf32>
          %min3A_394 = arith.minimumf %max3A_380, %min3A_392 : vector<16xf32>
          %max3A_395 = arith.maximumf %max3A_382, %min3A_394 : vector<16xf32>
          %min3A_396 = arith.minimumf %max3A_382, %min3A_394 : vector<16xf32>
          %max3A_397 = arith.maximumf %max3A_384, %min3A_396 : vector<16xf32>
          %get3A_398 = arith.constant 8 : i32
          %get3A_399 = arith.constant 0 : i32
          %get3A_400 = arith.index_cast %get3A_398 : i32 to index
          %get3A_401 = arith.index_cast %get3A_399 : i32 to index
          %get3A_402 = arith.index_cast %mul3A_311 : i32 to index
          %get3A_403 = tpu.vector_load %arg5[%get3A_400, %get3A_401, %get3A_402] {strides = array<i32>} : memref<17x4x384xf32, #tpu.memory_space<vmem>>, vector<16xf32>,
          %max3A_404 = arith.maximumf %max3A_391, %get3A_403 : vector<16xf32>
          %min3A_405 = arith.minimumf %max3A_391, %get3A_403 : vector<16xf32>
          %max3A_406 = arith.maximumf %max3A_393, %min3A_405 : vector<16xf32>
          %min3A_407 = arith.minimumf %max3A_393, %min3A_405 : vector<16xf32>
          %max3A_408 = arith.maximumf %max3A_395, %min3A_407 : vector<16xf32>
          %min3A_409 = arith.minimumf %max3A_395, %min3A_407 : vector<16xf32>
          %max3A_410 = arith.maximumf %max3A_397, %min3A_409 : vector<16xf32>
          %get3A_411 = arith.constant 9 : i32
          %get3A_412 = arith.constant 0 : i32
          %get3A_413 = arith.index_cast %get3A_411 : i32 to index
          %get3A_414 = arith.index_cast %get3A_412 : i32 to index
          %get3A_415 = arith.index_cast %mul3A_311 : i32 to index
          %get3A_416 = tpu.vector_load %arg5[%get3A_413, %get3A_414, %get3A_415] {strides = array<i32>} : memref<17x4x384xf32, #tpu.memory_space<vmem>>, vector<16xf32>,
          %max3A_417 = arith.maximumf %max3A_404, %get3A_416 : vector<16xf32>
          %min3A_418 = arith.minimumf %max3A_404, %get3A_416 : vector<16xf32>
          %max3A_419 = arith.maximumf %max3A_406, %min3A_418 : vector<16xf32>
          %min3A_420 = arith.minimumf %max3A_406, %min3A_418 : vector<16xf32>
          %max3A_421 = arith.maximumf %max3A_408, %min3A_420 : vector<16xf32>
          %min3A_422 = arith.minimumf %max3A_408, %min3A_420 : vector<16xf32>
          %max3A_423 = arith.maximumf %max3A_410, %min3A_422 : vector<16xf32>
          %get3A_424 = arith.constant 10 : i32
          %get3A_425 = arith.constant 0 : i32
          %get3A_426 = arith.index_cast %get3A_424 : i32 to index
          %get3A_427 = arith.index_cast %get3A_425 : i32 to index
          %get3A_428 = arith.index_cast %mul3A_311 : i32 to index
          %get3A_429 = tpu.vector_load %arg5[%get3A_426, %get3A_427, %get3A_428] {strides = array<i32>} : memref<17x4x384xf32, #tpu.memory_space<vmem>>, vector<16xf32>,
          %max3A_430 = arith.maximumf %max3A_417, %get3A_429 : vector<16xf32>
          %min3A_431 = arith.minimumf %max3A_417, %get3A_429 : vector<16xf32>
          %max3A_432 = arith.maximumf %max3A_419, %min3A_431 : vector<16xf32>
          %min3A_433 = arith.minimumf %max3A_419, %min3A_431 : vector<16xf32>
          %max3A_434 = arith.maximumf %max3A_421, %min3A_433 : vector<16xf32>
          %min3A_435 = arith.minimumf %max3A_421, %min3A_433 : vector<16xf32>
          %max3A_436 = arith.maximumf %max3A_423, %min3A_435 : vector<16xf32>
          %get3A_437 = arith.constant 11 : i32
          %get3A_438 = arith.constant 0 : i32
          %get3A_439 = arith.index_cast %get3A_437 : i32 to index
          %get3A_440 = arith.index_cast %get3A_438 : i32 to index
          %get3A_441 = arith.index_cast %mul3A_311 : i32 to index
          %get3A_442 = tpu.vector_load %arg5[%get3A_439, %get3A_440, %get3A_441] {strides = array<i32>} : memref<17x4x384xf32, #tpu.memory_space<vmem>>, vector<16xf32>,
          %max3A_443 = arith.maximumf %max3A_430, %get3A_442 : vector<16xf32>
          %min3A_444 = arith.minimumf %max3A_430, %get3A_442 : vector<16xf32>
          %max3A_445 = arith.maximumf %max3A_432, %min3A_444 : vector<16xf32>
          %min3A_446 = arith.minimumf %max3A_432, %min3A_444 : vector<16xf32>
          %max3A_447 = arith.maximumf %max3A_434, %min3A_446 : vector<16xf32>
          %min3A_448 = arith.minimumf %max3A_434, %min3A_446 : vector<16xf32>
          %max3A_449 = arith.maximumf %max3A_436, %min3A_448 : vector<16xf32>
          %get3A_450 = arith.constant 12 : i32
          %get3A_451 = arith.constant 0 : i32
          %get3A_452 = arith.index_cast %get3A_450 : i32 to index
          %get3A_453 = arith.index_cast %get3A_451 : i32 to index
          %get3A_454 = arith.index_cast %mul3A_311 : i32 to index
          %get3A_455 = tpu.vector_load %arg5[%get3A_452, %get3A_453, %get3A_454] {strides = array<i32>} : memref<17x4x384xf32, #tpu.memory_space<vmem>>, vector<16xf32>,
          %max3A_456 = arith.maximumf %max3A_443, %get3A_455 : vector<16xf32>
          %min3A_457 = arith.minimumf %max3A_443, %get3A_455 : vector<16xf32>
          %max3A_458 = arith.maximumf %max3A_445, %min3A_457 : vector<16xf32>
          %min3A_459 = arith.minimumf %max3A_445, %min3A_457 : vector<16xf32>
          %max3A_460 = arith.maximumf %max3A_447, %min3A_459 : vector<16xf32>
          %min3A_461 = arith.minimumf %max3A_447, %min3A_459 : vector<16xf32>
          %max3A_462 = arith.maximumf %max3A_449, %min3A_461 : vector<16xf32>
          %get3A_463 = arith.constant 13 : i32
          %get3A_464 = arith.constant 0 : i32
          %get3A_465 = arith.index_cast %get3A_463 : i32 to index
          %get3A_466 = arith.index_cast %get3A_464 : i32 to index
          %get3A_467 = arith.index_cast %mul3A_311 : i32 to index
          %get3A_468 = tpu.vector_load %arg5[%get3A_465, %get3A_466, %get3A_467] {strides = array<i32>} : memref<17x4x384xf32, #tpu.memory_space<vmem>>, vector<16xf32>,
          %max3A_469 = arith.maximumf %max3A_456, %get3A_468 : vector<16xf32>
          %min3A_470 = arith.minimumf %max3A_456, %get3A_468 : vector<16xf32>
          %max3A_471 = arith.maximumf %max3A_458, %min3A_470 : vector<16xf32>
          %min3A_472 = arith.minimumf %max3A_458, %min3A_470 : vector<16xf32>
          %max3A_473 = arith.maximumf %max3A_460, %min3A_472 : vector<16xf32>
          %min3A_474 = arith.minimumf %max3A_460, %min3A_472 : vector<16xf32>
          %max3A_475 = arith.maximumf %max3A_462, %min3A_474 : vector<16xf32>
          %get3A_476 = arith.constant 14 : i32
          %get3A_477 = arith.constant 0 : i32
          %get3A_478 = arith.index_cast %get3A_476 : i32 to index
          %get3A_479 = arith.index_cast %get3A_477 : i32 to index
          %get3A_480 = arith.index_cast %mul3A_311 : i32 to index
          %get3A_481 = tpu.vector_load %arg5[%get3A_478, %get3A_479, %get3A_480] {strides = array<i32>} : memref<17x4x384xf32, #tpu.memory_space<vmem>>, vector<16xf32>,
          %max3A_482 = arith.maximumf %max3A_469, %get3A_481 : vector<16xf32>
          %min3A_483 = arith.minimumf %max3A_469, %get3A_481 : vector<16xf32>
          %max3A_484 = arith.maximumf %max3A_471, %min3A_483 : vector<16xf32>
          %min3A_485 = arith.minimumf %max3A_471, %min3A_483 : vector<16xf32>
          %max3A_486 = arith.maximumf %max3A_473, %min3A_485 : vector<16xf32>
          %min3A_487 = arith.minimumf %max3A_473, %min3A_485 : vector<16xf32>
          %max3A_488 = arith.maximumf %max3A_475, %min3A_487 : vector<16xf32>
          %get3A_489 = arith.constant 15 : i32
          %get3A_490 = arith.constant 0 : i32
          %get3A_491 = arith.index_cast %get3A_489 : i32 to index
          %get3A_492 = arith.index_cast %get3A_490 : i32 to index
          %get3A_493 = arith.index_cast %mul3A_311 : i32 to index
          %get3A_494 = tpu.vector_load %arg5[%get3A_491, %get3A_492, %get3A_493] {strides = array<i32>} : memref<17x4x384xf32, #tpu.memory_space<vmem>>, vector<16xf32>,
          %max3A_495 = arith.maximumf %max3A_482, %get3A_494 : vector<16xf32>
          %min3A_496 = arith.minimumf %max3A_482, %get3A_494 : vector<16xf32>
          %max3A_497 = arith.maximumf %max3A_484, %min3A_496 : vector<16xf32>
          %min3A_498 = arith.minimumf %max3A_484, %min3A_496 : vector<16xf32>
          %max3A_499 = arith.maximumf %max3A_486, %min3A_498 : vector<16xf32>
          %min3A_500 = arith.minimumf %max3A_486, %min3A_498 : vector<16xf32>
          %max3A_501 = arith.maximumf %max3A_488, %min3A_500 : vector<16xf32>
          %get3A_502 = arith.constant 16 : i32
          %get3A_503 = arith.constant 0 : i32
          %get3A_504 = arith.index_cast %get3A_502 : i32 to index
          %get3A_505 = arith.index_cast %get3A_503 : i32 to index
          %get3A_506 = arith.index_cast %mul3A_311 : i32 to index
          %get3A_507 = tpu.vector_load %arg5[%get3A_504, %get3A_505, %get3A_506] {strides = array<i32>} : memref<17x4x384xf32, #tpu.memory_space<vmem>>, vector<16xf32>,
          %max3A_508 = arith.maximumf %max3A_495, %get3A_507 : vector<16xf32>
          %min3A_509 = arith.minimumf %max3A_495, %get3A_507 : vector<16xf32>
          %max3A_510 = arith.maximumf %max3A_497, %min3A_509 : vector<16xf32>
          %min3A_511 = arith.minimumf %max3A_497, %min3A_509 : vector<16xf32>
          %max3A_512 = arith.maximumf %max3A_499, %min3A_511 : vector<16xf32>
          %min3A_513 = arith.minimumf %max3A_499, %min3A_511 : vector<16xf32>
          %max3A_514 = arith.maximumf %max3A_501, %min3A_513 : vector<16xf32>
          %swap3A = arith.constant 0 : i32
          %swap3A_515 = arith.index_cast %swap3A : i32 to index
          %swap3A_516 = arith.index_cast %mul3A_311 : i32 to index
          %swap3A_517 = tpu.vector_load %arg7[%swap3A_515, %swap3A_516] {strides = array<i32>} : memref<16x384xf32, #tpu.memory_space<vmem>>, vector<16xf32>,
          tpu.vector_store %arg7[%swap3A_515, %swap3A_516], %max3A_508 {strides = array<i32>} : memref<16x384xf32, #tpu.memory_space<vmem>>, vector<16xf32>,
          %swap3A_518 = arith.constant 1 : i32
          %swap3A_519 = arith.index_cast %swap3A_518 : i32 to index
          %swap3A_520 = arith.index_cast %mul3A_311 : i32 to index
          %swap3A_521 = tpu.vector_load %arg7[%swap3A_519, %swap3A_520] {strides = array<i32>} : memref<16x384xf32, #tpu.memory_space<vmem>>, vector<16xf32>,
          tpu.vector_store %arg7[%swap3A_519, %swap3A_520], %max3A_510 {strides = array<i32>} : memref<16x384xf32, #tpu.memory_space<vmem>>, vector<16xf32>,
          %swap3A_522 = arith.constant 2 : i32
          %swap3A_523 = arith.index_cast %swap3A_522 : i32 to index
          %swap3A_524 = arith.index_cast %mul3A_311 : i32 to index
          %swap3A_525 = tpu.vector_load %arg7[%swap3A_523, %swap3A_524] {strides = array<i32>} : memref<16x384xf32, #tpu.memory_space<vmem>>, vector<16xf32>,
          tpu.vector_store %arg7[%swap3A_523, %swap3A_524], %max3A_512 {strides = array<i32>} : memref<16x384xf32, #tpu.memory_space<vmem>>, vector<16xf32>,
          %swap3A_526 = arith.constant 3 : i32
          %swap3A_527 = arith.index_cast %swap3A_526 : i32 to index
          %swap3A_528 = arith.index_cast %mul3A_311 : i32 to index
          %swap3A_529 = tpu.vector_load %arg7[%swap3A_527, %swap3A_528] {strides = array<i32>} : memref<16x384xf32, #tpu.memory_space<vmem>>, vector<16xf32>,
          tpu.vector_store %arg7[%swap3A_527, %swap3A_528], %max3A_514 {strides = array<i32>} : memref<16x384xf32, #tpu.memory_space<vmem>>, vector<16xf32>,
          %get3A_530 = arith.constant 0 : i32
          %get3A_531 = arith.constant 1 : i32
          %get3A_532 = arith.index_cast %get3A_530 : i32 to index
          %get3A_533 = arith.index_cast %get3A_531 : i32 to index
          %get3A_534 = arith.index_cast %mul3A_311 : i32 to index
          %get3A_535 = tpu.vector_load %arg5[%get3A_532, %get3A_533, %get3A_534] {strides = array<i32>} : memref<17x4x384xf32, #tpu.memory_space<vmem>>, vector<16xf32>,
          %get3A_536 = arith.constant 1 : i32
          %get3A_537 = arith.constant 1 : i32
          %get3A_538 = arith.index_cast %get3A_536 : i32 to index
          %get3A_539 = arith.index_cast %get3A_537 : i32 to index
          %get3A_540 = arith.index_cast %mul3A_311 : i32 to index
          %get3A_541 = tpu.vector_load %arg5[%get3A_538, %get3A_539, %get3A_540] {strides = array<i32>} : memref<17x4x384xf32, #tpu.memory_space<vmem>>, vector<16xf32>,
          %max3A_542 = arith.maximumf %get3A_535, %get3A_541 : vector<16xf32>
          %min3A_543 = arith.minimumf %get3A_535, %get3A_541 : vector<16xf32>
          %get3A_544 = arith.constant 2 : i32
          %get3A_545 = arith.constant 1 : i32
          %get3A_546 = arith.index_cast %get3A_544 : i32 to index
          %get3A_547 = arith.index_cast %get3A_545 : i32 to index
          %get3A_548 = arith.index_cast %mul3A_311 : i32 to index
          %get3A_549 = tpu.vector_load %arg5[%get3A_546, %get3A_547, %get3A_548] {strides = array<i32>} : memref<17x4x384xf32, #tpu.memory_space<vmem>>, vector<16xf32>,
          %max3A_550 = arith.maximumf %max3A_542, %get3A_549 : vector<16xf32>
          %min3A_551 = arith.minimumf %max3A_542, %get3A_549 : vector<16xf32>
          %max3A_552 = arith.maximumf %min3A_543, %min3A_551 : vector<16xf32>
          %min3A_553 = arith.minimumf %min3A_543, %min3A_551 : vector<16xf32>
          %get3A_554 = arith.constant 3 : i32
          %get3A_555 = arith.constant 1 : i32
          %get3A_556 = arith.index_cast %get3A_554 : i32 to index
          %get3A_557 = arith.index_cast %get3A_555 : i32 to index
          %get3A_558 = arith.index_cast %mul3A_311 : i32 to index
          %get3A_559 = tpu.vector_load %arg5[%get3A_556, %get3A_557, %get3A_558] {strides = array<i32>} : memref<17x4x384xf32, #tpu.memory_space<vmem>>, vector<16xf32>,
          %max3A_560 = arith.maximumf %max3A_550, %get3A_559 : vector<16xf32>
          %min3A_561 = arith.minimumf %max3A_550, %get3A_559 : vector<16xf32>
          %max3A_562 = arith.maximumf %max3A_552, %min3A_561 : vector<16xf32>
          %min3A_563 = arith.minimumf %max3A_552, %min3A_561 : vector<16xf32>
          %max3A_564 = arith.maximumf %min3A_553, %min3A_563 : vector<16xf32>
          %min3A_565 = arith.minimumf %min3A_553, %min3A_563 : vector<16xf32>
          %get3A_566 = arith.constant 4 : i32
          %get3A_567 = arith.constant 1 : i32
          %get3A_568 = arith.index_cast %get3A_566 : i32 to index
          %get3A_569 = arith.index_cast %get3A_567 : i32 to index
          %get3A_570 = arith.index_cast %mul3A_311 : i32 to index
          %get3A_571 = tpu.vector_load %arg5[%get3A_568, %get3A_569, %get3A_570] {strides = array<i32>} : memref<17x4x384xf32, #tpu.memory_space<vmem>>, vector<16xf32>,
          %max3A_572 = arith.maximumf %max3A_560, %get3A_571 : vector<16xf32>
          %min3A_573 = arith.minimumf %max3A_560, %get3A_571 : vector<16xf32>
          %max3A_574 = arith.maximumf %max3A_562, %min3A_573 : vector<16xf32>
          %min3A_575 = arith.minimumf %max3A_562, %min3A_573 : vector<16xf32>
          %max3A_576 = arith.maximumf %max3A_564, %min3A_575 : vector<16xf32>
          %min3A_577 = arith.minimumf %max3A_564, %min3A_575 : vector<16xf32>
          %max3A_578 = arith.maximumf %min3A_565, %min3A_577 : vector<16xf32>
          %get3A_579 = arith.constant 5 : i32
          %get3A_580 = arith.constant 1 : i32
          %get3A_581 = arith.index_cast %get3A_579 : i32 to index
          %get3A_582 = arith.index_cast %get3A_580 : i32 to index
          %get3A_583 = arith.index_cast %mul3A_311 : i32 to index
          %get3A_584 = tpu.vector_load %arg5[%get3A_581, %get3A_582, %get3A_583] {strides = array<i32>} : memref<17x4x384xf32, #tpu.memory_space<vmem>>, vector<16xf32>,
          %max3A_585 = arith.maximumf %max3A_572, %get3A_584 : vector<16xf32>
          %min3A_586 = arith.minimumf %max3A_572, %get3A_584 : vector<16xf32>
          %max3A_587 = arith.maximumf %max3A_574, %min3A_586 : vector<16xf32>
          %min3A_588 = arith.minimumf %max3A_574, %min3A_586 : vector<16xf32>
          %max3A_589 = arith.maximumf %max3A_576, %min3A_588 : vector<16xf32>
          %min3A_590 = arith.minimumf %max3A_576, %min3A_588 : vector<16xf32>
          %max3A_591 = arith.maximumf %max3A_578, %min3A_590 : vector<16xf32>
          %get3A_592 = arith.constant 6 : i32
          %get3A_593 = arith.constant 1 : i32
          %get3A_594 = arith.index_cast %get3A_592 : i32 to index
          %get3A_595 = arith.index_cast %get3A_593 : i32 to index
          %get3A_596 = arith.index_cast %mul3A_311 : i32 to index
          %get3A_597 = tpu.vector_load %arg5[%get3A_594, %get3A_595, %get3A_596] {strides = array<i32>} : memref<17x4x384xf32, #tpu.memory_space<vmem>>, vector<16xf32>,
          %max3A_598 = arith.maximumf %max3A_585, %get3A_597 : vector<16xf32>
          %min3A_599 = arith.minimumf %max3A_585, %get3A_597 : vector<16xf32>
          %max3A_600 = arith.maximumf %max3A_587, %min3A_599 : vector<16xf32>
          %min3A_601 = arith.minimumf %max3A_587, %min3A_599 : vector<16xf32>
          %max3A_602 = arith.maximumf %max3A_589, %min3A_601 : vector<16xf32>
          %min3A_603 = arith.minimumf %max3A_589, %min3A_601 : vector<16xf32>
          %max3A_604 = arith.maximumf %max3A_591, %min3A_603 : vector<16xf32>
          %get3A_605 = arith.constant 7 : i32
          %get3A_606 = arith.constant 1 : i32
          %get3A_607 = arith.index_cast %get3A_605 : i32 to index
          %get3A_608 = arith.index_cast %get3A_606 : i32 to index
          %get3A_609 = arith.index_cast %mul3A_311 : i32 to index
          %get3A_610 = tpu.vector_load %arg5[%get3A_607, %get3A_608, %get3A_609] {strides = array<i32>} : memref<17x4x384xf32, #tpu.memory_space<vmem>>, vector<16xf32>,
          %max3A_611 = arith.maximumf %max3A_598, %get3A_610 : vector<16xf32>
          %min3A_612 = arith.minimumf %max3A_598, %get3A_610 : vector<16xf32>
          %max3A_613 = arith.maximumf %max3A_600, %min3A_612 : vector<16xf32>
          %min3A_614 = arith.minimumf %max3A_600, %min3A_612 : vector<16xf32>
          %max3A_615 = arith.maximumf %max3A_602, %min3A_614 : vector<16xf32>
          %min3A_616 = arith.minimumf %max3A_602, %min3A_614 : vector<16xf32>
          %max3A_617 = arith.maximumf %max3A_604, %min3A_616 : vector<16xf32>
          %get3A_618 = arith.constant 8 : i32
          %get3A_619 = arith.constant 1 : i32
          %get3A_620 = arith.index_cast %get3A_618 : i32 to index
          %get3A_621 = arith.index_cast %get3A_619 : i32 to index
          %get3A_622 = arith.index_cast %mul3A_311 : i32 to index
          %get3A_623 = tpu.vector_load %arg5[%get3A_620, %get3A_621, %get3A_622] {strides = array<i32>} : memref<17x4x384xf32, #tpu.memory_space<vmem>>, vector<16xf32>,
          %max3A_624 = arith.maximumf %max3A_611, %get3A_623 : vector<16xf32>
          %min3A_625 = arith.minimumf %max3A_611, %get3A_623 : vector<16xf32>
          %max3A_626 = arith.maximumf %max3A_613, %min3A_625 : vector<16xf32>
          %min3A_627 = arith.minimumf %max3A_613, %min3A_625 : vector<16xf32>
          %max3A_628 = arith.maximumf %max3A_615, %min3A_627 : vector<16xf32>
          %min3A_629 = arith.minimumf %max3A_615, %min3A_627 : vector<16xf32>
          %max3A_630 = arith.maximumf %max3A_617, %min3A_629 : vector<16xf32>
          %get3A_631 = arith.constant 9 : i32
          %get3A_632 = arith.constant 1 : i32
          %get3A_633 = arith.index_cast %get3A_631 : i32 to index
          %get3A_634 = arith.index_cast %get3A_632 : i32 to index
          %get3A_635 = arith.index_cast %mul3A_311 : i32 to index
          %get3A_636 = tpu.vector_load %arg5[%get3A_633, %get3A_634, %get3A_635] {strides = array<i32>} : memref<17x4x384xf32, #tpu.memory_space<vmem>>, vector<16xf32>,
          %max3A_637 = arith.maximumf %max3A_624, %get3A_636 : vector<16xf32>
          %min3A_638 = arith.minimumf %max3A_624, %get3A_636 : vector<16xf32>
          %max3A_639 = arith.maximumf %max3A_626, %min3A_638 : vector<16xf32>
          %min3A_640 = arith.minimumf %max3A_626, %min3A_638 : vector<16xf32>
          %max3A_641 = arith.maximumf %max3A_628, %min3A_640 : vector<16xf32>
          %min3A_642 = arith.minimumf %max3A_628, %min3A_640 : vector<16xf32>
          %max3A_643 = arith.maximumf %max3A_630, %min3A_642 : vector<16xf32>
          %get3A_644 = arith.constant 10 : i32
          %get3A_645 = arith.constant 1 : i32
          %get3A_646 = arith.index_cast %get3A_644 : i32 to index
          %get3A_647 = arith.index_cast %get3A_645 : i32 to index
          %get3A_648 = arith.index_cast %mul3A_311 : i32 to index
          %get3A_649 = tpu.vector_load %arg5[%get3A_646, %get3A_647, %get3A_648] {strides = array<i32>} : memref<17x4x384xf32, #tpu.memory_space<vmem>>, vector<16xf32>,
          %max3A_650 = arith.maximumf %max3A_637, %get3A_649 : vector<16xf32>
          %min3A_651 = arith.minimumf %max3A_637, %get3A_649 : vector<16xf32>
          %max3A_652 = arith.maximumf %max3A_639, %min3A_651 : vector<16xf32>
          %min3A_653 = arith.minimumf %max3A_639, %min3A_651 : vector<16xf32>
          %max3A_654 = arith.maximumf %max3A_641, %min3A_653 : vector<16xf32>
          %min3A_655 = arith.minimumf %max3A_641, %min3A_653 : vector<16xf32>
          %max3A_656 = arith.maximumf %max3A_643, %min3A_655 : vector<16xf32>
          %get3A_657 = arith.constant 11 : i32
          %get3A_658 = arith.constant 1 : i32
          %get3A_659 = arith.index_cast %get3A_657 : i32 to index
          %get3A_660 = arith.index_cast %get3A_658 : i32 to index
          %get3A_661 = arith.index_cast %mul3A_311 : i32 to index
          %get3A_662 = tpu.vector_load %arg5[%get3A_659, %get3A_660, %get3A_661] {strides = array<i32>} : memref<17x4x384xf32, #tpu.memory_space<vmem>>, vector<16xf32>,
          %max3A_663 = arith.maximumf %max3A_650, %get3A_662 : vector<16xf32>
          %min3A_664 = arith.minimumf %max3A_650, %get3A_662 : vector<16xf32>
          %max3A_665 = arith.maximumf %max3A_652, %min3A_664 : vector<16xf32>
          %min3A_666 = arith.minimumf %max3A_652, %min3A_664 : vector<16xf32>
          %max3A_667 = arith.maximumf %max3A_654, %min3A_666 : vector<16xf32>
          %min3A_668 = arith.minimumf %max3A_654, %min3A_666 : vector<16xf32>
          %max3A_669 = arith.maximumf %max3A_656, %min3A_668 : vector<16xf32>
          %get3A_670 = arith.constant 12 : i32
          %get3A_671 = arith.constant 1 : i32
          %get3A_672 = arith.index_cast %get3A_670 : i32 to index
          %get3A_673 = arith.index_cast %get3A_671 : i32 to index
          %get3A_674 = arith.index_cast %mul3A_311 : i32 to index
          %get3A_675 = tpu.vector_load %arg5[%get3A_672, %get3A_673, %get3A_674] {strides = array<i32>} : memref<17x4x384xf32, #tpu.memory_space<vmem>>, vector<16xf32>,
          %max3A_676 = arith.maximumf %max3A_663, %get3A_675 : vector<16xf32>
          %min3A_677 = arith.minimumf %max3A_663, %get3A_675 : vector<16xf32>
          %max3A_678 = arith.maximumf %max3A_665, %min3A_677 : vector<16xf32>
          %min3A_679 = arith.minimumf %max3A_665, %min3A_677 : vector<16xf32>
          %max3A_680 = arith.maximumf %max3A_667, %min3A_679 : vector<16xf32>
          %min3A_681 = arith.minimumf %max3A_667, %min3A_679 : vector<16xf32>
          %max3A_682 = arith.maximumf %max3A_669, %min3A_681 : vector<16xf32>
          %get3A_683 = arith.constant 13 : i32
          %get3A_684 = arith.constant 1 : i32
          %get3A_685 = arith.index_cast %get3A_683 : i32 to index
          %get3A_686 = arith.index_cast %get3A_684 : i32 to index
          %get3A_687 = arith.index_cast %mul3A_311 : i32 to index
          %get3A_688 = tpu.vector_load %arg5[%get3A_685, %get3A_686, %get3A_687] {strides = array<i32>} : memref<17x4x384xf32, #tpu.memory_space<vmem>>, vector<16xf32>,
          %max3A_689 = arith.maximumf %max3A_676, %get3A_688 : vector<16xf32>
          %min3A_690 = arith.minimumf %max3A_676, %get3A_688 : vector<16xf32>
          %max3A_691 = arith.maximumf %max3A_678, %min3A_690 : vector<16xf32>
          %min3A_692 = arith.minimumf %max3A_678, %min3A_690 : vector<16xf32>
          %max3A_693 = arith.maximumf %max3A_680, %min3A_692 : vector<16xf32>
          %min3A_694 = arith.minimumf %max3A_680, %min3A_692 : vector<16xf32>
          %max3A_695 = arith.maximumf %max3A_682, %min3A_694 : vector<16xf32>
          %get3A_696 = arith.constant 14 : i32
          %get3A_697 = arith.constant 1 : i32
          %get3A_698 = arith.index_cast %get3A_696 : i32 to index
          %get3A_699 = arith.index_cast %get3A_697 : i32 to index
          %get3A_700 = arith.index_cast %mul3A_311 : i32 to index
          %get3A_701 = tpu.vector_load %arg5[%get3A_698, %get3A_699, %get3A_700] {strides = array<i32>} : memref<17x4x384xf32, #tpu.memory_space<vmem>>, vector<16xf32>,
          %max3A_702 = arith.maximumf %max3A_689, %get3A_701 : vector<16xf32>
          %min3A_703 = arith.minimumf %max3A_689, %get3A_701 : vector<16xf32>
          %max3A_704 = arith.maximumf %max3A_691, %min3A_703 : vector<16xf32>
          %min3A_705 = arith.minimumf %max3A_691, %min3A_703 : vector<16xf32>
          %max3A_706 = arith.maximumf %max3A_693, %min3A_705 : vector<16xf32>
          %min3A_707 = arith.minimumf %max3A_693, %min3A_705 : vector<16xf32>
          %max3A_708 = arith.maximumf %max3A_695, %min3A_707 : vector<16xf32>
          %get3A_709 = arith.constant 15 : i32
          %get3A_710 = arith.constant 1 : i32
          %get3A_711 = arith.index_cast %get3A_709 : i32 to index
          %get3A_712 = arith.index_cast %get3A_710 : i32 to index
          %get3A_713 = arith.index_cast %mul3A_311 : i32 to index
          %get3A_714 = tpu.vector_load %arg5[%get3A_711, %get3A_712, %get3A_713] {strides = array<i32>} : memref<17x4x384xf32, #tpu.memory_space<vmem>>, vector<16xf32>,
          %max3A_715 = arith.maximumf %max3A_702, %get3A_714 : vector<16xf32>
          %min3A_716 = arith.minimumf %max3A_702, %get3A_714 : vector<16xf32>
          %max3A_717 = arith.maximumf %max3A_704, %min3A_716 : vector<16xf32>
          %min3A_718 = arith.minimumf %max3A_704, %min3A_716 : vector<16xf32>
          %max3A_719 = arith.maximumf %max3A_706, %min3A_718 : vector<16xf32>
          %min3A_720 = arith.minimumf %max3A_706, %min3A_718 : vector<16xf32>
          %max3A_721 = arith.maximumf %max3A_708, %min3A_720 : vector<16xf32>
          %get3A_722 = arith.constant 16 : i32
          %get3A_723 = arith.constant 1 : i32
          %get3A_724 = arith.index_cast %get3A_722 : i32 to index
          %get3A_725 = arith.index_cast %get3A_723 : i32 to index
          %get3A_726 = arith.index_cast %mul3A_311 : i32 to index
          %get3A_727 = tpu.vector_load %arg5[%get3A_724, %get3A_725, %get3A_726] {strides = array<i32>} : memref<17x4x384xf32, #tpu.memory_space<vmem>>, vector<16xf32>,
          %max3A_728 = arith.maximumf %max3A_715, %get3A_727 : vector<16xf32>
          %min3A_729 = arith.minimumf %max3A_715, %get3A_727 : vector<16xf32>
          %max3A_730 = arith.maximumf %max3A_717, %min3A_729 : vector<16xf32>
          %min3A_731 = arith.minimumf %max3A_717, %min3A_729 : vector<16xf32>
          %max3A_732 = arith.maximumf %max3A_719, %min3A_731 : vector<16xf32>
          %min3A_733 = arith.minimumf %max3A_719, %min3A_731 : vector<16xf32>
          %max3A_734 = arith.maximumf %max3A_721, %min3A_733 : vector<16xf32>
          %swap3A_735 = arith.constant 4 : i32
          %swap3A_736 = arith.index_cast %swap3A_735 : i32 to index
          %swap3A_737 = arith.index_cast %mul3A_311 : i32 to index
          %swap3A_738 = tpu.vector_load %arg7[%swap3A_736, %swap3A_737] {strides = array<i32>} : memref<16x384xf32, #tpu.memory_space<vmem>>, vector<16xf32>,
          tpu.vector_store %arg7[%swap3A_736, %swap3A_737], %max3A_728 {strides = array<i32>} : memref<16x384xf32, #tpu.memory_space<vmem>>, vector<16xf32>,
          %swap3A_739 = arith.constant 5 : i32
          %swap3A_740 = arith.index_cast %swap3A_739 : i32 to index
          %swap3A_741 = arith.index_cast %mul3A_311 : i32 to index
          %swap3A_742 = tpu.vector_load %arg7[%swap3A_740, %swap3A_741] {strides = array<i32>} : memref<16x384xf32, #tpu.memory_space<vmem>>, vector<16xf32>,
          tpu.vector_store %arg7[%swap3A_740, %swap3A_741], %max3A_730 {strides = array<i32>} : memref<16x384xf32, #tpu.memory_space<vmem>>, vector<16xf32>,
          %swap3A_743 = arith.constant 6 : i32
          %swap3A_744 = arith.index_cast %swap3A_743 : i32 to index
          %swap3A_745 = arith.index_cast %mul3A_311 : i32 to index
          %swap3A_746 = tpu.vector_load %arg7[%swap3A_744, %swap3A_745] {strides = array<i32>} : memref<16x384xf32, #tpu.memory_space<vmem>>, vector<16xf32>,
          tpu.vector_store %arg7[%swap3A_744, %swap3A_745], %max3A_732 {strides = array<i32>} : memref<16x384xf32, #tpu.memory_space<vmem>>, vector<16xf32>,
          %swap3A_747 = arith.constant 7 : i32
          %swap3A_748 = arith.index_cast %swap3A_747 : i32 to index
          %swap3A_749 = arith.index_cast %mul3A_311 : i32 to index
          %swap3A_750 = tpu.vector_load %arg7[%swap3A_748, %swap3A_749] {strides = array<i32>} : memref<16x384xf32, #tpu.memory_space<vmem>>, vector<16xf32>,
          tpu.vector_store %arg7[%swap3A_748, %swap3A_749], %max3A_734 {strides = array<i32>} : memref<16x384xf32, #tpu.memory_space<vmem>>, vector<16xf32>,
          %get3A_751 = arith.constant 0 : i32
          %get3A_752 = arith.constant 2 : i32
          %get3A_753 = arith.index_cast %get3A_751 : i32 to index
          %get3A_754 = arith.index_cast %get3A_752 : i32 to index
          %get3A_755 = arith.index_cast %mul3A_311 : i32 to index
          %get3A_756 = tpu.vector_load %arg5[%get3A_753, %get3A_754, %get3A_755] {strides = array<i32>} : memref<17x4x384xf32, #tpu.memory_space<vmem>>, vector<16xf32>,
          %get3A_757 = arith.constant 1 : i32
          %get3A_758 = arith.constant 2 : i32
          %get3A_759 = arith.index_cast %get3A_757 : i32 to index
          %get3A_760 = arith.index_cast %get3A_758 : i32 to index
          %get3A_761 = arith.index_cast %mul3A_311 : i32 to index
          %get3A_762 = tpu.vector_load %arg5[%get3A_759, %get3A_760, %get3A_761] {strides = array<i32>} : memref<17x4x384xf32, #tpu.memory_space<vmem>>, vector<16xf32>,
          %max3A_763 = arith.maximumf %get3A_756, %get3A_762 : vector<16xf32>
          %min3A_764 = arith.minimumf %get3A_756, %get3A_762 : vector<16xf32>
          %get3A_765 = arith.constant 2 : i32
          %get3A_766 = arith.constant 2 : i32
          %get3A_767 = arith.index_cast %get3A_765 : i32 to index
          %get3A_768 = arith.index_cast %get3A_766 : i32 to index
          %get3A_769 = arith.index_cast %mul3A_311 : i32 to index
          %get3A_770 = tpu.vector_load %arg5[%get3A_767, %get3A_768, %get3A_769] {strides = array<i32>} : memref<17x4x384xf32, #tpu.memory_space<vmem>>, vector<16xf32>,
          %max3A_771 = arith.maximumf %max3A_763, %get3A_770 : vector<16xf32>
          %min3A_772 = arith.minimumf %max3A_763, %get3A_770 : vector<16xf32>
          %max3A_773 = arith.maximumf %min3A_764, %min3A_772 : vector<16xf32>
          %min3A_774 = arith.minimumf %min3A_764, %min3A_772 : vector<16xf32>
          %get3A_775 = arith.constant 3 : i32
          %get3A_776 = arith.constant 2 : i32
          %get3A_777 = arith.index_cast %get3A_775 : i32 to index
          %get3A_778 = arith.index_cast %get3A_776 : i32 to index
          %get3A_779 = arith.index_cast %mul3A_311 : i32 to index
          %get3A_780 = tpu.vector_load %arg5[%get3A_777, %get3A_778, %get3A_779] {strides = array<i32>} : memref<17x4x384xf32, #tpu.memory_space<vmem>>, vector<16xf32>,
          %max3A_781 = arith.maximumf %max3A_771, %get3A_780 : vector<16xf32>
          %min3A_782 = arith.minimumf %max3A_771, %get3A_780 : vector<16xf32>
          %max3A_783 = arith.maximumf %max3A_773, %min3A_782 : vector<16xf32>
          %min3A_784 = arith.minimumf %max3A_773, %min3A_782 : vector<16xf32>
          %max3A_785 = arith.maximumf %min3A_774, %min3A_784 : vector<16xf32>
          %min3A_786 = arith.minimumf %min3A_774, %min3A_784 : vector<16xf32>
          %get3A_787 = arith.constant 4 : i32
          %get3A_788 = arith.constant 2 : i32
          %get3A_789 = arith.index_cast %get3A_787 : i32 to index
          %get3A_790 = arith.index_cast %get3A_788 : i32 to index
          %get3A_791 = arith.index_cast %mul3A_311 : i32 to index
          %get3A_792 = tpu.vector_load %arg5[%get3A_789, %get3A_790, %get3A_791] {strides = array<i32>} : memref<17x4x384xf32, #tpu.memory_space<vmem>>, vector<16xf32>,
          %max3A_793 = arith.maximumf %max3A_781, %get3A_792 : vector<16xf32>
          %min3A_794 = arith.minimumf %max3A_781, %get3A_792 : vector<16xf32>
          %max3A_795 = arith.maximumf %max3A_783, %min3A_794 : vector<16xf32>
          %min3A_796 = arith.minimumf %max3A_783, %min3A_794 : vector<16xf32>
          %max3A_797 = arith.maximumf %max3A_785, %min3A_796 : vector<16xf32>
          %min3A_798 = arith.minimumf %max3A_785, %min3A_796 : vector<16xf32>
          %max3A_799 = arith.maximumf %min3A_786, %min3A_798 : vector<16xf32>
          %get3A_800 = arith.constant 5 : i32
          %get3A_801 = arith.constant 2 : i32
          %get3A_802 = arith.index_cast %get3A_800 : i32 to index
          %get3A_803 = arith.index_cast %get3A_801 : i32 to index
          %get3A_804 = arith.index_cast %mul3A_311 : i32 to index
          %get3A_805 = tpu.vector_load %arg5[%get3A_802, %get3A_803, %get3A_804] {strides = array<i32>} : memref<17x4x384xf32, #tpu.memory_space<vmem>>, vector<16xf32>,
          %max3A_806 = arith.maximumf %max3A_793, %get3A_805 : vector<16xf32>
          %min3A_807 = arith.minimumf %max3A_793, %get3A_805 : vector<16xf32>
          %max3A_808 = arith.maximumf %max3A_795, %min3A_807 : vector<16xf32>
          %min3A_809 = arith.minimumf %max3A_795, %min3A_807 : vector<16xf32>
          %max3A_810 = arith.maximumf %max3A_797, %min3A_809 : vector<16xf32>
          %min3A_811 = arith.minimumf %max3A_797, %min3A_809 : vector<16xf32>
          %max3A_812 = arith.maximumf %max3A_799, %min3A_811 : vector<16xf32>
          %get3A_813 = arith.constant 6 : i32
          %get3A_814 = arith.constant 2 : i32
          %get3A_815 = arith.index_cast %get3A_813 : i32 to index
          %get3A_816 = arith.index_cast %get3A_814 : i32 to index
          %get3A_817 = arith.index_cast %mul3A_311 : i32 to index
          %get3A_818 = tpu.vector_load %arg5[%get3A_815, %get3A_816, %get3A_817] {strides = array<i32>} : memref<17x4x384xf32, #tpu.memory_space<vmem>>, vector<16xf32>,
          %max3A_819 = arith.maximumf %max3A_806, %get3A_818 : vector<16xf32>
          %min3A_820 = arith.minimumf %max3A_806, %get3A_818 : vector<16xf32>
          %max3A_821 = arith.maximumf %max3A_808, %min3A_820 : vector<16xf32>
          %min3A_822 = arith.minimumf %max3A_808, %min3A_820 : vector<16xf32>
          %max3A_823 = arith.maximumf %max3A_810, %min3A_822 : vector<16xf32>
          %min3A_824 = arith.minimumf %max3A_810, %min3A_822 : vector<16xf32>
          %max3A_825 = arith.maximumf %max3A_812, %min3A_824 : vector<16xf32>
          %get3A_826 = arith.constant 7 : i32
          %get3A_827 = arith.constant 2 : i32
          %get3A_828 = arith.index_cast %get3A_826 : i32 to index
          %get3A_829 = arith.index_cast %get3A_827 : i32 to index
          %get3A_830 = arith.index_cast %mul3A_311 : i32 to index
          %get3A_831 = tpu.vector_load %arg5[%get3A_828, %get3A_829, %get3A_830] {strides = array<i32>} : memref<17x4x384xf32, #tpu.memory_space<vmem>>, vector<16xf32>,
          %max3A_832 = arith.maximumf %max3A_819, %get3A_831 : vector<16xf32>
          %min3A_833 = arith.minimumf %max3A_819, %get3A_831 : vector<16xf32>
          %max3A_834 = arith.maximumf %max3A_821, %min3A_833 : vector<16xf32>
          %min3A_835 = arith.minimumf %max3A_821, %min3A_833 : vector<16xf32>
          %max3A_836 = arith.maximumf %max3A_823, %min3A_835 : vector<16xf32>
          %min3A_837 = arith.minimumf %max3A_823, %min3A_835 : vector<16xf32>
          %max3A_838 = arith.maximumf %max3A_825, %min3A_837 : vector<16xf32>
          %get3A_839 = arith.constant 8 : i32
          %get3A_840 = arith.constant 2 : i32
          %get3A_841 = arith.index_cast %get3A_839 : i32 to index
          %get3A_842 = arith.index_cast %get3A_840 : i32 to index
          %get3A_843 = arith.index_cast %mul3A_311 : i32 to index
          %get3A_844 = tpu.vector_load %arg5[%get3A_841, %get3A_842, %get3A_843] {strides = array<i32>} : memref<17x4x384xf32, #tpu.memory_space<vmem>>, vector<16xf32>,
          %max3A_845 = arith.maximumf %max3A_832, %get3A_844 : vector<16xf32>
          %min3A_846 = arith.minimumf %max3A_832, %get3A_844 : vector<16xf32>
          %max3A_847 = arith.maximumf %max3A_834, %min3A_846 : vector<16xf32>
          %min3A_848 = arith.minimumf %max3A_834, %min3A_846 : vector<16xf32>
          %max3A_849 = arith.maximumf %max3A_836, %min3A_848 : vector<16xf32>
          %min3A_850 = arith.minimumf %max3A_836, %min3A_848 : vector<16xf32>
          %max3A_851 = arith.maximumf %max3A_838, %min3A_850 : vector<16xf32>
          %get3A_852 = arith.constant 9 : i32
          %get3A_853 = arith.constant 2 : i32
          %get3A_854 = arith.index_cast %get3A_852 : i32 to index
          %get3A_855 = arith.index_cast %get3A_853 : i32 to index
          %get3A_856 = arith.index_cast %mul3A_311 : i32 to index
          %get3A_857 = tpu.vector_load %arg5[%get3A_854, %get3A_855, %get3A_856] {strides = array<i32>} : memref<17x4x384xf32, #tpu.memory_space<vmem>>, vector<16xf32>,
          %max3A_858 = arith.maximumf %max3A_845, %get3A_857 : vector<16xf32>
          %min3A_859 = arith.minimumf %max3A_845, %get3A_857 : vector<16xf32>
          %max3A_860 = arith.maximumf %max3A_847, %min3A_859 : vector<16xf32>
          %min3A_861 = arith.minimumf %max3A_847, %min3A_859 : vector<16xf32>
          %max3A_862 = arith.maximumf %max3A_849, %min3A_861 : vector<16xf32>
          %min3A_863 = arith.minimumf %max3A_849, %min3A_861 : vector<16xf32>
          %max3A_864 = arith.maximumf %max3A_851, %min3A_863 : vector<16xf32>
          %get3A_865 = arith.constant 10 : i32
          %get3A_866 = arith.constant 2 : i32
          %get3A_867 = arith.index_cast %get3A_865 : i32 to index
          %get3A_868 = arith.index_cast %get3A_866 : i32 to index
          %get3A_869 = arith.index_cast %mul3A_311 : i32 to index
          %get3A_870 = tpu.vector_load %arg5[%get3A_867, %get3A_868, %get3A_869] {strides = array<i32>} : memref<17x4x384xf32, #tpu.memory_space<vmem>>, vector<16xf32>,
          %max3A_871 = arith.maximumf %max3A_858, %get3A_870 : vector<16xf32>
          %min3A_872 = arith.minimumf %max3A_858, %get3A_870 : vector<16xf32>
          %max3A_873 = arith.maximumf %max3A_860, %min3A_872 : vector<16xf32>
          %min3A_874 = arith.minimumf %max3A_860, %min3A_872 : vector<16xf32>
          %max3A_875 = arith.maximumf %max3A_862, %min3A_874 : vector<16xf32>
          %min3A_876 = arith.minimumf %max3A_862, %min3A_874 : vector<16xf32>
          %max3A_877 = arith.maximumf %max3A_864, %min3A_876 : vector<16xf32>
          %get3A_878 = arith.constant 11 : i32
          %get3A_879 = arith.constant 2 : i32
          %get3A_880 = arith.index_cast %get3A_878 : i32 to index
          %get3A_881 = arith.index_cast %get3A_879 : i32 to index
          %get3A_882 = arith.index_cast %mul3A_311 : i32 to index
          %get3A_883 = tpu.vector_load %arg5[%get3A_880, %get3A_881, %get3A_882] {strides = array<i32>} : memref<17x4x384xf32, #tpu.memory_space<vmem>>, vector<16xf32>,
          %max3A_884 = arith.maximumf %max3A_871, %get3A_883 : vector<16xf32>
          %min3A_885 = arith.minimumf %max3A_871, %get3A_883 : vector<16xf32>
          %max3A_886 = arith.maximumf %max3A_873, %min3A_885 : vector<16xf32>
          %min3A_887 = arith.minimumf %max3A_873, %min3A_885 : vector<16xf32>
          %max3A_888 = arith.maximumf %max3A_875, %min3A_887 : vector<16xf32>
          %min3A_889 = arith.minimumf %max3A_875, %min3A_887 : vector<16xf32>
          %max3A_890 = arith.maximumf %max3A_877, %min3A_889 : vector<16xf32>
          %get3A_891 = arith.constant 12 : i32
          %get3A_892 = arith.constant 2 : i32
          %get3A_893 = arith.index_cast %get3A_891 : i32 to index
          %get3A_894 = arith.index_cast %get3A_892 : i32 to index
          %get3A_895 = arith.index_cast %mul3A_311 : i32 to index
          %get3A_896 = tpu.vector_load %arg5[%get3A_893, %get3A_894, %get3A_895] {strides = array<i32>} : memref<17x4x384xf32, #tpu.memory_space<vmem>>, vector<16xf32>,
          %max3A_897 = arith.maximumf %max3A_884, %get3A_896 : vector<16xf32>
          %min3A_898 = arith.minimumf %max3A_884, %get3A_896 : vector<16xf32>
          %max3A_899 = arith.maximumf %max3A_886, %min3A_898 : vector<16xf32>
          %min3A_900 = arith.minimumf %max3A_886, %min3A_898 : vector<16xf32>
          %max3A_901 = arith.maximumf %max3A_888, %min3A_900 : vector<16xf32>
          %min3A_902 = arith.minimumf %max3A_888, %min3A_900 : vector<16xf32>
          %max3A_903 = arith.maximumf %max3A_890, %min3A_902 : vector<16xf32>
          %get3A_904 = arith.constant 13 : i32
          %get3A_905 = arith.constant 2 : i32
          %get3A_906 = arith.index_cast %get3A_904 : i32 to index
          %get3A_907 = arith.index_cast %get3A_905 : i32 to index
          %get3A_908 = arith.index_cast %mul3A_311 : i32 to index
          %get3A_909 = tpu.vector_load %arg5[%get3A_906, %get3A_907, %get3A_908] {strides = array<i32>} : memref<17x4x384xf32, #tpu.memory_space<vmem>>, vector<16xf32>,
          %max3A_910 = arith.maximumf %max3A_897, %get3A_909 : vector<16xf32>
          %min3A_911 = arith.minimumf %max3A_897, %get3A_909 : vector<16xf32>
          %max3A_912 = arith.maximumf %max3A_899, %min3A_911 : vector<16xf32>
          %min3A_913 = arith.minimumf %max3A_899, %min3A_911 : vector<16xf32>
          %max3A_914 = arith.maximumf %max3A_901, %min3A_913 : vector<16xf32>
          %min3A_915 = arith.minimumf %max3A_901, %min3A_913 : vector<16xf32>
          %max3A_916 = arith.maximumf %max3A_903, %min3A_915 : vector<16xf32>
          %get3A_917 = arith.constant 14 : i32
          %get3A_918 = arith.constant 2 : i32
          %get3A_919 = arith.index_cast %get3A_917 : i32 to index
          %get3A_920 = arith.index_cast %get3A_918 : i32 to index
          %get3A_921 = arith.index_cast %mul3A_311 : i32 to index
          %get3A_922 = tpu.vector_load %arg5[%get3A_919, %get3A_920, %get3A_921] {strides = array<i32>} : memref<17x4x384xf32, #tpu.memory_space<vmem>>, vector<16xf32>,
          %max3A_923 = arith.maximumf %max3A_910, %get3A_922 : vector<16xf32>
          %min3A_924 = arith.minimumf %max3A_910, %get3A_922 : vector<16xf32>
          %max3A_925 = arith.maximumf %max3A_912, %min3A_924 : vector<16xf32>
          %min3A_926 = arith.minimumf %max3A_912, %min3A_924 : vector<16xf32>
          %max3A_927 = arith.maximumf %max3A_914, %min3A_926 : vector<16xf32>
          %min3A_928 = arith.minimumf %max3A_914, %min3A_926 : vector<16xf32>
          %max3A_929 = arith.maximumf %max3A_916, %min3A_928 : vector<16xf32>
          %get3A_930 = arith.constant 15 : i32
          %get3A_931 = arith.constant 2 : i32
          %get3A_932 = arith.index_cast %get3A_930 : i32 to index
          %get3A_933 = arith.index_cast %get3A_931 : i32 to index
          %get3A_934 = arith.index_cast %mul3A_311 : i32 to index
          %get3A_935 = tpu.vector_load %arg5[%get3A_932, %get3A_933, %get3A_934] {strides = array<i32>} : memref<17x4x384xf32, #tpu.memory_space<vmem>>, vector<16xf32>,
          %max3A_936 = arith.maximumf %max3A_923, %get3A_935 : vector<16xf32>
          %min3A_937 = arith.minimumf %max3A_923, %get3A_935 : vector<16xf32>
          %max3A_938 = arith.maximumf %max3A_925, %min3A_937 : vector<16xf32>
          %min3A_939 = arith.minimumf %max3A_925, %min3A_937 : vector<16xf32>
          %max3A_940 = arith.maximumf %max3A_927, %min3A_939 : vector<16xf32>
          %min3A_941 = arith.minimumf %max3A_927, %min3A_939 : vector<16xf32>
          %max3A_942 = arith.maximumf %max3A_929, %min3A_941 : vector<16xf32>
          %get3A_943 = arith.constant 16 : i32
          %get3A_944 = arith.constant 2 : i32
          %get3A_945 = arith.index_cast %get3A_943 : i32 to index
          %get3A_946 = arith.index_cast %get3A_944 : i32 to index
          %get3A_947 = arith.index_cast %mul3A_311 : i32 to index
          %get3A_948 = tpu.vector_load %arg5[%get3A_945, %get3A_946, %get3A_947] {strides = array<i32>} : memref<17x4x384xf32, #tpu.memory_space<vmem>>, vector<16xf32>,
          %max3A_949 = arith.maximumf %max3A_936, %get3A_948 : vector<16xf32>
          %min3A_950 = arith.minimumf %max3A_936, %get3A_948 : vector<16xf32>
          %max3A_951 = arith.maximumf %max3A_938, %min3A_950 : vector<16xf32>
          %min3A_952 = arith.minimumf %max3A_938, %min3A_950 : vector<16xf32>
          %max3A_953 = arith.maximumf %max3A_940, %min3A_952 : vector<16xf32>
          %min3A_954 = arith.minimumf %max3A_940, %min3A_952 : vector<16xf32>
          %max3A_955 = arith.maximumf %max3A_942, %min3A_954 : vector<16xf32>
          %swap3A_956 = arith.constant 8 : i32
          %swap3A_957 = arith.index_cast %swap3A_956 : i32 to index
          %swap3A_958 = arith.index_cast %mul3A_311 : i32 to index
          %swap3A_959 = tpu.vector_load %arg7[%swap3A_957, %swap3A_958] {strides = array<i32>} : memref<16x384xf32, #tpu.memory_space<vmem>>, vector<16xf32>,
          tpu.vector_store %arg7[%swap3A_957, %swap3A_958], %max3A_949 {strides = array<i32>} : memref<16x384xf32, #tpu.memory_space<vmem>>, vector<16xf32>,
          %swap3A_960 = arith.constant 9 : i32
          %swap3A_961 = arith.index_cast %swap3A_960 : i32 to index
          %swap3A_962 = arith.index_cast %mul3A_311 : i32 to index
          %swap3A_963 = tpu.vector_load %arg7[%swap3A_961, %swap3A_962] {strides = array<i32>} : memref<16x384xf32, #tpu.memory_space<vmem>>, vector<16xf32>,
          tpu.vector_store %arg7[%swap3A_961, %swap3A_962], %max3A_951 {strides = array<i32>} : memref<16x384xf32, #tpu.memory_space<vmem>>, vector<16xf32>,
          %swap3A_964 = arith.constant 10 : i32
          %swap3A_965 = arith.index_cast %swap3A_964 : i32 to index
          %swap3A_966 = arith.index_cast %mul3A_311 : i32 to index
          %swap3A_967 = tpu.vector_load %arg7[%swap3A_965, %swap3A_966] {strides = array<i32>} : memref<16x384xf32, #tpu.memory_space<vmem>>, vector<16xf32>,
          tpu.vector_store %arg7[%swap3A_965, %swap3A_966], %max3A_953 {strides = array<i32>} : memref<16x384xf32, #tpu.memory_space<vmem>>, vector<16xf32>,
          %swap3A_968 = arith.constant 11 : i32
          %swap3A_969 = arith.index_cast %swap3A_968 : i32 to index
          %swap3A_970 = arith.index_cast %mul3A_311 : i32 to index
          %swap3A_971 = tpu.vector_load %arg7[%swap3A_969, %swap3A_970] {strides = array<i32>} : memref<16x384xf32, #tpu.memory_space<vmem>>, vector<16xf32>,
          tpu.vector_store %arg7[%swap3A_969, %swap3A_970], %max3A_955 {strides = array<i32>} : memref<16x384xf32, #tpu.memory_space<vmem>>, vector<16xf32>,
          %get3A_972 = arith.constant 0 : i32
          %get3A_973 = arith.constant 3 : i32
          %get3A_974 = arith.index_cast %get3A_972 : i32 to index
          %get3A_975 = arith.index_cast %get3A_973 : i32 to index
          %get3A_976 = arith.index_cast %mul3A_311 : i32 to index
          %get3A_977 = tpu.vector_load %arg5[%get3A_974, %get3A_975, %get3A_976] {strides = array<i32>} : memref<17x4x384xf32, #tpu.memory_space<vmem>>, vector<16xf32>,
          %get3A_978 = arith.constant 1 : i32
          %get3A_979 = arith.constant 3 : i32
          %get3A_980 = arith.index_cast %get3A_978 : i32 to index
          %get3A_981 = arith.index_cast %get3A_979 : i32 to index
          %get3A_982 = arith.index_cast %mul3A_311 : i32 to index
          %get3A_983 = tpu.vector_load %arg5[%get3A_980, %get3A_981, %get3A_982] {strides = array<i32>} : memref<17x4x384xf32, #tpu.memory_space<vmem>>, vector<16xf32>,
          %max3A_984 = arith.maximumf %get3A_977, %get3A_983 : vector<16xf32>
          %min3A_985 = arith.minimumf %get3A_977, %get3A_983 : vector<16xf32>
          %get3A_986 = arith.constant 2 : i32
          %get3A_987 = arith.constant 3 : i32
          %get3A_988 = arith.index_cast %get3A_986 : i32 to index
          %get3A_989 = arith.index_cast %get3A_987 : i32 to index
          %get3A_990 = arith.index_cast %mul3A_311 : i32 to index
          %get3A_991 = tpu.vector_load %arg5[%get3A_988, %get3A_989, %get3A_990] {strides = array<i32>} : memref<17x4x384xf32, #tpu.memory_space<vmem>>, vector<16xf32>,
          %max3A_992 = arith.maximumf %max3A_984, %get3A_991 : vector<16xf32>
          %min3A_993 = arith.minimumf %max3A_984, %get3A_991 : vector<16xf32>
          %max3A_994 = arith.maximumf %min3A_985, %min3A_993 : vector<16xf32>
          %min3A_995 = arith.minimumf %min3A_985, %min3A_993 : vector<16xf32>
          %get3A_996 = arith.constant 3 : i32
          %get3A_997 = arith.constant 3 : i32
          %get3A_998 = arith.index_cast %get3A_996 : i32 to index
          %get3A_999 = arith.index_cast %get3A_997 : i32 to index
          %get3A_1000 = arith.index_cast %mul3A_311 : i32 to index
          %get3A_1001 = tpu.vector_load %arg5[%get3A_998, %get3A_999, %get3A_1000] {strides = array<i32>} : memref<17x4x384xf32, #tpu.memory_space<vmem>>, vector<16xf32>,
          %max3A_1002 = arith.maximumf %max3A_992, %get3A_1001 : vector<16xf32>
          %min3A_1003 = arith.minimumf %max3A_992, %get3A_1001 : vector<16xf32>
          %max3A_1004 = arith.maximumf %max3A_994, %min3A_1003 : vector<16xf32>
          %min3A_1005 = arith.minimumf %max3A_994, %min3A_1003 : vector<16xf32>
          %max3A_1006 = arith.maximumf %min3A_995, %min3A_1005 : vector<16xf32>
          %min3A_1007 = arith.minimumf %min3A_995, %min3A_1005 : vector<16xf32>
          %get3A_1008 = arith.constant 4 : i32
          %get3A_1009 = arith.constant 3 : i32
          %get3A_1010 = arith.index_cast %get3A_1008 : i32 to index
          %get3A_1011 = arith.index_cast %get3A_1009 : i32 to index
          %get3A_1012 = arith.index_cast %mul3A_311 : i32 to index
          %get3A_1013 = tpu.vector_load %arg5[%get3A_1010, %get3A_1011, %get3A_1012] {strides = array<i32>} : memref<17x4x384xf32, #tpu.memory_space<vmem>>, vector<16xf32>,
          %max3A_1014 = arith.maximumf %max3A_1002, %get3A_1013 : vector<16xf32>
          %min3A_1015 = arith.minimumf %max3A_1002, %get3A_1013 : vector<16xf32>
          %max3A_1016 = arith.maximumf %max3A_1004, %min3A_1015 : vector<16xf32>
          %min3A_1017 = arith.minimumf %max3A_1004, %min3A_1015 : vector<16xf32>
          %max3A_1018 = arith.maximumf %max3A_1006, %min3A_1017 : vector<16xf32>
          %min3A_1019 = arith.minimumf %max3A_1006, %min3A_1017 : vector<16xf32>
          %max3A_1020 = arith.maximumf %min3A_1007, %min3A_1019 : vector<16xf32>
          %get3A_1021 = arith.constant 5 : i32
          %get3A_1022 = arith.constant 3 : i32
          %get3A_1023 = arith.index_cast %get3A_1021 : i32 to index
          %get3A_1024 = arith.index_cast %get3A_1022 : i32 to index
          %get3A_1025 = arith.index_cast %mul3A_311 : i32 to index
          %get3A_1026 = tpu.vector_load %arg5[%get3A_1023, %get3A_1024, %get3A_1025] {strides = array<i32>} : memref<17x4x384xf32, #tpu.memory_space<vmem>>, vector<16xf32>,
          %max3A_1027 = arith.maximumf %max3A_1014, %get3A_1026 : vector<16xf32>
          %min3A_1028 = arith.minimumf %max3A_1014, %get3A_1026 : vector<16xf32>
          %max3A_1029 = arith.maximumf %max3A_1016, %min3A_1028 : vector<16xf32>
          %min3A_1030 = arith.minimumf %max3A_1016, %min3A_1028 : vector<16xf32>
          %max3A_1031 = arith.maximumf %max3A_1018, %min3A_1030 : vector<16xf32>
          %min3A_1032 = arith.minimumf %max3A_1018, %min3A_1030 : vector<16xf32>
          %max3A_1033 = arith.maximumf %max3A_1020, %min3A_1032 : vector<16xf32>
          %get3A_1034 = arith.constant 6 : i32
          %get3A_1035 = arith.constant 3 : i32
          %get3A_1036 = arith.index_cast %get3A_1034 : i32 to index
          %get3A_1037 = arith.index_cast %get3A_1035 : i32 to index
          %get3A_1038 = arith.index_cast %mul3A_311 : i32 to index
          %get3A_1039 = tpu.vector_load %arg5[%get3A_1036, %get3A_1037, %get3A_1038] {strides = array<i32>} : memref<17x4x384xf32, #tpu.memory_space<vmem>>, vector<16xf32>,
          %max3A_1040 = arith.maximumf %max3A_1027, %get3A_1039 : vector<16xf32>
          %min3A_1041 = arith.minimumf %max3A_1027, %get3A_1039 : vector<16xf32>
          %max3A_1042 = arith.maximumf %max3A_1029, %min3A_1041 : vector<16xf32>
          %min3A_1043 = arith.minimumf %max3A_1029, %min3A_1041 : vector<16xf32>
          %max3A_1044 = arith.maximumf %max3A_1031, %min3A_1043 : vector<16xf32>
          %min3A_1045 = arith.minimumf %max3A_1031, %min3A_1043 : vector<16xf32>
          %max3A_1046 = arith.maximumf %max3A_1033, %min3A_1045 : vector<16xf32>
          %get3A_1047 = arith.constant 7 : i32
          %get3A_1048 = arith.constant 3 : i32
          %get3A_1049 = arith.index_cast %get3A_1047 : i32 to index
          %get3A_1050 = arith.index_cast %get3A_1048 : i32 to index
          %get3A_1051 = arith.index_cast %mul3A_311 : i32 to index
          %get3A_1052 = tpu.vector_load %arg5[%get3A_1049, %get3A_1050, %get3A_1051] {strides = array<i32>} : memref<17x4x384xf32, #tpu.memory_space<vmem>>, vector<16xf32>,
          %max3A_1053 = arith.maximumf %max3A_1040, %get3A_1052 : vector<16xf32>
          %min3A_1054 = arith.minimumf %max3A_1040, %get3A_1052 : vector<16xf32>
          %max3A_1055 = arith.maximumf %max3A_1042, %min3A_1054 : vector<16xf32>
          %min3A_1056 = arith.minimumf %max3A_1042, %min3A_1054 : vector<16xf32>
          %max3A_1057 = arith.maximumf %max3A_1044, %min3A_1056 : vector<16xf32>
          %min3A_1058 = arith.minimumf %max3A_1044, %min3A_1056 : vector<16xf32>
          %max3A_1059 = arith.maximumf %max3A_1046, %min3A_1058 : vector<16xf32>
          %get3A_1060 = arith.constant 8 : i32
          %get3A_1061 = arith.constant 3 : i32
          %get3A_1062 = arith.index_cast %get3A_1060 : i32 to index
          %get3A_1063 = arith.index_cast %get3A_1061 : i32 to index
          %get3A_1064 = arith.index_cast %mul3A_311 : i32 to index
          %get3A_1065 = tpu.vector_load %arg5[%get3A_1062, %get3A_1063, %get3A_1064] {strides = array<i32>} : memref<17x4x384xf32, #tpu.memory_space<vmem>>, vector<16xf32>,
          %max3A_1066 = arith.maximumf %max3A_1053, %get3A_1065 : vector<16xf32>
          %min3A_1067 = arith.minimumf %max3A_1053, %get3A_1065 : vector<16xf32>
          %max3A_1068 = arith.maximumf %max3A_1055, %min3A_1067 : vector<16xf32>
          %min3A_1069 = arith.minimumf %max3A_1055, %min3A_1067 : vector<16xf32>
          %max3A_1070 = arith.maximumf %max3A_1057, %min3A_1069 : vector<16xf32>
          %min3A_1071 = arith.minimumf %max3A_1057, %min3A_1069 : vector<16xf32>
          %max3A_1072 = arith.maximumf %max3A_1059, %min3A_1071 : vector<16xf32>
          %get3A_1073 = arith.constant 9 : i32
          %get3A_1074 = arith.constant 3 : i32
          %get3A_1075 = arith.index_cast %get3A_1073 : i32 to index
          %get3A_1076 = arith.index_cast %get3A_1074 : i32 to index
          %get3A_1077 = arith.index_cast %mul3A_311 : i32 to index
          %get3A_1078 = tpu.vector_load %arg5[%get3A_1075, %get3A_1076, %get3A_1077] {strides = array<i32>} : memref<17x4x384xf32, #tpu.memory_space<vmem>>, vector<16xf32>,
          %max3A_1079 = arith.maximumf %max3A_1066, %get3A_1078 : vector<16xf32>
          %min3A_1080 = arith.minimumf %max3A_1066, %get3A_1078 : vector<16xf32>
          %max3A_1081 = arith.maximumf %max3A_1068, %min3A_1080 : vector<16xf32>
          %min3A_1082 = arith.minimumf %max3A_1068, %min3A_1080 : vector<16xf32>
          %max3A_1083 = arith.maximumf %max3A_1070, %min3A_1082 : vector<16xf32>
          %min3A_1084 = arith.minimumf %max3A_1070, %min3A_1082 : vector<16xf32>
          %max3A_1085 = arith.maximumf %max3A_1072, %min3A_1084 : vector<16xf32>
          %get3A_1086 = arith.constant 10 : i32
          %get3A_1087 = arith.constant 3 : i32
          %get3A_1088 = arith.index_cast %get3A_1086 : i32 to index
          %get3A_1089 = arith.index_cast %get3A_1087 : i32 to index
          %get3A_1090 = arith.index_cast %mul3A_311 : i32 to index
          %get3A_1091 = tpu.vector_load %arg5[%get3A_1088, %get3A_1089, %get3A_1090] {strides = array<i32>} : memref<17x4x384xf32, #tpu.memory_space<vmem>>, vector<16xf32>,
          %max3A_1092 = arith.maximumf %max3A_1079, %get3A_1091 : vector<16xf32>
          %min3A_1093 = arith.minimumf %max3A_1079, %get3A_1091 : vector<16xf32>
          %max3A_1094 = arith.maximumf %max3A_1081, %min3A_1093 : vector<16xf32>
          %min3A_1095 = arith.minimumf %max3A_1081, %min3A_1093 : vector<16xf32>
          %max3A_1096 = arith.maximumf %max3A_1083, %min3A_1095 : vector<16xf32>
          %min3A_1097 = arith.minimumf %max3A_1083, %min3A_1095 : vector<16xf32>
          %max3A_1098 = arith.maximumf %max3A_1085, %min3A_1097 : vector<16xf32>
          %get3A_1099 = arith.constant 11 : i32
          %get3A_1100 = arith.constant 3 : i32
          %get3A_1101 = arith.index_cast %get3A_1099 : i32 to index
          %get3A_1102 = arith.index_cast %get3A_1100 : i32 to index
          %get3A_1103 = arith.index_cast %mul3A_311 : i32 to index
          %get3A_1104 = tpu.vector_load %arg5[%get3A_1101, %get3A_1102, %get3A_1103] {strides = array<i32>} : memref<17x4x384xf32, #tpu.memory_space<vmem>>, vector<16xf32>,
          %max3A_1105 = arith.maximumf %max3A_1092, %get3A_1104 : vector<16xf32>
          %min3A_1106 = arith.minimumf %max3A_1092, %get3A_1104 : vector<16xf32>
          %max3A_1107 = arith.maximumf %max3A_1094, %min3A_1106 : vector<16xf32>
          %min3A_1108 = arith.minimumf %max3A_1094, %min3A_1106 : vector<16xf32>
          %max3A_1109 = arith.maximumf %max3A_1096, %min3A_1108 : vector<16xf32>
          %min3A_1110 = arith.minimumf %max3A_1096, %min3A_1108 : vector<16xf32>
          %max3A_1111 = arith.maximumf %max3A_1098, %min3A_1110 : vector<16xf32>
          %get3A_1112 = arith.constant 12 : i32
          %get3A_1113 = arith.constant 3 : i32
          %get3A_1114 = arith.index_cast %get3A_1112 : i32 to index
          %get3A_1115 = arith.index_cast %get3A_1113 : i32 to index
          %get3A_1116 = arith.index_cast %mul3A_311 : i32 to index
          %get3A_1117 = tpu.vector_load %arg5[%get3A_1114, %get3A_1115, %get3A_1116] {strides = array<i32>} : memref<17x4x384xf32, #tpu.memory_space<vmem>>, vector<16xf32>,
          %max3A_1118 = arith.maximumf %max3A_1105, %get3A_1117 : vector<16xf32>
          %min3A_1119 = arith.minimumf %max3A_1105, %get3A_1117 : vector<16xf32>
          %max3A_1120 = arith.maximumf %max3A_1107, %min3A_1119 : vector<16xf32>
          %min3A_1121 = arith.minimumf %max3A_1107, %min3A_1119 : vector<16xf32>
          %max3A_1122 = arith.maximumf %max3A_1109, %min3A_1121 : vector<16xf32>
          %min3A_1123 = arith.minimumf %max3A_1109, %min3A_1121 : vector<16xf32>
          %max3A_1124 = arith.maximumf %max3A_1111, %min3A_1123 : vector<16xf32>
          %get3A_1125 = arith.constant 13 : i32
          %get3A_1126 = arith.constant 3 : i32
          %get3A_1127 = arith.index_cast %get3A_1125 : i32 to index
          %get3A_1128 = arith.index_cast %get3A_1126 : i32 to index
          %get3A_1129 = arith.index_cast %mul3A_311 : i32 to index
          %get3A_1130 = tpu.vector_load %arg5[%get3A_1127, %get3A_1128, %get3A_1129] {strides = array<i32>} : memref<17x4x384xf32, #tpu.memory_space<vmem>>, vector<16xf32>,
          %max3A_1131 = arith.maximumf %max3A_1118, %get3A_1130 : vector<16xf32>
          %min3A_1132 = arith.minimumf %max3A_1118, %get3A_1130 : vector<16xf32>
          %max3A_1133 = arith.maximumf %max3A_1120, %min3A_1132 : vector<16xf32>
          %min3A_1134 = arith.minimumf %max3A_1120, %min3A_1132 : vector<16xf32>
          %max3A_1135 = arith.maximumf %max3A_1122, %min3A_1134 : vector<16xf32>
          %min3A_1136 = arith.minimumf %max3A_1122, %min3A_1134 : vector<16xf32>
          %max3A_1137 = arith.maximumf %max3A_1124, %min3A_1136 : vector<16xf32>
          %get3A_1138 = arith.constant 14 : i32
          %get3A_1139 = arith.constant 3 : i32
          %get3A_1140 = arith.index_cast %get3A_1138 : i32 to index
          %get3A_1141 = arith.index_cast %get3A_1139 : i32 to index
          %get3A_1142 = arith.index_cast %mul3A_311 : i32 to index
          %get3A_1143 = tpu.vector_load %arg5[%get3A_1140, %get3A_1141, %get3A_1142] {strides = array<i32>} : memref<17x4x384xf32, #tpu.memory_space<vmem>>, vector<16xf32>,
          %max3A_1144 = arith.maximumf %max3A_1131, %get3A_1143 : vector<16xf32>
          %min3A_1145 = arith.minimumf %max3A_1131, %get3A_1143 : vector<16xf32>
          %max3A_1146 = arith.maximumf %max3A_1133, %min3A_1145 : vector<16xf32>
          %min3A_1147 = arith.minimumf %max3A_1133, %min3A_1145 : vector<16xf32>
          %max3A_1148 = arith.maximumf %max3A_1135, %min3A_1147 : vector<16xf32>
          %min3A_1149 = arith.minimumf %max3A_1135, %min3A_1147 : vector<16xf32>
          %max3A_1150 = arith.maximumf %max3A_1137, %min3A_1149 : vector<16xf32>
          %get3A_1151 = arith.constant 15 : i32
          %get3A_1152 = arith.constant 3 : i32
          %get3A_1153 = arith.index_cast %get3A_1151 : i32 to index
          %get3A_1154 = arith.index_cast %get3A_1152 : i32 to index
          %get3A_1155 = arith.index_cast %mul3A_311 : i32 to index
          %get3A_1156 = tpu.vector_load %arg5[%get3A_1153, %get3A_1154, %get3A_1155] {strides = array<i32>} : memref<17x4x384xf32, #tpu.memory_space<vmem>>, vector<16xf32>,
          %max3A_1157 = arith.maximumf %max3A_1144, %get3A_1156 : vector<16xf32>
          %min3A_1158 = arith.minimumf %max3A_1144, %get3A_1156 : vector<16xf32>
          %max3A_1159 = arith.maximumf %max3A_1146, %min3A_1158 : vector<16xf32>
          %min3A_1160 = arith.minimumf %max3A_1146, %min3A_1158 : vector<16xf32>
          %max3A_1161 = arith.maximumf %max3A_1148, %min3A_1160 : vector<16xf32>
          %min3A_1162 = arith.minimumf %max3A_1148, %min3A_1160 : vector<16xf32>
          %max3A_1163 = arith.maximumf %max3A_1150, %min3A_1162 : vector<16xf32>
          %get3A_1164 = arith.constant 16 : i32
          %get3A_1165 = arith.constant 3 : i32
          %get3A_1166 = arith.index_cast %get3A_1164 : i32 to index
          %get3A_1167 = arith.index_cast %get3A_1165 : i32 to index
          %get3A_1168 = arith.index_cast %mul3A_311 : i32 to index
          %get3A_1169 = tpu.vector_load %arg5[%get3A_1166, %get3A_1167, %get3A_1168] {strides = array<i32>} : memref<17x4x384xf32, #tpu.memory_space<vmem>>, vector<16xf32>,
          %max3A_1170 = arith.maximumf %max3A_1157, %get3A_1169 : vector<16xf32>
          %min3A_1171 = arith.minimumf %max3A_1157, %get3A_1169 : vector<16xf32>
          %max3A_1172 = arith.maximumf %max3A_1159, %min3A_1171 : vector<16xf32>
          %min3A_1173 = arith.minimumf %max3A_1159, %min3A_1171 : vector<16xf32>
          %max3A_1174 = arith.maximumf %max3A_1161, %min3A_1173 : vector<16xf32>
          %min3A_1175 = arith.minimumf %max3A_1161, %min3A_1173 : vector<16xf32>
          %max3A_1176 = arith.maximumf %max3A_1163, %min3A_1175 : vector<16xf32>
          %swap3A_1177 = arith.constant 12 : i32
          %swap3A_1178 = arith.index_cast %swap3A_1177 : i32 to index
          %swap3A_1179 = arith.index_cast %mul3A_311 : i32 to index
          %swap3A_1180 = tpu.vector_load %arg7[%swap3A_1178, %swap3A_1179] {strides = array<i32>} : memref<16x384xf32, #tpu.memory_space<vmem>>, vector<16xf32>,
          tpu.vector_store %arg7[%swap3A_1178, %swap3A_1179], %max3A_1170 {strides = array<i32>} : memref<16x384xf32, #tpu.memory_space<vmem>>, vector<16xf32>,
          %swap3A_1181 = arith.constant 13 : i32
          %swap3A_1182 = arith.index_cast %swap3A_1181 : i32 to index
          %swap3A_1183 = arith.index_cast %mul3A_311 : i32 to index
          %swap3A_1184 = tpu.vector_load %arg7[%swap3A_1182, %swap3A_1183] {strides = array<i32>} : memref<16x384xf32, #tpu.memory_space<vmem>>, vector<16xf32>,
          tpu.vector_store %arg7[%swap3A_1182, %swap3A_1183], %max3A_1172 {strides = array<i32>} : memref<16x384xf32, #tpu.memory_space<vmem>>, vector<16xf32>,
          %swap3A_1185 = arith.constant 14 : i32
          %swap3A_1186 = arith.index_cast %swap3A_1185 : i32 to index
          %swap3A_1187 = arith.index_cast %mul3A_311 : i32 to index
          %swap3A_1188 = tpu.vector_load %arg7[%swap3A_1186, %swap3A_1187] {strides = array<i32>} : memref<16x384xf32, #tpu.memory_space<vmem>>, vector<16xf32>,
          tpu.vector_store %arg7[%swap3A_1186, %swap3A_1187], %max3A_1174 {strides = array<i32>} : memref<16x384xf32, #tpu.memory_space<vmem>>, vector<16xf32>,
          %swap3A_1189 = arith.constant 15 : i32
          %swap3A_1190 = arith.index_cast %swap3A_1189 : i32 to index
          %swap3A_1191 = arith.index_cast %mul3A_311 : i32 to index
          %swap3A_1192 = tpu.vector_load %arg7[%swap3A_1190, %swap3A_1191] {strides = array<i32>} : memref<16x384xf32, #tpu.memory_space<vmem>>, vector<16xf32>,
          tpu.vector_store %arg7[%swap3A_1190, %swap3A_1191], %max3A_1176 {strides = array<i32>} : memref<16x384xf32, #tpu.memory_space<vmem>>, vector<16xf32>,
        }
        %scan3A_263 = arith.constant 24 : i32
        %add3A_264 = arith.constant 2 : i32
        %add3A_265 = arith.addi %add3A_174, %add3A_264 : i32
        %lt3A_266 = arith.cmpi slt, %add3A_265, %add3A_8 : i32
        %convert_element_type3A_267 = arith.extui %lt3A_266 : i1 to i32
        %cond3A_268 = arith.constant 0 : i32
        %cond3A_269 = arith.cmpi ne, %convert_element_type3A_267, %cond3A_268 : i32
        scf.if %cond3A_269 {
          %add3A_305 = arith.constant 2 : i32
          %add3A_306 = arith.addi %add3A_216, %add3A_305 : i32
          %jit3A_307 = arith.constant 52 : i32
          %div3A_308 = arith.divsi %add3A_306, %jit3A_307 : i32
          %sign3A_309 = arith.constant 0 : i32
          %sign3A_310 = arith.cmpi sgt, %add3A_306, %sign3A_309 : i32
          %sign3A_311 = arith.extui %sign3A_310 : i1 to i32
          %sign3A_312 = arith.constant 0 : i32
          %sign3A_313 = arith.cmpi slt, %add3A_306, %sign3A_312 : i32
          %sign3A_314 = arith.extui %sign3A_313 : i1 to i32
          %sign3A_315 = arith.subi %sign3A_311, %sign3A_314 : i32
          %sign3A_316 = arith.constant 0 : i32
          %sign3A_317 = arith.cmpi sgt, %jit3A_307, %sign3A_316 : i32
          %sign3A_318 = arith.extui %sign3A_317 : i1 to i32
          %sign3A_319 = arith.constant 0 : i32
          %sign3A_320 = arith.cmpi slt, %jit3A_307, %sign3A_319 : i32
          %sign3A_321 = arith.extui %sign3A_320 : i1 to i32
          %sign3A_322 = arith.subi %sign3A_318, %sign3A_321 : i32
          %ne3A_323 = arith.cmpi ne, %sign3A_315, %sign3A_322 : i32
          %rem3A_324 = arith.remsi %add3A_306, %jit3A_307 : i32
          %ne3A_325 = arith.constant 0 : i32
          %ne3A_326 = arith.cmpi ne, %rem3A_324, %ne3A_325 : i32
          %and3A_327 = arith.andi %ne3A_323, %ne3A_326 : i1
          %sub3A_328 = arith.constant 1 : i32
          %sub3A_329 = arith.subi %div3A_308, %sub3A_328 : i32
          %select_n3A_330 = arith.select %and3A_327, %sub3A_329, %div3A_308 : i32
          %mul3A_331 = arith.constant 52 : i32
          %mul3A_332 = arith.muli %select_n3A_330, %mul3A_331 : i32
          %sub3A_333 = arith.subi %add3A_306, %mul3A_332 : i32
          %add3A_334 = arith.constant 0 : i32
          %add3A_335 = arith.addi %add3A_334, %select_n3A_330 : i32
          %mul3A_336 = arith.constant 384 : i32
          %mul3A_337 = arith.muli %sub3A_333, %mul3A_336 : i32
          %dma_start3A_338 = arith.constant 0 : i32
          %dma_start3A_339 = arith.constant 0 : i32
          %dma_start3A_340 = tpu.memref_slice %arg2[%add3A_335, %dma_start3A_338, %dma_start3A_339, %mul3A_337] : memref<16x17x4x20000xf32, #tpu.memory_space<hbm>> -> memref<1x17x4x384xf32, #tpu.memory_space<hbm>>
          %dma_start3A_341 = tpu.memref_squeeze %dma_start3A_340 : memref<1x17x4x384xf32, #tpu.memory_space<hbm>> -> memref<17x4x384xf32, #tpu.memory_space<hbm>>
          %dma_start3A_342 = arith.constant 0 : i32
          %dma_start3A_343 = arith.constant 0 : i32
          %dma_start3A_344 = tpu.memref_slice %arg2[%add3A_335, %dma_start3A_342, %dma_start3A_343, %mul3A_337] : memref<16x17x4x20000xf32, #tpu.memory_space<hbm>> -> memref<1x17x4x384xf32, #tpu.memory_space<hbm>>
          %dma_start3A_345 = tpu.memref_squeeze %dma_start3A_344 : memref<1x17x4x384xf32, #tpu.memory_space<hbm>> -> memref<17x4x384xf32, #tpu.memory_space<hbm>>
          tpu.enqueue_dma source(%dma_start3A_345 : memref<17x4x384xf32, #tpu.memory_space<hbm>>) target(%arg5 : memref<17x4x384xf32, #tpu.memory_space<vmem>>) target_semaphore(%arg11 : memref<!tpu.dma_semaphore, #tpu.memory_space<semaphore_mem>>)
        } else {
        }
        %jit3A_270 = arith.constant 52 : i32
        %div3A_271 = arith.divsi %add3A_216, %jit3A_270 : i32
        %sign3A_272 = arith.constant 0 : i32
        %sign3A_273 = arith.cmpi sgt, %add3A_216, %sign3A_272 : i32
        %sign3A_274 = arith.extui %sign3A_273 : i1 to i32
        %sign3A_275 = arith.constant 0 : i32
        %sign3A_276 = arith.cmpi slt, %add3A_216, %sign3A_275 : i32
        %sign3A_277 = arith.extui %sign3A_276 : i1 to i32
        %sign3A_278 = arith.subi %sign3A_274, %sign3A_277 : i32
        %sign3A_279 = arith.constant 0 : i32
        %sign3A_280 = arith.cmpi sgt, %jit3A_270, %sign3A_279 : i32
        %sign3A_281 = arith.extui %sign3A_280 : i1 to i32
        %sign3A_282 = arith.constant 0 : i32
        %sign3A_283 = arith.cmpi slt, %jit3A_270, %sign3A_282 : i32
        %sign3A_284 = arith.extui %sign3A_283 : i1 to i32
        %sign3A_285 = arith.subi %sign3A_281, %sign3A_284 : i32
        %ne3A_286 = arith.cmpi ne, %sign3A_278, %sign3A_285 : i32
        %rem3A_287 = arith.remsi %add3A_216, %jit3A_270 : i32
        %ne3A_288 = arith.constant 0 : i32
        %ne3A_289 = arith.cmpi ne, %rem3A_287, %ne3A_288 : i32
        %and3A_290 = arith.andi %ne3A_286, %ne3A_289 : i1
        %sub3A_291 = arith.constant 1 : i32
        %sub3A_292 = arith.subi %div3A_271, %sub3A_291 : i32
        %select_n3A_293 = arith.select %and3A_290, %sub3A_292, %div3A_271 : i32
        %mul3A_294 = arith.constant 52 : i32
        %mul3A_295 = arith.muli %select_n3A_293, %mul3A_294 : i32
        %sub3A_296 = arith.subi %add3A_216, %mul3A_295 : i32
        %mul3A_297 = arith.constant 384 : i32
        %mul3A_298 = arith.muli %sub3A_296, %mul3A_297 : i32
        %dma_start3A_299 = arith.constant 0 : i32
        %dma_start3A_300 = tpu.memref_slice %arg3[%select_n3A_293, %dma_start3A_299, %mul3A_298] : memref<16x16x20000xf32, #tpu.memory_space<hbm>> -> memref<1x16x384xf32, #tpu.memory_space<hbm>>
        %dma_start3A_301 = tpu.memref_squeeze %dma_start3A_300 : memref<1x16x384xf32, #tpu.memory_space<hbm>> -> memref<16x384xf32, #tpu.memory_space<hbm>>
        %dma_start3A_302 = arith.constant 0 : i32
        %dma_start3A_303 = tpu.memref_slice %arg3[%select_n3A_293, %dma_start3A_302, %mul3A_298] : memref<16x16x20000xf32, #tpu.memory_space<hbm>> -> memref<1x16x384xf32, #tpu.memory_space<hbm>>
        %dma_start3A_304 = tpu.memref_squeeze %dma_start3A_303 : memref<1x16x384xf32, #tpu.memory_space<hbm>> -> memref<16x384xf32, #tpu.memory_space<hbm>>
        tpu.enqueue_dma source(%arg7 : memref<16x384xf32, #tpu.memory_space<vmem>>) target(%dma_start3A_304 : memref<16x384xf32, #tpu.memory_space<hbm>>) target_semaphore(%arg13 : memref<!tpu.dma_semaphore, #tpu.memory_space<semaphore_mem>>)
      } else {
      }
    }
    %jit3A_103 = arith.constant 52 : i32
    %div3A_104 = arith.divsi %add3A_4, %jit3A_103 : i32
    %sign3A_105 = arith.constant 0 : i32
    %sign3A_106 = arith.cmpi sgt, %add3A_4, %sign3A_105 : i32
    %sign3A_107 = arith.extui %sign3A_106 : i1 to i32
    %sign3A_108 = arith.constant 0 : i32
    %sign3A_109 = arith.cmpi slt, %add3A_4, %sign3A_108 : i32
    %sign3A_110 = arith.extui %sign3A_109 : i1 to i32
    %sign3A_111 = arith.subi %sign3A_107, %sign3A_110 : i32
    %sign3A_112 = arith.constant 0 : i32
    %sign3A_113 = arith.cmpi sgt, %jit3A_103, %sign3A_112 : i32
    %sign3A_114 = arith.extui %sign3A_113 : i1 to i32
    %sign3A_115 = arith.constant 0 : i32
    %sign3A_116 = arith.cmpi slt, %jit3A_103, %sign3A_115 : i32
    %sign3A_117 = arith.extui %sign3A_116 : i1 to i32
    %sign3A_118 = arith.subi %sign3A_114, %sign3A_117 : i32
    %ne3A_119 = arith.cmpi ne, %sign3A_111, %sign3A_118 : i32
    %rem3A_120 = arith.remsi %add3A_4, %jit3A_103 : i32
    %ne3A_121 = arith.constant 0 : i32
    %ne3A_122 = arith.cmpi ne, %rem3A_120, %ne3A_121 : i32
    %and3A_123 = arith.andi %ne3A_119, %ne3A_122 : i1
    %sub3A_124 = arith.constant 1 : i32
    %sub3A_125 = arith.subi %div3A_104, %sub3A_124 : i32
    %select_n3A_126 = arith.select %and3A_123, %sub3A_125, %div3A_104 : i32
    %mul3A_127 = arith.constant 52 : i32
    %mul3A_128 = arith.muli %select_n3A_126, %mul3A_127 : i32
    %sub3A_129 = arith.subi %add3A_4, %mul3A_128 : i32
    %mul3A_130 = arith.constant 384 : i32
    %mul3A_131 = arith.muli %sub3A_129, %mul3A_130 : i32
    %dma_wait3A = arith.constant 0 : i32
    %dma_wait3A_132 = tpu.memref_slice %arg3[%select_n3A_126, %dma_wait3A, %mul3A_131] : memref<16x16x20000xf32, #tpu.memory_space<hbm>> -> memref<1x16x384xf32, #tpu.memory_space<hbm>>
    %dma_wait3A_133 = tpu.memref_squeeze %dma_wait3A_132 : memref<1x16x384xf32, #tpu.memory_space<hbm>> -> memref<16x384xf32, #tpu.memory_space<hbm>>
    %dma_wait3A_134 = arith.constant 0 : i32
    %dma_wait3A_135 = tpu.memref_slice %arg3[%select_n3A_126, %dma_wait3A_134, %mul3A_131] : memref<16x16x20000xf32, #tpu.memory_space<hbm>> -> memref<1x16x384xf32, #tpu.memory_space<hbm>>
    %dma_wait3A_136 = tpu.memref_squeeze %dma_wait3A_135 : memref<1x16x384xf32, #tpu.memory_space<hbm>> -> memref<16x384xf32, #tpu.memory_space<hbm>>
    tpu.wait_dma2 semaphore(%arg12 : memref<!tpu.dma_semaphore, #tpu.memory_space<semaphore_mem>>) src(%arg6 : memref<16x384xf32, #tpu.memory_space<vmem>>) dst(%dma_wait3A_136 : memref<16x384xf32, #tpu.memory_space<hbm>>)
    %jit3A_137 = arith.constant 52 : i32
    %div3A_138 = arith.divsi %add3A_4, %jit3A_137 : i32
    %sign3A_139 = arith.constant 0 : i32
    %sign3A_140 = arith.cmpi sgt, %add3A_4, %sign3A_139 : i32
    %sign3A_141 = arith.extui %sign3A_140 : i1 to i32
    %sign3A_142 = arith.constant 0 : i32
    %sign3A_143 = arith.cmpi slt, %add3A_4, %sign3A_142 : i32
    %sign3A_144 = arith.extui %sign3A_143 : i1 to i32
    %sign3A_145 = arith.subi %sign3A_141, %sign3A_144 : i32
    %sign3A_146 = arith.constant 0 : i32
    %sign3A_147 = arith.cmpi sgt, %jit3A_137, %sign3A_146 : i32
    %sign3A_148 = arith.extui %sign3A_147 : i1 to i32
    %sign3A_149 = arith.constant 0 : i32
    %sign3A_150 = arith.cmpi slt, %jit3A_137, %sign3A_149 : i32
    %sign3A_151 = arith.extui %sign3A_150 : i1 to i32
    %sign3A_152 = arith.subi %sign3A_148, %sign3A_151 : i32
    %ne3A_153 = arith.cmpi ne, %sign3A_145, %sign3A_152 : i32
    %rem3A_154 = arith.remsi %add3A_4, %jit3A_137 : i32
    %ne3A_155 = arith.constant 0 : i32
    %ne3A_156 = arith.cmpi ne, %rem3A_154, %ne3A_155 : i32
    %and3A_157 = arith.andi %ne3A_153, %ne3A_156 : i1
    %sub3A_158 = arith.constant 1 : i32
    %sub3A_159 = arith.subi %div3A_138, %sub3A_158 : i32
    %select_n3A_160 = arith.select %and3A_157, %sub3A_159, %div3A_138 : i32
    %mul3A_161 = arith.constant 52 : i32
    %mul3A_162 = arith.muli %select_n3A_160, %mul3A_161 : i32
    %sub3A_163 = arith.subi %add3A_4, %mul3A_162 : i32
    %mul3A_164 = arith.constant 384 : i32
    %mul3A_165 = arith.muli %sub3A_163, %mul3A_164 : i32
    %dma_wait3A_166 = arith.constant 0 : i32
    %dma_wait3A_167 = tpu.memref_slice %arg3[%select_n3A_160, %dma_wait3A_166, %mul3A_165] : memref<16x16x20000xf32, #tpu.memory_space<hbm>> -> memref<1x16x384xf32, #tpu.memory_space<hbm>>
    %dma_wait3A_168 = tpu.memref_squeeze %dma_wait3A_167 : memref<1x16x384xf32, #tpu.memory_space<hbm>> -> memref<16x384xf32, #tpu.memory_space<hbm>>
    %dma_wait3A_169 = arith.constant 0 : i32
    %dma_wait3A_170 = tpu.memref_slice %arg3[%select_n3A_160, %dma_wait3A_169, %mul3A_165] : memref<16x16x20000xf32, #tpu.memory_space<hbm>> -> memref<1x16x384xf32, #tpu.memory_space<hbm>>
    %dma_wait3A_171 = tpu.memref_squeeze %dma_wait3A_170 : memref<1x16x384xf32, #tpu.memory_space<hbm>> -> memref<16x384xf32, #tpu.memory_space<hbm>>
    tpu.wait_dma2 semaphore(%arg13 : memref<!tpu.dma_semaphore, #tpu.memory_space<semaphore_mem>>) src(%arg7 : memref<16x384xf32, #tpu.memory_space<vmem>>) dst(%dma_wait3A_171 : memref<16x384xf32, #tpu.memory_space<hbm>>)
    return
  }
}

module attributes {stable_mosaic.version = 14 : i64} {
  func.func @_tc_body(%arg0: i32, %arg1: memref<1x16x20000xf32, #tpu.memory_space<vmem>>, %arg2: memref<64x16xf32, #tpu.memory_space<vmem>>, %arg3: memref<64x1xf32, #tpu.memory_space<vmem>>, %arg4: memref<64x1xf32, #tpu.memory_space<vmem>>, %arg5: memref<1x1xf32, #tpu.memory_space<vmem>>, %arg6: memref<1x1x20000xf32, #tpu.memory_space<vmem>>) attributes {dimension_semantics = [#tpu.dimension_semantics<arbitrary>], iteration_bounds = array<i64: 16>, scalar_prefetch = 0 : i64, scratch_operands = 0 : i64, tpu.core_type = #tpu.core_type<tc>, window_params = [{transform_indices = @transform_0, window_bounds = array<i64: 1, 16, 20000>}, {pipeline_mode = #tpu.pipeline_mode<synchronous>, transform_indices = @transform_1, window_bounds = array<i64: 64, 16>}, {pipeline_mode = #tpu.pipeline_mode<synchronous>, transform_indices = @transform_2, window_bounds = array<i64: 64, 1>}, {pipeline_mode = #tpu.pipeline_mode<synchronous>, transform_indices = @transform_3, window_bounds = array<i64: 64, 1>}, {pipeline_mode = #tpu.pipeline_mode<synchronous>, transform_indices = @transform_4, window_bounds = array<i64: 1, 1>}, {transform_indices = @transform_5, window_bounds = array<i64: 1, 1, 20000>}]} {
    %get3A = arith.constant 0 : index
    %get3A_0 = arith.constant 0 : index
    %get3A_1 = arith.constant 0 : index
    %get3A_2 = vector.load %arg1[%get3A, %get3A_0, %get3A_1] : memref<1x16x20000xf32, #tpu.memory_space<vmem>>, vector<1x16x20000xf32>
    %get3A_3 = vector.shape_cast %get3A_2 : vector<1x16x20000xf32> to vector<16x20000xf32>
    %get3A_4 = arith.constant 0 : index
    %get3A_5 = arith.constant 0 : index
    %get3A_6 = vector.load %arg2[%get3A_4, %get3A_5] : memref<64x16xf32, #tpu.memory_space<vmem>>, vector<64x16xf32>
    %dot_general3A = arith.constant dense<0.000000e+00> : vector<64x20000xf32>
    %dot_general3A_7 = tpu.matmul %get3A_6, %get3A_3, %dot_general3A {dimension_numbers = #tpu.dot_dimension_numbers<[1], [0], [0], [1], [0, 0, 1, 1], [], []>, transpose_lhs_hint = false} : vector<64x16xf32>, vector<16x20000xf32>, vector<64x20000xf32> -> vector<64x20000xf32>
    %get3A_8 = arith.constant 0 : index
    %get3A_9 = arith.constant 0 : index
    %get3A_10 = vector.load %arg3[%get3A_8, %get3A_9] : memref<64x1xf32, #tpu.memory_space<vmem>>, vector<64x1xf32>
    %add3A = vector.broadcast %get3A_10 : vector<64x1xf32> to vector<64x20000xf32>
    %add3A_11 = arith.addf %dot_general3A_7, %add3A : vector<64x20000xf32>
    %max3A = arith.constant 0.000000e+00 : f32
    %max3A_12 = vector.broadcast %max3A : f32 to vector<64x20000xf32>
    %max3A_13 = arith.maximumf %add3A_11, %max3A_12 : vector<64x20000xf32>
    %get3A_14 = arith.constant 0 : index
    %get3A_15 = arith.constant 0 : index
    %get3A_16 = vector.load %arg4[%get3A_14, %get3A_15] : memref<64x1xf32, #tpu.memory_space<vmem>>, vector<64x1xf32>
    %dot_general3A_17 = arith.constant dense<0.000000e+00> : vector<1x20000xf32>
    %dot_general3A_18 = tpu.matmul %get3A_16, %max3A_13, %dot_general3A_17 {dimension_numbers = #tpu.dot_dimension_numbers<[0], [0], [1], [1], [0, 1, 1, 1], [], []>, transpose_lhs_hint = false} : vector<64x1xf32>, vector<64x20000xf32>, vector<1x20000xf32> -> vector<1x20000xf32>
    %get3A_19 = arith.constant 0 : index
    %get3A_20 = arith.constant 0 : index
    %get3A_21 = vector.load %arg5[%get3A_19, %get3A_20] : memref<1x1xf32, #tpu.memory_space<vmem>>, vector<1x1xf32>
    %add3A_22 = vector.broadcast %get3A_21 : vector<1x1xf32> to vector<1x20000xf32>
    %add3A_23 = arith.addf %dot_general3A_18, %add3A_22 : vector<1x20000xf32>
    %logistic3A = arith.negf %add3A_23 : vector<1x20000xf32>
    %logistic3A_24 = math.exp %logistic3A : vector<1x20000xf32>
    %logistic3A_25 = arith.constant 1.000000e+00 : f32
    %logistic3A_26 = vector.broadcast %logistic3A_25 : f32 to vector<1x20000xf32>
    %logistic3A_27 = arith.addf %logistic3A_26, %logistic3A_24 : vector<1x20000xf32>
    %logistic3A_28 = arith.divf %logistic3A_26, %logistic3A_27 : vector<1x20000xf32>
    %broadcast_in_dim3A = vector.shape_cast %logistic3A_28 : vector<1x20000xf32> to vector<1x1x20000xf32>
    %swap3A = arith.constant 0 : index
    %swap3A_29 = arith.constant 0 : index
    %swap3A_30 = arith.constant 0 : index
    %swap3A_31 = vector.load %arg6[%swap3A, %swap3A_29, %swap3A_30] : memref<1x1x20000xf32, #tpu.memory_space<vmem>>, vector<1x1x20000xf32>
    tpu.vector_store %arg6[%swap3A, %swap3A_29, %swap3A_30], %broadcast_in_dim3A {strides = array<i32>} : memref<1x1x20000xf32, #tpu.memory_space<vmem>>, vector<1x1x20000xf32>,
    return
  }
  func.func @transform_0(%arg0: i32) -> (i32, i32, i32) {
    %c0_i32 = arith.constant 0 : i32
    %c0_i32_0 = arith.constant 0 : i32
    %c0_i32_1 = arith.constant 0 : i32
    return %arg0, %c0_i32, %c0_i32_0 : i32, i32, i32
  }
  func.func @transform_1(%arg0: i32) -> (i32, i32) {
    %c0_i32 = arith.constant 0 : i32
    %c0_i32_0 = arith.constant 0 : i32
    %c0_i32_1 = arith.constant 0 : i32
    return %c0_i32, %c0_i32_0 : i32, i32
  }
  func.func @transform_2(%arg0: i32) -> (i32, i32) {
    %c0_i32 = arith.constant 0 : i32
    %c0_i32_0 = arith.constant 0 : i32
    %c0_i32_1 = arith.constant 0 : i32
    return %c0_i32, %c0_i32_0 : i32, i32
  }
  func.func @transform_3(%arg0: i32) -> (i32, i32) {
    %c0_i32 = arith.constant 0 : i32
    %c0_i32_0 = arith.constant 0 : i32
    %c0_i32_1 = arith.constant 0 : i32
    return %c0_i32, %c0_i32_0 : i32, i32
  }
  func.func @transform_4(%arg0: i32) -> (i32, i32) {
    %c0_i32 = arith.constant 0 : i32
    %c0_i32_0 = arith.constant 0 : i32
    %c0_i32_1 = arith.constant 0 : i32
    return %c0_i32, %c0_i32_0 : i32, i32
  }
  func.func @transform_5(%arg0: i32) -> (i32, i32, i32) {
    %c0_i32 = arith.constant 0 : i32
    %c0_i32_0 = arith.constant 0 : i32
    %c0_i32_1 = arith.constant 0 : i32
    return %arg0, %c0_i32, %c0_i32_0 : i32, i32, i32
  }
}

</mosaic_0001>

<sc_bundles>
// kernel: kernel.4.cloned.1.call-start
scs
__scs_entry_jumppad:
0x0: {  	(pc) =	sbr.rel $0x88, $3  }
0x1: {  	(tag) =	ssettag $0x0;
	lr =	simm.s32 $0x1  }
0x2: {  	[smem:$0x3F9C] =	sst lr;
	_ =	strace $0xD0000000  }
0x3: {  	_ = 	snop  }
0x4: {  	_ = 	snop  }
0x5: {  	_ = 	snop  }
0x6: {  	_ = 	snop  }
0x7: {  	_ = 	snop  }
__scs_overlays_trampoline_lowered:
0x8: {  	[smem:$0x3FAB] =	sst s0  }
0x9: {  	[smem:$0x3FAC] =	sst s1  }
0xa: {  	[smem:$0x3FAD] =	sst s2  }
0xb: {  	[smem:$0x3FAE] =	sst s3  }
0xc: {  	[smem:$0x3FAF] =	sst s4  }
0xd: {  	[smem:$0x3FB0] =	sst s5  }
0xe: {  	[smem:$0x3FB1] =	sst s6  }
0xf: {  	[smem:$0x3FB2] =	sst s7  }
0x10: {  	[smem:$0x3FB3] =	sst s8  }
0x11: {  	[smem:$0x3FB4] =	sst s9;
	s0 =	simm.s32 @!p0 $0x0  }
0x12: {  	s1 =	sld [smem:$0x3F9A];
	s0 =	simm.s32 @p0 $0x1  }
0x13: {  	[smem:$0x3FB5] =	sst s0;
	s0 =	simm.s32 @!p1 $0x0  }
0x14: {  	s2 =	sld [smem:$0x3F99];
	s0 =	simm.s32 @p1 $0x1  }
0x15: {  	[smem:$0x3FB6] =	sst s0;
	s0 =	simm.s32 @!p2 $0x0  }
0x16: {  	s3 =	sld [smem:$0x3FDB];
	s0 =	simm.s32 @p2 $0x1  }
0x17: {  	s4 =	simm.s32 $0x1BF5;
	[smem:$0x3FB8] =	sst s0  }
0x18: {  	s0 =	sld [smem:$0x3F9B];
	_ =	swait.ge [sflag:s4], $0x0  }
0x19: {  	s7 =	sld [smem:$0x3F9C]  }
0x1a: {  	s8 =	sadd.s32 $0xFFFFE003, lr  }
0x1b: {  	s9 =	sadd.s32 $0xFFFFFEF7, lr;
	s5 =	simm.s32 $0xFFFFFFFF;
	p2 =	slt.u32 s8, $0xFFFFF086  }
0x1c: {  	p1 =	slt.u32 s9, $0xF7A;
	s5 =	simm.s32 @!p2 $0x0  }
0x1d: {  	s5 =	simm.s32 @p1 $0x1;
	p0 =	seq.s32 s7, s2  }
0x1e: {  	s7 =	smul.u32 @!p0 $0xF7A, s2;
	p2 =	seq.s32 @!p0 s5, $0x0  }
0x1f: {  	s9 =	smul.u32 $0xF7A, s1;
	s8 =	simm.s32 @!p0 $0x1BF5;
	p2 =	por !p2, p0  }
0x20: {  	[sflag:s8] =	ssyncset.s32 @!p0 $0xFFFFF086;
	s6 =	sadd.s32 @!p0 s3, s7;
	s7 =	simm.s32 @!p0 $0x108  }
0x21: {  	s3 =	sadd.s32 s3, s9;
	s6 =	sadd.s32 @!p0 $0x88, s6;
	s7 =	simm.s32 @p2 $0x1082  }
0x22: {  	[simem:s7], [sflag:s8] =	dma.local @!p0 [hbm:s6], $0xF7A  }
0x23: {  	s9 =	sor.u32 $0xD0000000, s2;
	s6 =	simm.s32 $0x108;
	_ =	swait.ge @!p0 [sflag:s8], $0x0  }
0x24: {  	s3 =	sadd.s32 $0x88, s3;
	s6 =	simm.s32 @!p1 $0x1082;
	[sflag:s4] =	ssyncset.s32 $0xFFFFF086  }
0x25: {  	[simem:s6], [sflag:s4] =	dma.local [hbm:s3], $0xF7A  }
0x26: {  	[smem:$0x3F9C] =	sst s1;
	(tag) =	ssettag s2;
	_ =	strace s9  }
0x27: {  	s1 =	sld [smem:$0x3FAC]  }
0x28: {  	s2 =	sld [smem:$0x3FAD]  }
0x29: {  	s4 =	sld [smem:$0x3FAF]  }
0x2a: {  	p0 =	seq.s32 s5, $0x0;
	s5 =	sld [smem:$0x3FB0]  }
0x2b: {  	s6 =	sld [smem:$0x3FB1]  }
0x2c: {  	s7 =	sld [smem:$0x3FB2]  }
0x2d: {  	s3 =	simm.s32 $0x108;
	s8 =	sld [smem:$0x3FB3]  }
0x2e: {  	s3 =	simm.s32 @!p0 $0x1082;
	s9 =	sld [smem:$0x3FB4]  }
0x2f: {  	lr =	sadd.s32 s0, s3;
	s0 =	sld [smem:$0x3FAB]  }
0x30: {  	s3 =	sld [smem:$0x3FAE]  }
0x31: {  	[smem:$0x3FB7] =	sst s10  }
0x32: {  	s10 =	sld [smem:$0x3FB5];
	_ =	sdelay $0x3  }
0x33: {  	p0 =	seq.s32 s10, $0x1;
	s10 =	sld [smem:$0x3FB7];
	_ =	sdelay $0x3  }
0x34: {  	[smem:$0x3FB7] =	sst s10  }
0x35: {  	s10 =	sld [smem:$0x3FB6];
	_ =	sdelay $0x3  }
0x36: {  	p1 =	seq.s32 s10, $0x1;
	s10 =	sld [smem:$0x3FB7];
	_ =	sdelay $0x3  }
0x37: {  	[smem:$0x3FB7] =	sst s10  }
0x38: {  	s10 =	sld [smem:$0x3FB8]  }
0x39: {  	_ = 	snop;
	(pc) =	sbr.ind lr, $3  }
0x3a: {  	_ = 	snop  }
0x3b: {  	_ = 	snop  }
0x3c: {  	p2 =	seq.s32 s10, $0x1;
	s10 =	sld [smem:$0x3FB7]  }
0x3d: {  	_ =	shalt  }
0x3e: {  	_ =	shalt  }
0x3f: {  	_ =	shalt  }
0x40: {  	_ =	shalt  }
0x41: {  	_ =	shalt  }
0x42: {  	_ =	shalt  }
0x43: {  	_ =	shalt  }
0x44: {  	_ =	shalt  }
0x45: {  	_ =	shalt  }
0x46: {  	_ =	shalt  }
0x47: {  	_ =	shalt  }
0x48: {  	_ =	shalt  }
0x49: {  	_ =	shalt  }
0x4a: {  	_ =	shalt  }
0x4b: {  	_ =	shalt  }
0x4c: {  	_ =	shalt  }
0x4d: {  	_ =	shalt  }
0x4e: {  	_ =	shalt  }
0x4f: {  	_ =	shalt  }
0x50: {  	_ =	shalt  }
0x51: {  	_ =	shalt  }
0x52: {  	_ =	shalt  }
0x53: {  	_ =	shalt  }
0x54: {  	_ =	shalt  }
0x55: {  	_ =	shalt  }
0x56: {  	_ =	shalt  }
0x57: {  	_ =	shalt  }
0x58: {  	_ =	shalt  }
0x59: {  	_ =	shalt  }
0x5a: {  	_ =	shalt  }
0x5b: {  	_ =	shalt  }
0x5c: {  	_ =	shalt  }
0x5d: {  	_ =	shalt  }
0x5e: {  	_ =	shalt  }
0x5f: {  	_ =	shalt  }
0x60: {  	_ =	shalt  }
0x61: {  	_ =	shalt  }
0x62: {  	_ =	shalt  }
0x63: {  	_ =	shalt  }
0x64: {  	_ =	shalt  }
0x65: {  	_ =	shalt  }
0x66: {  	_ =	shalt  }
0x67: {  	_ =	shalt  }
0x68: {  	_ =	shalt  }
0x69: {  	_ =	shalt  }
0x6a: {  	_ =	shalt  }
0x6b: {  	_ =	shalt  }
0x6c: {  	_ =	shalt  }
0x6d: {  	_ =	shalt  }
0x6e: {  	_ =	shalt  }
0x6f: {  	_ =	shalt  }
0x70: {  	_ =	shalt  }
0x71: {  	_ =	shalt  }
0x72: {  	_ =	shalt  }
0x73: {  	_ =	shalt  }
0x74: {  	_ =	shalt  }
0x75: {  	_ =	shalt  }
0x76: {  	_ =	shalt  }
0x77: {  	_ =	shalt  }
0x78: {  	_ =	shalt  }
0x79: {  	_ =	shalt  }
0x7a: {  	_ =	shalt  }
0x7b: {  	_ =	shalt  }
0x7c: {  	_ =	shalt  }
0x7d: {  	_ =	shalt  }
0x7e: {  	_ =	shalt  }
0x7f: {  	_ =	shalt  }
0x80: {  	_ =	shalt  }
0x81: {  	_ =	shalt  }
0x82: {  	_ =	shalt  }
0x83: {  	_ =	shalt  }
0x84: {  	_ =	shalt  }
0x85: {  	_ =	shalt  }
0x86: {  	_ =	shalt  }
0x87: {  	_ =	shalt  }
.Lfunc_end0:
.L_simem_size_0:
called_computation_lowered:
.L_overlay_start_0:
0x88: {  	s2 =	sld [smem:$0x3FD9]  }
0x89: {  	s3 =	sld [smem:$0x3FFE];
	_ =	sdelay $0x1  }
0x8a: {  	s1 =	srdreg.scid  }
0x8b: {  	s0 =	sand.u32 $0x1, s1  }
0x8c: {  	s17 =	sshll.u32 s0, $0xA;
	s2 =	sadd.s32 s3, s2  }
0x8d: {  	s2 =	sadd.s32 s2, s17  }
0x8e: {  	[smem:$0x3FC3] =	sst s2  }
0x8f: {  	_ = 	snop  }
0x90: {  	s2 =	sld [smem:$0x3FC9];
	(tm) =	ssettm $0x1  }
0x91: {  	s18 =	sld [smem:$0x3FFB];
	_ =	sdelay $0x3  }
0x92: {  	_ =	strace s18  }
0x93: {  	s3 =	sld [smem:$0x3FFC];
	_ =	sdelay $0x3  }
0x94: {  	_ =	strace s3  }
0x95: {  	s3 =	sld [smem:$0x3FFD];
	_ =	sdelay $0x3  }
0x96: {  	_ =	strace s3  }
0x97: {  	_ =	strace $0x8FFFFFFF  }
0x98: {  	s19 =	sld [smem:$0x3FDB];
	_ =	sdelay $0x1  }
0x99: {  	s4 =	simm.s32 $_scs_section_size  }
0x9a: {  	s5 =	simm.s32 $_size__tile_overlayer_lowered;
	s6 =	simm.s32 $_tile_overlayer_lowered  }
0x9b: {  	s22 =	simm.s32 $0x1BFF;
	s21 =	sshll.u32 s6, $0x1;
	s3 =	sadd.s32 s4, s19  }
0x9c: {  	s7 =	simm.s32 $0x0;
	s20 =	sshll.u32 s5, $0x1;
	s5 =	sadd.s32 s21, s3  }
0x9d: {  	[timem:s7], [sflag:s22] =	dma.local [hbm:s5], s20  }
0x9e: {  	_ =	swait.ge [sflag:s22], s20  }
0x9f: {  	s4 =	ssub.s32 $0x0, s20;
	[sflag:s22] =	ssyncset.done $0x0  }
0xa0: {  	[sflag:s22] =	ssyncadd.s32 s4;
	_ =	sdelay $0x1  }
0xa1: {  	s23 =	simm.s32 $0x1B8B  }
0xa2: {  	_ =	swait.ge [sflag:s23], $0x1  }
0xa3: {  	[sflag:s23] =	ssyncset.done $0x0  }
0xa4: {  	s25 =	simm.s32 $0x1B8E;
	s24 =	sld [smem:$0x3FFE];
	[sflag:s23] =	ssyncadd.s32 $0xFFFFFFFF  }
0xa5: {  	s26 =	simm.s32 $execute0_lowered;
	[smem:$0x3FD2] =	sst s25  }
0xa6: {  	s5 =	sshll.u32 s26, $0x1;
	_ =	strace $0x80000046;
	[dreg:$0x1] =	wrdreg $0xFFFFFFFF  }
0xa7: {  	s28 =	simm.s32 $_size_execute0_lowered;
	s3 =	sadd.s32 s3, s5;
	[dreg:$0x0] =	wrdreg $0x0  }
0xa8: {  	s5 =	sshll.u32 s28, $0x1;
	[dreg:$0x2] =	wrdreg s3  }
0xa9: {  	[dreg:$0x3] =	wrdreg s5  }
0xaa: {  	[dreg:$0x4] =	wrdreg $0xC0  }
0xab: {  	_ =	task [dreg:s7], $0x5FFFF  }
0xac: {  	[dreg:$0x1] =	wrdreg $0xFFFFFFFF  }
0xad: {  	[dreg:$0x0] =	wrdreg $0x60  }
0xae: {  	[dreg:$0x2] =	wrdreg s2  }
0xaf: {  	[dreg:$0x3] =	wrdreg s24  }
0xb0: {  	[dreg:$0x4] =	wrdreg $0x9  }
0xb1: {  	_ =	task.clear_ibuf [dreg:s7], $0x5FFFF;
	_ =	strace $0x90000046  }
0xb2: {  	s29 =	simm.s32 $0x9;
	_ =	strace $0x80000048  }
0xb3: {  	_ =	swait.ge [sflag:s29], $0x1  }
0xb4: {  	[sflag:s29] =	ssyncadd.s32 $0xFFFFFFFF  }
0xb5: {  	_ =	strace $0x90000048  }
0xb6: {  	_ =	sfence  }
0xb7: {  	s30 =	sld [smem:$0x0];
	_ =	sdelay $0x2  }
0xb8: {  	s31 =	sshll.u32 s1, $0xD;
	s1 =	sshrl.u32 s1, $0x2  }
0xb9: {  	s3 =	sand.u32 $0x4000, s31;
	s1 =	sadd.s32 s1, s30  }
0xba: {  	s0 =	sor.u32 s3, s0;
	s1 =	sshll.u32 s1, $0x11  }
0xbb: {  	s0 =	sor.u32 s1, s0  }
0xbc: {  	s0 =	sadd.s32 $0x8F2B, s0  }
0xbd: {  	[sflag:s0] =	ssyncadd.remote.s32 $0x1  }
0xbe: {  	_ =	sfence.sel $0xFFFF  }
0xbf: {  	[dreg:$0x0] =	wrdreg $0xFFFFFFFF;
	(pc) =	sbr.abs _section_cstart, $3  }
0xc0: {  	[dreg:$0x1] =	wrdreg $0xFFFFFFFF  }
0xc1: {  	_ =	task.clear_ibuf [dreg:s7], $0x2FFFF;
	_ =	strace $0x9FFFFFFF  }
0xc2: {  	(tm) =	ssettm $0x7FFFFFFF  }
0xc3: {  	_ =	shalt  }
tec
execute0_lowered:
.L_overlay_start_1:
0x0: {  	(tag) =	ssettag $0x1  }
0x1: {  	s0 =	srdreg.scid;
	s2 =	rddreg [dreg:$0x0]  }
0x2: {  	s4 =	stileid.u32;
	s5 =	rddreg [dreg:$0x1];
	s8 =	simm.s32 $0x0  }
0x3: {  	s11 =	simm.s32 $0x600;
	s12 =	simm.s32 $0x13A00;
	s16 =	simm.s32 $0x5  }
0x4: {  	s18 =	simm.s32 $0x27400;
	s20 =	simm.s32 $0x2;
	s21 =	simm.s32 $0xC00  }
0x5: {  	s22 =	simm.s32 $0xE400;
	s23 =	simm.s32 $0x3;
	s24 =	simm.s32 $0x4  }
0x6: {  	s0 =	sand.u32 $0x1, s0;
	s1 =	sshll.u32 s4, $0x1;
	s6 =	smul.u32 $0xFFFFFFCC, s4  }
0x7: {  	s25 =	simm.s32 $0x1;
	s7 =	smul.u32 $0x14DA00, s4;
	s1 =	sor.u32 s0, s1  }
0x8: {  	s26 =	simm.s32 $0xCC00;
	s28 =	simm.s32 $0x0;
	s3 =	smul.u32 $0x1A, s1  }
0x9: {  	[smem:$0x7FF] =	sst s8;
	s5 =	sadd.s32 $0xC00, s5;
	s31 =	smul.u32 $0x14DA00, s1  }
0xa: {  	p0 =	sgt.u32 s4, $0x7;
	s1 =	smul.u32 $0x4E800, s1;
	s6 =	sadd.s32 s6, s3  }
0xb: {  	s0 =	ssub.s32 $0x2, s0;
	s29 =	smul.u32 $0x600, s6;
	s6 =	sor.u32 $0x1, s6  }
0xc: {  	_ =	strace $0x80000047;
	s10 =	sshrl.u32 s0, $0x1;
	s9 =	smul.u32 $0x600, s6  }
.Ltmp0:
0xd: {  	s0 =	ssub.s32 s0, s10;
	s8 =	sshrl.u32 s31, $0x3;
	(pc) =	sbr.rel .LBB2_1-.Ltmp0, $4  }
0xe: {  	s1 =	sshrl.u32 s1, $0x3;
	s10 =	smax.u32 s0, $0x1;
	s8 =	sadd.s32 s2, s8  }
0xf: {  	s1 =	sadd.s32 s5, s1;
	s30 =	sadd.s32 s7, s29;
	s7 =	sadd.s32 s7, s9  }
0x10: {  	s8 =	sadd.s32 $0x2700, s8;
	s6 =	sshrl.u32 s30, $0x3;
	s7 =	sshrl.u32 s7, $0x3  }
0x11: {  	s9 =	sadd.s32 $0x4E00, s1;
	s6 =	sadd.s32 s2, s6;
	s7 =	sadd.s32 s2, s7  }
.LBB2_14:
0x12: {  	s28 =	sadd.s32 $0x1, s28  }
0x13: {  	_ =	swait.ge [sflag:s23], $0x1800;
	p1 =	sne.s32 s28, s10  }
.Ltmp1:
0x14: {  	[sflag:s23] =	ssyncset.done $0x0;
	(pc) =	sbr.rel @!p1 .LBB2_15-.Ltmp1, $4  }
0x15: {  	[sflag:s23] =	ssyncadd.s32 $0xFFFFE800  }
0x16: {  	_ =	swait.ge [sflag:s24], $0x1800  }
0x17: {  	[sflag:s24] =	ssyncset.done $0x0  }
0x18: {  	[sflag:s24] =	ssyncadd.s32 $0xFFFFE800  }
.LBB2_1:
.Ltmp2:
0x19: {  	(pc) =	sbr.rel @p0 .LBB2_5-.Ltmp2, $4  }
0x1a: {  	s0 =	simm.s32 $0x0  }
0x1b: {  	[tilespmem:s0], [sflag:$0x1] =	stream.strided.gather [hbm4b:s6+s11], $0x6600, s12, s11, $0x38;
	[tilespmem:$0x12600] =	vst v63  }
0x1c: {  	s31 =	simm.s32 $0x6600  }
0x1d: {  	[tilespmem:s31], [sflag:$0x2] =	stream.strided.gather [hbm4b:s7+s11], $0x6600, s12, s11, $0x38;
	[tilespmem:$0x12600] =	vst v63  }
0x1e: {  	s0 =	simm.s32 $0x200;
	s1 =	simm.s32 $0xFC00  }
0x1f: {  	[tilespmem:s1], [sflag:$0x5] =	stream.strided.gather [hbm4b:s8+s0], $0x2200, s12, s0, $0x38;
	[tilespmem:$0x12600] =	vst v63  }
0x20: {  	_ =	swait.ge [sflag:s16], $0x2200  }
0x21: {  	[sflag:s16] =	ssyncset.done $0x0  }
0x22: {  	p1 =	por $0x1, $0x1;
	s0 =	simm.s32 $0x0;
	[sflag:s16] =	ssyncadd.s32 $0xFFFFDE00  }
.LBB2_3:
0x23: {  	v0 =	vld [tilespmem:s0+$0xFC00]  }
0x24: {  	v1 =	vld [tilespmem:s0+$0xFE00]  }
0x25: {  	v2 =	vld [tilespmem:s0+$0x10000];
	_ =	sdelay $0x1  }
0x26: {  	v3 =	vld [tilespmem:s0+$0x10200]  }
0x27: {  	v4 =	vld [tilespmem:s0+$0x10400]  }
0x28: {  	v46 =	vld [tilespmem:s0+$0x10600];
	v5 =	vmax.f32 v0, v1  }
0x29: {  	v42 =	vld [tilespmem:s0+$0xFC80];
	v0 =	vmin.f32 v0, v1;
	v45 =	vmax.f32 v5, v2;
	v2 =	vmin.f32 v5, v2  }
0x2a: {  	v43 =	vld [tilespmem:s0+$0xFE80];
	v6 =	vmax.f32 v0, v2  }
0x2b: {  	v8 =	vld [tilespmem:s0+$0x10800];
	v7 =	vmin.f32 v45, v3;
	v0 =	vmin.f32 v0, v2;
	v1 =	vmax.f32 v45, v3  }
0x2c: {  	v44 =	vld [tilespmem:s0+$0x10080];
	v47 =	vmin.f32 v6, v7;
	v48 =	vmax.f32 v6, v7;
	v50 =	vmin.f32 v1, v4  }
0x2d: {  	v1 =	vmax.f32 v1, v4;
	v49 =	vmax.f32 v0, v47;
	v0 =	vmin.f32 v0, v47  }
0x2e: {  	v9 =	vld [tilespmem:s0+$0x10A00];
	v51 =	vmin.f32 v48, v50;
	v3 =	vmax.f32 v48, v50;
	v53 =	vmin.f32 v1, v46  }
0x2f: {  	v1 =	vmax.f32 v1, v46;
	v47 =	vmax.f32 v42, v43;
	v52 =	vmin.f32 v49, v51  }
0x30: {  	v2 =	vmax.f32 v49, v51;
	v54 =	vmin.f32 v3, v53;
	v3 =	vmax.f32 v3, v53  }
0x31: {  	v56 =	vld [tilespmem:s0+$0x10C00];
	v57 =	vmin.f32 v1, v8;
	v1 =	vmax.f32 v1, v8;
	v48 =	vmax.f32 v47, v44  }
0x32: {  	v0 =	vmax.f32 v0, v52;
	v55 =	vmin.f32 v2, v54;
	v2 =	vmax.f32 v2, v54  }
0x33: {  	v60 =	vld [tilespmem:s0+$0x10E00];
	v58 =	vmax.f32 v3, v57;
	v3 =	vmin.f32 v3, v57;
	v59 =	vmin.f32 v1, v9  }
0x34: {  	v1 =	vmax.f32 v1, v9;
	v0 =	vmax.f32 v0, v55;
	v4 =	vmax.f32 v2, v3  }
0x35: {  	v12 =	vld [tilespmem:s0+$0x11000];
	v2 =	vmin.f32 v2, v3;
	v61 =	vmin.f32 v58, v59;
	v3 =	vmax.f32 v58, v59  }
0x36: {  	v63 =	vmin.f32 v1, v56;
	v1 =	vmax.f32 v1, v56;
	v0 =	vmax.f32 v0, v2  }
0x37: {  	v62 =	vmin.f32 v4, v61;
	v2 =	vmax.f32 v4, v61;
	v13 =	vmin.f32 v3, v63  }
0x38: {  	v15 =	vld [tilespmem:s0+$0x11200];
	v3 =	vmax.f32 v3, v63;
	v16 =	vmin.f32 v1, v60;
	v1 =	vmax.f32 v1, v60  }
0x39: {  	v0 =	vmax.f32 v0, v62;
	v14 =	vmin.f32 v2, v13;
	v2 =	vmax.f32 v2, v13  }
0x3a: {  	v19 =	vld [tilespmem:s0+$0x11400];
	v17 =	vmax.f32 v3, v16;
	v3 =	vmin.f32 v3, v16;
	v18 =	vmin.f32 v1, v12  }
0x3b: {  	v1 =	vmax.f32 v1, v12;
	v0 =	vmax.f32 v0, v14;
	v4 =	vmax.f32 v2, v3  }
0x3c: {  	v23 =	vld [tilespmem:s0+$0x11600];
	v2 =	vmin.f32 v2, v3;
	v20 =	vmin.f32 v17, v18;
	v3 =	vmax.f32 v17, v18  }
0x3d: {  	v22 =	vmin.f32 v1, v15;
	v1 =	vmax.f32 v1, v15;
	v0 =	vmax.f32 v0, v2  }
0x3e: {  	v21 =	vmin.f32 v4, v20;
	v2 =	vmax.f32 v4, v20;
	v24 =	vmin.f32 v3, v22  }
0x3f: {  	v26 =	vld [tilespmem:s0+$0x11800];
	v3 =	vmax.f32 v3, v22;
	v27 =	vmin.f32 v1, v19;
	v1 =	vmax.f32 v1, v19  }
0x40: {  	v0 =	vmax.f32 v0, v21;
	v25 =	vmin.f32 v2, v24;
	v2 =	vmax.f32 v2, v24  }
0x41: {  	v30 =	vld [tilespmem:s0+$0x11A00];
	v28 =	vmax.f32 v3, v27;
	v3 =	vmin.f32 v3, v27;
	v29 =	vmin.f32 v1, v23  }
0x42: {  	v1 =	vmax.f32 v1, v23;
	v0 =	vmax.f32 v0, v25;
	v4 =	vmax.f32 v2, v3  }
0x43: {  	v34 =	vld [tilespmem:s0+$0x11C00];
	v2 =	vmin.f32 v2, v3;
	v31 =	vmin.f32 v28, v29;
	v3 =	vmax.f32 v28, v29  }
0x44: {  	v33 =	vmin.f32 v1, v26;
	v1 =	vmax.f32 v1, v26;
	v0 =	vmax.f32 v0, v2  }
0x45: {  	v32 =	vmin.f32 v4, v31;
	v2 =	vmax.f32 v4, v31;
	v35 =	vmin.f32 v3, v33  }
0x46: {  	v3 =	vmax.f32 v3, v33;
	v37 =	vmin.f32 v1, v30;
	v1 =	vmax.f32 v1, v30  }
0x47: {  	v45 =	vld [tilespmem:s0+$0x10280];
	v0 =	vmax.f32 v0, v32;
	v36 =	vmin.f32 v2, v35;
	v2 =	vmax.f32 v2, v35  }
0x48: {  	v38 =	vmax.f32 v3, v37;
	v3 =	vmin.f32 v3, v37;
	v39 =	vmax.f32 v1, v34  }
0x49: {  	v46 =	vld [tilespmem:s0+$0x10480];
	v1 =	vmin.f32 v1, v34;
	v0 =	vmax.f32 v0, v36;
	v4 =	vmax.f32 v2, v3  }
0x4a: {  	v49 =	vld [tilespmem:s0+$0x10680];
	v2 =	vmin.f32 v2, v3;
	v40 =	vmax.f32 v38, v1;
	v1 =	vmin.f32 v38, v1  }
0x4b: {  	v56 =	vld [tilespmem:s0+$0x10880];
	v0 =	vmax.f32 v0, v2;
	v41 =	vmax.f32 v4, v1;
	v1 =	vmin.f32 v4, v1  }
0x4c: {  	v51 =	vmin.f32 v48, v45;
	v0 =	vmax.f32 v0, v1  }
0x4d: {  	v60 =	vld [tilespmem:s0+$0x10A80];
	v2 =	vmin.f32 v47, v44;
	v1 =	vmax.f32 v48, v45;
	[tilespmem:s0+$0x11F80] =	vst v0;
	v0 =	vmin.f32 v42, v43  }
0x4e: {  	v55 =	vmin.f32 v1, v46;
	v1 =	vmax.f32 v1, v46;
	v50 =	vmax.f32 v0, v2  }
0x4f: {  	v63 =	vld [tilespmem:s0+$0x10C80];
	v0 =	vmin.f32 v0, v2;
	v59 =	vmin.f32 v1, v49;
	v1 =	vmax.f32 v1, v49  }
0x50: {  	v52 =	vmin.f32 v50, v51;
	v53 =	vmax.f32 v50, v51;
	v12 =	vmin.f32 v1, v56  }
0x51: {  	v1 =	vmax.f32 v1, v56;
	v54 =	vmax.f32 v0, v52;
	v0 =	vmin.f32 v0, v52  }
0x52: {  	v15 =	vld [tilespmem:s0+$0x10E80];
	v57 =	vmin.f32 v53, v55;
	v3 =	vmax.f32 v53, v55;
	v14 =	vmin.f32 v1, v60  }
0x53: {  	v1 =	vmax.f32 v1, v60;
	v58 =	vmin.f32 v54, v57;
	v2 =	vmax.f32 v54, v57  }
0x54: {  	v19 =	vld [tilespmem:s0+$0x11080];
	v61 =	vmin.f32 v3, v59;
	v3 =	vmax.f32 v3, v59;
	v18 =	vmin.f32 v1, v63  }
0x55: {  	v22 =	vld [tilespmem:s0+$0x11280];
	v1 =	vmax.f32 v1, v63;
	v0 =	vmax.f32 v0, v58;
	v62 =	vmin.f32 v2, v61  }
0x56: {  	v49 =	vld [tilespmem:s0+$0xFD00];
	v2 =	vmax.f32 v2, v61;
	v13 =	vmax.f32 v3, v12;
	v3 =	vmin.f32 v3, v12  }
0x57: {  	v50 =	vld [tilespmem:s0+$0xFF00];
	v23 =	vmin.f32 v1, v15;
	v1 =	vmax.f32 v1, v15;
	v0 =	vmax.f32 v0, v62  }
0x58: {  	v4 =	vmax.f32 v2, v3;
	v2 =	vmin.f32 v2, v3;
	v16 =	vmin.f32 v13, v14  }
0x59: {  	v26 =	vld [tilespmem:s0+$0x11480];
	v3 =	vmax.f32 v13, v14;
	v25 =	vmin.f32 v1, v19;
	v1 =	vmax.f32 v1, v19  }
0x5a: {  	v51 =	vld [tilespmem:s0+$0x10100];
	v0 =	vmax.f32 v0, v2;
	v17 =	vmin.f32 v4, v16;
	v2 =	vmax.f32 v4, v16  }
0x5b: {  	v30 =	vld [tilespmem:s0+$0x11680];
	v20 =	vmin.f32 v3, v18;
	v3 =	vmax.f32 v3, v18;
	v29 =	vmin.f32 v1, v22  }
0x5c: {  	v52 =	vld [tilespmem:s0+$0x10300];
	v1 =	vmax.f32 v1, v22;
	v54 =	vmax.f32 v49, v50;
	v0 =	vmax.f32 v0, v17  }
0x5d: {  	v21 =	vmin.f32 v2, v20;
	v2 =	vmax.f32 v2, v20;
	v24 =	vmax.f32 v3, v23  }
0x5e: {  	v33 =	vld [tilespmem:s0+$0x11880];
	v3 =	vmin.f32 v3, v23;
	v34 =	vmin.f32 v1, v26;
	v1 =	vmax.f32 v1, v26  }
0x5f: {  	v55 =	vmax.f32 v54, v51;
	v0 =	vmax.f32 v0, v21;
	v4 =	vmax.f32 v2, v3  }
0x60: {  	v2 =	vmin.f32 v2, v3;
	v27 =	vmin.f32 v24, v25;
	v3 =	vmax.f32 v24, v25  }
0x61: {  	v37 =	vld [tilespmem:s0+$0x11A80];
	v36 =	vmin.f32 v1, v30;
	v1 =	vmax.f32 v1, v30;
	v58 =	vmin.f32 v55, v52  }
0x62: {  	[tilespmem:s0+$0x11E80] =	vst v40;
	v0 =	vmax.f32 v0, v2;
	v28 =	vmin.f32 v4, v27;
	v2 =	vmax.f32 v4, v27  }
0x63: {  	[tilespmem:s0+$0x11F00] =	vst v41;
	v41 =	vld [tilespmem:s0+$0x11C80];
	v31 =	vmin.f32 v3, v29;
	v3 =	vmax.f32 v3, v29;
	v40 =	vmin.f32 v1, v33  }
0x64: {  	v1 =	vmax.f32 v1, v33;
	v0 =	vmax.f32 v0, v28;
	v32 =	vmin.f32 v2, v31  }
0x65: {  	v2 =	vmax.f32 v2, v31;
	v35 =	vmax.f32 v3, v34;
	v3 =	vmin.f32 v3, v34  }
0x66: {  	v44 =	vmin.f32 v1, v37;
	v1 =	vmax.f32 v1, v37;
	v0 =	vmax.f32 v0, v32  }
0x67: {  	v4 =	vmax.f32 v2, v3;
	v2 =	vmin.f32 v2, v3;
	v38 =	vmin.f32 v35, v36  }
0x68: {  	v3 =	vmax.f32 v35, v36;
	v46 =	vmax.f32 v1, v41;
	v0 =	vmax.f32 v0, v2  }
0x69: {  	[tilespmem:s0+$0x11E00] =	vst v39;
	v39 =	vmin.f32 v4, v38;
	v2 =	vmax.f32 v4, v38;
	v42 =	vmin.f32 v3, v40  }
0x6a: {  	v3 =	vmax.f32 v3, v40;
	v0 =	vmax.f32 v0, v39;
	v43 =	vmin.f32 v2, v42  }
0x6b: {  	v53 =	vld [tilespmem:s0+$0x10500];
	v2 =	vmax.f32 v2, v42;
	v45 =	vmax.f32 v3, v44;
	v3 =	vmin.f32 v3, v44  }
0x6c: {  	v56 =	vld [tilespmem:s0+$0x10700];
	v1 =	vmin.f32 v1, v41;
	v0 =	vmax.f32 v0, v43;
	v4 =	vmax.f32 v2, v3  }
0x6d: {  	v2 =	vmin.f32 v2, v3;
	v47 =	vmax.f32 v45, v1;
	v1 =	vmin.f32 v45, v1  }
0x6e: {  	v63 =	vld [tilespmem:s0+$0x10900];
	v0 =	vmax.f32 v0, v2;
	v48 =	vmax.f32 v4, v1;
	v1 =	vmin.f32 v4, v1  }
0x6f: {  	v2 =	vmin.f32 v54, v51;
	v0 =	vmax.f32 v0, v1;
	v1 =	vmax.f32 v55, v52  }
0x70: {  	v15 =	vld [tilespmem:s0+$0x10B00];
	[tilespmem:s0+$0x12180] =	vst v0;
	v0 =	vmin.f32 v49, v50;
	v62 =	vmin.f32 v1, v53;
	v1 =	vmax.f32 v1, v53  }
0x71: {  	v57 =	vmax.f32 v0, v2;
	v0 =	vmin.f32 v0, v2;
	v14 =	vmin.f32 v1, v56  }
0x72: {  	v18 =	vld [tilespmem:s0+$0x10D00];
	v1 =	vmax.f32 v1, v56;
	v59 =	vmin.f32 v57, v58;
	v60 =	vmax.f32 v57, v58  }
0x73: {  	v19 =	vmin.f32 v1, v63;
	v1 =	vmax.f32 v1, v63;
	v61 =	vmax.f32 v0, v59  }
0x74: {  	v22 =	vld [tilespmem:s0+$0x10F00];
	v0 =	vmin.f32 v0, v59;
	v12 =	vmin.f32 v60, v62;
	v3 =	vmax.f32 v60, v62  }
0x75: {  	v21 =	vmin.f32 v1, v15;
	v1 =	vmax.f32 v1, v15;
	v13 =	vmin.f32 v61, v12  }
0x76: {  	v26 =	vld [tilespmem:s0+$0x11100];
	v2 =	vmax.f32 v61, v12;
	v16 =	vmin.f32 v3, v14;
	v3 =	vmax.f32 v3, v14  }
0x77: {  	v29 =	vld [tilespmem:s0+$0x11300];
	v25 =	vmin.f32 v1, v18;
	v1 =	vmax.f32 v1, v18;
	v0 =	vmax.f32 v0, v13  }
0x78: {  	v56 =	vld [tilespmem:s0+$0xFD80];
	v17 =	vmin.f32 v2, v16;
	v2 =	vmax.f32 v2, v16;
	v20 =	vmax.f32 v3, v19  }
0x79: {  	v57 =	vld [tilespmem:s0+$0xFF80];
	v3 =	vmin.f32 v3, v19;
	v30 =	vmin.f32 v1, v22;
	v1 =	vmax.f32 v1, v22  }
0x7a: {  	v0 =	vmax.f32 v0, v17;
	v4 =	vmax.f32 v2, v3;
	v2 =	vmin.f32 v2, v3  }
0x7b: {  	v33 =	vld [tilespmem:s0+$0x11500];
	v23 =	vmin.f32 v20, v21;
	v3 =	vmax.f32 v20, v21;
	v32 =	vmin.f32 v1, v26  }
0x7c: {  	v58 =	vld [tilespmem:s0+$0x10180];
	v1 =	vmax.f32 v1, v26;
	v0 =	vmax.f32 v0, v2;
	v24 =	vmin.f32 v4, v23  }
0x7d: {  	v2 =	vmax.f32 v4, v23;
	v27 =	vmin.f32 v3, v25;
	v3 =	vmax.f32 v3, v25  }
0x7e: {  	v37 =	vld [tilespmem:s0+$0x11700];
	v36 =	vmin.f32 v1, v29;
	v1 =	vmax.f32 v1, v29;
	v61 =	vmax.f32 v56, v57  }
0x7f: {  	v0 =	vmax.f32 v0, v24;
	v28 =	vmin.f32 v2, v27;
	v2 =	vmax.f32 v2, v27  }
0x80: {  	v40 =	vld [tilespmem:s0+$0x11900];
	v31 =	vmax.f32 v3, v30;
	v3 =	vmin.f32 v3, v30;
	v41 =	vmin.f32 v1, v33  }
0x81: {  	v1 =	vmax.f32 v1, v33;
	v62 =	vmax.f32 v61, v58;
	v0 =	vmax.f32 v0, v28  }
0x82: {  	v4 =	vmax.f32 v2, v3;
	v2 =	vmin.f32 v2, v3;
	v34 =	vmin.f32 v31, v32  }
0x83: {  	v44 =	vld [tilespmem:s0+$0x11B00];
	v3 =	vmax.f32 v31, v32;
	v43 =	vmin.f32 v1, v37;
	v1 =	vmax.f32 v1, v37  }
0x84: {  	[tilespmem:s0+$0x12080] =	vst v47;
	v0 =	vmax.f32 v0, v2;
	v35 =	vmin.f32 v4, v34;
	v2 =	vmax.f32 v4, v34  }
0x85: {  	[tilespmem:s0+$0x12100] =	vst v48;
	v48 =	vld [tilespmem:s0+$0x11D00];
	v38 =	vmin.f32 v3, v36;
	v3 =	vmax.f32 v3, v36;
	v47 =	vmin.f32 v1, v40  }
0x86: {  	v1 =	vmax.f32 v1, v40;
	v0 =	vmax.f32 v0, v35;
	v39 =	vmin.f32 v2, v38  }
0x87: {  	v2 =	vmax.f32 v2, v38;
	v42 =	vmax.f32 v3, v41;
	v3 =	vmin.f32 v3, v41  }
0x88: {  	v51 =	vmin.f32 v1, v44;
	v1 =	vmax.f32 v1, v44;
	v0 =	vmax.f32 v0, v39  }
0x89: {  	v4 =	vmax.f32 v2, v3;
	v2 =	vmin.f32 v2, v3;
	v45 =	vmin.f32 v42, v43  }
0x8a: {  	v3 =	vmax.f32 v42, v43;
	v53 =	vmax.f32 v1, v48;
	v0 =	vmax.f32 v0, v2  }
0x8b: {  	[tilespmem:s0+$0x12000] =	vst v46;
	v46 =	vmin.f32 v4, v45;
	v2 =	vmax.f32 v4, v45;
	v49 =	vmin.f32 v3, v47  }
0x8c: {  	v59 =	vld [tilespmem:s0+$0x10380];
	v3 =	vmax.f32 v3, v47;
	v0 =	vmax.f32 v0, v46;
	v50 =	vmin.f32 v2, v49  }
0x8d: {  	v2 =	vmax.f32 v2, v49;
	v52 =	vmax.f32 v3, v51;
	v3 =	vmin.f32 v3, v51  }
0x8e: {  	v60 =	vld [tilespmem:s0+$0x10580];
	v1 =	vmin.f32 v1, v48;
	v0 =	vmax.f32 v0, v50;
	v4 =	vmax.f32 v2, v3  }
0x8f: {  	v63 =	vld [tilespmem:s0+$0x10780];
	v2 =	vmin.f32 v2, v3;
	v54 =	vmax.f32 v52, v1;
	v1 =	vmin.f32 v52, v1  }
0x90: {  	v18 =	vld [tilespmem:s0+$0x10980];
	v0 =	vmax.f32 v0, v2;
	v55 =	vmax.f32 v4, v1;
	v1 =	vmin.f32 v4, v1  }
0x91: {  	v13 =	vmin.f32 v62, v59;
	v0 =	vmax.f32 v0, v1  }
0x92: {  	v22 =	vld [tilespmem:s0+$0x10B80];
	v2 =	vmin.f32 v61, v58;
	v1 =	vmax.f32 v62, v59;
	[tilespmem:s0+$0x12380] =	vst v0;
	v0 =	vmin.f32 v56, v57  }
0x93: {  	v17 =	vmin.f32 v1, v60;
	v1 =	vmax.f32 v1, v60;
	v12 =	vmax.f32 v0, v2  }
0x94: {  	v25 =	vld [tilespmem:s0+$0x10D80];
	v0 =	vmin.f32 v0, v2;
	v21 =	vmin.f32 v1, v63;
	v1 =	vmax.f32 v1, v63  }
0x95: {  	v14 =	vmin.f32 v12, v13;
	v15 =	vmax.f32 v12, v13;
	v26 =	vmin.f32 v1, v18  }
0x96: {  	v1 =	vmax.f32 v1, v18;
	v16 =	vmax.f32 v0, v14;
	v0 =	vmin.f32 v0, v14  }
0x97: {  	v29 =	vld [tilespmem:s0+$0x10F80];
	v19 =	vmin.f32 v15, v17;
	v3 =	vmax.f32 v15, v17;
	v28 =	vmin.f32 v1, v22  }
0x98: {  	v1 =	vmax.f32 v1, v22;
	v20 =	vmin.f32 v16, v19;
	v2 =	vmax.f32 v16, v19  }
0x99: {  	v33 =	vld [tilespmem:s0+$0x11180];
	v23 =	vmin.f32 v3, v21;
	v3 =	vmax.f32 v3, v21;
	v32 =	vmin.f32 v1, v25  }
0x9a: {  	v1 =	vmax.f32 v1, v25;
	v0 =	vmax.f32 v0, v20;
	v24 =	vmin.f32 v2, v23  }
0x9b: {  	v36 =	vld [tilespmem:s0+$0x11380];
	v2 =	vmax.f32 v2, v23;
	v27 =	vmax.f32 v3, v26;
	v3 =	vmin.f32 v3, v26  }
0x9c: {  	v37 =	vmin.f32 v1, v29;
	v1 =	vmax.f32 v1, v29;
	v0 =	vmax.f32 v0, v24  }
0x9d: {  	v4 =	vmax.f32 v2, v3;
	v2 =	vmin.f32 v2, v3;
	v30 =	vmin.f32 v27, v28  }
0x9e: {  	v40 =	vld [tilespmem:s0+$0x11580];
	v3 =	vmax.f32 v27, v28;
	v39 =	vmin.f32 v1, v33;
	v1 =	vmax.f32 v1, v33  }
0x9f: {  	v0 =	vmax.f32 v0, v2;
	v31 =	vmin.f32 v4, v30;
	v2 =	vmax.f32 v4, v30  }
0xa0: {  	v44 =	vld [tilespmem:s0+$0x11780];
	v34 =	vmin.f32 v3, v32;
	v3 =	vmax.f32 v3, v32;
	v43 =	vmin.f32 v1, v36  }
0xa1: {  	v1 =	vmax.f32 v1, v36;
	v0 =	vmax.f32 v0, v31;
	v35 =	vmin.f32 v2, v34  }
0xa2: {  	v47 =	vld [tilespmem:s0+$0x11980];
	v2 =	vmax.f32 v2, v34;
	v38 =	vmax.f32 v3, v37;
	v3 =	vmin.f32 v3, v37  }
0xa3: {  	v48 =	vmin.f32 v1, v40;
	v1 =	vmax.f32 v1, v40;
	v0 =	vmax.f32 v0, v35  }
0xa4: {  	v4 =	vmax.f32 v2, v3;
	v2 =	vmin.f32 v2, v3;
	v41 =	vmin.f32 v38, v39  }
0xa5: {  	v51 =	vld [tilespmem:s0+$0x11B80];
	v3 =	vmax.f32 v38, v39;
	v50 =	vmin.f32 v1, v44;
	v1 =	vmax.f32 v1, v44  }
0xa6: {  	[tilespmem:s0+$0x12280] =	vst v54;
	v0 =	vmax.f32 v0, v2;
	v42 =	vmin.f32 v4, v41;
	v2 =	vmax.f32 v4, v41  }
0xa7: {  	[tilespmem:s0+$0x12300] =	vst v55;
	v55 =	vld [tilespmem:s0+$0x11D80];
	v45 =	vmin.f32 v3, v43;
	v3 =	vmax.f32 v3, v43;
	v54 =	vmin.f32 v1, v47  }
0xa8: {  	v1 =	vmax.f32 v1, v47;
	v0 =	vmax.f32 v0, v42;
	v46 =	vmin.f32 v2, v45  }
0xa9: {  	v2 =	vmax.f32 v2, v45;
	v49 =	vmax.f32 v3, v48;
	v3 =	vmin.f32 v3, v48  }
0xaa: {  	v58 =	vmin.f32 v1, v51;
	v1 =	vmax.f32 v1, v51;
	v0 =	vmax.f32 v0, v46  }
0xab: {  	v4 =	vmax.f32 v2, v3;
	v2 =	vmin.f32 v2, v3;
	v52 =	vmin.f32 v49, v50  }
0xac: {  	v3 =	vmax.f32 v49, v50;
	v60 =	vmax.f32 v1, v55;
	v0 =	vmax.f32 v0, v2  }
0xad: {  	[tilespmem:s0+$0x12200] =	vst v53;
	v53 =	vmin.f32 v4, v52;
	v2 =	vmax.f32 v4, v52;
	v56 =	vmin.f32 v3, v54  }
0xae: {  	v3 =	vmax.f32 v3, v54;
	v0 =	vmax.f32 v0, v53;
	v57 =	vmin.f32 v2, v56  }
0xaf: {  	p2 =	por p1, p1;
	v2 =	vmax.f32 v2, v56;
	v59 =	vmax.f32 v3, v58;
	v3 =	vmin.f32 v3, v58  }
.Ltmp3:
0xb0: {  	v1 =	vmin.f32 v1, v55;
	v0 =	vmax.f32 v0, v57;
	v61 =	vmax.f32 v2, v3;
	(pc) =	sbr.rel @p2 .LBB2_3-.Ltmp3, $4  }
0xb1: {  	[tilespmem:s0+$0x12400] =	vst v60;
	v2 =	vmin.f32 v2, v3;
	v62 =	vmax.f32 v59, v1;
	v1 =	vmin.f32 v59, v1  }
0xb2: {  	v0 =	vmax.f32 v0, v2;
	v63 =	vmax.f32 v61, v1;
	v1 =	vmin.f32 v61, v1;
	[tilespmem:s0+$0x12480] =	vst v62  }
0xb3: {  	v0 =	vmax.f32 v0, v1;
	[tilespmem:s0+$0x12500] =	vst v63  }
0xb4: {  	p1 =	por $0x0, $0x0;
	[tilespmem:s0+$0x12580] =	vst v0;
	s0 =	simm.s32 $0x10  }
0xb5: {  	s0 =	simm.s32 $0x400;
	s1 =	simm.s32 $0x11E00  }
0xb6: {  	[hbm4b:s9+s0] =	stream.strided.scatter [tilespmem:s1], [sflag:$0x5], $0x800, s18, s0, $0x38;
	[tilespmem:$0x12600] =	vst v63  }
0xb7: {  	_ =	swait.ge [sflag:s16], $0x800  }
0xb8: {  	[sflag:s16] =	ssyncset.done $0x0  }
0xb9: {  	[sflag:s16] =	ssyncadd.s32 $0xFFFFF800  }
.LBB2_5:
.Ltmp4:
0xba: {  	(pc) =	sbr.rel .LBB2_6-.Ltmp4, $2  }
0xbb: {  	_ =	sdelay $0x2  }
0xbc: {  	s29 =	simm.s32 $0x0  }
.LBB2_13:
0xbd: {  	s29 =	sadd.s32 $0x1, s29  }
0xbe: {  	p1 =	sne.s32 s29, $0x1A  }
.Ltmp5:
0xbf: {  	_ = 	snop;
	(pc) =	sbr.rel @!p1 .LBB2_14-.Ltmp5, $1  }
0xc0: {  	_ =	sdelay $0x3  }
.LBB2_6:
0xc1: {  	s1 =	sadd.s32 s3, s29  }
0xc2: {  	s0 =	smulhi.u32 $0x4EC4EC4F, s1;
	_ =	sdelay $0x1  }
0xc3: {  	s30 =	sshrl.u32 s0, $0x4;
	s0 =	sand.u32 $0x1, s29  }
0xc4: {  	p1 =	seq.s32 s0, $0x1  }
.Ltmp6:
0xc5: {  	_ = 	snop;
	(pc) =	sbr.rel @p1 .LBB2_10-.Ltmp6, $3  }
0xc6: {  	_ = 	snop  }
0xc7: {  	s14 =	smul.u32 $0xFFFFFFCC, s30;
	_ =	sdelay $0x1  }
0xc8: {  	s31 =	sadd.s32 s1, s14  }
0xc9: {  	_ =	swait.ge [sflag:s25], $0x6600  }
0xca: {  	p1 =	slt.u32 s29, $0x2;
	[sflag:s25] =	ssyncset.done $0x0  }
0xcb: {  	s14 =	simm.s32 @!p1 $0x3;
	[sflag:s25] =	ssyncadd.s32 $0xFFFF9A00  }
0xcc: {  	_ =	swait.ge @!p1 [sflag:s14], $0x1800  }
0xcd: {  	[sflag:s14] =	ssyncset.done @!p1 $0x0  }
0xce: {  	s15 =	simm.s32 $0x0;
	[sflag:s14] =	ssyncadd.s32 @!p1 $0xFFFFE800;
	s14 =	simm.s32 $0x0  }
.LBB2_8:
0xcf: {  	s17 =	sshll.u32 s15, $0x6  }
0xd0: {  	s19 =	sand.u32 $0x70, s14;
	s17 =	sand.u32 $0x3FFFFE00, s17  }
0xd1: {  	s17 =	sor.u32 s19, s17  }
0xd2: {  	v0 =	vld [tilespmem:s17+$0x0]  }
0xd3: {  	v1 =	vld [tilespmem:s17+$0x600]  }
0xd4: {  	v2 =	vld [tilespmem:s17+$0xC00]  }
0xd5: {  	v3 =	vld [tilespmem:s17+$0x1200];
	_ =	sdelay $0x1  }
0xd6: {  	v4 =	vld [tilespmem:s17+$0x1800]  }
0xd7: {  	v5 =	vmax.f32 v0, v1  }
0xd8: {  	v56 =	vld [tilespmem:s17+$0x1E00];
	v0 =	vmin.f32 v0, v1;
	v55 =	vmax.f32 v5, v2;
	v2 =	vmin.f32 v5, v2  }
0xd9: {  	v6 =	vmax.f32 v0, v2;
	v7 =	vmin.f32 v55, v3  }
0xda: {  	v8 =	vld [tilespmem:s17+$0x2400];
	v0 =	vmin.f32 v0, v2;
	v1 =	vmax.f32 v55, v3;
	v57 =	vmin.f32 v6, v7  }
0xdb: {  	v58 =	vmax.f32 v6, v7;
	v60 =	vmin.f32 v1, v4;
	v1 =	vmax.f32 v1, v4  }
0xdc: {  	v9 =	vld [tilespmem:s17+$0x2A00];
	v59 =	vmax.f32 v0, v57;
	v0 =	vmin.f32 v0, v57;
	v61 =	vmin.f32 v58, v60  }
0xdd: {  	v3 =	vmax.f32 v58, v60;
	v63 =	vmin.f32 v1, v56;
	v1 =	vmax.f32 v1, v56  }
0xde: {  	v62 =	vmin.f32 v59, v61;
	v2 =	vmax.f32 v59, v61;
	v11 =	vmin.f32 v3, v63  }
0xdf: {  	v13 =	vld [tilespmem:s17+$0x3000];
	v3 =	vmax.f32 v3, v63;
	v14 =	vmin.f32 v1, v8;
	v1 =	vmax.f32 v1, v8  }
0xe0: {  	v0 =	vmax.f32 v0, v62;
	v12 =	vmin.f32 v2, v11;
	v2 =	vmax.f32 v2, v11  }
0xe1: {  	v17 =	vld [tilespmem:s17+$0x3600];
	v15 =	vmax.f32 v3, v14;
	v3 =	vmin.f32 v3, v14;
	v16 =	vmin.f32 v1, v9  }
0xe2: {  	v1 =	vmax.f32 v1, v9;
	v0 =	vmax.f32 v0, v12;
	v4 =	vmax.f32 v2, v3  }
0xe3: {  	v21 =	vld [tilespmem:s17+$0x3C00];
	v2 =	vmin.f32 v2, v3;
	v18 =	vmin.f32 v15, v16;
	v3 =	vmax.f32 v15, v16  }
0xe4: {  	v20 =	vmin.f32 v1, v13;
	v1 =	vmax.f32 v1, v13;
	v0 =	vmax.f32 v0, v2  }
0xe5: {  	v19 =	vmin.f32 v4, v18;
	v2 =	vmax.f32 v4, v18;
	v22 =	vmin.f32 v3, v20  }
0xe6: {  	v24 =	vld [tilespmem:s17+$0x4200];
	v3 =	vmax.f32 v3, v20;
	v25 =	vmin.f32 v1, v17;
	v1 =	vmax.f32 v1, v17  }
0xe7: {  	v0 =	vmax.f32 v0, v19;
	v23 =	vmin.f32 v2, v22;
	v2 =	vmax.f32 v2, v22  }
0xe8: {  	v28 =	vld [tilespmem:s17+$0x4800];
	v26 =	vmax.f32 v3, v25;
	v3 =	vmin.f32 v3, v25;
	v27 =	vmin.f32 v1, v21  }
0xe9: {  	v1 =	vmax.f32 v1, v21;
	v0 =	vmax.f32 v0, v23;
	v4 =	vmax.f32 v2, v3  }
0xea: {  	v32 =	vld [tilespmem:s17+$0x4E00];
	v2 =	vmin.f32 v2, v3;
	v29 =	vmin.f32 v26, v27;
	v3 =	vmax.f32 v26, v27  }
0xeb: {  	v31 =	vmin.f32 v1, v24;
	v1 =	vmax.f32 v1, v24;
	v0 =	vmax.f32 v0, v2  }
0xec: {  	v30 =	vmin.f32 v4, v29;
	v2 =	vmax.f32 v4, v29;
	v33 =	vmin.f32 v3, v31  }
0xed: {  	v35 =	vld [tilespmem:s17+$0x5400];
	v3 =	vmax.f32 v3, v31;
	v36 =	vmin.f32 v1, v28;
	v1 =	vmax.f32 v1, v28  }
0xee: {  	v0 =	vmax.f32 v0, v30;
	v34 =	vmin.f32 v2, v33;
	v2 =	vmax.f32 v2, v33  }
0xef: {  	v39 =	vld [tilespmem:s17+$0x5A00];
	v37 =	vmax.f32 v3, v36;
	v3 =	vmin.f32 v3, v36;
	v38 =	vmin.f32 v1, v32  }
0xf0: {  	v1 =	vmax.f32 v1, v32;
	v0 =	vmax.f32 v0, v34;
	v4 =	vmax.f32 v2, v3  }
0xf1: {  	v43 =	vld [tilespmem:s17+$0x6000];
	v2 =	vmin.f32 v2, v3;
	v40 =	vmin.f32 v37, v38;
	v3 =	vmax.f32 v37, v38  }
0xf2: {  	v42 =	vmin.f32 v1, v35;
	v1 =	vmax.f32 v1, v35;
	v0 =	vmax.f32 v0, v2  }
0xf3: {  	v41 =	vmin.f32 v4, v40;
	v2 =	vmax.f32 v4, v40;
	v44 =	vmin.f32 v3, v42  }
0xf4: {  	v3 =	vmax.f32 v3, v42;
	v46 =	vmin.f32 v1, v39;
	v1 =	vmax.f32 v1, v39  }
0xf5: {  	s13 =	sshll.u32 s15, $0x7;
	v0 =	vmax.f32 v0, v41;
	v45 =	vmin.f32 v2, v44;
	v2 =	vmax.f32 v2, v44  }
0xf6: {  	s13 =	sand.u32 $0x3FFFFC00, s13;
	v47 =	vmax.f32 v3, v46;
	v3 =	vmin.f32 v3, v46;
	v48 =	vmax.f32 v1, v43  }
0xf7: {  	s19 =	sor.u32 s19, s13;
	v1 =	vmin.f32 v1, v43;
	v0 =	vmax.f32 v0, v45;
	v4 =	vmax.f32 v2, v3  }
0xf8: {  	v2 =	vmin.f32 v2, v3;
	v49 =	vmax.f32 v47, v1;
	v1 =	vmin.f32 v47, v1;
	[tilespmem:s19+$0xCC00] =	vst v48  }
0xf9: {  	v0 =	vmax.f32 v0, v2;
	v50 =	vmax.f32 v4, v1;
	v1 =	vmin.f32 v4, v1;
	[tilespmem:s19+$0xCC80] =	vst v49  }
0xfa: {  	v0 =	vmax.f32 v0, v1;
	[tilespmem:s19+$0xCD00] =	vst v50  }
0xfb: {  	[tilespmem:s19+$0xCD80] =	vst v0  }
0xfc: {  	v0 =	vld [tilespmem:s17+$0x80]  }
0xfd: {  	v51 =	vld [tilespmem:s17+$0x680]  }
0xfe: {  	v2 =	vld [tilespmem:s17+$0xC80]  }
0xff: {  	v3 =	vld [tilespmem:s17+$0x1280];
	_ =	sdelay $0x1  }
0x100: {  	v52 =	vld [tilespmem:s17+$0x1880]  }
0x101: {  	v53 =	vmax.f32 v0, v51  }
0x102: {  	v55 =	vld [tilespmem:s17+$0x1E80];
	v0 =	vmin.f32 v0, v51;
	v54 =	vmax.f32 v53, v2;
	v2 =	vmin.f32 v53, v2  }
0x103: {  	v56 =	vmax.f32 v0, v2;
	v57 =	vmin.f32 v54, v3  }
0x104: {  	v62 =	vld [tilespmem:s17+$0x2480];
	v0 =	vmin.f32 v0, v2;
	v1 =	vmax.f32 v54, v3;
	v58 =	vmin.f32 v56, v57  }
0x105: {  	v59 =	vmax.f32 v56, v57;
	v61 =	vmin.f32 v1, v52;
	v1 =	vmax.f32 v1, v52  }
0x106: {  	v14 =	vld [tilespmem:s17+$0x2A80];
	v60 =	vmax.f32 v0, v58;
	v0 =	vmin.f32 v0, v58;
	v63 =	vmin.f32 v59, v61  }
0x107: {  	v3 =	vmax.f32 v59, v61;
	v13 =	vmin.f32 v1, v55;
	v1 =	vmax.f32 v1, v55  }
0x108: {  	v12 =	vmin.f32 v60, v63;
	v2 =	vmax.f32 v60, v63;
	v15 =	vmin.f32 v3, v13  }
0x109: {  	v17 =	vld [tilespmem:s17+$0x3080];
	v3 =	vmax.f32 v3, v13;
	v18 =	vmin.f32 v1, v62;
	v1 =	vmax.f32 v1, v62  }
0x10a: {  	v0 =	vmax.f32 v0, v12;
	v16 =	vmin.f32 v2, v15;
	v2 =	vmax.f32 v2, v15  }
0x10b: {  	v21 =	vld [tilespmem:s17+$0x3680];
	v19 =	vmax.f32 v3, v18;
	v3 =	vmin.f32 v3, v18;
	v20 =	vmin.f32 v1, v14  }
0x10c: {  	v1 =	vmax.f32 v1, v14;
	v0 =	vmax.f32 v0, v16;
	v4 =	vmax.f32 v2, v3  }
0x10d: {  	v25 =	vld [tilespmem:s17+$0x3C80];
	v2 =	vmin.f32 v2, v3;
	v22 =	vmin.f32 v19, v20;
	v3 =	vmax.f32 v19, v20  }
0x10e: {  	v24 =	vmin.f32 v1, v17;
	v1 =	vmax.f32 v1, v17;
	v0 =	vmax.f32 v0, v2  }
0x10f: {  	v23 =	vmin.f32 v4, v22;
	v2 =	vmax.f32 v4, v22;
	v26 =	vmin.f32 v3, v24  }
0x110: {  	v28 =	vld [tilespmem:s17+$0x4280];
	v3 =	vmax.f32 v3, v24;
	v29 =	vmin.f32 v1, v21;
	v1 =	vmax.f32 v1, v21  }
0x111: {  	v0 =	vmax.f32 v0, v23;
	v27 =	vmin.f32 v2, v26;
	v2 =	vmax.f32 v2, v26  }
0x112: {  	v32 =	vld [tilespmem:s17+$0x4880];
	v30 =	vmax.f32 v3, v29;
	v3 =	vmin.f32 v3, v29;
	v31 =	vmin.f32 v1, v25  }
0x113: {  	v1 =	vmax.f32 v1, v25;
	v0 =	vmax.f32 v0, v27;
	v4 =	vmax.f32 v2, v3  }
0x114: {  	v36 =	vld [tilespmem:s17+$0x4E80];
	v2 =	vmin.f32 v2, v3;
	v33 =	vmin.f32 v30, v31;
	v3 =	vmax.f32 v30, v31  }
0x115: {  	v35 =	vmin.f32 v1, v28;
	v1 =	vmax.f32 v1, v28;
	v0 =	vmax.f32 v0, v2  }
0x116: {  	v34 =	vmin.f32 v4, v33;
	v2 =	vmax.f32 v4, v33;
	v37 =	vmin.f32 v3, v35  }
0x117: {  	v39 =	vld [tilespmem:s17+$0x5480];
	v3 =	vmax.f32 v3, v35;
	v40 =	vmin.f32 v1, v32;
	v1 =	vmax.f32 v1, v32  }
0x118: {  	v0 =	vmax.f32 v0, v34;
	v38 =	vmin.f32 v2, v37;
	v2 =	vmax.f32 v2, v37  }
0x119: {  	v43 =	vld [tilespmem:s17+$0x5A80];
	v41 =	vmax.f32 v3, v40;
	v3 =	vmin.f32 v3, v40;
	v42 =	vmin.f32 v1, v36  }
0x11a: {  	v1 =	vmax.f32 v1, v36;
	v0 =	vmax.f32 v0, v38;
	v4 =	vmax.f32 v2, v3  }
0x11b: {  	v47 =	vld [tilespmem:s17+$0x6080];
	v2 =	vmin.f32 v2, v3;
	v44 =	vmin.f32 v41, v42;
	v3 =	vmax.f32 v41, v42  }
0x11c: {  	v46 =	vmin.f32 v1, v39;
	v1 =	vmax.f32 v1, v39;
	v0 =	vmax.f32 v0, v2  }
0x11d: {  	v45 =	vmin.f32 v4, v44;
	v2 =	vmax.f32 v4, v44;
	v48 =	vmin.f32 v3, v46  }
0x11e: {  	v3 =	vmax.f32 v3, v46;
	v50 =	vmin.f32 v1, v43;
	v1 =	vmax.f32 v1, v43  }
0x11f: {  	v0 =	vmax.f32 v0, v45;
	v49 =	vmin.f32 v2, v48;
	v2 =	vmax.f32 v2, v48  }
0x120: {  	v51 =	vmax.f32 v3, v50;
	v3 =	vmin.f32 v3, v50;
	v52 =	vmax.f32 v1, v47  }
0x121: {  	v1 =	vmin.f32 v1, v47;
	v0 =	vmax.f32 v0, v49;
	v4 =	vmax.f32 v2, v3  }
0x122: {  	v2 =	vmin.f32 v2, v3;
	v53 =	vmax.f32 v51, v1;
	v1 =	vmin.f32 v51, v1;
	[tilespmem:s19+$0xCE00] =	vst v52  }
0x123: {  	v0 =	vmax.f32 v0, v2;
	v54 =	vmax.f32 v4, v1;
	v1 =	vmin.f32 v4, v1;
	[tilespmem:s19+$0xCE80] =	vst v53  }
0x124: {  	v0 =	vmax.f32 v0, v1;
	[tilespmem:s19+$0xCF00] =	vst v54  }
0x125: {  	[tilespmem:s19+$0xCF80] =	vst v0  }
0x126: {  	v0 =	vld [tilespmem:s17+$0x100]  }
0x127: {  	v55 =	vld [tilespmem:s17+$0x700]  }
0x128: {  	v2 =	vld [tilespmem:s17+$0xD00]  }
0x129: {  	v3 =	vld [tilespmem:s17+$0x1300];
	_ =	sdelay $0x1  }
0x12a: {  	v56 =	vld [tilespmem:s17+$0x1900]  }
0x12b: {  	v57 =	vmax.f32 v0, v55  }
0x12c: {  	v59 =	vld [tilespmem:s17+$0x1F00];
	v0 =	vmin.f32 v0, v55;
	v58 =	vmax.f32 v57, v2;
	v2 =	vmin.f32 v57, v2  }
0x12d: {  	v60 =	vmax.f32 v0, v2;
	v61 =	vmin.f32 v58, v3  }
0x12e: {  	v14 =	vld [tilespmem:s17+$0x2500];
	v0 =	vmin.f32 v0, v2;
	v1 =	vmax.f32 v58, v3;
	v62 =	vmin.f32 v60, v61  }
0x12f: {  	v63 =	vmax.f32 v60, v61;
	v13 =	vmin.f32 v1, v56;
	v1 =	vmax.f32 v1, v56  }
0x130: {  	v18 =	vld [tilespmem:s17+$0x2B00];
	v12 =	vmax.f32 v0, v62;
	v0 =	vmin.f32 v0, v62;
	v15 =	vmin.f32 v63, v13  }
0x131: {  	v3 =	vmax.f32 v63, v13;
	v17 =	vmin.f32 v1, v59;
	v1 =	vmax.f32 v1, v59  }
0x132: {  	v16 =	vmin.f32 v12, v15;
	v2 =	vmax.f32 v12, v15;
	v19 =	vmin.f32 v3, v17  }
0x133: {  	v21 =	vld [tilespmem:s17+$0x3100];
	v3 =	vmax.f32 v3, v17;
	v22 =	vmin.f32 v1, v14;
	v1 =	vmax.f32 v1, v14  }
0x134: {  	v0 =	vmax.f32 v0, v16;
	v20 =	vmin.f32 v2, v19;
	v2 =	vmax.f32 v2, v19  }
0x135: {  	v25 =	vld [tilespmem:s17+$0x3700];
	v23 =	vmax.f32 v3, v22;
	v3 =	vmin.f32 v3, v22;
	v24 =	vmin.f32 v1, v18  }
0x136: {  	v1 =	vmax.f32 v1, v18;
	v0 =	vmax.f32 v0, v20;
	v4 =	vmax.f32 v2, v3  }
0x137: {  	v29 =	vld [tilespmem:s17+$0x3D00];
	v2 =	vmin.f32 v2, v3;
	v26 =	vmin.f32 v23, v24;
	v3 =	vmax.f32 v23, v24  }
0x138: {  	v28 =	vmin.f32 v1, v21;
	v1 =	vmax.f32 v1, v21;
	v0 =	vmax.f32 v0, v2  }
0x139: {  	v27 =	vmin.f32 v4, v26;
	v2 =	vmax.f32 v4, v26;
	v30 =	vmin.f32 v3, v28  }
0x13a: {  	v32 =	vld [tilespmem:s17+$0x4300];
	v3 =	vmax.f32 v3, v28;
	v33 =	vmin.f32 v1, v25;
	v1 =	vmax.f32 v1, v25  }
0x13b: {  	v0 =	vmax.f32 v0, v27;
	v31 =	vmin.f32 v2, v30;
	v2 =	vmax.f32 v2, v30  }
0x13c: {  	v36 =	vld [tilespmem:s17+$0x4900];
	v34 =	vmax.f32 v3, v33;
	v3 =	vmin.f32 v3, v33;
	v35 =	vmin.f32 v1, v29  }
0x13d: {  	v1 =	vmax.f32 v1, v29;
	v0 =	vmax.f32 v0, v31;
	v4 =	vmax.f32 v2, v3  }
0x13e: {  	v40 =	vld [tilespmem:s17+$0x4F00];
	v2 =	vmin.f32 v2, v3;
	v37 =	vmin.f32 v34, v35;
	v3 =	vmax.f32 v34, v35  }
0x13f: {  	v39 =	vmin.f32 v1, v32;
	v1 =	vmax.f32 v1, v32;
	v0 =	vmax.f32 v0, v2  }
0x140: {  	v38 =	vmin.f32 v4, v37;
	v2 =	vmax.f32 v4, v37;
	v41 =	vmin.f32 v3, v39  }
0x141: {  	v43 =	vld [tilespmem:s17+$0x5500];
	v3 =	vmax.f32 v3, v39;
	v44 =	vmin.f32 v1, v36;
	v1 =	vmax.f32 v1, v36  }
0x142: {  	v0 =	vmax.f32 v0, v38;
	v42 =	vmin.f32 v2, v41;
	v2 =	vmax.f32 v2, v41  }
0x143: {  	v47 =	vld [tilespmem:s17+$0x5B00];
	v45 =	vmax.f32 v3, v44;
	v3 =	vmin.f32 v3, v44;
	v46 =	vmin.f32 v1, v40  }
0x144: {  	v1 =	vmax.f32 v1, v40;
	v0 =	vmax.f32 v0, v42;
	v4 =	vmax.f32 v2, v3  }
0x145: {  	v51 =	vld [tilespmem:s17+$0x6100];
	v2 =	vmin.f32 v2, v3;
	v48 =	vmin.f32 v45, v46;
	v3 =	vmax.f32 v45, v46  }
0x146: {  	v50 =	vmin.f32 v1, v43;
	v1 =	vmax.f32 v1, v43;
	v0 =	vmax.f32 v0, v2  }
0x147: {  	v49 =	vmin.f32 v4, v48;
	v2 =	vmax.f32 v4, v48;
	v52 =	vmin.f32 v3, v50  }
0x148: {  	v3 =	vmax.f32 v3, v50;
	v54 =	vmin.f32 v1, v47;
	v1 =	vmax.f32 v1, v47  }
0x149: {  	v0 =	vmax.f32 v0, v49;
	v53 =	vmin.f32 v2, v52;
	v2 =	vmax.f32 v2, v52  }
0x14a: {  	v55 =	vmax.f32 v3, v54;
	v3 =	vmin.f32 v3, v54;
	v56 =	vmax.f32 v1, v51  }
0x14b: {  	v1 =	vmin.f32 v1, v51;
	v0 =	vmax.f32 v0, v53;
	v4 =	vmax.f32 v2, v3  }
0x14c: {  	v2 =	vmin.f32 v2, v3;
	v57 =	vmax.f32 v55, v1;
	v1 =	vmin.f32 v55, v1;
	[tilespmem:s19+$0xD800] =	vst v56  }
0x14d: {  	v0 =	vmax.f32 v0, v2;
	v58 =	vmax.f32 v4, v1;
	v1 =	vmin.f32 v4, v1;
	[tilespmem:s19+$0xD880] =	vst v57  }
0x14e: {  	v0 =	vmax.f32 v0, v1;
	[tilespmem:s19+$0xD900] =	vst v58  }
0x14f: {  	[tilespmem:s19+$0xD980] =	vst v0  }
0x150: {  	v0 =	vld [tilespmem:s17+$0x180]  }
0x151: {  	v59 =	vld [tilespmem:s17+$0x780]  }
0x152: {  	v2 =	vld [tilespmem:s17+$0xD80]  }
0x153: {  	v3 =	vld [tilespmem:s17+$0x1380];
	_ =	sdelay $0x1  }
0x154: {  	v60 =	vld [tilespmem:s17+$0x1980]  }
0x155: {  	v61 =	vmax.f32 v0, v59  }
0x156: {  	v63 =	vld [tilespmem:s17+$0x1F80];
	v0 =	vmin.f32 v0, v59;
	v62 =	vmax.f32 v61, v2;
	v2 =	vmin.f32 v61, v2  }
0x157: {  	v12 =	vmax.f32 v0, v2;
	v13 =	vmin.f32 v62, v3  }
0x158: {  	v18 =	vld [tilespmem:s17+$0x2580];
	v0 =	vmin.f32 v0, v2;
	v1 =	vmax.f32 v62, v3;
	v14 =	vmin.f32 v12, v13  }
0x159: {  	v15 =	vmax.f32 v12, v13;
	v17 =	vmin.f32 v1, v60;
	v1 =	vmax.f32 v1, v60  }
0x15a: {  	v22 =	vld [tilespmem:s17+$0x2B80];
	v16 =	vmax.f32 v0, v14;
	v0 =	vmin.f32 v0, v14;
	v19 =	vmin.f32 v15, v17  }
0x15b: {  	v3 =	vmax.f32 v15, v17;
	v21 =	vmin.f32 v1, v63;
	v1 =	vmax.f32 v1, v63  }
0x15c: {  	v20 =	vmin.f32 v16, v19;
	v2 =	vmax.f32 v16, v19;
	v23 =	vmin.f32 v3, v21  }
0x15d: {  	v25 =	vld [tilespmem:s17+$0x3180];
	v3 =	vmax.f32 v3, v21;
	v26 =	vmin.f32 v1, v18;
	v1 =	vmax.f32 v1, v18  }
0x15e: {  	v0 =	vmax.f32 v0, v20;
	v24 =	vmin.f32 v2, v23;
	v2 =	vmax.f32 v2, v23  }
0x15f: {  	v29 =	vld [tilespmem:s17+$0x3780];
	v27 =	vmax.f32 v3, v26;
	v3 =	vmin.f32 v3, v26;
	v28 =	vmin.f32 v1, v22  }
0x160: {  	v1 =	vmax.f32 v1, v22;
	v0 =	vmax.f32 v0, v24;
	v4 =	vmax.f32 v2, v3  }
0x161: {  	v33 =	vld [tilespmem:s17+$0x3D80];
	v2 =	vmin.f32 v2, v3;
	v30 =	vmin.f32 v27, v28;
	v3 =	vmax.f32 v27, v28  }
0x162: {  	v32 =	vmin.f32 v1, v25;
	v1 =	vmax.f32 v1, v25;
	v0 =	vmax.f32 v0, v2  }
0x163: {  	v31 =	vmin.f32 v4, v30;
	v2 =	vmax.f32 v4, v30;
	v34 =	vmin.f32 v3, v32  }
0x164: {  	v36 =	vld [tilespmem:s17+$0x4380];
	v3 =	vmax.f32 v3, v32;
	v37 =	vmin.f32 v1, v29;
	v1 =	vmax.f32 v1, v29  }
0x165: {  	v0 =	vmax.f32 v0, v31;
	v35 =	vmin.f32 v2, v34;
	v2 =	vmax.f32 v2, v34  }
0x166: {  	v40 =	vld [tilespmem:s17+$0x4980];
	v38 =	vmax.f32 v3, v37;
	v3 =	vmin.f32 v3, v37;
	v39 =	vmin.f32 v1, v33  }
0x167: {  	v1 =	vmax.f32 v1, v33;
	v0 =	vmax.f32 v0, v35;
	v4 =	vmax.f32 v2, v3  }
0x168: {  	v44 =	vld [tilespmem:s17+$0x4F80];
	v2 =	vmin.f32 v2, v3;
	v41 =	vmin.f32 v38, v39;
	v3 =	vmax.f32 v38, v39  }
0x169: {  	v43 =	vmin.f32 v1, v36;
	v1 =	vmax.f32 v1, v36;
	v0 =	vmax.f32 v0, v2  }
0x16a: {  	v42 =	vmin.f32 v4, v41;
	v2 =	vmax.f32 v4, v41;
	v45 =	vmin.f32 v3, v43  }
0x16b: {  	v47 =	vld [tilespmem:s17+$0x5580];
	v3 =	vmax.f32 v3, v43;
	v48 =	vmin.f32 v1, v40;
	v1 =	vmax.f32 v1, v40  }
0x16c: {  	v0 =	vmax.f32 v0, v42;
	v46 =	vmin.f32 v2, v45;
	v2 =	vmax.f32 v2, v45  }
0x16d: {  	v51 =	vld [tilespmem:s17+$0x5B80];
	v49 =	vmax.f32 v3, v48;
	v3 =	vmin.f32 v3, v48;
	v50 =	vmin.f32 v1, v44  }
0x16e: {  	v1 =	vmax.f32 v1, v44;
	v0 =	vmax.f32 v0, v46;
	v4 =	vmax.f32 v2, v3  }
0x16f: {  	v55 =	vld [tilespmem:s17+$0x6180];
	v2 =	vmin.f32 v2, v3;
	v52 =	vmin.f32 v49, v50;
	v3 =	vmax.f32 v49, v50  }
0x170: {  	v54 =	vmin.f32 v1, v47;
	v1 =	vmax.f32 v1, v47;
	v0 =	vmax.f32 v0, v2  }
0x171: {  	v53 =	vmin.f32 v4, v52;
	v2 =	vmax.f32 v4, v52;
	v56 =	vmin.f32 v3, v54  }
0x172: {  	v3 =	vmax.f32 v3, v54;
	v58 =	vmin.f32 v1, v51;
	v1 =	vmax.f32 v1, v51  }
0x173: {  	v0 =	vmax.f32 v0, v53;
	v57 =	vmin.f32 v2, v56;
	v2 =	vmax.f32 v2, v56  }
0x174: {  	p1 =	sne.s32 s15, $0x17;
	v59 =	vmax.f32 v3, v58;
	v3 =	vmin.f32 v3, v58;
	v60 =	vmax.f32 v1, v55  }
.Ltmp7:
0x175: {  	v1 =	vmin.f32 v1, v55;
	v0 =	vmax.f32 v0, v57;
	v61 =	vmax.f32 v2, v3;
	(pc) =	sbr.rel @p1 .LBB2_8-.Ltmp7, $4  }
0x176: {  	v2 =	vmin.f32 v2, v3;
	v62 =	vmax.f32 v59, v1;
	v1 =	vmin.f32 v59, v1;
	[tilespmem:s19+$0xDA00] =	vst v60  }
0x177: {  	v0 =	vmax.f32 v0, v2;
	v63 =	vmax.f32 v61, v1;
	v1 =	vmin.f32 v61, v1;
	[tilespmem:s19+$0xDA80] =	vst v62  }
0x178: {  	v0 =	vmax.f32 v0, v1;
	[tilespmem:s19+$0xDB00] =	vst v63  }
0x179: {  	s14 =	sadd.s32 $0x10, s14;
	s15 =	sadd.s32 $0x1, s15;
	[tilespmem:s19+$0xDB80] =	vst v0  }
0x17a: {  	p1 =	sgt.u32 s29, $0x17  }
0x17b: {  	s13 =	sadd.s32 @!p1 $0x2, s1  }
0x17c: {  	s14 =	smulhi.u32 @!p1 $0x4EC4EC4F, s13;
	_ =	sdelay $0x1  }
0x17d: {  	s14 =	sshrl.u32 @!p1 s14, $0x4  }
0x17e: {  	s15 =	smul.u32 @!p1 $0xFFFFFFCC, s14;
	_ =	sdelay $0x1  }
0x17f: {  	s14 =	smul.u32 @!p1 $0x14DA00, s14;
	s13 =	sadd.s32 @!p1 s13, s15  }
0x180: {  	s13 =	smul.u32 @!p1 $0x600, s13;
	_ =	sdelay $0x1  }
0x181: {  	s13 =	sadd.s32 @!p1 s14, s13  }
0x182: {  	s4 =	smul.u32 $0xC00, s31;
	s17 =	simm.s32 @!p1 $0x13A00;
	s13 =	sshrl.u32 @!p1 s13, $0x3  }
0x183: {  	s19 =	simm.s32 @!p1 $0x0;
	s14 =	simm.s32 @!p1 $0x600;
	s13 =	sadd.s32 @!p1 s2, s13  }
0x184: {  	[tilespmem:s19], [sflag:$0x1] =	stream.strided.gather @!p1 [hbm4b:s13+s14], $0x6600, s17, s14, $0x38;
	[tilespmem:$0x12600] =	vst v63  }
0x185: {  	s15 =	smul.u32 $0x4E800, s30;
	p1 =	seq.s32 s0, $0x0  }
.Ltmp8:
0x186: {  	_ = 	snop;
	(pc) =	sbr.rel @p1 .LBB2_13-.Ltmp8, $4  }
0x187: {  	s4 =	sadd.s32 s15, s4  }
0x188: {  	s4 =	sshrl.u32 s4, $0x3  }
0x189: {  	s4 =	sadd.s32 s5, s4  }
0x18a: {  	[hbm4b:s4+s21] =	stream.strided.scatter [tilespmem:s26], [sflag:$0x3], $0x1800, s18, s21, $0x38;
	[tilespmem:$0x12600] =	vst v63  }
.LBB2_10:
0x18b: {  	_ =	swait.ge [sflag:s20], $0x6600  }
0x18c: {  	p1 =	slt.u32 s29, $0x2;
	[sflag:s20] =	ssyncset.done $0x0  }
0x18d: {  	s0 =	simm.s32 @!p1 $0x4;
	[sflag:s20] =	ssyncadd.s32 $0xFFFF9A00  }
0x18e: {  	_ =	swait.ge @!p1 [sflag:s0], $0x1800  }
0x18f: {  	[sflag:s0] =	ssyncset.done @!p1 $0x0  }
0x190: {  	s14 =	simm.s32 $0x0;
	[sflag:s0] =	ssyncadd.s32 @!p1 $0xFFFFE800;
	s0 =	simm.s32 $0x0  }
.LBB2_11:
0x191: {  	s4 =	sshll.u32 s14, $0x6  }
0x192: {  	s17 =	sand.u32 $0x70, s0;
	s4 =	sand.u32 $0x3FFFFE00, s4  }
0x193: {  	s15 =	sor.u32 s17, s4  }
0x194: {  	v0 =	vld [tilespmem:s15+$0x6600]  }
0x195: {  	v1 =	vld [tilespmem:s15+$0x6C00]  }
0x196: {  	v2 =	vld [tilespmem:s15+$0x7200]  }
0x197: {  	v3 =	vld [tilespmem:s15+$0x7800];
	_ =	sdelay $0x1  }
0x198: {  	v4 =	vld [tilespmem:s15+$0x7E00]  }
0x199: {  	v5 =	vmax.f32 v0, v1  }
0x19a: {  	v56 =	vld [tilespmem:s15+$0x8400];
	v0 =	vmin.f32 v0, v1;
	v55 =	vmax.f32 v5, v2;
	v2 =	vmin.f32 v5, v2  }
0x19b: {  	v6 =	vmax.f32 v0, v2;
	v7 =	vmin.f32 v55, v3  }
0x19c: {  	v8 =	vld [tilespmem:s15+$0x8A00];
	v0 =	vmin.f32 v0, v2;
	v1 =	vmax.f32 v55, v3;
	v57 =	vmin.f32 v6, v7  }
0x19d: {  	v58 =	vmax.f32 v6, v7;
	v60 =	vmin.f32 v1, v4;
	v1 =	vmax.f32 v1, v4  }
0x19e: {  	v9 =	vld [tilespmem:s15+$0x9000];
	v59 =	vmax.f32 v0, v57;
	v0 =	vmin.f32 v0, v57;
	v61 =	vmin.f32 v58, v60  }
0x19f: {  	v3 =	vmax.f32 v58, v60;
	v63 =	vmin.f32 v1, v56;
	v1 =	vmax.f32 v1, v56  }
0x1a0: {  	v62 =	vmin.f32 v59, v61;
	v2 =	vmax.f32 v59, v61;
	v11 =	vmin.f32 v3, v63  }
0x1a1: {  	v13 =	vld [tilespmem:s15+$0x9600];
	v3 =	vmax.f32 v3, v63;
	v14 =	vmin.f32 v1, v8;
	v1 =	vmax.f32 v1, v8  }
0x1a2: {  	v0 =	vmax.f32 v0, v62;
	v12 =	vmin.f32 v2, v11;
	v2 =	vmax.f32 v2, v11  }
0x1a3: {  	v17 =	vld [tilespmem:s15+$0x9C00];
	v15 =	vmax.f32 v3, v14;
	v3 =	vmin.f32 v3, v14;
	v16 =	vmin.f32 v1, v9  }
0x1a4: {  	v1 =	vmax.f32 v1, v9;
	v0 =	vmax.f32 v0, v12;
	v4 =	vmax.f32 v2, v3  }
0x1a5: {  	v21 =	vld [tilespmem:s15+$0xA200];
	v2 =	vmin.f32 v2, v3;
	v18 =	vmin.f32 v15, v16;
	v3 =	vmax.f32 v15, v16  }
0x1a6: {  	v20 =	vmin.f32 v1, v13;
	v1 =	vmax.f32 v1, v13;
	v0 =	vmax.f32 v0, v2  }
0x1a7: {  	v19 =	vmin.f32 v4, v18;
	v2 =	vmax.f32 v4, v18;
	v22 =	vmin.f32 v3, v20  }
0x1a8: {  	v24 =	vld [tilespmem:s15+$0xA800];
	v3 =	vmax.f32 v3, v20;
	v25 =	vmin.f32 v1, v17;
	v1 =	vmax.f32 v1, v17  }
0x1a9: {  	v0 =	vmax.f32 v0, v19;
	v23 =	vmin.f32 v2, v22;
	v2 =	vmax.f32 v2, v22  }
0x1aa: {  	v28 =	vld [tilespmem:s15+$0xAE00];
	v26 =	vmax.f32 v3, v25;
	v3 =	vmin.f32 v3, v25;
	v27 =	vmin.f32 v1, v21  }
0x1ab: {  	v1 =	vmax.f32 v1, v21;
	v0 =	vmax.f32 v0, v23;
	v4 =	vmax.f32 v2, v3  }
0x1ac: {  	v32 =	vld [tilespmem:s15+$0xB400];
	v2 =	vmin.f32 v2, v3;
	v29 =	vmin.f32 v26, v27;
	v3 =	vmax.f32 v26, v27  }
0x1ad: {  	v31 =	vmin.f32 v1, v24;
	v1 =	vmax.f32 v1, v24;
	v0 =	vmax.f32 v0, v2  }
0x1ae: {  	v30 =	vmin.f32 v4, v29;
	v2 =	vmax.f32 v4, v29;
	v33 =	vmin.f32 v3, v31  }
0x1af: {  	v35 =	vld [tilespmem:s15+$0xBA00];
	v3 =	vmax.f32 v3, v31;
	v36 =	vmin.f32 v1, v28;
	v1 =	vmax.f32 v1, v28  }
0x1b0: {  	v0 =	vmax.f32 v0, v30;
	v34 =	vmin.f32 v2, v33;
	v2 =	vmax.f32 v2, v33  }
0x1b1: {  	v39 =	vld [tilespmem:s15+$0xC000];
	v37 =	vmax.f32 v3, v36;
	v3 =	vmin.f32 v3, v36;
	v38 =	vmin.f32 v1, v32  }
0x1b2: {  	v1 =	vmax.f32 v1, v32;
	v0 =	vmax.f32 v0, v34;
	v4 =	vmax.f32 v2, v3  }
0x1b3: {  	v43 =	vld [tilespmem:s15+$0xC600];
	v2 =	vmin.f32 v2, v3;
	v40 =	vmin.f32 v37, v38;
	v3 =	vmax.f32 v37, v38  }
0x1b4: {  	v42 =	vmin.f32 v1, v35;
	v1 =	vmax.f32 v1, v35;
	v0 =	vmax.f32 v0, v2  }
0x1b5: {  	v41 =	vmin.f32 v4, v40;
	v2 =	vmax.f32 v4, v40;
	v44 =	vmin.f32 v3, v42  }
0x1b6: {  	v3 =	vmax.f32 v3, v42;
	v46 =	vmin.f32 v1, v39;
	v1 =	vmax.f32 v1, v39  }
0x1b7: {  	s19 =	sshll.u32 s14, $0x7;
	v0 =	vmax.f32 v0, v41;
	v45 =	vmin.f32 v2, v44;
	v2 =	vmax.f32 v2, v44  }
0x1b8: {  	s4 =	sand.u32 $0x3FFFFC00, s19;
	v47 =	vmax.f32 v3, v46;
	v3 =	vmin.f32 v3, v46;
	v48 =	vmax.f32 v1, v43  }
0x1b9: {  	s17 =	sor.u32 s17, s4;
	v1 =	vmin.f32 v1, v43;
	v0 =	vmax.f32 v0, v45;
	v4 =	vmax.f32 v2, v3  }
0x1ba: {  	v2 =	vmin.f32 v2, v3;
	v49 =	vmax.f32 v47, v1;
	v1 =	vmin.f32 v47, v1;
	[tilespmem:s17+$0xE400] =	vst v48  }
0x1bb: {  	v0 =	vmax.f32 v0, v2;
	v50 =	vmax.f32 v4, v1;
	v1 =	vmin.f32 v4, v1;
	[tilespmem:s17+$0xE480] =	vst v49  }
0x1bc: {  	v0 =	vmax.f32 v0, v1;
	[tilespmem:s17+$0xE500] =	vst v50  }
0x1bd: {  	[tilespmem:s17+$0xE580] =	vst v0  }
0x1be: {  	v0 =	vld [tilespmem:s15+$0x6680]  }
0x1bf: {  	v51 =	vld [tilespmem:s15+$0x6C80]  }
0x1c0: {  	v2 =	vld [tilespmem:s15+$0x7280]  }
0x1c1: {  	v3 =	vld [tilespmem:s15+$0x7880];
	_ =	sdelay $0x1  }
0x1c2: {  	v52 =	vld [tilespmem:s15+$0x7E80]  }
0x1c3: {  	v53 =	vmax.f32 v0, v51  }
0x1c4: {  	v55 =	vld [tilespmem:s15+$0x8480];
	v0 =	vmin.f32 v0, v51;
	v54 =	vmax.f32 v53, v2;
	v2 =	vmin.f32 v53, v2  }
0x1c5: {  	v56 =	vmax.f32 v0, v2;
	v57 =	vmin.f32 v54, v3  }
0x1c6: {  	v62 =	vld [tilespmem:s15+$0x8A80];
	v0 =	vmin.f32 v0, v2;
	v1 =	vmax.f32 v54, v3;
	v58 =	vmin.f32 v56, v57  }
0x1c7: {  	v59 =	vmax.f32 v56, v57;
	v61 =	vmin.f32 v1, v52;
	v1 =	vmax.f32 v1, v52  }
0x1c8: {  	v14 =	vld [tilespmem:s15+$0x9080];
	v60 =	vmax.f32 v0, v58;
	v0 =	vmin.f32 v0, v58;
	v63 =	vmin.f32 v59, v61  }
0x1c9: {  	v3 =	vmax.f32 v59, v61;
	v13 =	vmin.f32 v1, v55;
	v1 =	vmax.f32 v1, v55  }
0x1ca: {  	v12 =	vmin.f32 v60, v63;
	v2 =	vmax.f32 v60, v63;
	v15 =	vmin.f32 v3, v13  }
0x1cb: {  	v17 =	vld [tilespmem:s15+$0x9680];
	v3 =	vmax.f32 v3, v13;
	v18 =	vmin.f32 v1, v62;
	v1 =	vmax.f32 v1, v62  }
0x1cc: {  	v0 =	vmax.f32 v0, v12;
	v16 =	vmin.f32 v2, v15;
	v2 =	vmax.f32 v2, v15  }
0x1cd: {  	v21 =	vld [tilespmem:s15+$0x9C80];
	v19 =	vmax.f32 v3, v18;
	v3 =	vmin.f32 v3, v18;
	v20 =	vmin.f32 v1, v14  }
0x1ce: {  	v1 =	vmax.f32 v1, v14;
	v0 =	vmax.f32 v0, v16;
	v4 =	vmax.f32 v2, v3  }
0x1cf: {  	v25 =	vld [tilespmem:s15+$0xA280];
	v2 =	vmin.f32 v2, v3;
	v22 =	vmin.f32 v19, v20;
	v3 =	vmax.f32 v19, v20  }
0x1d0: {  	v24 =	vmin.f32 v1, v17;
	v1 =	vmax.f32 v1, v17;
	v0 =	vmax.f32 v0, v2  }
0x1d1: {  	v23 =	vmin.f32 v4, v22;
	v2 =	vmax.f32 v4, v22;
	v26 =	vmin.f32 v3, v24  }
0x1d2: {  	v28 =	vld [tilespmem:s15+$0xA880];
	v3 =	vmax.f32 v3, v24;
	v29 =	vmin.f32 v1, v21;
	v1 =	vmax.f32 v1, v21  }
0x1d3: {  	v0 =	vmax.f32 v0, v23;
	v27 =	vmin.f32 v2, v26;
	v2 =	vmax.f32 v2, v26  }
0x1d4: {  	v32 =	vld [tilespmem:s15+$0xAE80];
	v30 =	vmax.f32 v3, v29;
	v3 =	vmin.f32 v3, v29;
	v31 =	vmin.f32 v1, v25  }
0x1d5: {  	v1 =	vmax.f32 v1, v25;
	v0 =	vmax.f32 v0, v27;
	v4 =	vmax.f32 v2, v3  }
0x1d6: {  	v36 =	vld [tilespmem:s15+$0xB480];
	v2 =	vmin.f32 v2, v3;
	v33 =	vmin.f32 v30, v31;
	v3 =	vmax.f32 v30, v31  }
0x1d7: {  	v35 =	vmin.f32 v1, v28;
	v1 =	vmax.f32 v1, v28;
	v0 =	vmax.f32 v0, v2  }
0x1d8: {  	v34 =	vmin.f32 v4, v33;
	v2 =	vmax.f32 v4, v33;
	v37 =	vmin.f32 v3, v35  }
0x1d9: {  	v39 =	vld [tilespmem:s15+$0xBA80];
	v3 =	vmax.f32 v3, v35;
	v40 =	vmin.f32 v1, v32;
	v1 =	vmax.f32 v1, v32  }
0x1da: {  	v0 =	vmax.f32 v0, v34;
	v38 =	vmin.f32 v2, v37;
	v2 =	vmax.f32 v2, v37  }
0x1db: {  	v43 =	vld [tilespmem:s15+$0xC080];
	v41 =	vmax.f32 v3, v40;
	v3 =	vmin.f32 v3, v40;
	v42 =	vmin.f32 v1, v36  }
0x1dc: {  	v1 =	vmax.f32 v1, v36;
	v0 =	vmax.f32 v0, v38;
	v4 =	vmax.f32 v2, v3  }
0x1dd: {  	v47 =	vld [tilespmem:s15+$0xC680];
	v2 =	vmin.f32 v2, v3;
	v44 =	vmin.f32 v41, v42;
	v3 =	vmax.f32 v41, v42  }
0x1de: {  	v46 =	vmin.f32 v1, v39;
	v1 =	vmax.f32 v1, v39;
	v0 =	vmax.f32 v0, v2  }
0x1df: {  	v45 =	vmin.f32 v4, v44;
	v2 =	vmax.f32 v4, v44;
	v48 =	vmin.f32 v3, v46  }
0x1e0: {  	v3 =	vmax.f32 v3, v46;
	v50 =	vmin.f32 v1, v43;
	v1 =	vmax.f32 v1, v43  }
0x1e1: {  	v0 =	vmax.f32 v0, v45;
	v49 =	vmin.f32 v2, v48;
	v2 =	vmax.f32 v2, v48  }
0x1e2: {  	v51 =	vmax.f32 v3, v50;
	v3 =	vmin.f32 v3, v50;
	v52 =	vmax.f32 v1, v47  }
0x1e3: {  	v1 =	vmin.f32 v1, v47;
	v0 =	vmax.f32 v0, v49;
	v4 =	vmax.f32 v2, v3  }
0x1e4: {  	v2 =	vmin.f32 v2, v3;
	v53 =	vmax.f32 v51, v1;
	v1 =	vmin.f32 v51, v1;
	[tilespmem:s17+$0xE600] =	vst v52  }
0x1e5: {  	v0 =	vmax.f32 v0, v2;
	v54 =	vmax.f32 v4, v1;
	v1 =	vmin.f32 v4, v1;
	[tilespmem:s17+$0xE680] =	vst v53  }
0x1e6: {  	v0 =	vmax.f32 v0, v1;
	[tilespmem:s17+$0xE700] =	vst v54  }
0x1e7: {  	[tilespmem:s17+$0xE780] =	vst v0  }
0x1e8: {  	v0 =	vld [tilespmem:s15+$0x6700]  }
0x1e9: {  	v55 =	vld [tilespmem:s15+$0x6D00]  }
0x1ea: {  	v2 =	vld [tilespmem:s15+$0x7300]  }
0x1eb: {  	v3 =	vld [tilespmem:s15+$0x7900];
	_ =	sdelay $0x1  }
0x1ec: {  	v56 =	vld [tilespmem:s15+$0x7F00]  }
0x1ed: {  	v57 =	vmax.f32 v0, v55  }
0x1ee: {  	v59 =	vld [tilespmem:s15+$0x8500];
	v0 =	vmin.f32 v0, v55;
	v58 =	vmax.f32 v57, v2;
	v2 =	vmin.f32 v57, v2  }
0x1ef: {  	v60 =	vmax.f32 v0, v2;
	v61 =	vmin.f32 v58, v3  }
0x1f0: {  	v14 =	vld [tilespmem:s15+$0x8B00];
	v0 =	vmin.f32 v0, v2;
	v1 =	vmax.f32 v58, v3;
	v62 =	vmin.f32 v60, v61  }
0x1f1: {  	v63 =	vmax.f32 v60, v61;
	v13 =	vmin.f32 v1, v56;
	v1 =	vmax.f32 v1, v56  }
0x1f2: {  	v18 =	vld [tilespmem:s15+$0x9100];
	v12 =	vmax.f32 v0, v62;
	v0 =	vmin.f32 v0, v62;
	v15 =	vmin.f32 v63, v13  }
0x1f3: {  	v3 =	vmax.f32 v63, v13;
	v17 =	vmin.f32 v1, v59;
	v1 =	vmax.f32 v1, v59  }
0x1f4: {  	v16 =	vmin.f32 v12, v15;
	v2 =	vmax.f32 v12, v15;
	v19 =	vmin.f32 v3, v17  }
0x1f5: {  	v21 =	vld [tilespmem:s15+$0x9700];
	v3 =	vmax.f32 v3, v17;
	v22 =	vmin.f32 v1, v14;
	v1 =	vmax.f32 v1, v14  }
0x1f6: {  	v0 =	vmax.f32 v0, v16;
	v20 =	vmin.f32 v2, v19;
	v2 =	vmax.f32 v2, v19  }
0x1f7: {  	v25 =	vld [tilespmem:s15+$0x9D00];
	v23 =	vmax.f32 v3, v22;
	v3 =	vmin.f32 v3, v22;
	v24 =	vmin.f32 v1, v18  }
0x1f8: {  	v1 =	vmax.f32 v1, v18;
	v0 =	vmax.f32 v0, v20;
	v4 =	vmax.f32 v2, v3  }
0x1f9: {  	v29 =	vld [tilespmem:s15+$0xA300];
	v2 =	vmin.f32 v2, v3;
	v26 =	vmin.f32 v23, v24;
	v3 =	vmax.f32 v23, v24  }
0x1fa: {  	v28 =	vmin.f32 v1, v21;
	v1 =	vmax.f32 v1, v21;
	v0 =	vmax.f32 v0, v2  }
0x1fb: {  	v27 =	vmin.f32 v4, v26;
	v2 =	vmax.f32 v4, v26;
	v30 =	vmin.f32 v3, v28  }
0x1fc: {  	v32 =	vld [tilespmem:s15+$0xA900];
	v3 =	vmax.f32 v3, v28;
	v33 =	vmin.f32 v1, v25;
	v1 =	vmax.f32 v1, v25  }
0x1fd: {  	v0 =	vmax.f32 v0, v27;
	v31 =	vmin.f32 v2, v30;
	v2 =	vmax.f32 v2, v30  }
0x1fe: {  	v36 =	vld [tilespmem:s15+$0xAF00];
	v34 =	vmax.f32 v3, v33;
	v3 =	vmin.f32 v3, v33;
	v35 =	vmin.f32 v1, v29  }
0x1ff: {  	v1 =	vmax.f32 v1, v29;
	v0 =	vmax.f32 v0, v31;
	v4 =	vmax.f32 v2, v3  }
0x200: {  	v40 =	vld [tilespmem:s15+$0xB500];
	v2 =	vmin.f32 v2, v3;
	v37 =	vmin.f32 v34, v35;
	v3 =	vmax.f32 v34, v35  }
0x201: {  	v39 =	vmin.f32 v1, v32;
	v1 =	vmax.f32 v1, v32;
	v0 =	vmax.f32 v0, v2  }
0x202: {  	v38 =	vmin.f32 v4, v37;
	v2 =	vmax.f32 v4, v37;
	v41 =	vmin.f32 v3, v39  }
0x203: {  	v43 =	vld [tilespmem:s15+$0xBB00];
	v3 =	vmax.f32 v3, v39;
	v44 =	vmin.f32 v1, v36;
	v1 =	vmax.f32 v1, v36  }
0x204: {  	v0 =	vmax.f32 v0, v38;
	v42 =	vmin.f32 v2, v41;
	v2 =	vmax.f32 v2, v41  }
0x205: {  	v47 =	vld [tilespmem:s15+$0xC100];
	v45 =	vmax.f32 v3, v44;
	v3 =	vmin.f32 v3, v44;
	v46 =	vmin.f32 v1, v40  }
0x206: {  	v1 =	vmax.f32 v1, v40;
	v0 =	vmax.f32 v0, v42;
	v4 =	vmax.f32 v2, v3  }
0x207: {  	v51 =	vld [tilespmem:s15+$0xC700];
	v2 =	vmin.f32 v2, v3;
	v48 =	vmin.f32 v45, v46;
	v3 =	vmax.f32 v45, v46  }
0x208: {  	v50 =	vmin.f32 v1, v43;
	v1 =	vmax.f32 v1, v43;
	v0 =	vmax.f32 v0, v2  }
0x209: {  	v49 =	vmin.f32 v4, v48;
	v2 =	vmax.f32 v4, v48;
	v52 =	vmin.f32 v3, v50  }
0x20a: {  	v3 =	vmax.f32 v3, v50;
	v54 =	vmin.f32 v1, v47;
	v1 =	vmax.f32 v1, v47  }
0x20b: {  	v0 =	vmax.f32 v0, v49;
	v53 =	vmin.f32 v2, v52;
	v2 =	vmax.f32 v2, v52  }
0x20c: {  	v55 =	vmax.f32 v3, v54;
	v3 =	vmin.f32 v3, v54;
	v56 =	vmax.f32 v1, v51  }
0x20d: {  	v1 =	vmin.f32 v1, v51;
	v0 =	vmax.f32 v0, v53;
	v4 =	vmax.f32 v2, v3  }
0x20e: {  	v2 =	vmin.f32 v2, v3;
	v57 =	vmax.f32 v55, v1;
	v1 =	vmin.f32 v55, v1;
	[tilespmem:s17+$0xF000] =	vst v56  }
0x20f: {  	v0 =	vmax.f32 v0, v2;
	v58 =	vmax.f32 v4, v1;
	v1 =	vmin.f32 v4, v1;
	[tilespmem:s17+$0xF080] =	vst v57  }
0x210: {  	v0 =	vmax.f32 v0, v1;
	[tilespmem:s17+$0xF100] =	vst v58  }
0x211: {  	[tilespmem:s17+$0xF180] =	vst v0  }
0x212: {  	v0 =	vld [tilespmem:s15+$0x6780]  }
0x213: {  	v59 =	vld [tilespmem:s15+$0x6D80]  }
0x214: {  	v2 =	vld [tilespmem:s15+$0x7380]  }
0x215: {  	v3 =	vld [tilespmem:s15+$0x7980];
	_ =	sdelay $0x1  }
0x216: {  	v60 =	vld [tilespmem:s15+$0x7F80]  }
0x217: {  	v61 =	vmax.f32 v0, v59  }
0x218: {  	v63 =	vld [tilespmem:s15+$0x8580];
	v0 =	vmin.f32 v0, v59;
	v62 =	vmax.f32 v61, v2;
	v2 =	vmin.f32 v61, v2  }
0x219: {  	v12 =	vmax.f32 v0, v2;
	v13 =	vmin.f32 v62, v3  }
0x21a: {  	v18 =	vld [tilespmem:s15+$0x8B80];
	v0 =	vmin.f32 v0, v2;
	v1 =	vmax.f32 v62, v3;
	v14 =	vmin.f32 v12, v13  }
0x21b: {  	v15 =	vmax.f32 v12, v13;
	v17 =	vmin.f32 v1, v60;
	v1 =	vmax.f32 v1, v60  }
0x21c: {  	v22 =	vld [tilespmem:s15+$0x9180];
	v16 =	vmax.f32 v0, v14;
	v0 =	vmin.f32 v0, v14;
	v19 =	vmin.f32 v15, v17  }
0x21d: {  	v3 =	vmax.f32 v15, v17;
	v21 =	vmin.f32 v1, v63;
	v1 =	vmax.f32 v1, v63  }
0x21e: {  	v20 =	vmin.f32 v16, v19;
	v2 =	vmax.f32 v16, v19;
	v23 =	vmin.f32 v3, v21  }
0x21f: {  	v25 =	vld [tilespmem:s15+$0x9780];
	v3 =	vmax.f32 v3, v21;
	v26 =	vmin.f32 v1, v18;
	v1 =	vmax.f32 v1, v18  }
0x220: {  	v0 =	vmax.f32 v0, v20;
	v24 =	vmin.f32 v2, v23;
	v2 =	vmax.f32 v2, v23  }
0x221: {  	v29 =	vld [tilespmem:s15+$0x9D80];
	v27 =	vmax.f32 v3, v26;
	v3 =	vmin.f32 v3, v26;
	v28 =	vmin.f32 v1, v22  }
0x222: {  	v1 =	vmax.f32 v1, v22;
	v0 =	vmax.f32 v0, v24;
	v4 =	vmax.f32 v2, v3  }
0x223: {  	v33 =	vld [tilespmem:s15+$0xA380];
	v2 =	vmin.f32 v2, v3;
	v30 =	vmin.f32 v27, v28;
	v3 =	vmax.f32 v27, v28  }
0x224: {  	v32 =	vmin.f32 v1, v25;
	v1 =	vmax.f32 v1, v25;
	v0 =	vmax.f32 v0, v2  }
0x225: {  	v31 =	vmin.f32 v4, v30;
	v2 =	vmax.f32 v4, v30;
	v34 =	vmin.f32 v3, v32  }
0x226: {  	v36 =	vld [tilespmem:s15+$0xA980];
	v3 =	vmax.f32 v3, v32;
	v37 =	vmin.f32 v1, v29;
	v1 =	vmax.f32 v1, v29  }
0x227: {  	v0 =	vmax.f32 v0, v31;
	v35 =	vmin.f32 v2, v34;
	v2 =	vmax.f32 v2, v34  }
0x228: {  	v40 =	vld [tilespmem:s15+$0xAF80];
	v38 =	vmax.f32 v3, v37;
	v3 =	vmin.f32 v3, v37;
	v39 =	vmin.f32 v1, v33  }
0x229: {  	v1 =	vmax.f32 v1, v33;
	v0 =	vmax.f32 v0, v35;
	v4 =	vmax.f32 v2, v3  }
0x22a: {  	v44 =	vld [tilespmem:s15+$0xB580];
	v2 =	vmin.f32 v2, v3;
	v41 =	vmin.f32 v38, v39;
	v3 =	vmax.f32 v38, v39  }
0x22b: {  	v43 =	vmin.f32 v1, v36;
	v1 =	vmax.f32 v1, v36;
	v0 =	vmax.f32 v0, v2  }
0x22c: {  	v42 =	vmin.f32 v4, v41;
	v2 =	vmax.f32 v4, v41;
	v45 =	vmin.f32 v3, v43  }
0x22d: {  	v47 =	vld [tilespmem:s15+$0xBB80];
	v3 =	vmax.f32 v3, v43;
	v48 =	vmin.f32 v1, v40;
	v1 =	vmax.f32 v1, v40  }
0x22e: {  	v0 =	vmax.f32 v0, v42;
	v46 =	vmin.f32 v2, v45;
	v2 =	vmax.f32 v2, v45  }
0x22f: {  	v51 =	vld [tilespmem:s15+$0xC180];
	v49 =	vmax.f32 v3, v48;
	v3 =	vmin.f32 v3, v48;
	v50 =	vmin.f32 v1, v44  }
0x230: {  	v1 =	vmax.f32 v1, v44;
	v0 =	vmax.f32 v0, v46;
	v4 =	vmax.f32 v2, v3  }
0x231: {  	v55 =	vld [tilespmem:s15+$0xC780];
	v2 =	vmin.f32 v2, v3;
	v52 =	vmin.f32 v49, v50;
	v3 =	vmax.f32 v49, v50  }
0x232: {  	v54 =	vmin.f32 v1, v47;
	v1 =	vmax.f32 v1, v47;
	v0 =	vmax.f32 v0, v2  }
0x233: {  	v53 =	vmin.f32 v4, v52;
	v2 =	vmax.f32 v4, v52;
	v56 =	vmin.f32 v3, v54  }
0x234: {  	v3 =	vmax.f32 v3, v54;
	v58 =	vmin.f32 v1, v51;
	v1 =	vmax.f32 v1, v51  }
0x235: {  	v0 =	vmax.f32 v0, v53;
	v57 =	vmin.f32 v2, v56;
	v2 =	vmax.f32 v2, v56  }
0x236: {  	p1 =	sne.s32 s14, $0x17;
	v59 =	vmax.f32 v3, v58;
	v3 =	vmin.f32 v3, v58;
	v60 =	vmax.f32 v1, v55  }
.Ltmp9:
0x237: {  	v1 =	vmin.f32 v1, v55;
	v0 =	vmax.f32 v0, v57;
	v61 =	vmax.f32 v2, v3;
	(pc) =	sbr.rel @p1 .LBB2_11-.Ltmp9, $4  }
0x238: {  	v2 =	vmin.f32 v2, v3;
	v62 =	vmax.f32 v59, v1;
	v1 =	vmin.f32 v59, v1;
	[tilespmem:s17+$0xF200] =	vst v60  }
0x239: {  	v0 =	vmax.f32 v0, v2;
	v63 =	vmax.f32 v61, v1;
	v1 =	vmin.f32 v61, v1;
	[tilespmem:s17+$0xF280] =	vst v62  }
0x23a: {  	v0 =	vmax.f32 v0, v1;
	[tilespmem:s17+$0xF300] =	vst v63  }
0x23b: {  	s0 =	sadd.s32 $0x10, s0;
	s14 =	sadd.s32 $0x1, s14;
	[tilespmem:s17+$0xF380] =	vst v0  }
0x23c: {  	p1 =	sgt.u32 s29, $0x17  }
0x23d: {  	s0 =	sadd.s32 @!p1 $0x2, s1  }
0x23e: {  	s1 =	smulhi.u32 @!p1 $0x4EC4EC4F, s0;
	_ =	sdelay $0x1  }
0x23f: {  	s1 =	sshrl.u32 @!p1 s1, $0x4  }
0x240: {  	s4 =	smul.u32 @!p1 $0xFFFFFFCC, s1  }
0x241: {  	s30 =	smul.u32 $0x4E800, s30  }
0x242: {  	s1 =	smul.u32 @!p1 $0x14DA00, s1;
	s0 =	sadd.s32 @!p1 s0, s4  }
0x243: {  	s0 =	smul.u32 @!p1 $0x600, s0  }
0x244: {  	s15 =	smul.u32 $0xC00, s31  }
0x245: {  	s13 =	simm.s32 @!p1 $0x13A00;
	s0 =	sadd.s32 @!p1 s1, s0  }
0x246: {  	s14 =	simm.s32 @!p1 $0x6600;
	s31 =	sadd.s32 s30, s15;
	s0 =	sshrl.u32 @!p1 s0, $0x3  }
.Ltmp10:
0x247: {  	s1 =	simm.s32 @!p1 $0x600;
	s0 =	sadd.s32 @!p1 s2, s0;
	(pc) =	sbr.rel .LBB2_13-.Ltmp10, $4  }
0x248: {  	[tilespmem:s14], [sflag:$0x2] =	stream.strided.gather @!p1 [hbm4b:s0+s1], $0x6600, s13, s1, $0x38;
	[tilespmem:$0x12600] =	vst v63  }
0x249: {  	s0 =	sshrl.u32 s31, $0x3  }
0x24a: {  	s0 =	sadd.s32 s5, s0  }
0x24b: {  	[hbm4b:s0+s21] =	stream.strided.scatter [tilespmem:s22], [sflag:$0x4], $0x1800, s18, s21, $0x38;
	[tilespmem:$0x12600] =	vst v63  }
.LBB2_15:
0x24c: {  	_ =	sfence.sel $0x180000  }
0x24d: {  	[bflag:$0x0] =	sbarrier.arrive $0xFFFF  }
0x24e: {  	_ =	strace $0x90000047  }
0x24f: {  	s0 =	stileid.u32;
	[bflag:$0x2] =	sbarrier.arrive $0xFFFF  }
0x250: {  	p0 =	sne.s32 s0, $0x0;
	s0 =	rddreg [dreg:$0x2]  }
0x251: {  	s0 =	sadd.s32 @!p0 $0x100000, s0  }
0x252: {  	[sflag:s0] =	ssyncadd.tile.s32 @!p0 $0x1;
	_ =	shalt  }
.Lfunc_end2:
_tile_overlayer_lowered:
.L_overlay_start_2:
0x253: {  	(tag) =	ssettag $0x2  }
0x254: {  	s0 =	rddreg [dreg:$0x0];
	s2 =	stileid.u32  }
0x255: {  	s1 =	rddreg [dreg:$0x1];
	p0 =	sne.s32 s2, $0x0  }
0x256: {  	s3 =	rddreg [dreg:$0x2];
	[bflag:$0x3] =	sbarrier.arrive $0xFFFF;
	s2 =	simm.s32 @!p0 $0x1C05  }
0x257: {  	[timem:s3], [sflag:s2] =	dma.local @!p0 [hbm:s0], s1  }
0x258: {  	s0 =	simm.s32 @!p0 $0x5  }
0x259: {  	_ =	swait.ge @!p0 [sflag:s0], s1  }
0x25a: {  	s1 =	ssub.s32 @!p0 $0x0, s1;
	[sflag:s0] =	ssyncset.done @!p0 $0x0  }
0x25b: {  	[sflag:s0] =	ssyncadd.s32 @!p0 s1  }
0x25c: {  	[bflag:$0x3] =	sbarrier.arrive $0xFFFF  }
0x25d: {  	_ =	shalt  }

</sc_bundles>
